<compile_context>
chip_gen: v7x
topology: tpu7x:2x2x1
jax: 0.10.2.dev20260603
libtpu: 0.0.44.dev20260713+nightly
codegen_flags: <defaults>
</compile_context>

<pallas_src>
import functools
import jax
import jax.numpy as jnp
import numpy as np
from jax import lax
from jax.experimental import pallas as pl
from jax.experimental.pallas import tpu as pltpu
from jax.experimental.pallas import tpu_sc as plsc

_R_MAX = 5.0
_NB = 8
_PC = 5
_AVG = 16.0
_F = 16
_NE = 10
_NL = 2
_NG = 16

_C1 = float(np.sqrt(3.0))
_C2 = float(np.sqrt(15.0))
_C3 = float(np.sqrt(5.0) / 2.0)


def _silu(x):
    return x * jax.nn.sigmoid(x)


def _dsilu(x):
    s = jax.nn.sigmoid(x)
    return s * (1.0 + x * (1.0 - s))


def _radial(l):
    n = jnp.arange(1, _NB + 1, dtype=jnp.float32)[None, :]
    linv = 1.0 / (l + 1e-9)
    arg = n * (jnp.pi / _R_MAX) * l[:, None]
    s = jnp.sin(arg)
    c = jnp.cos(arg)
    pref = np.sqrt(2.0 / _R_MAX).astype(np.float32)
    bes = pref * s * linv[:, None]
    dbes = pref * (n * (jnp.pi / _R_MAX) * c * linv[:, None] - s * linv[:, None] ** 2)
    x = l / _R_MAX
    p = float(_PC)
    a = (p + 1.0) * (p + 2.0) / 2.0
    b = p * (p + 2.0)
    c2 = p * (p + 1.0) / 2.0
    f = 1.0 - a * x ** _PC + b * x ** (_PC + 1) - c2 * x ** (_PC + 2)
    df = (-a * _PC * x ** (_PC - 1) + b * (_PC + 1) * x ** _PC
          - c2 * (_PC + 2) * x ** (_PC + 1)) / _R_MAX
    inside = (x < 1.0)
    cut = jnp.where(inside, f, 0.0)
    dcut = jnp.where(inside, df, 0.0)
    ef = bes * cut[:, None]
    def_dl = dbes * cut[:, None] + bes * dcut[:, None]
    return ef, def_dl


def _sph(u):
    x, y, z = u[:, 0], u[:, 1], u[:, 2]
    return jnp.stack([jnp.ones_like(x), _C1 * x, _C1 * y, _C1 * z,
                      _C2 * x * y, _C2 * y * z, _C3 * (3.0 * z * z - 1.0),
                      _C2 * x * z, (_C2 / 2.0) * (x * x - y * y)], axis=-1)


def _sph_jt(u, g):
    x, y, z = u[:, 0], u[:, 1], u[:, 2]
    gx = _C1 * g[:, 1] + _C2 * (y * g[:, 4] + z * g[:, 7] + x * g[:, 8])
    gy = _C1 * g[:, 2] + _C2 * (x * g[:, 4] + z * g[:, 5] - y * g[:, 8])
    gz = _C1 * g[:, 3] + _C2 * (y * g[:, 5] + x * g[:, 7]) + 6.0 * _C3 * z * g[:, 6]
    return jnp.stack([gx, gy, gz], axis=-1)


_CHK = 128


@functools.lru_cache(maxsize=None)
def _make_gather(e_pad, n_rows, d):
    per = e_pad // 32
    chunks = per // _CHK
    mesh = plsc.VectorSubcoreMesh(core_axis_name="c", subcore_axis_name="s")

    @functools.partial(
        pl.kernel, mesh=mesh,
        out_type=jax.ShapeDtypeStruct((e_pad, d), jnp.float32),
        scratch_types=[
            pltpu.VMEM((_CHK,), jnp.int32),
            pltpu.VMEM((_CHK, d), jnp.float32),
            pltpu.SemaphoreType.DMA,
        ],
    )
    def k(table_hbm, idx_hbm, out_hbm, idx_v, rows_v, sem):
        c = lax.axis_index("c")
        s = lax.axis_index("s")
        wid = s * 2 + c

        def chunk(g, carry):
            base = wid * per + g * _CHK
            pltpu.sync_copy(idx_hbm.at[pl.ds(base, _CHK)], idx_v)
            pltpu.async_copy(table_hbm.at[idx_v], rows_v, sem).wait()
            pltpu.sync_copy(rows_v, out_hbm.at[pl.ds(base, _CHK)])
            return carry

        lax.fori_loop(0, chunks, chunk, 0)

    return k


def _sc_gather(table, idx):
    e = idx.shape[0]
    d = table.shape[1]
    d_pad = ((d + 127) // 128) * 128
    table = jnp.pad(table, ((0, 0), (0, d_pad - d)))
    e_pad = ((e + 32 * _CHK - 1) // (32 * _CHK)) * (32 * _CHK)
    idx_p = jnp.pad(idx, (0, e_pad - e))
    out = _make_gather(e_pad, table.shape[0], d_pad)(table, idx_p)
    return out[:e, :d]


_SEG_BLK = 4096


def _seg_kernel(x_ref, b_ref, o_ref):
    pid = pl.program_id(0)

    @pl.when(pid == 0)
    def _():
        o_ref[...] = jnp.zeros_like(o_ref)

    x = x_ref[...]
    b = b_ref[...]
    vals = jnp.stack([jnp.sum(jnp.where(b == g, x, 0.0)) for g in range(_NG)])
    o_ref[...] += vals[None, :]


def _seg16(x, batch_p, n_pad):
    xp = jnp.pad(x, (0, n_pad - x.shape[0]))
    x2 = xp.reshape(n_pad // 128, 128)
    b2 = batch_p.reshape(n_pad // 128, 128)
    rows = _SEG_BLK // 128
    grid = n_pad // _SEG_BLK
    out = pl.pallas_call(
        _seg_kernel,
        grid=(grid,),
        in_specs=[pl.BlockSpec((rows, 128), lambda i: (i, 0)),
                  pl.BlockSpec((rows, 128), lambda i: (i, 0))],
        out_specs=pl.BlockSpec((1, _NG), lambda i: (0, 0)),
        out_shape=jax.ShapeDtypeStruct((1, _NG), jnp.float32),
    )(x2, b2)
    return out[0]


def _forward_backward(positions, node_attrs, edge_index, shifts, batch,
                      atomic_energies, W_emb, W_up, W_r1, W_r2, W_down, W_sc,
                      Wp1, Wp2, Wp3, Wread0, Wm1, Wm2):
    N = positions.shape[0]
    s_idx, r_idx = edge_index[0], edge_index[1]

    vec = positions[r_idx] - positions[s_idx] + shifts
    l = jnp.sqrt(jnp.sum(vec * vec, axis=-1) + 1e-9)
    u = vec / l[:, None]
    ef, def_dl = _radial(l)
    ea = _sph(u)

    node_e0 = node_attrs @ atomic_energies
    h0 = node_attrs @ W_emb

    hs = [h0]
    store = []
    for i in range(_NL):
        h = hs[-1]
        hu = h @ W_up[i]
        r1 = ef @ W_r1[i]
        w = _silu(r1) @ W_r2[i]
        hus = _sc_gather(hu, s_idx)
        hj = hus * w
        m = ea[:, :, None] * hj[:, None, :]
        agg = jax.ops.segment_sum(m, r_idx, num_segments=N) / _AVG
        aggd = jnp.einsum('nmf,fg->nmg', agg, W_down[i])
        sc = jnp.einsum('nf,na,afg->ng', h, node_attrs, W_sc[i])
        s1 = aggd[:, 0, :]
        s2 = jnp.sum(aggd * aggd, axis=1)
        hn = s1 @ Wp1[i] + s2 @ Wp2[i] + (s1 * s2) @ Wp3[i] + sc
        hs.append(hn)
        store.append((hu, r1, w, hus, hj, aggd, s1, s2))

    h1, h2 = hs[1], hs[2]
    a2 = h2 @ Wm1
    en1 = _silu(a2) @ Wm2
    en0 = h1 @ Wread0

    g_ea = jnp.zeros_like(ea)
    g_ef = jnp.zeros_like(ef)
    g_h = [jnp.zeros_like(h0), jnp.zeros_like(h0), jnp.zeros_like(h0)]
    g_h[2] = (_dsilu(a2) * Wm2[:, 0][None, :]) @ Wm1.T
    g_h[1] = jnp.broadcast_to(Wread0[:, 0][None, :], h1.shape)

    for i in range(_NL - 1, -1, -1):
        hu, r1, w, hus, hj, aggd, s1, s2 = store[i]
        G = g_h[i + 1]
        gp3 = G @ Wp3[i].T
        g_s1 = G @ Wp1[i].T + gp3 * s2
        g_s2 = G @ Wp2[i].T + gp3 * s1
        g_aggd = 2.0 * aggd * g_s2[:, None, :]
        g_aggd = g_aggd.at[:, 0, :].add(g_s1)
        g_agg = jnp.einsum('nmg,fg->nmf', g_aggd, W_down[i]) / _AVG
        g_h[i] = g_h[i] + jnp.einsum('ng,na,afg->nf', G, node_attrs, W_sc[i])
        g_m = _sc_gather(g_agg.reshape(N, 144), r_idx).reshape(-1, 9, 16)
        g_hj = jnp.einsum('em,emf->ef', ea, g_m)
        g_ea = g_ea + jnp.einsum('emf,ef->em', g_m, hj)
        g_hus = g_hj * w
        g_w = g_hj * hus
        g_hu = jax.ops.segment_sum(g_hus, s_idx, num_segments=N)
        g_h[i] = g_h[i] + g_hu @ W_up[i].T
        g_ef = g_ef + (_dsilu(r1) * (g_w @ W_r2[i].T)) @ W_r1[i].T

    g_l = jnp.sum(g_ef * def_dl, axis=-1)
    g_u = _sph_jt(u, g_ea)
    g_vec = g_l[:, None] * u + (g_u - u * jnp.sum(u * g_u, axis=-1, keepdims=True)) / l[:, None]
    g_pos = jax.ops.segment_sum(g_vec, r_idx, num_segments=N) \
        - jax.ops.segment_sum(g_vec, s_idx, num_segments=N)
    forces = -g_pos

    return node_e0, en0[:, 0], en1[:, 0], forces


def kernel(positions, node_attrs, edge_index, shifts, batch, num_graphs,
           atomic_energies, W_emb, W_up, W_r1, W_r2, W_down, W_sc,
           Wp1, Wp2, Wp3, Wread0, Wm1, Wm2):
    N = positions.shape[0]
    node_e0, en0, en1, forces = _forward_backward(
        positions, node_attrs, edge_index, shifts, batch, atomic_energies,
        W_emb, W_up, W_r1, W_r2, W_down, W_sc, Wp1, Wp2, Wp3, Wread0, Wm1, Wm2)

    n_pad = ((N + _SEG_BLK - 1) // _SEG_BLK) * _SEG_BLK
    batch_p = jnp.pad(batch, (0, n_pad - N), constant_values=_NG)
    e0 = _seg16(node_e0, batch_p, n_pad)
    e1 = _seg16(en0, batch_p, n_pad)
    e2 = _seg16(en1, batch_p, n_pad)
    ng_zero = jnp.asarray(num_graphs, dtype=jnp.float32) * 0.0
    contributions = jnp.stack([e0 + ng_zero, e1, e2], axis=-1)
    total = jnp.sum(contributions, axis=-1)
    return total, contributions, forces

# --- scband reference (transcript-rebuilt; emitter-appended) ---
"""Pipeline reference for scband-mace-65017214927004 (READ-ONLY COPY).

The authoritative reference and input builder live on the scoring server;
editing this copy changes nothing except your own understanding.
"""

import jax, jax.numpy as jnp
import numpy as np

R_MAX = 5.0
NUM_BESSEL = 8
P_CUT = 5
AVG_NEIGH = 16.0
F = 16
NE = 10
NL = 2
NUM_GRAPHS = 16


def _bessel(lengths):
    n = jnp.arange(1, NUM_BESSEL + 1, dtype=jnp.float32)
    x = lengths[:, None]
    return jnp.sqrt(2.0 / R_MAX) * jnp.sin(n * jnp.pi * x / R_MAX) / (x + 1e-9)


def _cutoff(lengths):
    x = lengths / R_MAX
    p = float(P_CUT)
    f = (1.0 - (p + 1.0) * (p + 2.0) / 2.0 * x ** P_CUT
         + p * (p + 2.0) * x ** (P_CUT + 1)
         - p * (p + 1.0) / 2.0 * x ** (P_CUT + 2))
    return jnp.where(x < 1.0, f, 0.0)


def _sph(u):
    x, y, z = u[:, 0], u[:, 1], u[:, 2]
    c1 = np.sqrt(3.0).astype(np.float32)
    c2 = np.sqrt(15.0).astype(np.float32)
    c3 = np.float32(np.sqrt(5.0) / 2.0)
    return jnp.stack([jnp.ones_like(x), c1 * x, c1 * y, c1 * z,
                      c2 * x * y, c2 * y * z, c3 * (3.0 * z * z - 1.0),
                      c2 * x * z, (c2 / 2.0) * (x * x - y * y)], axis=-1)


def _energy(positions, node_attrs, shifts, atomic_energies, W_emb, W_up, W_r1, W_r2,
            W_down, W_sc, Wp1, Wp2, Wp3, Wread0, Wm1, Wm2, edge_index, batch, num_graphs):
    senders, receivers = edge_index[0], edge_index[1]
    vectors = positions[receivers] - positions[senders] + shifts
    lengths = jnp.sqrt(jnp.sum(vectors * vectors, axis=-1) + 1e-9)
    unit = vectors / lengths[:, None]
    edge_feats = _bessel(lengths) * _cutoff(lengths)[:, None]
    edge_attrs = _sph(unit)
    node_e0 = node_attrs @ atomic_energies
    ng_zero = jnp.asarray(num_graphs, dtype=jnp.float32) * 0.0
    e0 = jax.ops.segment_sum(node_e0, batch, num_segments=NUM_GRAPHS) + ng_zero
    h = node_attrs @ W_emb
    energies = [e0]
    n_nodes = positions.shape[0]
    for i in range(NL):
        hu = h @ W_up[i]
        w = jax.nn.silu(edge_feats @ W_r1[i]) @ W_r2[i]
        hj = hu[senders] * w
        m = edge_attrs[:, :, None] * hj[:, None, :]
        agg = jax.ops.segment_sum(m, receivers, num_segments=n_nodes) / AVG_NEIGH
        agg = jnp.einsum('nmf,fg->nmg', agg, W_down[i])
        sc = jnp.einsum('nf,na,afg->ng', h, node_attrs, W_sc[i])
        s1 = agg[:, 0, :]
        s2 = jnp.sum(agg * agg, axis=1)
        h = s1 @ Wp1[i] + s2 @ Wp2[i] + (s1 * s2) @ Wp3[i] + sc
        if i == NL - 1:
            node_en = (jax.nn.silu(h @ Wm1) @ Wm2)[:, 0]
        else:
            node_en = (h @ Wread0)[:, 0]
        energies.append(jax.ops.segment_sum(node_en, batch, num_segments=NUM_GRAPHS))
    contributions = jnp.stack(energies, axis=-1)
    return jnp.sum(contributions, axis=-1), contributions


def setup_inputs(seed: int = 0):
    key = jax.random.key(seed)
    ks = jax.random.split(key, 24)
    N, E = 50000, 800000
    s = 0.1
    inp = {}
    inp['positions'] = jax.random.normal(ks[0], (N, 3), dtype=jnp.float32)
    inp['node_attrs'] = jax.random.uniform(ks[1], (N, NE), dtype=jnp.float32)
    inp['edge_index'] = jax.random.randint(ks[2], (2, E), 0, N, dtype=jnp.int32)
    inp['shifts'] = jnp.zeros((E, 3), dtype=jnp.float32)
    inp['batch'] = jnp.sort(jax.random.randint(ks[3], (N,), 0, 16, dtype=jnp.int32))
    inp['num_graphs'] = 16
    inp['atomic_energies'] = jax.random.normal(ks[4], (NE,), dtype=jnp.float32)
    inp['W_emb'] = jax.random.normal(ks[5], (NE, F), dtype=jnp.float32) * s
    inp['W_up'] = jax.random.normal(ks[6], (NL, F, F), dtype=jnp.float32) * s
    inp['W_r1'] = jax.random.normal(ks[7], (NL, NUM_BESSEL, 32), dtype=jnp.float32) * s
    inp['W_r2'] = jax.random.normal(ks[8], (NL, 32, F), dtype=jnp.float32) * s
    inp['W_down'] = jax.random.normal(ks[9], (NL, F, F), dtype=jnp.float32) * s
    inp['W_sc'] = jax.random.normal(ks[10], (NL, NE, F, F), dtype=jnp.float32) * s
    inp['Wp1'] = jax.random.normal(ks[11], (NL, F, F), dtype=jnp.float32) * s
    inp['Wp2'] = jax.random.normal(ks[12], (NL, F, F), dtype=jnp.float32) * s
    inp['Wp3'] = jax.random.normal(ks[13], (NL, F, F), dtype=jnp.float32) * s
    inp['Wread0'] = jax.random.normal(ks[14], (F, 1), dtype=jnp.float32) * s
    inp['Wm1'] = jax.random.normal(ks[15], (F, F), dtype=jnp.float32) * s
    inp['Wm2'] = jax.random.normal(ks[16], (F, 1), dtype=jnp.float32) * s
    return inp


def reference(positions, node_attrs, edge_index, shifts, batch, num_graphs,
              atomic_energies, W_emb, W_up, W_r1, W_r2, W_down, W_sc,
              Wp1, Wp2, Wp3, Wread0, Wm1, Wm2):
    total, contributions = _energy(positions, node_attrs, shifts, atomic_energies,
                                   W_emb, W_up, W_r1, W_r2, W_down, W_sc,
                                   Wp1, Wp2, Wp3, Wread0, Wm1, Wm2,
                                   edge_index, batch, num_graphs)

    def _etot(pos):
        return _energy(pos, node_attrs, shifts, atomic_energies, W_emb, W_up, W_r1,
                       W_r2, W_down, W_sc, Wp1, Wp2, Wp3, Wread0, Wm1, Wm2,
                       edge_index, batch, num_graphs)[0].sum()

    forces = -jax.grad(_etot)(positions)
    return total, contributions, forces

if __name__ == "__main__":
    import jax
    _d = setup_inputs()
    print(jax.jit(kernel)(*tuple(_d.values())))

</pallas_src>

<mosaic_0001>
#map = affine_map<(d0, d1) -> (0, 0)>
#map1 = affine_map<(d0, d1) -> (0)>
module attributes {stable_mosaic.version = 14 : i64} {
  func.func @k(%arg0: i32, %arg1: i32, %arg2: memref<50000x128xf32, #tpu.memory_space<hbm>>, %arg3: memref<802816xi32, #tpu.memory_space<hbm>>, %arg4: memref<802816x128xf32, #tpu.memory_space<hbm>>, %arg5: memref<128xi32, #tpu.memory_space<vmem>>, %arg6: memref<128x128xf32, #tpu.memory_space<vmem>>, %arg7: memref<!tpu.dma_semaphore, #tpu.memory_space<semaphore_mem>>) attributes {dimension_semantics = [#tpu.dimension_semantics<core_parallel>, #tpu.dimension_semantics<subcore_parallel>], iteration_bounds = array<i64: 2, 16>, scalar_prefetch = 0 : i64, scratch_operands = 3 : i64, tpu.core_type = #tpu.core_type<sc_vector_subcore>, window_params = [{transform_indices = #map}, {transform_indices = #map1}, {transform_indices = #map}]} {
    %mul3A = arith.constant 2 : i32
    %mul3A_0 = arith.muli %arg1, %mul3A : i32
    %add3A = arith.addi %mul3A_0, %arg0 : i32
    %scan3A = arith.constant 0 : i32
    %scan3A_1 = arith.constant 0 : i32
    %scan3A_2 = arith.constant 196 : i32
    %scan3A_3 = arith.addi %scan3A_1, %scan3A_2 : i32
    %scan3A_4 = arith.constant 1 : i32
    scf.for %scan3A_6 = %scan3A_1 to %scan3A_3 step %scan3A_4  : i32 {
      %mul3A_7 = arith.constant 25088 : i32
      %mul3A_8 = arith.muli %add3A, %mul3A_7 : i32
      %mul3A_9 = arith.constant 128 : i32
      %mul3A_10 = arith.muli %scan3A_6, %mul3A_9 : i32
      %add3A_11 = arith.addi %mul3A_8, %mul3A_10 : i32
      "tpu.region"() ({
        %run_scoped3A = tpu.sem_alloc : memref<!tpu.dma_semaphore, #tpu.memory_space<semaphore_mem>>
        %dma_start3A_16 = tpu.memref_slice %arg3[%add3A_11] : memref<802816xi32, #tpu.memory_space<hbm>> -> memref<128xi32, #tpu.memory_space<hbm>>
        %dma_start3A_17 = tpu.memref_slice %arg3[%add3A_11] : memref<802816xi32, #tpu.memory_space<hbm>> -> memref<128xi32, #tpu.memory_space<hbm>>
        tpu.enqueue_dma source(%dma_start3A_17 : memref<128xi32, #tpu.memory_space<hbm>>) target(%arg5 : memref<128xi32, #tpu.memory_space<vmem>>) target_semaphore(%run_scoped3A : memref<!tpu.dma_semaphore, #tpu.memory_space<semaphore_mem>>)
        %dma_wait3A_18 = tpu.memref_slice %arg3[%add3A_11] : memref<802816xi32, #tpu.memory_space<hbm>> -> memref<128xi32, #tpu.memory_space<hbm>>
        %dma_wait3A_19 = tpu.memref_slice %arg3[%add3A_11] : memref<802816xi32, #tpu.memory_space<hbm>> -> memref<128xi32, #tpu.memory_space<hbm>>
        tpu.wait_dma2 semaphore(%run_scoped3A : memref<!tpu.dma_semaphore, #tpu.memory_space<semaphore_mem>>) src(%dma_wait3A_19 : memref<128xi32, #tpu.memory_space<hbm>>) dst(%arg5 : memref<128xi32, #tpu.memory_space<vmem>>)
        tpu.yield
      }) : () -> ()
      %dma_start3A = arith.constant 0 : i32
      %dma_start3A_12 = arith.constant 0 : i32
      %dma_start3A_13 = tpu.memref_slice %arg2[%dma_start3A, %dma_start3A_12] : memref<50000x128xf32, #tpu.memory_space<hbm>> -> memref<50000x128xf32, #tpu.memory_space<hbm>>
      tpu.enqueue_indirect_dma source(%dma_start3A_13 : memref<50000x128xf32, #tpu.memory_space<hbm>>) target(%arg6 : memref<128x128xf32, #tpu.memory_space<vmem>>) offsets(%arg5 : memref<128xi32, #tpu.memory_space<vmem>>) semaphore(%arg7 : memref<!tpu.dma_semaphore, #tpu.memory_space<semaphore_mem>>)
      %dma_wait3A = arith.constant 0 : i32
      %dma_wait3A_14 = arith.constant 0 : i32
      %dma_wait3A_15 = tpu.memref_slice %arg2[%dma_wait3A, %dma_wait3A_14] : memref<50000x128xf32, #tpu.memory_space<hbm>> -> memref<50000x128xf32, #tpu.memory_space<hbm>>
      tpu.wait_indirect_dma semaphore(%arg7 : memref<!tpu.dma_semaphore, #tpu.memory_space<semaphore_mem>>) src(%dma_wait3A_15 : memref<50000x128xf32, #tpu.memory_space<hbm>>) dst(%arg6 : memref<128x128xf32, #tpu.memory_space<vmem>>)
      "tpu.region"() ({
        %run_scoped3A = tpu.sem_alloc : memref<!tpu.dma_semaphore, #tpu.memory_space<semaphore_mem>>
        %dma_start3A_16 = arith.constant 0 : i32
        %dma_start3A_17 = tpu.memref_slice %arg4[%add3A_11, %dma_start3A_16] : memref<802816x128xf32, #tpu.memory_space<hbm>> -> memref<128x128xf32, #tpu.memory_space<hbm>>
        %dma_start3A_18 = arith.constant 0 : i32
        %dma_start3A_19 = tpu.memref_slice %arg4[%add3A_11, %dma_start3A_18] : memref<802816x128xf32, #tpu.memory_space<hbm>> -> memref<128x128xf32, #tpu.memory_space<hbm>>
        tpu.enqueue_dma source(%arg6 : memref<128x128xf32, #tpu.memory_space<vmem>>) target(%dma_start3A_19 : memref<128x128xf32, #tpu.memory_space<hbm>>) target_semaphore(%run_scoped3A : memref<!tpu.dma_semaphore, #tpu.memory_space<semaphore_mem>>)
        %dma_wait3A_20 = arith.constant 0 : i32
        %dma_wait3A_21 = tpu.memref_slice %arg4[%add3A_11, %dma_wait3A_20] : memref<802816x128xf32, #tpu.memory_space<hbm>> -> memref<128x128xf32, #tpu.memory_space<hbm>>
        %dma_wait3A_22 = arith.constant 0 : i32
        %dma_wait3A_23 = tpu.memref_slice %arg4[%add3A_11, %dma_wait3A_22] : memref<802816x128xf32, #tpu.memory_space<hbm>> -> memref<128x128xf32, #tpu.memory_space<hbm>>
        tpu.wait_dma2 semaphore(%run_scoped3A : memref<!tpu.dma_semaphore, #tpu.memory_space<semaphore_mem>>) src(%arg6 : memref<128x128xf32, #tpu.memory_space<vmem>>) dst(%dma_wait3A_23 : memref<128x128xf32, #tpu.memory_space<hbm>>)
        tpu.yield
      }) : () -> ()
    }
    %scan3A_5 = arith.constant 196 : i32
    return
  }
}

#map = affine_map<(d0, d1) -> (0, 0)>
#map1 = affine_map<(d0, d1) -> (0)>
module attributes {stable_mosaic.version = 14 : i64} {
  func.func @k(%arg0: i32, %arg1: i32, %arg2: memref<50000x128xf32, #tpu.memory_space<hbm>>, %arg3: memref<802816xi32, #tpu.memory_space<hbm>>, %arg4: memref<802816x128xf32, #tpu.memory_space<hbm>>, %arg5: memref<128xi32, #tpu.memory_space<vmem>>, %arg6: memref<128x128xf32, #tpu.memory_space<vmem>>, %arg7: memref<!tpu.dma_semaphore, #tpu.memory_space<semaphore_mem>>) attributes {dimension_semantics = [#tpu.dimension_semantics<core_parallel>, #tpu.dimension_semantics<subcore_parallel>], iteration_bounds = array<i64: 2, 16>, scalar_prefetch = 0 : i64, scratch_operands = 3 : i64, tpu.core_type = #tpu.core_type<sc_vector_subcore>, window_params = [{transform_indices = #map}, {transform_indices = #map1}, {transform_indices = #map}]} {
    %mul3A = arith.constant 2 : i32
    %mul3A_0 = arith.muli %arg1, %mul3A : i32
    %add3A = arith.addi %mul3A_0, %arg0 : i32
    %scan3A = arith.constant 0 : i32
    %scan3A_1 = arith.constant 0 : i32
    %scan3A_2 = arith.constant 196 : i32
    %scan3A_3 = arith.addi %scan3A_1, %scan3A_2 : i32
    %scan3A_4 = arith.constant 1 : i32
    scf.for %scan3A_6 = %scan3A_1 to %scan3A_3 step %scan3A_4  : i32 {
      %mul3A_7 = arith.constant 25088 : i32
      %mul3A_8 = arith.muli %add3A, %mul3A_7 : i32
      %mul3A_9 = arith.constant 128 : i32
      %mul3A_10 = arith.muli %scan3A_6, %mul3A_9 : i32
      %add3A_11 = arith.addi %mul3A_8, %mul3A_10 : i32
      "tpu.region"() ({
        %run_scoped3A = tpu.sem_alloc : memref<!tpu.dma_semaphore, #tpu.memory_space<semaphore_mem>>
        %dma_start3A_16 = tpu.memref_slice %arg3[%add3A_11] : memref<802816xi32, #tpu.memory_space<hbm>> -> memref<128xi32, #tpu.memory_space<hbm>>
        %dma_start3A_17 = tpu.memref_slice %arg3[%add3A_11] : memref<802816xi32, #tpu.memory_space<hbm>> -> memref<128xi32, #tpu.memory_space<hbm>>
        tpu.enqueue_dma source(%dma_start3A_17 : memref<128xi32, #tpu.memory_space<hbm>>) target(%arg5 : memref<128xi32, #tpu.memory_space<vmem>>) target_semaphore(%run_scoped3A : memref<!tpu.dma_semaphore, #tpu.memory_space<semaphore_mem>>)
        %dma_wait3A_18 = tpu.memref_slice %arg3[%add3A_11] : memref<802816xi32, #tpu.memory_space<hbm>> -> memref<128xi32, #tpu.memory_space<hbm>>
        %dma_wait3A_19 = tpu.memref_slice %arg3[%add3A_11] : memref<802816xi32, #tpu.memory_space<hbm>> -> memref<128xi32, #tpu.memory_space<hbm>>
        tpu.wait_dma2 semaphore(%run_scoped3A : memref<!tpu.dma_semaphore, #tpu.memory_space<semaphore_mem>>) src(%dma_wait3A_19 : memref<128xi32, #tpu.memory_space<hbm>>) dst(%arg5 : memref<128xi32, #tpu.memory_space<vmem>>)
        tpu.yield
      }) : () -> ()
      %dma_start3A = arith.constant 0 : i32
      %dma_start3A_12 = arith.constant 0 : i32
      %dma_start3A_13 = tpu.memref_slice %arg2[%dma_start3A, %dma_start3A_12] : memref<50000x128xf32, #tpu.memory_space<hbm>> -> memref<50000x128xf32, #tpu.memory_space<hbm>>
      tpu.enqueue_indirect_dma source(%dma_start3A_13 : memref<50000x128xf32, #tpu.memory_space<hbm>>) target(%arg6 : memref<128x128xf32, #tpu.memory_space<vmem>>) offsets(%arg5 : memref<128xi32, #tpu.memory_space<vmem>>) semaphore(%arg7 : memref<!tpu.dma_semaphore, #tpu.memory_space<semaphore_mem>>)
      %dma_wait3A = arith.constant 0 : i32
      %dma_wait3A_14 = arith.constant 0 : i32
      %dma_wait3A_15 = tpu.memref_slice %arg2[%dma_wait3A, %dma_wait3A_14] : memref<50000x128xf32, #tpu.memory_space<hbm>> -> memref<50000x128xf32, #tpu.memory_space<hbm>>
      tpu.wait_indirect_dma semaphore(%arg7 : memref<!tpu.dma_semaphore, #tpu.memory_space<semaphore_mem>>) src(%dma_wait3A_15 : memref<50000x128xf32, #tpu.memory_space<hbm>>) dst(%arg6 : memref<128x128xf32, #tpu.memory_space<vmem>>)
      "tpu.region"() ({
        %run_scoped3A = tpu.sem_alloc : memref<!tpu.dma_semaphore, #tpu.memory_space<semaphore_mem>>
        %dma_start3A_16 = arith.constant 0 : i32
        %dma_start3A_17 = tpu.memref_slice %arg4[%add3A_11, %dma_start3A_16] : memref<802816x128xf32, #tpu.memory_space<hbm>> -> memref<128x128xf32, #tpu.memory_space<hbm>>
        %dma_start3A_18 = arith.constant 0 : i32
        %dma_start3A_19 = tpu.memref_slice %arg4[%add3A_11, %dma_start3A_18] : memref<802816x128xf32, #tpu.memory_space<hbm>> -> memref<128x128xf32, #tpu.memory_space<hbm>>
        tpu.enqueue_dma source(%arg6 : memref<128x128xf32, #tpu.memory_space<vmem>>) target(%dma_start3A_19 : memref<128x128xf32, #tpu.memory_space<hbm>>) target_semaphore(%run_scoped3A : memref<!tpu.dma_semaphore, #tpu.memory_space<semaphore_mem>>)
        %dma_wait3A_20 = arith.constant 0 : i32
        %dma_wait3A_21 = tpu.memref_slice %arg4[%add3A_11, %dma_wait3A_20] : memref<802816x128xf32, #tpu.memory_space<hbm>> -> memref<128x128xf32, #tpu.memory_space<hbm>>
        %dma_wait3A_22 = arith.constant 0 : i32
        %dma_wait3A_23 = tpu.memref_slice %arg4[%add3A_11, %dma_wait3A_22] : memref<802816x128xf32, #tpu.memory_space<hbm>> -> memref<128x128xf32, #tpu.memory_space<hbm>>
        tpu.wait_dma2 semaphore(%run_scoped3A : memref<!tpu.dma_semaphore, #tpu.memory_space<semaphore_mem>>) src(%arg6 : memref<128x128xf32, #tpu.memory_space<vmem>>) dst(%dma_wait3A_23 : memref<128x128xf32, #tpu.memory_space<hbm>>)
        tpu.yield
      }) : () -> ()
    }
    %scan3A_5 = arith.constant 196 : i32
    return
  }
}

#map = affine_map<(d0, d1) -> (0, 0)>
#map1 = affine_map<(d0, d1) -> (0)>
module attributes {stable_mosaic.version = 14 : i64} {
  func.func @k(%arg0: i32, %arg1: i32, %arg2: memref<50000x256xf32, #tpu.memory_space<hbm>>, %arg3: memref<802816xi32, #tpu.memory_space<hbm>>, %arg4: memref<802816x256xf32, #tpu.memory_space<hbm>>, %arg5: memref<128xi32, #tpu.memory_space<vmem>>, %arg6: memref<128x256xf32, #tpu.memory_space<vmem>>, %arg7: memref<!tpu.dma_semaphore, #tpu.memory_space<semaphore_mem>>) attributes {dimension_semantics = [#tpu.dimension_semantics<core_parallel>, #tpu.dimension_semantics<subcore_parallel>], iteration_bounds = array<i64: 2, 16>, scalar_prefetch = 0 : i64, scratch_operands = 3 : i64, tpu.core_type = #tpu.core_type<sc_vector_subcore>, window_params = [{transform_indices = #map}, {transform_indices = #map1}, {transform_indices = #map}]} {
    %mul3A = arith.constant 2 : i32
    %mul3A_0 = arith.muli %arg1, %mul3A : i32
    %add3A = arith.addi %mul3A_0, %arg0 : i32
    %scan3A = arith.constant 0 : i32
    %scan3A_1 = arith.constant 0 : i32
    %scan3A_2 = arith.constant 196 : i32
    %scan3A_3 = arith.addi %scan3A_1, %scan3A_2 : i32
    %scan3A_4 = arith.constant 1 : i32
    scf.for %scan3A_6 = %scan3A_1 to %scan3A_3 step %scan3A_4  : i32 {
      %mul3A_7 = arith.constant 25088 : i32
      %mul3A_8 = arith.muli %add3A, %mul3A_7 : i32
      %mul3A_9 = arith.constant 128 : i32
      %mul3A_10 = arith.muli %scan3A_6, %mul3A_9 : i32
      %add3A_11 = arith.addi %mul3A_8, %mul3A_10 : i32
      "tpu.region"() ({
        %run_scoped3A = tpu.sem_alloc : memref<!tpu.dma_semaphore, #tpu.memory_space<semaphore_mem>>
        %dma_start3A_16 = tpu.memref_slice %arg3[%add3A_11] : memref<802816xi32, #tpu.memory_space<hbm>> -> memref<128xi32, #tpu.memory_space<hbm>>
        %dma_start3A_17 = tpu.memref_slice %arg3[%add3A_11] : memref<802816xi32, #tpu.memory_space<hbm>> -> memref<128xi32, #tpu.memory_space<hbm>>
        tpu.enqueue_dma source(%dma_start3A_17 : memref<128xi32, #tpu.memory_space<hbm>>) target(%arg5 : memref<128xi32, #tpu.memory_space<vmem>>) target_semaphore(%run_scoped3A : memref<!tpu.dma_semaphore, #tpu.memory_space<semaphore_mem>>)
        %dma_wait3A_18 = tpu.memref_slice %arg3[%add3A_11] : memref<802816xi32, #tpu.memory_space<hbm>> -> memref<128xi32, #tpu.memory_space<hbm>>
        %dma_wait3A_19 = tpu.memref_slice %arg3[%add3A_11] : memref<802816xi32, #tpu.memory_space<hbm>> -> memref<128xi32, #tpu.memory_space<hbm>>
        tpu.wait_dma2 semaphore(%run_scoped3A : memref<!tpu.dma_semaphore, #tpu.memory_space<semaphore_mem>>) src(%dma_wait3A_19 : memref<128xi32, #tpu.memory_space<hbm>>) dst(%arg5 : memref<128xi32, #tpu.memory_space<vmem>>)
        tpu.yield
      }) : () -> ()
      %dma_start3A = arith.constant 0 : i32
      %dma_start3A_12 = arith.constant 0 : i32
      %dma_start3A_13 = tpu.memref_slice %arg2[%dma_start3A, %dma_start3A_12] : memref<50000x256xf32, #tpu.memory_space<hbm>> -> memref<50000x256xf32, #tpu.memory_space<hbm>>
      tpu.enqueue_indirect_dma source(%dma_start3A_13 : memref<50000x256xf32, #tpu.memory_space<hbm>>) target(%arg6 : memref<128x256xf32, #tpu.memory_space<vmem>>) offsets(%arg5 : memref<128xi32, #tpu.memory_space<vmem>>) semaphore(%arg7 : memref<!tpu.dma_semaphore, #tpu.memory_space<semaphore_mem>>)
      %dma_wait3A = arith.constant 0 : i32
      %dma_wait3A_14 = arith.constant 0 : i32
      %dma_wait3A_15 = tpu.memref_slice %arg2[%dma_wait3A, %dma_wait3A_14] : memref<50000x256xf32, #tpu.memory_space<hbm>> -> memref<50000x256xf32, #tpu.memory_space<hbm>>
      tpu.wait_indirect_dma semaphore(%arg7 : memref<!tpu.dma_semaphore, #tpu.memory_space<semaphore_mem>>) src(%dma_wait3A_15 : memref<50000x256xf32, #tpu.memory_space<hbm>>) dst(%arg6 : memref<128x256xf32, #tpu.memory_space<vmem>>)
      "tpu.region"() ({
        %run_scoped3A = tpu.sem_alloc : memref<!tpu.dma_semaphore, #tpu.memory_space<semaphore_mem>>
        %dma_start3A_16 = arith.constant 0 : i32
        %dma_start3A_17 = tpu.memref_slice %arg4[%add3A_11, %dma_start3A_16] : memref<802816x256xf32, #tpu.memory_space<hbm>> -> memref<128x256xf32, #tpu.memory_space<hbm>>
        %dma_start3A_18 = arith.constant 0 : i32
        %dma_start3A_19 = tpu.memref_slice %arg4[%add3A_11, %dma_start3A_18] : memref<802816x256xf32, #tpu.memory_space<hbm>> -> memref<128x256xf32, #tpu.memory_space<hbm>>
        tpu.enqueue_dma source(%arg6 : memref<128x256xf32, #tpu.memory_space<vmem>>) target(%dma_start3A_19 : memref<128x256xf32, #tpu.memory_space<hbm>>) target_semaphore(%run_scoped3A : memref<!tpu.dma_semaphore, #tpu.memory_space<semaphore_mem>>)
        %dma_wait3A_20 = arith.constant 0 : i32
        %dma_wait3A_21 = tpu.memref_slice %arg4[%add3A_11, %dma_wait3A_20] : memref<802816x256xf32, #tpu.memory_space<hbm>> -> memref<128x256xf32, #tpu.memory_space<hbm>>
        %dma_wait3A_22 = arith.constant 0 : i32
        %dma_wait3A_23 = tpu.memref_slice %arg4[%add3A_11, %dma_wait3A_22] : memref<802816x256xf32, #tpu.memory_space<hbm>> -> memref<128x256xf32, #tpu.memory_space<hbm>>
        tpu.wait_dma2 semaphore(%run_scoped3A : memref<!tpu.dma_semaphore, #tpu.memory_space<semaphore_mem>>) src(%arg6 : memref<128x256xf32, #tpu.memory_space<vmem>>) dst(%dma_wait3A_23 : memref<128x256xf32, #tpu.memory_space<hbm>>)
        tpu.yield
      }) : () -> ()
    }
    %scan3A_5 = arith.constant 196 : i32
    return
  }
}

#map = affine_map<(d0, d1) -> (0, 0)>
#map1 = affine_map<(d0, d1) -> (0)>
module attributes {stable_mosaic.version = 14 : i64} {
  func.func @k(%arg0: i32, %arg1: i32, %arg2: memref<50000x256xf32, #tpu.memory_space<hbm>>, %arg3: memref<802816xi32, #tpu.memory_space<hbm>>, %arg4: memref<802816x256xf32, #tpu.memory_space<hbm>>, %arg5: memref<128xi32, #tpu.memory_space<vmem>>, %arg6: memref<128x256xf32, #tpu.memory_space<vmem>>, %arg7: memref<!tpu.dma_semaphore, #tpu.memory_space<semaphore_mem>>) attributes {dimension_semantics = [#tpu.dimension_semantics<core_parallel>, #tpu.dimension_semantics<subcore_parallel>], iteration_bounds = array<i64: 2, 16>, scalar_prefetch = 0 : i64, scratch_operands = 3 : i64, tpu.core_type = #tpu.core_type<sc_vector_subcore>, window_params = [{transform_indices = #map}, {transform_indices = #map1}, {transform_indices = #map}]} {
    %mul3A = arith.constant 2 : i32
    %mul3A_0 = arith.muli %arg1, %mul3A : i32
    %add3A = arith.addi %mul3A_0, %arg0 : i32
    %scan3A = arith.constant 0 : i32
    %scan3A_1 = arith.constant 0 : i32
    %scan3A_2 = arith.constant 196 : i32
    %scan3A_3 = arith.addi %scan3A_1, %scan3A_2 : i32
    %scan3A_4 = arith.constant 1 : i32
    scf.for %scan3A_6 = %scan3A_1 to %scan3A_3 step %scan3A_4  : i32 {
      %mul3A_7 = arith.constant 25088 : i32
      %mul3A_8 = arith.muli %add3A, %mul3A_7 : i32
      %mul3A_9 = arith.constant 128 : i32
      %mul3A_10 = arith.muli %scan3A_6, %mul3A_9 : i32
      %add3A_11 = arith.addi %mul3A_8, %mul3A_10 : i32
      "tpu.region"() ({
        %run_scoped3A = tpu.sem_alloc : memref<!tpu.dma_semaphore, #tpu.memory_space<semaphore_mem>>
        %dma_start3A_16 = tpu.memref_slice %arg3[%add3A_11] : memref<802816xi32, #tpu.memory_space<hbm>> -> memref<128xi32, #tpu.memory_space<hbm>>
        %dma_start3A_17 = tpu.memref_slice %arg3[%add3A_11] : memref<802816xi32, #tpu.memory_space<hbm>> -> memref<128xi32, #tpu.memory_space<hbm>>
        tpu.enqueue_dma source(%dma_start3A_17 : memref<128xi32, #tpu.memory_space<hbm>>) target(%arg5 : memref<128xi32, #tpu.memory_space<vmem>>) target_semaphore(%run_scoped3A : memref<!tpu.dma_semaphore, #tpu.memory_space<semaphore_mem>>)
        %dma_wait3A_18 = tpu.memref_slice %arg3[%add3A_11] : memref<802816xi32, #tpu.memory_space<hbm>> -> memref<128xi32, #tpu.memory_space<hbm>>
        %dma_wait3A_19 = tpu.memref_slice %arg3[%add3A_11] : memref<802816xi32, #tpu.memory_space<hbm>> -> memref<128xi32, #tpu.memory_space<hbm>>
        tpu.wait_dma2 semaphore(%run_scoped3A : memref<!tpu.dma_semaphore, #tpu.memory_space<semaphore_mem>>) src(%dma_wait3A_19 : memref<128xi32, #tpu.memory_space<hbm>>) dst(%arg5 : memref<128xi32, #tpu.memory_space<vmem>>)
        tpu.yield
      }) : () -> ()
      %dma_start3A = arith.constant 0 : i32
      %dma_start3A_12 = arith.constant 0 : i32
      %dma_start3A_13 = tpu.memref_slice %arg2[%dma_start3A, %dma_start3A_12] : memref<50000x256xf32, #tpu.memory_space<hbm>> -> memref<50000x256xf32, #tpu.memory_space<hbm>>
      tpu.enqueue_indirect_dma source(%dma_start3A_13 : memref<50000x256xf32, #tpu.memory_space<hbm>>) target(%arg6 : memref<128x256xf32, #tpu.memory_space<vmem>>) offsets(%arg5 : memref<128xi32, #tpu.memory_space<vmem>>) semaphore(%arg7 : memref<!tpu.dma_semaphore, #tpu.memory_space<semaphore_mem>>)
      %dma_wait3A = arith.constant 0 : i32
      %dma_wait3A_14 = arith.constant 0 : i32
      %dma_wait3A_15 = tpu.memref_slice %arg2[%dma_wait3A, %dma_wait3A_14] : memref<50000x256xf32, #tpu.memory_space<hbm>> -> memref<50000x256xf32, #tpu.memory_space<hbm>>
      tpu.wait_indirect_dma semaphore(%arg7 : memref<!tpu.dma_semaphore, #tpu.memory_space<semaphore_mem>>) src(%dma_wait3A_15 : memref<50000x256xf32, #tpu.memory_space<hbm>>) dst(%arg6 : memref<128x256xf32, #tpu.memory_space<vmem>>)
      "tpu.region"() ({
        %run_scoped3A = tpu.sem_alloc : memref<!tpu.dma_semaphore, #tpu.memory_space<semaphore_mem>>
        %dma_start3A_16 = arith.constant 0 : i32
        %dma_start3A_17 = tpu.memref_slice %arg4[%add3A_11, %dma_start3A_16] : memref<802816x256xf32, #tpu.memory_space<hbm>> -> memref<128x256xf32, #tpu.memory_space<hbm>>
        %dma_start3A_18 = arith.constant 0 : i32
        %dma_start3A_19 = tpu.memref_slice %arg4[%add3A_11, %dma_start3A_18] : memref<802816x256xf32, #tpu.memory_space<hbm>> -> memref<128x256xf32, #tpu.memory_space<hbm>>
        tpu.enqueue_dma source(%arg6 : memref<128x256xf32, #tpu.memory_space<vmem>>) target(%dma_start3A_19 : memref<128x256xf32, #tpu.memory_space<hbm>>) target_semaphore(%run_scoped3A : memref<!tpu.dma_semaphore, #tpu.memory_space<semaphore_mem>>)
        %dma_wait3A_20 = arith.constant 0 : i32
        %dma_wait3A_21 = tpu.memref_slice %arg4[%add3A_11, %dma_wait3A_20] : memref<802816x256xf32, #tpu.memory_space<hbm>> -> memref<128x256xf32, #tpu.memory_space<hbm>>
        %dma_wait3A_22 = arith.constant 0 : i32
        %dma_wait3A_23 = tpu.memref_slice %arg4[%add3A_11, %dma_wait3A_22] : memref<802816x256xf32, #tpu.memory_space<hbm>> -> memref<128x256xf32, #tpu.memory_space<hbm>>
        tpu.wait_dma2 semaphore(%run_scoped3A : memref<!tpu.dma_semaphore, #tpu.memory_space<semaphore_mem>>) src(%arg6 : memref<128x256xf32, #tpu.memory_space<vmem>>) dst(%dma_wait3A_23 : memref<128x256xf32, #tpu.memory_space<hbm>>)
        tpu.yield
      }) : () -> ()
    }
    %scan3A_5 = arith.constant 196 : i32
    return
  }
}

module attributes {stable_mosaic.version = 14 : i64} {
  func.func @_seg_kernel(%arg0: i32, %arg1: memref<32x128xf32, #tpu.memory_space<vmem>>, %arg2: memref<32x128xi32, #tpu.memory_space<vmem>>, %arg3: memref<1x16xf32, #tpu.memory_space<vmem>>) attributes {dimension_semantics = [#tpu.dimension_semantics<arbitrary>], iteration_bounds = array<i64: 13>, scalar_prefetch = 0 : i64, scratch_operands = 0 : i64, tpu.core_type = #tpu.core_type<tc>, window_params = [{transform_indices = @transform_0, window_bounds = array<i64: 32, 128>}, {transform_indices = @transform_1, window_bounds = array<i64: 32, 128>}, {pipeline_mode = #tpu.pipeline_mode<synchronous>, transform_indices = @transform_2, window_bounds = array<i64: 1, 16>}]} {
    %eq3A = arith.constant 0 : i32
    %eq3A_0 = arith.cmpi eq, %arg0, %eq3A : i32
    %convert_element_type3A = arith.extui %eq3A_0 : i1 to i32
    %cond3A = arith.constant 0 : i32
    %cond3A_1 = arith.cmpi ne, %convert_element_type3A, %cond3A : i32
    scf.if %cond3A_1 {
      %broadcast_in_dim3A_201 = arith.constant 0.000000e+00 : f32
      %broadcast_in_dim3A_202 = vector.broadcast %broadcast_in_dim3A_201 : f32 to vector<1x16xf32>
      %swap3A_203 = arith.constant 0 : index
      %swap3A_204 = arith.constant 0 : index
      %swap3A_205 = vector.load %arg3[%swap3A_203, %swap3A_204] : memref<1x16xf32, #tpu.memory_space<vmem>>, vector<1x16xf32>
      tpu.vector_store %arg3[%swap3A_203, %swap3A_204], %broadcast_in_dim3A_202 {strides = array<i32>} : memref<1x16xf32, #tpu.memory_space<vmem>>, vector<1x16xf32>,
    } else {
    }
    %get3A = arith.constant 0 : index
    %get3A_2 = arith.constant 0 : index
    %get3A_3 = vector.load %arg1[%get3A, %get3A_2] : memref<32x128xf32, #tpu.memory_space<vmem>>, vector<32x128xf32>
    %get3A_4 = arith.constant 0 : index
    %get3A_5 = arith.constant 0 : index
    %get3A_6 = vector.load %arg2[%get3A_4, %get3A_5] : memref<32x128xi32, #tpu.memory_space<vmem>>, vector<32x128xi32>
    %eq3A_7 = arith.constant 0 : i32
    %eq3A_8 = vector.broadcast %eq3A_7 : i32 to vector<32x128xi32>
    %eq3A_9 = arith.cmpi eq, %get3A_6, %eq3A_8 : vector<32x128xi32>
    %jit3A = arith.constant 0.000000e+00 : f32
    %broadcast_in_dim3A = vector.broadcast %jit3A : f32 to vector<32x128xf32>
    %select_n3A = arith.select %eq3A_9, %get3A_3, %broadcast_in_dim3A : vector<32x128xi1>, vector<32x128xf32>
    %reduce_sum3A = vector.shape_cast %select_n3A : vector<32x128xf32> to vector<1x32x128xf32>
    %reduce_sum3A_10 = arith.constant dense<0.000000e+00> : vector<1xf32>
    %reduce_sum3A_11 = vector.multi_reduction <add>, %reduce_sum3A, %reduce_sum3A_10 [1, 2] : vector<1x32x128xf32> to vector<1xf32>
    %reduce_sum3A_12 = vector.shape_cast %reduce_sum3A_11 : vector<1xf32> to vector<1x1x1xf32>
    %reduce_sum3A_13 = vector.extract %reduce_sum3A_12[0, 0, 0] : f32 from vector<1x1x1xf32>
    %eq3A_14 = arith.constant 1 : i32
    %eq3A_15 = vector.broadcast %eq3A_14 : i32 to vector<32x128xi32>
    %eq3A_16 = arith.cmpi eq, %get3A_6, %eq3A_15 : vector<32x128xi32>
    %jit3A_17 = arith.constant 0.000000e+00 : f32
    %broadcast_in_dim3A_18 = vector.broadcast %jit3A_17 : f32 to vector<32x128xf32>
    %select_n3A_19 = arith.select %eq3A_16, %get3A_3, %broadcast_in_dim3A_18 : vector<32x128xi1>, vector<32x128xf32>
    %reduce_sum3A_20 = vector.shape_cast %select_n3A_19 : vector<32x128xf32> to vector<1x32x128xf32>
    %reduce_sum3A_21 = arith.constant dense<0.000000e+00> : vector<1xf32>
    %reduce_sum3A_22 = vector.multi_reduction <add>, %reduce_sum3A_20, %reduce_sum3A_21 [1, 2] : vector<1x32x128xf32> to vector<1xf32>
    %reduce_sum3A_23 = vector.shape_cast %reduce_sum3A_22 : vector<1xf32> to vector<1x1x1xf32>
    %reduce_sum3A_24 = vector.extract %reduce_sum3A_23[0, 0, 0] : f32 from vector<1x1x1xf32>
    %eq3A_25 = arith.constant 2 : i32
    %eq3A_26 = vector.broadcast %eq3A_25 : i32 to vector<32x128xi32>
    %eq3A_27 = arith.cmpi eq, %get3A_6, %eq3A_26 : vector<32x128xi32>
    %jit3A_28 = arith.constant 0.000000e+00 : f32
    %broadcast_in_dim3A_29 = vector.broadcast %jit3A_28 : f32 to vector<32x128xf32>
    %select_n3A_30 = arith.select %eq3A_27, %get3A_3, %broadcast_in_dim3A_29 : vector<32x128xi1>, vector<32x128xf32>
    %reduce_sum3A_31 = vector.shape_cast %select_n3A_30 : vector<32x128xf32> to vector<1x32x128xf32>
    %reduce_sum3A_32 = arith.constant dense<0.000000e+00> : vector<1xf32>
    %reduce_sum3A_33 = vector.multi_reduction <add>, %reduce_sum3A_31, %reduce_sum3A_32 [1, 2] : vector<1x32x128xf32> to vector<1xf32>
    %reduce_sum3A_34 = vector.shape_cast %reduce_sum3A_33 : vector<1xf32> to vector<1x1x1xf32>
    %reduce_sum3A_35 = vector.extract %reduce_sum3A_34[0, 0, 0] : f32 from vector<1x1x1xf32>
    %eq3A_36 = arith.constant 3 : i32
    %eq3A_37 = vector.broadcast %eq3A_36 : i32 to vector<32x128xi32>
    %eq3A_38 = arith.cmpi eq, %get3A_6, %eq3A_37 : vector<32x128xi32>
    %jit3A_39 = arith.constant 0.000000e+00 : f32
    %broadcast_in_dim3A_40 = vector.broadcast %jit3A_39 : f32 to vector<32x128xf32>
    %select_n3A_41 = arith.select %eq3A_38, %get3A_3, %broadcast_in_dim3A_40 : vector<32x128xi1>, vector<32x128xf32>
    %reduce_sum3A_42 = vector.shape_cast %select_n3A_41 : vector<32x128xf32> to vector<1x32x128xf32>
    %reduce_sum3A_43 = arith.constant dense<0.000000e+00> : vector<1xf32>
    %reduce_sum3A_44 = vector.multi_reduction <add>, %reduce_sum3A_42, %reduce_sum3A_43 [1, 2] : vector<1x32x128xf32> to vector<1xf32>
    %reduce_sum3A_45 = vector.shape_cast %reduce_sum3A_44 : vector<1xf32> to vector<1x1x1xf32>
    %reduce_sum3A_46 = vector.extract %reduce_sum3A_45[0, 0, 0] : f32 from vector<1x1x1xf32>
    %eq3A_47 = arith.constant 4 : i32
    %eq3A_48 = vector.broadcast %eq3A_47 : i32 to vector<32x128xi32>
    %eq3A_49 = arith.cmpi eq, %get3A_6, %eq3A_48 : vector<32x128xi32>
    %jit3A_50 = arith.constant 0.000000e+00 : f32
    %broadcast_in_dim3A_51 = vector.broadcast %jit3A_50 : f32 to vector<32x128xf32>
    %select_n3A_52 = arith.select %eq3A_49, %get3A_3, %broadcast_in_dim3A_51 : vector<32x128xi1>, vector<32x128xf32>
    %reduce_sum3A_53 = vector.shape_cast %select_n3A_52 : vector<32x128xf32> to vector<1x32x128xf32>
    %reduce_sum3A_54 = arith.constant dense<0.000000e+00> : vector<1xf32>
    %reduce_sum3A_55 = vector.multi_reduction <add>, %reduce_sum3A_53, %reduce_sum3A_54 [1, 2] : vector<1x32x128xf32> to vector<1xf32>
    %reduce_sum3A_56 = vector.shape_cast %reduce_sum3A_55 : vector<1xf32> to vector<1x1x1xf32>
    %reduce_sum3A_57 = vector.extract %reduce_sum3A_56[0, 0, 0] : f32 from vector<1x1x1xf32>
    %eq3A_58 = arith.constant 5 : i32
    %eq3A_59 = vector.broadcast %eq3A_58 : i32 to vector<32x128xi32>
    %eq3A_60 = arith.cmpi eq, %get3A_6, %eq3A_59 : vector<32x128xi32>
    %jit3A_61 = arith.constant 0.000000e+00 : f32
    %broadcast_in_dim3A_62 = vector.broadcast %jit3A_61 : f32 to vector<32x128xf32>
    %select_n3A_63 = arith.select %eq3A_60, %get3A_3, %broadcast_in_dim3A_62 : vector<32x128xi1>, vector<32x128xf32>
    %reduce_sum3A_64 = vector.shape_cast %select_n3A_63 : vector<32x128xf32> to vector<1x32x128xf32>
    %reduce_sum3A_65 = arith.constant dense<0.000000e+00> : vector<1xf32>
    %reduce_sum3A_66 = vector.multi_reduction <add>, %reduce_sum3A_64, %reduce_sum3A_65 [1, 2] : vector<1x32x128xf32> to vector<1xf32>
    %reduce_sum3A_67 = vector.shape_cast %reduce_sum3A_66 : vector<1xf32> to vector<1x1x1xf32>
    %reduce_sum3A_68 = vector.extract %reduce_sum3A_67[0, 0, 0] : f32 from vector<1x1x1xf32>
    %eq3A_69 = arith.constant 6 : i32
    %eq3A_70 = vector.broadcast %eq3A_69 : i32 to vector<32x128xi32>
    %eq3A_71 = arith.cmpi eq, %get3A_6, %eq3A_70 : vector<32x128xi32>
    %jit3A_72 = arith.constant 0.000000e+00 : f32
    %broadcast_in_dim3A_73 = vector.broadcast %jit3A_72 : f32 to vector<32x128xf32>
    %select_n3A_74 = arith.select %eq3A_71, %get3A_3, %broadcast_in_dim3A_73 : vector<32x128xi1>, vector<32x128xf32>
    %reduce_sum3A_75 = vector.shape_cast %select_n3A_74 : vector<32x128xf32> to vector<1x32x128xf32>
    %reduce_sum3A_76 = arith.constant dense<0.000000e+00> : vector<1xf32>
    %reduce_sum3A_77 = vector.multi_reduction <add>, %reduce_sum3A_75, %reduce_sum3A_76 [1, 2] : vector<1x32x128xf32> to vector<1xf32>
    %reduce_sum3A_78 = vector.shape_cast %reduce_sum3A_77 : vector<1xf32> to vector<1x1x1xf32>
    %reduce_sum3A_79 = vector.extract %reduce_sum3A_78[0, 0, 0] : f32 from vector<1x1x1xf32>
    %eq3A_80 = arith.constant 7 : i32
    %eq3A_81 = vector.broadcast %eq3A_80 : i32 to vector<32x128xi32>
    %eq3A_82 = arith.cmpi eq, %get3A_6, %eq3A_81 : vector<32x128xi32>
    %jit3A_83 = arith.constant 0.000000e+00 : f32
    %broadcast_in_dim3A_84 = vector.broadcast %jit3A_83 : f32 to vector<32x128xf32>
    %select_n3A_85 = arith.select %eq3A_82, %get3A_3, %broadcast_in_dim3A_84 : vector<32x128xi1>, vector<32x128xf32>
    %reduce_sum3A_86 = vector.shape_cast %select_n3A_85 : vector<32x128xf32> to vector<1x32x128xf32>
    %reduce_sum3A_87 = arith.constant dense<0.000000e+00> : vector<1xf32>
    %reduce_sum3A_88 = vector.multi_reduction <add>, %reduce_sum3A_86, %reduce_sum3A_87 [1, 2] : vector<1x32x128xf32> to vector<1xf32>
    %reduce_sum3A_89 = vector.shape_cast %reduce_sum3A_88 : vector<1xf32> to vector<1x1x1xf32>
    %reduce_sum3A_90 = vector.extract %reduce_sum3A_89[0, 0, 0] : f32 from vector<1x1x1xf32>
    %eq3A_91 = arith.constant 8 : i32
    %eq3A_92 = vector.broadcast %eq3A_91 : i32 to vector<32x128xi32>
    %eq3A_93 = arith.cmpi eq, %get3A_6, %eq3A_92 : vector<32x128xi32>
    %jit3A_94 = arith.constant 0.000000e+00 : f32
    %broadcast_in_dim3A_95 = vector.broadcast %jit3A_94 : f32 to vector<32x128xf32>
    %select_n3A_96 = arith.select %eq3A_93, %get3A_3, %broadcast_in_dim3A_95 : vector<32x128xi1>, vector<32x128xf32>
    %reduce_sum3A_97 = vector.shape_cast %select_n3A_96 : vector<32x128xf32> to vector<1x32x128xf32>
    %reduce_sum3A_98 = arith.constant dense<0.000000e+00> : vector<1xf32>
    %reduce_sum3A_99 = vector.multi_reduction <add>, %reduce_sum3A_97, %reduce_sum3A_98 [1, 2] : vector<1x32x128xf32> to vector<1xf32>
    %reduce_sum3A_100 = vector.shape_cast %reduce_sum3A_99 : vector<1xf32> to vector<1x1x1xf32>
    %reduce_sum3A_101 = vector.extract %reduce_sum3A_100[0, 0, 0] : f32 from vector<1x1x1xf32>
    %eq3A_102 = arith.constant 9 : i32
    %eq3A_103 = vector.broadcast %eq3A_102 : i32 to vector<32x128xi32>
    %eq3A_104 = arith.cmpi eq, %get3A_6, %eq3A_103 : vector<32x128xi32>
    %jit3A_105 = arith.constant 0.000000e+00 : f32
    %broadcast_in_dim3A_106 = vector.broadcast %jit3A_105 : f32 to vector<32x128xf32>
    %select_n3A_107 = arith.select %eq3A_104, %get3A_3, %broadcast_in_dim3A_106 : vector<32x128xi1>, vector<32x128xf32>
    %reduce_sum3A_108 = vector.shape_cast %select_n3A_107 : vector<32x128xf32> to vector<1x32x128xf32>
    %reduce_sum3A_109 = arith.constant dense<0.000000e+00> : vector<1xf32>
    %reduce_sum3A_110 = vector.multi_reduction <add>, %reduce_sum3A_108, %reduce_sum3A_109 [1, 2] : vector<1x32x128xf32> to vector<1xf32>
    %reduce_sum3A_111 = vector.shape_cast %reduce_sum3A_110 : vector<1xf32> to vector<1x1x1xf32>
    %reduce_sum3A_112 = vector.extract %reduce_sum3A_111[0, 0, 0] : f32 from vector<1x1x1xf32>
    %eq3A_113 = arith.constant 10 : i32
    %eq3A_114 = vector.broadcast %eq3A_113 : i32 to vector<32x128xi32>
    %eq3A_115 = arith.cmpi eq, %get3A_6, %eq3A_114 : vector<32x128xi32>
    %jit3A_116 = arith.constant 0.000000e+00 : f32
    %broadcast_in_dim3A_117 = vector.broadcast %jit3A_116 : f32 to vector<32x128xf32>
    %select_n3A_118 = arith.select %eq3A_115, %get3A_3, %broadcast_in_dim3A_117 : vector<32x128xi1>, vector<32x128xf32>
    %reduce_sum3A_119 = vector.shape_cast %select_n3A_118 : vector<32x128xf32> to vector<1x32x128xf32>
    %reduce_sum3A_120 = arith.constant dense<0.000000e+00> : vector<1xf32>
    %reduce_sum3A_121 = vector.multi_reduction <add>, %reduce_sum3A_119, %reduce_sum3A_120 [1, 2] : vector<1x32x128xf32> to vector<1xf32>
    %reduce_sum3A_122 = vector.shape_cast %reduce_sum3A_121 : vector<1xf32> to vector<1x1x1xf32>
    %reduce_sum3A_123 = vector.extract %reduce_sum3A_122[0, 0, 0] : f32 from vector<1x1x1xf32>
    %eq3A_124 = arith.constant 11 : i32
    %eq3A_125 = vector.broadcast %eq3A_124 : i32 to vector<32x128xi32>
    %eq3A_126 = arith.cmpi eq, %get3A_6, %eq3A_125 : vector<32x128xi32>
    %jit3A_127 = arith.constant 0.000000e+00 : f32
    %broadcast_in_dim3A_128 = vector.broadcast %jit3A_127 : f32 to vector<32x128xf32>
    %select_n3A_129 = arith.select %eq3A_126, %get3A_3, %broadcast_in_dim3A_128 : vector<32x128xi1>, vector<32x128xf32>
    %reduce_sum3A_130 = vector.shape_cast %select_n3A_129 : vector<32x128xf32> to vector<1x32x128xf32>
    %reduce_sum3A_131 = arith.constant dense<0.000000e+00> : vector<1xf32>
    %reduce_sum3A_132 = vector.multi_reduction <add>, %reduce_sum3A_130, %reduce_sum3A_131 [1, 2] : vector<1x32x128xf32> to vector<1xf32>
    %reduce_sum3A_133 = vector.shape_cast %reduce_sum3A_132 : vector<1xf32> to vector<1x1x1xf32>
    %reduce_sum3A_134 = vector.extract %reduce_sum3A_133[0, 0, 0] : f32 from vector<1x1x1xf32>
    %eq3A_135 = arith.constant 12 : i32
    %eq3A_136 = vector.broadcast %eq3A_135 : i32 to vector<32x128xi32>
    %eq3A_137 = arith.cmpi eq, %get3A_6, %eq3A_136 : vector<32x128xi32>
    %jit3A_138 = arith.constant 0.000000e+00 : f32
    %broadcast_in_dim3A_139 = vector.broadcast %jit3A_138 : f32 to vector<32x128xf32>
    %select_n3A_140 = arith.select %eq3A_137, %get3A_3, %broadcast_in_dim3A_139 : vector<32x128xi1>, vector<32x128xf32>
    %reduce_sum3A_141 = vector.shape_cast %select_n3A_140 : vector<32x128xf32> to vector<1x32x128xf32>
    %reduce_sum3A_142 = arith.constant dense<0.000000e+00> : vector<1xf32>
    %reduce_sum3A_143 = vector.multi_reduction <add>, %reduce_sum3A_141, %reduce_sum3A_142 [1, 2] : vector<1x32x128xf32> to vector<1xf32>
    %reduce_sum3A_144 = vector.shape_cast %reduce_sum3A_143 : vector<1xf32> to vector<1x1x1xf32>
    %reduce_sum3A_145 = vector.extract %reduce_sum3A_144[0, 0, 0] : f32 from vector<1x1x1xf32>
    %eq3A_146 = arith.constant 13 : i32
    %eq3A_147 = vector.broadcast %eq3A_146 : i32 to vector<32x128xi32>
    %eq3A_148 = arith.cmpi eq, %get3A_6, %eq3A_147 : vector<32x128xi32>
    %jit3A_149 = arith.constant 0.000000e+00 : f32
    %broadcast_in_dim3A_150 = vector.broadcast %jit3A_149 : f32 to vector<32x128xf32>
    %select_n3A_151 = arith.select %eq3A_148, %get3A_3, %broadcast_in_dim3A_150 : vector<32x128xi1>, vector<32x128xf32>
    %reduce_sum3A_152 = vector.shape_cast %select_n3A_151 : vector<32x128xf32> to vector<1x32x128xf32>
    %reduce_sum3A_153 = arith.constant dense<0.000000e+00> : vector<1xf32>
    %reduce_sum3A_154 = vector.multi_reduction <add>, %reduce_sum3A_152, %reduce_sum3A_153 [1, 2] : vector<1x32x128xf32> to vector<1xf32>
    %reduce_sum3A_155 = vector.shape_cast %reduce_sum3A_154 : vector<1xf32> to vector<1x1x1xf32>
    %reduce_sum3A_156 = vector.extract %reduce_sum3A_155[0, 0, 0] : f32 from vector<1x1x1xf32>
    %eq3A_157 = arith.constant 14 : i32
    %eq3A_158 = vector.broadcast %eq3A_157 : i32 to vector<32x128xi32>
    %eq3A_159 = arith.cmpi eq, %get3A_6, %eq3A_158 : vector<32x128xi32>
    %jit3A_160 = arith.constant 0.000000e+00 : f32
    %broadcast_in_dim3A_161 = vector.broadcast %jit3A_160 : f32 to vector<32x128xf32>
    %select_n3A_162 = arith.select %eq3A_159, %get3A_3, %broadcast_in_dim3A_161 : vector<32x128xi1>, vector<32x128xf32>
    %reduce_sum3A_163 = vector.shape_cast %select_n3A_162 : vector<32x128xf32> to vector<1x32x128xf32>
    %reduce_sum3A_164 = arith.constant dense<0.000000e+00> : vector<1xf32>
    %reduce_sum3A_165 = vector.multi_reduction <add>, %reduce_sum3A_163, %reduce_sum3A_164 [1, 2] : vector<1x32x128xf32> to vector<1xf32>
    %reduce_sum3A_166 = vector.shape_cast %reduce_sum3A_165 : vector<1xf32> to vector<1x1x1xf32>
    %reduce_sum3A_167 = vector.extract %reduce_sum3A_166[0, 0, 0] : f32 from vector<1x1x1xf32>
    %eq3A_168 = arith.constant 15 : i32
    %eq3A_169 = vector.broadcast %eq3A_168 : i32 to vector<32x128xi32>
    %eq3A_170 = arith.cmpi eq, %get3A_6, %eq3A_169 : vector<32x128xi32>
    %jit3A_171 = arith.constant 0.000000e+00 : f32
    %broadcast_in_dim3A_172 = vector.broadcast %jit3A_171 : f32 to vector<32x128xf32>
    %select_n3A_173 = arith.select %eq3A_170, %get3A_3, %broadcast_in_dim3A_172 : vector<32x128xi1>, vector<32x128xf32>
    %reduce_sum3A_174 = vector.shape_cast %select_n3A_173 : vector<32x128xf32> to vector<1x32x128xf32>
    %reduce_sum3A_175 = arith.constant dense<0.000000e+00> : vector<1xf32>
    %reduce_sum3A_176 = vector.multi_reduction <add>, %reduce_sum3A_174, %reduce_sum3A_175 [1, 2] : vector<1x32x128xf32> to vector<1xf32>
    %reduce_sum3A_177 = vector.shape_cast %reduce_sum3A_176 : vector<1xf32> to vector<1x1x1xf32>
    %reduce_sum3A_178 = vector.extract %reduce_sum3A_177[0, 0, 0] : f32 from vector<1x1x1xf32>
    %stack3A = vector.broadcast %reduce_sum3A_13 : f32 to vector<1xf32>
    %stack3A_179 = vector.broadcast %reduce_sum3A_24 : f32 to vector<1xf32>
    %stack3A_180 = vector.broadcast %reduce_sum3A_35 : f32 to vector<1xf32>
    %stack3A_181 = vector.broadcast %reduce_sum3A_46 : f32 to vector<1xf32>
    %stack3A_182 = vector.broadcast %reduce_sum3A_57 : f32 to vector<1xf32>
    %stack3A_183 = vector.broadcast %reduce_sum3A_68 : f32 to vector<1xf32>
    %stack3A_184 = vector.broadcast %reduce_sum3A_79 : f32 to vector<1xf32>
    %stack3A_185 = vector.broadcast %reduce_sum3A_90 : f32 to vector<1xf32>
    %stack3A_186 = vector.broadcast %reduce_sum3A_101 : f32 to vector<1xf32>
    %stack3A_187 = vector.broadcast %reduce_sum3A_112 : f32 to vector<1xf32>
    %stack3A_188 = vector.broadcast %reduce_sum3A_123 : f32 to vector<1xf32>
    %stack3A_189 = vector.broadcast %reduce_sum3A_134 : f32 to vector<1xf32>
    %stack3A_190 = vector.broadcast %reduce_sum3A_145 : f32 to vector<1xf32>
    %stack3A_191 = vector.broadcast %reduce_sum3A_156 : f32 to vector<1xf32>
    %stack3A_192 = vector.broadcast %reduce_sum3A_167 : f32 to vector<1xf32>
    %stack3A_193 = vector.broadcast %reduce_sum3A_178 : f32 to vector<1xf32>
    %stack3A_194 = tpu.concatenate %stack3A, %stack3A_179, %stack3A_180, %stack3A_181, %stack3A_182, %stack3A_183, %stack3A_184, %stack3A_185, %stack3A_186, %stack3A_187, %stack3A_188, %stack3A_189, %stack3A_190, %stack3A_191, %stack3A_192, %stack3A_193 in 0 : vector<1xf32>, vector<1xf32>, vector<1xf32>, vector<1xf32>, vector<1xf32>, vector<1xf32>, vector<1xf32>, vector<1xf32>, vector<1xf32>, vector<1xf32>, vector<1xf32>, vector<1xf32>, vector<1xf32>, vector<1xf32>, vector<1xf32>, vector<1xf32> -> vector<16xf32>
    %get3A_195 = arith.constant 0 : index
    %get3A_196 = arith.constant 0 : index
    %get3A_197 = vector.load %arg3[%get3A_195, %get3A_196] : memref<1x16xf32, #tpu.memory_space<vmem>>, vector<1x16xf32>
    %broadcast_in_dim3A_198 = vector.shape_cast %stack3A_194 : vector<16xf32> to vector<1x16xf32>
    %add3A = arith.addf %get3A_197, %broadcast_in_dim3A_198 : vector<1x16xf32>
    %swap3A = arith.constant 0 : index
    %swap3A_199 = arith.constant 0 : index
    %swap3A_200 = vector.load %arg3[%swap3A, %swap3A_199] : memref<1x16xf32, #tpu.memory_space<vmem>>, vector<1x16xf32>
    tpu.vector_store %arg3[%swap3A, %swap3A_199], %add3A {strides = array<i32>} : memref<1x16xf32, #tpu.memory_space<vmem>>, vector<1x16xf32>,
    return
  }
  func.func @transform_0(%arg0: i32) -> (i32, i32) {
    %c0_i32 = arith.constant 0 : i32
    %c0_i32_0 = arith.constant 0 : i32
    return %arg0, %c0_i32 : i32, i32
  }
  func.func @transform_1(%arg0: i32) -> (i32, i32) {
    %c0_i32 = arith.constant 0 : i32
    %c0_i32_0 = arith.constant 0 : i32
    return %arg0, %c0_i32 : i32, i32
  }
  func.func @transform_2(%arg0: i32) -> (i32, i32) {
    %c0_i32 = arith.constant 0 : i32
    %c0_i32_0 = arith.constant 0 : i32
    %c0_i32_1 = arith.constant 0 : i32
    return %c0_i32, %c0_i32_0 : i32, i32
  }
}

</mosaic_0001>

<sc_bundles>
// kernel: kernel.12.cloned.1.call-start
scs
__scs_entry_jumppad:
0x0: {  	(pc) =	sbr.rel $0x88, $3  }
0x1: {  	(tag) =	ssettag $0x0;
	lr =	simm.s32 $0x1  }
0x2: {  	[smem:$0x3F8E] =	sst lr;
	_ =	strace $0xD0000000  }
0x3: {  	_ = 	snop  }
0x4: {  	_ = 	snop  }
0x5: {  	_ = 	snop  }
0x6: {  	_ = 	snop  }
0x7: {  	_ = 	snop  }
__scs_overlays_trampoline_lowered:
0x8: {  	[smem:$0x3F9D] =	sst s0  }
0x9: {  	[smem:$0x3F9E] =	sst s1  }
0xa: {  	[smem:$0x3F9F] =	sst s2  }
0xb: {  	[smem:$0x3FA0] =	sst s3  }
0xc: {  	[smem:$0x3FA1] =	sst s4  }
0xd: {  	[smem:$0x3FA2] =	sst s5  }
0xe: {  	[smem:$0x3FA3] =	sst s6  }
0xf: {  	[smem:$0x3FA4] =	sst s7  }
0x10: {  	[smem:$0x3FA5] =	sst s8  }
0x11: {  	[smem:$0x3FA6] =	sst s9;
	s0 =	simm.s32 @!p0 $0x0  }
0x12: {  	s1 =	sld [smem:$0x3F8C];
	s0 =	simm.s32 @p0 $0x1  }
0x13: {  	[smem:$0x3FA7] =	sst s0;
	s0 =	simm.s32 @!p1 $0x0  }
0x14: {  	s2 =	sld [smem:$0x3F8B];
	s0 =	simm.s32 @p1 $0x1  }
0x15: {  	[smem:$0x3FA8] =	sst s0;
	s0 =	simm.s32 @!p2 $0x0  }
0x16: {  	s3 =	sld [smem:$0x3FDB];
	s0 =	simm.s32 @p2 $0x1  }
0x17: {  	s4 =	simm.s32 $0x1BF5;
	[smem:$0x3FAA] =	sst s0  }
0x18: {  	s0 =	sld [smem:$0x3F8D];
	_ =	swait.ge [sflag:s4], $0x0  }
0x19: {  	s7 =	sld [smem:$0x3F8E]  }
0x1a: {  	s8 =	sadd.s32 $0xFFFFE003, lr  }
0x1b: {  	s9 =	sadd.s32 $0xFFFFFEF7, lr;
	s5 =	simm.s32 $0xFFFFFFFF;
	p2 =	slt.u32 s8, $0xFFFFF086  }
0x1c: {  	p1 =	slt.u32 s9, $0xF7A;
	s5 =	simm.s32 @!p2 $0x0  }
0x1d: {  	s5 =	simm.s32 @p1 $0x1;
	p0 =	seq.s32 s7, s2  }
0x1e: {  	s7 =	smul.u32 @!p0 $0xF7A, s2;
	p2 =	seq.s32 @!p0 s5, $0x0  }
0x1f: {  	s9 =	smul.u32 $0xF7A, s1;
	s8 =	simm.s32 @!p0 $0x1BF5;
	p2 =	por !p2, p0  }
0x20: {  	[sflag:s8] =	ssyncset.s32 @!p0 $0xFFFFF086;
	s6 =	sadd.s32 @!p0 s3, s7;
	s7 =	simm.s32 @!p0 $0x108  }
0x21: {  	s3 =	sadd.s32 s3, s9;
	s6 =	sadd.s32 @!p0 $0x88, s6;
	s7 =	simm.s32 @p2 $0x1082  }
0x22: {  	[simem:s7], [sflag:s8] =	dma.local @!p0 [hbm:s6], $0xF7A  }
0x23: {  	s9 =	sor.u32 $0xD0000000, s2;
	s6 =	simm.s32 $0x108;
	_ =	swait.ge @!p0 [sflag:s8], $0x0  }
0x24: {  	s3 =	sadd.s32 $0x88, s3;
	s6 =	simm.s32 @!p1 $0x1082;
	[sflag:s4] =	ssyncset.s32 $0xFFFFF086  }
0x25: {  	[simem:s6], [sflag:s4] =	dma.local [hbm:s3], $0xF7A  }
0x26: {  	[smem:$0x3F8E] =	sst s1;
	(tag) =	ssettag s2;
	_ =	strace s9  }
0x27: {  	s1 =	sld [smem:$0x3F9E]  }
0x28: {  	s2 =	sld [smem:$0x3F9F]  }
0x29: {  	s4 =	sld [smem:$0x3FA1]  }
0x2a: {  	p0 =	seq.s32 s5, $0x0;
	s5 =	sld [smem:$0x3FA2]  }
0x2b: {  	s6 =	sld [smem:$0x3FA3]  }
0x2c: {  	s7 =	sld [smem:$0x3FA4]  }
0x2d: {  	s3 =	simm.s32 $0x108;
	s8 =	sld [smem:$0x3FA5]  }
0x2e: {  	s3 =	simm.s32 @!p0 $0x1082;
	s9 =	sld [smem:$0x3FA6]  }
0x2f: {  	lr =	sadd.s32 s0, s3;
	s0 =	sld [smem:$0x3F9D]  }
0x30: {  	s3 =	sld [smem:$0x3FA0]  }
0x31: {  	[smem:$0x3FA9] =	sst s10  }
0x32: {  	s10 =	sld [smem:$0x3FA7];
	_ =	sdelay $0x3  }
0x33: {  	p0 =	seq.s32 s10, $0x1;
	s10 =	sld [smem:$0x3FA9];
	_ =	sdelay $0x3  }
0x34: {  	[smem:$0x3FA9] =	sst s10  }
0x35: {  	s10 =	sld [smem:$0x3FA8];
	_ =	sdelay $0x3  }
0x36: {  	p1 =	seq.s32 s10, $0x1;
	s10 =	sld [smem:$0x3FA9];
	_ =	sdelay $0x3  }
0x37: {  	[smem:$0x3FA9] =	sst s10  }
0x38: {  	s10 =	sld [smem:$0x3FAA]  }
0x39: {  	_ = 	snop;
	(pc) =	sbr.ind lr, $3  }
0x3a: {  	_ = 	snop  }
0x3b: {  	_ = 	snop  }
0x3c: {  	p2 =	seq.s32 s10, $0x1;
	s10 =	sld [smem:$0x3FA9]  }
0x3d: {  	_ =	shalt  }
0x3e: {  	_ =	shalt  }
0x3f: {  	_ =	shalt  }
0x40: {  	_ =	shalt  }
0x41: {  	_ =	shalt  }
0x42: {  	_ =	shalt  }
0x43: {  	_ =	shalt  }
0x44: {  	_ =	shalt  }
0x45: {  	_ =	shalt  }
0x46: {  	_ =	shalt  }
0x47: {  	_ =	shalt  }
0x48: {  	_ =	shalt  }
0x49: {  	_ =	shalt  }
0x4a: {  	_ =	shalt  }
0x4b: {  	_ =	shalt  }
0x4c: {  	_ =	shalt  }
0x4d: {  	_ =	shalt  }
0x4e: {  	_ =	shalt  }
0x4f: {  	_ =	shalt  }
0x50: {  	_ =	shalt  }
0x51: {  	_ =	shalt  }
0x52: {  	_ =	shalt  }
0x53: {  	_ =	shalt  }
0x54: {  	_ =	shalt  }
0x55: {  	_ =	shalt  }
0x56: {  	_ =	shalt  }
0x57: {  	_ =	shalt  }
0x58: {  	_ =	shalt  }
0x59: {  	_ =	shalt  }
0x5a: {  	_ =	shalt  }
0x5b: {  	_ =	shalt  }
0x5c: {  	_ =	shalt  }
0x5d: {  	_ =	shalt  }
0x5e: {  	_ =	shalt  }
0x5f: {  	_ =	shalt  }
0x60: {  	_ =	shalt  }
0x61: {  	_ =	shalt  }
0x62: {  	_ =	shalt  }
0x63: {  	_ =	shalt  }
0x64: {  	_ =	shalt  }
0x65: {  	_ =	shalt  }
0x66: {  	_ =	shalt  }
0x67: {  	_ =	shalt  }
0x68: {  	_ =	shalt  }
0x69: {  	_ =	shalt  }
0x6a: {  	_ =	shalt  }
0x6b: {  	_ =	shalt  }
0x6c: {  	_ =	shalt  }
0x6d: {  	_ =	shalt  }
0x6e: {  	_ =	shalt  }
0x6f: {  	_ =	shalt  }
0x70: {  	_ =	shalt  }
0x71: {  	_ =	shalt  }
0x72: {  	_ =	shalt  }
0x73: {  	_ =	shalt  }
0x74: {  	_ =	shalt  }
0x75: {  	_ =	shalt  }
0x76: {  	_ =	shalt  }
0x77: {  	_ =	shalt  }
0x78: {  	_ =	shalt  }
0x79: {  	_ =	shalt  }
0x7a: {  	_ =	shalt  }
0x7b: {  	_ =	shalt  }
0x7c: {  	_ =	shalt  }
0x7d: {  	_ =	shalt  }
0x7e: {  	_ =	shalt  }
0x7f: {  	_ =	shalt  }
0x80: {  	_ =	shalt  }
0x81: {  	_ =	shalt  }
0x82: {  	_ =	shalt  }
0x83: {  	_ =	shalt  }
0x84: {  	_ =	shalt  }
0x85: {  	_ =	shalt  }
0x86: {  	_ =	shalt  }
0x87: {  	_ =	shalt  }
.Lfunc_end0:
.L_simem_size_0:
called_computation.9_lowered:
.L_overlay_start_0:
0x88: {  	s2 =	sld [smem:$0x3FD9]  }
0x89: {  	s3 =	sld [smem:$0x3FFE];
	_ =	sdelay $0x1  }
0x8a: {  	s1 =	srdreg.scid  }
0x8b: {  	s0 =	sand.u32 $0x1, s1  }
0x8c: {  	s16 =	sshll.u32 s0, $0xA;
	s2 =	sadd.s32 s3, s2  }
0x8d: {  	s2 =	sadd.s32 s2, s16  }
0x8e: {  	[smem:$0x3FB5] =	sst s2  }
0x8f: {  	_ = 	snop  }
0x90: {  	(tm) =	ssettm $0x1  }
0x91: {  	s17 =	sld [smem:$0x3FFB];
	_ =	sdelay $0x3  }
0x92: {  	_ =	strace s17  }
0x93: {  	s2 =	sld [smem:$0x3FFC];
	_ =	sdelay $0x3  }
0x94: {  	_ =	strace s2  }
0x95: {  	s2 =	sld [smem:$0x3FFD];
	_ =	sdelay $0x3  }
0x96: {  	_ =	strace s2  }
0x97: {  	_ =	strace $0x8FFFFFFF  }
0x98: {  	s18 =	sld [smem:$0x3FDB];
	_ =	sdelay $0x1  }
0x99: {  	s19 =	simm.s32 $_scs_section_size  }
0x9a: {  	s4 =	simm.s32 $_size__tile_overlayer_lowered;
	s5 =	simm.s32 $_tile_overlayer_lowered  }
0x9b: {  	s22 =	simm.s32 $0x1BFF;
	s21 =	sshll.u32 s5, $0x1;
	s2 =	sadd.s32 s19, s18  }
0x9c: {  	s6 =	simm.s32 $0x0;
	s20 =	sshll.u32 s4, $0x1;
	s4 =	sadd.s32 s21, s2  }
0x9d: {  	[timem:s6], [sflag:s22] =	dma.local [hbm:s4], s20  }
0x9e: {  	_ =	swait.ge [sflag:s22], s20  }
0x9f: {  	s3 =	ssub.s32 $0x0, s20;
	[sflag:s22] =	ssyncset.done $0x0  }
0xa0: {  	[sflag:s22] =	ssyncadd.s32 s3;
	_ =	sdelay $0x1  }
0xa1: {  	s23 =	simm.s32 $0x1B8B  }
0xa2: {  	_ =	swait.ge [sflag:s23], $0x1  }
0xa3: {  	[sflag:s23] =	ssyncset.done $0x0  }
0xa4: {  	s25 =	simm.s32 $0x1B8E;
	s24 =	sld [smem:$0x3FFE];
	[sflag:s23] =	ssyncadd.s32 $0xFFFFFFFF  }
0xa5: {  	s26 =	simm.s32 $execute0_lowered;
	[smem:$0x3FD2] =	sst s25  }
0xa6: {  	s4 =	sshll.u32 s26, $0x1;
	_ =	strace $0x80000049;
	[dreg:$0x1] =	wrdreg $0xFFFFFFFF  }
0xa7: {  	s28 =	simm.s32 $_size_execute0_lowered;
	s2 =	sadd.s32 s2, s4;
	[dreg:$0x0] =	wrdreg $0x0  }
0xa8: {  	s4 =	sshll.u32 s28, $0x1;
	[dreg:$0x2] =	wrdreg s2  }
0xa9: {  	[dreg:$0x3] =	wrdreg s4  }
0xaa: {  	[dreg:$0x4] =	wrdreg $0xC0  }
0xab: {  	_ =	task [dreg:s6], $0x5FFFF  }
0xac: {  	[dreg:$0x1] =	wrdreg $0xFFFFFFFF  }
0xad: {  	[dreg:$0x0] =	wrdreg $0x60  }
0xae: {  	[dreg:$0x2] =	wrdreg s24  }
0xaf: {  	[dreg:$0x3] =	wrdreg $0x9  }
0xb0: {  	_ =	task.clear_ibuf [dreg:s6], $0x4FFFF;
	_ =	strace $0x90000049  }
0xb1: {  	s29 =	simm.s32 $0x9;
	_ =	strace $0x8000004B  }
0xb2: {  	_ =	swait.ge [sflag:s29], $0x1  }
0xb3: {  	[sflag:s29] =	ssyncadd.s32 $0xFFFFFFFF  }
0xb4: {  	_ =	strace $0x9000004B  }
0xb5: {  	_ =	sfence  }
0xb6: {  	s30 =	sld [smem:$0x0];
	_ =	sdelay $0x2  }
0xb7: {  	s31 =	sshll.u32 s1, $0xD;
	s1 =	sshrl.u32 s1, $0x2  }
0xb8: {  	s3 =	sand.u32 $0x4000, s31;
	s1 =	sadd.s32 s1, s30  }
0xb9: {  	s0 =	sor.u32 s3, s0;
	s1 =	sshll.u32 s1, $0x11  }
0xba: {  	s0 =	sor.u32 s1, s0  }
0xbb: {  	s0 =	sadd.s32 $0x8F2B, s0  }
0xbc: {  	[sflag:s0] =	ssyncadd.remote.s32 $0x1  }
0xbd: {  	_ =	sfence.sel $0xFFFF  }
0xbe: {  	[dreg:$0x0] =	wrdreg $0xFFFFFFFF;
	(pc) =	sbr.abs _section_cstart, $3  }
0xbf: {  	[dreg:$0x1] =	wrdreg $0xFFFFFFFF  }
0xc0: {  	_ =	task.clear_ibuf [dreg:s6], $0x2FFFF;
	_ =	strace $0x9FFFFFFF  }
0xc1: {  	(tm) =	ssettm $0x7FFFFFFF  }
tec
execute0_lowered:
.L_overlay_start_1:
0x0: {  	(tag) =	ssettag $0x1  }
0x1: {  	s4 =	rddreg [dreg:$0x0]  }
0x2: {  	s0 =	rddreg [dreg:$0x1];
	s2 =	simm.s32 $0x0;
	s1 =	stileid.u32  }
0x3: {  	s3 =	srdreg.scid;
	s10 =	simm.s32 $0x0;
	s6 =	smul.u32 $0xC400, s1  }
0x4: {  	[smem:$0x7FF] =	sst s2;
	s5 =	sand.u32 $0x1, s3;
	s8 =	smul.u32 $0xC4000, s1  }
0x5: {  	s3 =	sadd.s32 $0x2C53000, s4;
	s7 =	smul.u32 $0x6200, s5;
	s9 =	ssub.s32 $0x2, s5  }
0x6: {  	_ =	strace $0x8000004A;
	s5 =	smul.u32 $0x62000, s5;
	s31 =	sshrl.u32 s9, $0x1  }
0x7: {  	s8 =	sadd.s32 s8, s4;
	s6 =	sadd.s32 s7, s6;
	s7 =	ssub.s32 s9, s31  }
0x8: {  	s5 =	sadd.s32 s5, s8;
	s8 =	simm.s32 $0x80;
	s6 =	sshrl.u32 s6, $0x3  }
0x9: {  	s9 =	simm.s32 $0x1;
	s5 =	sadd.s32 $0x2D16600, s5;
	s6 =	sadd.s32 s6, s4  }
0xa: {  	s4 =	smax.u32 s7, $0x1;
	s7 =	simm.s32 $0x2;
	s6 =	sadd.s32 $0x50000, s6  }
.LBB2_1:
0xb: {  	s11 =	sadd.s32 $0x0, s6  }
0xc: {  	[tilespmem:s2], [sflag:$0x2] =	stream.linear.gather [hbm4b:s11+s2], $0x80, $0x38;
	[tilespmem:$0x4080] =	vst v63  }
0xd: {  	_ =	swait.ge [sflag:s7], $0x80  }
0xe: {  	[sflag:s7] =	ssyncset.done $0x0  }
0xf: {  	[sflag:s7] =	ssyncadd.s32 $0xFFFFFF80  }
0x10: {  	[tilespmem:s8], [sflag:$0x1] =	stream.indirect.gather [hbm4b:s3+s8], $0x80, s2, s8, $0xb8;
	[tilespmem:$0x4080] =	vst v63  }
0x11: {  	_ =	swait.ge [sflag:s9], $0x4000  }
0x12: {  	[sflag:s9] =	ssyncset.done $0x0  }
0x13: {  	[sflag:s9] =	ssyncadd.s32 $0xFFFFC000  }
0x14: {  	[hbm4b:s5+s2] =	stream.linear.scatter [tilespmem:s8], [sflag:$0x2], $0x4000, $0x38;
	[tilespmem:$0x4080] =	vst v63  }
0x15: {  	s12 =	simm.s32 $0x10;
	_ =	swait.ge [sflag:s7], $0x4000  }
0x16: {  	s13 =	simm.s32 $0x20;
	s11 =	sadd.s32 $0x800, s5;
	[sflag:s7] =	ssyncset.done $0x0  }
.LBB2_2:
0x17: {  	s14 =	sadd.s32 s12, s6  }
0x18: {  	[sflag:s7] =	ssyncadd.s32 $0xFFFFC000;
	s12 =	smov.u32 s13;
	s15 =	sadd.s32 $0x10, s13  }
0x19: {  	[tilespmem:s2], [sflag:$0x2] =	stream.linear.gather [hbm4b:s14+s2], $0x80, $0x38;
	[tilespmem:$0x4080] =	vst v63  }
0x1a: {  	p0 =	sne.s32 s13, $0xC30;
	_ =	swait.ge [sflag:s7], $0x80  }
0x1b: {  	[sflag:s7] =	ssyncset.done $0x0  }
0x1c: {  	[sflag:s7] =	ssyncadd.s32 $0xFFFFFF80  }
0x1d: {  	[tilespmem:s8], [sflag:$0x1] =	stream.indirect.gather [hbm4b:s3+s8], $0x80, s2, s8, $0xb8;
	[tilespmem:$0x4080] =	vst v63  }
0x1e: {  	_ =	swait.ge [sflag:s9], $0x4000  }
.Ltmp0:
0x1f: {  	[sflag:s9] =	ssyncset.done $0x0;
	(pc) =	sbr.rel @p0 .LBB2_2-.Ltmp0, $4  }
0x20: {  	[sflag:s9] =	ssyncadd.s32 $0xFFFFC000  }
0x21: {  	[hbm4b:s11+s2] =	stream.linear.scatter [tilespmem:s8], [sflag:$0x2], $0x4000, $0x38;
	[tilespmem:$0x4080] =	vst v63  }
0x22: {  	_ =	swait.ge [sflag:s7], $0x4000  }
0x23: {  	s13 =	smov.u32 s15;
	s11 =	sadd.s32 $0x800, s11;
	[sflag:s7] =	ssyncset.done $0x0  }
0x24: {  	s12 =	sadd.s32 s12, s6;
	[sflag:s7] =	ssyncadd.s32 $0xFFFFC000  }
0x25: {  	[tilespmem:s2], [sflag:$0x2] =	stream.linear.gather [hbm4b:s12+s2], $0x80, $0x38;
	[tilespmem:$0x4080] =	vst v63  }
0x26: {  	_ =	swait.ge [sflag:s7], $0x80  }
0x27: {  	[sflag:s7] =	ssyncset.done $0x0  }
0x28: {  	[sflag:s7] =	ssyncadd.s32 $0xFFFFFF80  }
0x29: {  	[tilespmem:s8], [sflag:$0x1] =	stream.indirect.gather [hbm4b:s3+s8], $0x80, s2, s8, $0xb8;
	[tilespmem:$0x4080] =	vst v63  }
0x2a: {  	s10 =	sadd.s32 $0x1, s10;
	_ =	swait.ge [sflag:s9], $0x4000  }
0x2b: {  	p0 =	sne.s32 s10, s4;
	[sflag:s9] =	ssyncset.done $0x0  }
.Ltmp1:
0x2c: {  	[sflag:s9] =	ssyncadd.s32 $0xFFFFC000;
	(pc) =	sbr.rel @p0 .LBB2_1-.Ltmp1, $4  }
0x2d: {  	[hbm4b:s11+s2] =	stream.linear.scatter [tilespmem:s8], [sflag:$0x2], $0x4000, $0x38;
	[tilespmem:$0x4080] =	vst v63  }
0x2e: {  	_ =	swait.ge [sflag:s7], $0x4000  }
0x2f: {  	[sflag:s7] =	ssyncset.done $0x0  }
0x30: {  	[sflag:s7] =	ssyncadd.s32 $0xFFFFC000  }
0x31: {  	_ =	sfence.sel $0x180000  }
0x32: {  	[bflag:$0x0] =	sbarrier.arrive $0xFFFF  }
0x33: {  	p0 =	sne.s32 s1, $0x0;
	_ =	strace $0x9000004A  }
0x34: {  	s0 =	sadd.s32 @!p0 $0x100000, s0;
	[bflag:$0x2] =	sbarrier.arrive $0xFFFF  }
0x35: {  	[sflag:s0] =	ssyncadd.tile.s32 @!p0 $0x1;
	_ =	shalt  }
.Lfunc_end2:
_tile_overlayer_lowered:
.L_overlay_start_2:
0x36: {  	(tag) =	ssettag $0x2  }
0x37: {  	s0 =	rddreg [dreg:$0x0];
	s2 =	stileid.u32  }
0x38: {  	s1 =	rddreg [dreg:$0x1];
	p0 =	sne.s32 s2, $0x0  }
0x39: {  	s3 =	rddreg [dreg:$0x2];
	[bflag:$0x3] =	sbarrier.arrive $0xFFFF;
	s2 =	simm.s32 @!p0 $0x1C02  }
0x3a: {  	[timem:s3], [sflag:s2] =	dma.local @!p0 [hbm:s0], s1  }
0x3b: {  	s0 =	simm.s32 @!p0 $0x2  }
0x3c: {  	_ =	swait.ge @!p0 [sflag:s0], s1  }
0x3d: {  	s1 =	ssub.s32 @!p0 $0x0, s1;
	[sflag:s0] =	ssyncset.done @!p0 $0x0  }
0x3e: {  	[sflag:s0] =	ssyncadd.s32 @!p0 s1  }
0x3f: {  	[bflag:$0x3] =	sbarrier.arrive $0xFFFF  }
0x40: {  	_ =	shalt  }

// kernel: kernel.15.cloned.1.call-start
scs
__scs_entry_jumppad:
0x0: {  	(pc) =	sbr.rel $0x88, $3  }
0x1: {  	(tag) =	ssettag $0x0;
	lr =	simm.s32 $0x1  }
0x2: {  	[smem:$0x3F8E] =	sst lr;
	_ =	strace $0xD0000000  }
0x3: {  	_ = 	snop  }
0x4: {  	_ = 	snop  }
0x5: {  	_ = 	snop  }
0x6: {  	_ = 	snop  }
0x7: {  	_ = 	snop  }
__scs_overlays_trampoline_lowered:
0x8: {  	[smem:$0x3F9D] =	sst s0  }
0x9: {  	[smem:$0x3F9E] =	sst s1  }
0xa: {  	[smem:$0x3F9F] =	sst s2  }
0xb: {  	[smem:$0x3FA0] =	sst s3  }
0xc: {  	[smem:$0x3FA1] =	sst s4  }
0xd: {  	[smem:$0x3FA2] =	sst s5  }
0xe: {  	[smem:$0x3FA3] =	sst s6  }
0xf: {  	[smem:$0x3FA4] =	sst s7  }
0x10: {  	[smem:$0x3FA5] =	sst s8  }
0x11: {  	[smem:$0x3FA6] =	sst s9;
	s0 =	simm.s32 @!p0 $0x0  }
0x12: {  	s1 =	sld [smem:$0x3F8C];
	s0 =	simm.s32 @p0 $0x1  }
0x13: {  	[smem:$0x3FA7] =	sst s0;
	s0 =	simm.s32 @!p1 $0x0  }
0x14: {  	s2 =	sld [smem:$0x3F8B];
	s0 =	simm.s32 @p1 $0x1  }
0x15: {  	[smem:$0x3FA8] =	sst s0;
	s0 =	simm.s32 @!p2 $0x0  }
0x16: {  	s3 =	sld [smem:$0x3FDB];
	s0 =	simm.s32 @p2 $0x1  }
0x17: {  	s4 =	simm.s32 $0x1BF5;
	[smem:$0x3FAA] =	sst s0  }
0x18: {  	s0 =	sld [smem:$0x3F8D];
	_ =	swait.ge [sflag:s4], $0x0  }
0x19: {  	s7 =	sld [smem:$0x3F8E]  }
0x1a: {  	s8 =	sadd.s32 $0xFFFFE003, lr  }
0x1b: {  	s9 =	sadd.s32 $0xFFFFFEF7, lr;
	s5 =	simm.s32 $0xFFFFFFFF;
	p2 =	slt.u32 s8, $0xFFFFF086  }
0x1c: {  	p1 =	slt.u32 s9, $0xF7A;
	s5 =	simm.s32 @!p2 $0x0  }
0x1d: {  	s5 =	simm.s32 @p1 $0x1;
	p0 =	seq.s32 s7, s2  }
0x1e: {  	s7 =	smul.u32 @!p0 $0xF7A, s2;
	p2 =	seq.s32 @!p0 s5, $0x0  }
0x1f: {  	s9 =	smul.u32 $0xF7A, s1;
	s8 =	simm.s32 @!p0 $0x1BF5;
	p2 =	por !p2, p0  }
0x20: {  	[sflag:s8] =	ssyncset.s32 @!p0 $0xFFFFF086;
	s6 =	sadd.s32 @!p0 s3, s7;
	s7 =	simm.s32 @!p0 $0x108  }
0x21: {  	s3 =	sadd.s32 s3, s9;
	s6 =	sadd.s32 @!p0 $0x88, s6;
	s7 =	simm.s32 @p2 $0x1082  }
0x22: {  	[simem:s7], [sflag:s8] =	dma.local @!p0 [hbm:s6], $0xF7A  }
0x23: {  	s9 =	sor.u32 $0xD0000000, s2;
	s6 =	simm.s32 $0x108;
	_ =	swait.ge @!p0 [sflag:s8], $0x0  }
0x24: {  	s3 =	sadd.s32 $0x88, s3;
	s6 =	simm.s32 @!p1 $0x1082;
	[sflag:s4] =	ssyncset.s32 $0xFFFFF086  }
0x25: {  	[simem:s6], [sflag:s4] =	dma.local [hbm:s3], $0xF7A  }
0x26: {  	[smem:$0x3F8E] =	sst s1;
	(tag) =	ssettag s2;
	_ =	strace s9  }
0x27: {  	s1 =	sld [smem:$0x3F9E]  }
0x28: {  	s2 =	sld [smem:$0x3F9F]  }
0x29: {  	s4 =	sld [smem:$0x3FA1]  }
0x2a: {  	p0 =	seq.s32 s5, $0x0;
	s5 =	sld [smem:$0x3FA2]  }
0x2b: {  	s6 =	sld [smem:$0x3FA3]  }
0x2c: {  	s7 =	sld [smem:$0x3FA4]  }
0x2d: {  	s3 =	simm.s32 $0x108;
	s8 =	sld [smem:$0x3FA5]  }
0x2e: {  	s3 =	simm.s32 @!p0 $0x1082;
	s9 =	sld [smem:$0x3FA6]  }
0x2f: {  	lr =	sadd.s32 s0, s3;
	s0 =	sld [smem:$0x3F9D]  }
0x30: {  	s3 =	sld [smem:$0x3FA0]  }
0x31: {  	[smem:$0x3FA9] =	sst s10  }
0x32: {  	s10 =	sld [smem:$0x3FA7];
	_ =	sdelay $0x3  }
0x33: {  	p0 =	seq.s32 s10, $0x1;
	s10 =	sld [smem:$0x3FA9];
	_ =	sdelay $0x3  }
0x34: {  	[smem:$0x3FA9] =	sst s10  }
0x35: {  	s10 =	sld [smem:$0x3FA8];
	_ =	sdelay $0x3  }
0x36: {  	p1 =	seq.s32 s10, $0x1;
	s10 =	sld [smem:$0x3FA9];
	_ =	sdelay $0x3  }
0x37: {  	[smem:$0x3FA9] =	sst s10  }
0x38: {  	s10 =	sld [smem:$0x3FAA]  }
0x39: {  	_ = 	snop;
	(pc) =	sbr.ind lr, $3  }
0x3a: {  	_ = 	snop  }
0x3b: {  	_ = 	snop  }
0x3c: {  	p2 =	seq.s32 s10, $0x1;
	s10 =	sld [smem:$0x3FA9]  }
0x3d: {  	_ =	shalt  }
0x3e: {  	_ =	shalt  }
0x3f: {  	_ =	shalt  }
0x40: {  	_ =	shalt  }
0x41: {  	_ =	shalt  }
0x42: {  	_ =	shalt  }
0x43: {  	_ =	shalt  }
0x44: {  	_ =	shalt  }
0x45: {  	_ =	shalt  }
0x46: {  	_ =	shalt  }
0x47: {  	_ =	shalt  }
0x48: {  	_ =	shalt  }
0x49: {  	_ =	shalt  }
0x4a: {  	_ =	shalt  }
0x4b: {  	_ =	shalt  }
0x4c: {  	_ =	shalt  }
0x4d: {  	_ =	shalt  }
0x4e: {  	_ =	shalt  }
0x4f: {  	_ =	shalt  }
0x50: {  	_ =	shalt  }
0x51: {  	_ =	shalt  }
0x52: {  	_ =	shalt  }
0x53: {  	_ =	shalt  }
0x54: {  	_ =	shalt  }
0x55: {  	_ =	shalt  }
0x56: {  	_ =	shalt  }
0x57: {  	_ =	shalt  }
0x58: {  	_ =	shalt  }
0x59: {  	_ =	shalt  }
0x5a: {  	_ =	shalt  }
0x5b: {  	_ =	shalt  }
0x5c: {  	_ =	shalt  }
0x5d: {  	_ =	shalt  }
0x5e: {  	_ =	shalt  }
0x5f: {  	_ =	shalt  }
0x60: {  	_ =	shalt  }
0x61: {  	_ =	shalt  }
0x62: {  	_ =	shalt  }
0x63: {  	_ =	shalt  }
0x64: {  	_ =	shalt  }
0x65: {  	_ =	shalt  }
0x66: {  	_ =	shalt  }
0x67: {  	_ =	shalt  }
0x68: {  	_ =	shalt  }
0x69: {  	_ =	shalt  }
0x6a: {  	_ =	shalt  }
0x6b: {  	_ =	shalt  }
0x6c: {  	_ =	shalt  }
0x6d: {  	_ =	shalt  }
0x6e: {  	_ =	shalt  }
0x6f: {  	_ =	shalt  }
0x70: {  	_ =	shalt  }
0x71: {  	_ =	shalt  }
0x72: {  	_ =	shalt  }
0x73: {  	_ =	shalt  }
0x74: {  	_ =	shalt  }
0x75: {  	_ =	shalt  }
0x76: {  	_ =	shalt  }
0x77: {  	_ =	shalt  }
0x78: {  	_ =	shalt  }
0x79: {  	_ =	shalt  }
0x7a: {  	_ =	shalt  }
0x7b: {  	_ =	shalt  }
0x7c: {  	_ =	shalt  }
0x7d: {  	_ =	shalt  }
0x7e: {  	_ =	shalt  }
0x7f: {  	_ =	shalt  }
0x80: {  	_ =	shalt  }
0x81: {  	_ =	shalt  }
0x82: {  	_ =	shalt  }
0x83: {  	_ =	shalt  }
0x84: {  	_ =	shalt  }
0x85: {  	_ =	shalt  }
0x86: {  	_ =	shalt  }
0x87: {  	_ =	shalt  }
.Lfunc_end0:
.L_simem_size_0:
called_computation.10_lowered:
.L_overlay_start_0:
0x88: {  	s2 =	sld [smem:$0x3FD9]  }
0x89: {  	s3 =	sld [smem:$0x3FFE];
	_ =	sdelay $0x1  }
0x8a: {  	s1 =	srdreg.scid  }
0x8b: {  	s0 =	sand.u32 $0x1, s1  }
0x8c: {  	s16 =	sshll.u32 s0, $0xA;
	s2 =	sadd.s32 s3, s2  }
0x8d: {  	s2 =	sadd.s32 s2, s16  }
0x8e: {  	[smem:$0x3FB5] =	sst s2  }
0x8f: {  	_ = 	snop  }
0x90: {  	(tm) =	ssettm $0x1  }
0x91: {  	s17 =	sld [smem:$0x3FFB];
	_ =	sdelay $0x3  }
0x92: {  	_ =	strace s17  }
0x93: {  	s2 =	sld [smem:$0x3FFC];
	_ =	sdelay $0x3  }
0x94: {  	_ =	strace s2  }
0x95: {  	s2 =	sld [smem:$0x3FFD];
	_ =	sdelay $0x3  }
0x96: {  	_ =	strace s2  }
0x97: {  	_ =	strace $0x8FFFFFFF  }
0x98: {  	s18 =	sld [smem:$0x3FDB];
	_ =	sdelay $0x1  }
0x99: {  	s19 =	simm.s32 $_scs_section_size  }
0x9a: {  	s4 =	simm.s32 $_size__tile_overlayer_lowered;
	s5 =	simm.s32 $_tile_overlayer_lowered  }
0x9b: {  	s22 =	simm.s32 $0x1BFF;
	s21 =	sshll.u32 s5, $0x1;
	s2 =	sadd.s32 s19, s18  }
0x9c: {  	s6 =	simm.s32 $0x0;
	s20 =	sshll.u32 s4, $0x1;
	s4 =	sadd.s32 s21, s2  }
0x9d: {  	[timem:s6], [sflag:s22] =	dma.local [hbm:s4], s20  }
0x9e: {  	_ =	swait.ge [sflag:s22], s20  }
0x9f: {  	s3 =	ssub.s32 $0x0, s20;
	[sflag:s22] =	ssyncset.done $0x0  }
0xa0: {  	[sflag:s22] =	ssyncadd.s32 s3;
	_ =	sdelay $0x1  }
0xa1: {  	s23 =	simm.s32 $0x1B8B  }
0xa2: {  	_ =	swait.ge [sflag:s23], $0x1  }
0xa3: {  	[sflag:s23] =	ssyncset.done $0x0  }
0xa4: {  	s25 =	simm.s32 $0x1B8E;
	s24 =	sld [smem:$0x3FFE];
	[sflag:s23] =	ssyncadd.s32 $0xFFFFFFFF  }
0xa5: {  	s26 =	simm.s32 $execute0_lowered;
	[smem:$0x3FD2] =	sst s25  }
0xa6: {  	s4 =	sshll.u32 s26, $0x1;
	_ =	strace $0x8000004C;
	[dreg:$0x1] =	wrdreg $0xFFFFFFFF  }
0xa7: {  	s28 =	simm.s32 $_size_execute0_lowered;
	s2 =	sadd.s32 s2, s4;
	[dreg:$0x0] =	wrdreg $0x0  }
0xa8: {  	s4 =	sshll.u32 s28, $0x1;
	[dreg:$0x2] =	wrdreg s2  }
0xa9: {  	[dreg:$0x3] =	wrdreg s4  }
0xaa: {  	[dreg:$0x4] =	wrdreg $0xC0  }
0xab: {  	_ =	task [dreg:s6], $0x5FFFF  }
0xac: {  	[dreg:$0x1] =	wrdreg $0xFFFFFFFF  }
0xad: {  	[dreg:$0x0] =	wrdreg $0x60  }
0xae: {  	[dreg:$0x2] =	wrdreg s24  }
0xaf: {  	[dreg:$0x3] =	wrdreg $0x9  }
0xb0: {  	_ =	task.clear_ibuf [dreg:s6], $0x4FFFF;
	_ =	strace $0x9000004C  }
0xb1: {  	s29 =	simm.s32 $0x9;
	_ =	strace $0x8000004E  }
0xb2: {  	_ =	swait.ge [sflag:s29], $0x1  }
0xb3: {  	[sflag:s29] =	ssyncadd.s32 $0xFFFFFFFF  }
0xb4: {  	_ =	strace $0x9000004E  }
0xb5: {  	_ =	sfence  }
0xb6: {  	s30 =	sld [smem:$0x0];
	_ =	sdelay $0x2  }
0xb7: {  	s31 =	sshll.u32 s1, $0xD;
	s1 =	sshrl.u32 s1, $0x2  }
0xb8: {  	s3 =	sand.u32 $0x4000, s31;
	s1 =	sadd.s32 s1, s30  }
0xb9: {  	s0 =	sor.u32 s3, s0;
	s1 =	sshll.u32 s1, $0x11  }
0xba: {  	s0 =	sor.u32 s1, s0  }
0xbb: {  	s0 =	sadd.s32 $0x8F2B, s0  }
0xbc: {  	[sflag:s0] =	ssyncadd.remote.s32 $0x1  }
0xbd: {  	_ =	sfence.sel $0xFFFF  }
0xbe: {  	[dreg:$0x0] =	wrdreg $0xFFFFFFFF;
	(pc) =	sbr.abs _section_cstart, $3  }
0xbf: {  	[dreg:$0x1] =	wrdreg $0xFFFFFFFF  }
0xc0: {  	_ =	task.clear_ibuf [dreg:s6], $0x2FFFF;
	_ =	strace $0x9FFFFFFF  }
0xc1: {  	(tm) =	ssettm $0x7FFFFFFF  }
tec
execute0_lowered:
.L_overlay_start_1:
0x0: {  	(tag) =	ssettag $0x1  }
0x1: {  	s4 =	rddreg [dreg:$0x0]  }
0x2: {  	s0 =	rddreg [dreg:$0x1];
	s2 =	simm.s32 $0x0;
	s3 =	srdreg.scid  }
0x3: {  	s1 =	stileid.u32;
	s10 =	simm.s32 $0x1080;
	s11 =	simm.s32 $0x1880  }
0x4: {  	s12 =	simm.s32 $0x2080;
	s13 =	simm.s32 $0x2880;
	s14 =	simm.s32 $0x3080  }
0x5: {  	s15 =	simm.s32 $0x3880;
	s16 =	simm.s32 $0x4080;
	s17 =	simm.s32 $0x4880  }
0x6: {  	s18 =	simm.s32 $0x5080;
	s19 =	simm.s32 $0x5880;
	s20 =	simm.s32 $0x6080  }
0x7: {  	s21 =	simm.s32 $0x6880;
	s22 =	simm.s32 $0x7080;
	s23 =	simm.s32 $0x7880  }
0x8: {  	s24 =	simm.s32 $0x1;
	s25 =	simm.s32 $0x0;
	s6 =	smul.u32 $0xC400, s1  }
0x9: {  	[smem:$0x7FF] =	sst s2;
	s5 =	sand.u32 $0x1, s3;
	s8 =	smul.u32 $0x188000, s1  }
0xa: {  	s3 =	sadd.s32 $0x1186600, s4;
	s7 =	smul.u32 $0x6200, s5;
	s9 =	ssub.s32 $0x2, s5  }
0xb: {  	_ =	strace $0x8000004D;
	s5 =	smul.u32 $0xC4000, s5;
	s31 =	sshrl.u32 s9, $0x1  }
0xc: {  	s8 =	sadd.s32 s8, s4;
	s6 =	sadd.s32 s7, s6;
	s7 =	ssub.s32 s9, s31  }
0xd: {  	v2 =	vlaneseq.u32;
	s5 =	sadd.s32 s5, s8;
	s8 =	simm.s32 $0x80;
	s6 =	sshrl.u32 s6, $0x3  }
0xe: {  	vm0 =	vmmov $0xffff;
	v1 =	vshrl.u32 v2, $0x3;
	s9 =	simm.s32 $0x880;
	s5 =	sadd.s32 $0x54CDA00, s5;
	s6 =	sadd.s32 s6, s4  }
0xf: {  	v0 =	vand.u32 $0x7, v2;
	v2 =	vor.u32 $0x8, v2;
	v1 =	vmul.u32 $0x8, v1;
	s4 =	smax.u32 s7, $0x1;
	s7 =	simm.s32 $0x2;
	s6 =	sadd.s32 $0x81000, s6  }
.LBB2_1:
0x10: {  	s26 =	smov.u32 s5;
	s28 =	simm.s32 $0x0  }
.LBB2_2:
0x11: {  	s29 =	sadd.s32 s28, s6  }
0x12: {  	[tilespmem:s2], [sflag:$0x2] =	stream.linear.gather [hbm4b:s29+s2], $0x80, $0x38;
	[tilespmem:$0x8080] =	vst v63  }
0x13: {  	_ =	swait.ge [sflag:s7], $0x80  }
0x14: {  	[sflag:s7] =	ssyncset.done $0x0  }
0x15: {  	[sflag:s7] =	ssyncadd.s32 $0xFFFFFF80  }
0x16: {  	v3 =	vld [tilespmem:$0x0];
	_ =	sdelay $0x4  }
0x17: {  	v4 =	vshll.u32 v3, $0x1  }
0x18: {  	v3 =	vand.u32 $0x7, v3;
	v4 =	vand.u32 $0xFFFFFFF0, v4  }
0x19: {  	v3 =	vor.u32 v3, v4  }
0x1a: {  	v4 =	vperm.xlane v3, v0;
	_ =	sdelay $0x1  }
0x1b: {  	v3 =	vperm.xlane v3, v2;
	v4 =	vadd.s32 v1, v4;
	_ =	sdelay $0x1  }
0x1c: {  	v3 =	vadd.s32 v1, v3;
	_ =	sdelay $0x2  }
0x1d: {  	[tilespmem:s8], [sflag:$0x1] =	stream.indirect_vreg.gather [hbm4b:s3+s2], $0x80, v4, vm0, $0xb8;
	[tilespmem:$0x8080] =	vst v63  }
0x1e: {  	_ = 	snop  }
0x1f: {  	[tilespmem:s9], [sflag:$0x1] =	stream.indirect_vreg.gather [hbm4b:s3+s2], $0x80, v3, vm0, $0xb8;
	[tilespmem:$0x8080] =	vst v63  }
0x20: {  	v3 =	vld [tilespmem:$0x10];
	_ =	sdelay $0x4  }
0x21: {  	v57 =	vshll.u32 v3, $0x1  }
0x22: {  	v3 =	vand.u32 $0x7, v3;
	v4 =	vand.u32 $0xFFFFFFF0, v57  }
0x23: {  	v3 =	vor.u32 v3, v4  }
0x24: {  	v4 =	vperm.xlane v3, v0;
	_ =	sdelay $0x1  }
0x25: {  	v3 =	vperm.xlane v3, v2;
	v4 =	vadd.s32 v1, v4;
	_ =	sdelay $0x1  }
0x26: {  	v3 =	vadd.s32 v1, v3;
	_ =	sdelay $0x2  }
0x27: {  	[tilespmem:s10], [sflag:$0x1] =	stream.indirect_vreg.gather [hbm4b:s3+s2], $0x80, v4, vm0, $0xb8;
	[tilespmem:$0x8080] =	vst v63  }
0x28: {  	_ = 	snop  }
0x29: {  	[tilespmem:s11], [sflag:$0x1] =	stream.indirect_vreg.gather [hbm4b:s3+s2], $0x80, v3, vm0, $0xb8;
	[tilespmem:$0x8080] =	vst v63  }
0x2a: {  	v3 =	vld [tilespmem:$0x20];
	_ =	sdelay $0x4  }
0x2b: {  	v58 =	vshll.u32 v3, $0x1  }
0x2c: {  	v3 =	vand.u32 $0x7, v3;
	v4 =	vand.u32 $0xFFFFFFF0, v58  }
0x2d: {  	v3 =	vor.u32 v3, v4  }
0x2e: {  	v4 =	vperm.xlane v3, v0;
	_ =	sdelay $0x1  }
0x2f: {  	v3 =	vperm.xlane v3, v2;
	v4 =	vadd.s32 v1, v4;
	_ =	sdelay $0x1  }
0x30: {  	v3 =	vadd.s32 v1, v3;
	_ =	sdelay $0x2  }
0x31: {  	[tilespmem:s12], [sflag:$0x1] =	stream.indirect_vreg.gather [hbm4b:s3+s2], $0x80, v4, vm0, $0xb8;
	[tilespmem:$0x8080] =	vst v63  }
0x32: {  	_ = 	snop  }
0x33: {  	[tilespmem:s13], [sflag:$0x1] =	stream.indirect_vreg.gather [hbm4b:s3+s2], $0x80, v3, vm0, $0xb8;
	[tilespmem:$0x8080] =	vst v63  }
0x34: {  	v3 =	vld [tilespmem:$0x30];
	_ =	sdelay $0x4  }
0x35: {  	v59 =	vshll.u32 v3, $0x1  }
0x36: {  	v3 =	vand.u32 $0x7, v3;
	v4 =	vand.u32 $0xFFFFFFF0, v59  }
0x37: {  	v3 =	vor.u32 v3, v4  }
0x38: {  	v4 =	vperm.xlane v3, v0;
	_ =	sdelay $0x1  }
0x39: {  	v3 =	vperm.xlane v3, v2;
	v4 =	vadd.s32 v1, v4;
	_ =	sdelay $0x1  }
0x3a: {  	v3 =	vadd.s32 v1, v3;
	_ =	sdelay $0x2  }
0x3b: {  	[tilespmem:s14], [sflag:$0x1] =	stream.indirect_vreg.gather [hbm4b:s3+s2], $0x80, v4, vm0, $0xb8;
	[tilespmem:$0x8080] =	vst v63  }
0x3c: {  	_ = 	snop  }
0x3d: {  	[tilespmem:s15], [sflag:$0x1] =	stream.indirect_vreg.gather [hbm4b:s3+s2], $0x80, v3, vm0, $0xb8;
	[tilespmem:$0x8080] =	vst v63  }
0x3e: {  	v3 =	vld [tilespmem:$0x40];
	_ =	sdelay $0x4  }
0x3f: {  	v60 =	vshll.u32 v3, $0x1  }
0x40: {  	v3 =	vand.u32 $0x7, v3;
	v4 =	vand.u32 $0xFFFFFFF0, v60  }
0x41: {  	v3 =	vor.u32 v3, v4  }
0x42: {  	v4 =	vperm.xlane v3, v0;
	_ =	sdelay $0x1  }
0x43: {  	v3 =	vperm.xlane v3, v2;
	v4 =	vadd.s32 v1, v4;
	_ =	sdelay $0x1  }
0x44: {  	v3 =	vadd.s32 v1, v3;
	_ =	sdelay $0x2  }
0x45: {  	[tilespmem:s16], [sflag:$0x1] =	stream.indirect_vreg.gather [hbm4b:s3+s2], $0x80, v4, vm0, $0xb8;
	[tilespmem:$0x8080] =	vst v63  }
0x46: {  	_ = 	snop  }
0x47: {  	[tilespmem:s17], [sflag:$0x1] =	stream.indirect_vreg.gather [hbm4b:s3+s2], $0x80, v3, vm0, $0xb8;
	[tilespmem:$0x8080] =	vst v63  }
0x48: {  	v3 =	vld [tilespmem:$0x50];
	_ =	sdelay $0x4  }
0x49: {  	v61 =	vshll.u32 v3, $0x1  }
0x4a: {  	v3 =	vand.u32 $0x7, v3;
	v4 =	vand.u32 $0xFFFFFFF0, v61  }
0x4b: {  	v3 =	vor.u32 v3, v4  }
0x4c: {  	v4 =	vperm.xlane v3, v0;
	_ =	sdelay $0x1  }
0x4d: {  	v3 =	vperm.xlane v3, v2;
	v4 =	vadd.s32 v1, v4;
	_ =	sdelay $0x1  }
0x4e: {  	v3 =	vadd.s32 v1, v3;
	_ =	sdelay $0x2  }
0x4f: {  	[tilespmem:s18], [sflag:$0x1] =	stream.indirect_vreg.gather [hbm4b:s3+s2], $0x80, v4, vm0, $0xb8;
	[tilespmem:$0x8080] =	vst v63  }
0x50: {  	_ = 	snop  }
0x51: {  	[tilespmem:s19], [sflag:$0x1] =	stream.indirect_vreg.gather [hbm4b:s3+s2], $0x80, v3, vm0, $0xb8;
	[tilespmem:$0x8080] =	vst v63  }
0x52: {  	v3 =	vld [tilespmem:$0x60];
	_ =	sdelay $0x4  }
0x53: {  	v62 =	vshll.u32 v3, $0x1  }
0x54: {  	v3 =	vand.u32 $0x7, v3;
	v4 =	vand.u32 $0xFFFFFFF0, v62  }
0x55: {  	v3 =	vor.u32 v3, v4  }
0x56: {  	v4 =	vperm.xlane v3, v0;
	_ =	sdelay $0x1  }
0x57: {  	v3 =	vperm.xlane v3, v2;
	v4 =	vadd.s32 v1, v4;
	_ =	sdelay $0x1  }
0x58: {  	v3 =	vadd.s32 v1, v3;
	_ =	sdelay $0x2  }
0x59: {  	[tilespmem:s20], [sflag:$0x1] =	stream.indirect_vreg.gather [hbm4b:s3+s2], $0x80, v4, vm0, $0xb8;
	[tilespmem:$0x8080] =	vst v63  }
0x5a: {  	_ = 	snop  }
0x5b: {  	[tilespmem:s21], [sflag:$0x1] =	stream.indirect_vreg.gather [hbm4b:s3+s2], $0x80, v3, vm0, $0xb8;
	[tilespmem:$0x8080] =	vst v63  }
0x5c: {  	v3 =	vld [tilespmem:$0x70];
	_ =	sdelay $0x4  }
0x5d: {  	v63 =	vshll.u32 v3, $0x1  }
0x5e: {  	v3 =	vand.u32 $0x7, v3;
	v4 =	vand.u32 $0xFFFFFFF0, v63  }
0x5f: {  	v3 =	vor.u32 v3, v4  }
0x60: {  	v4 =	vperm.xlane v3, v0;
	_ =	sdelay $0x1  }
0x61: {  	v3 =	vperm.xlane v3, v2;
	v4 =	vadd.s32 v1, v4;
	_ =	sdelay $0x1  }
0x62: {  	v3 =	vadd.s32 v1, v3;
	_ =	sdelay $0x2  }
0x63: {  	[tilespmem:s22], [sflag:$0x1] =	stream.indirect_vreg.gather [hbm4b:s3+s2], $0x80, v4, vm0, $0xb8;
	[tilespmem:$0x8080] =	vst v63  }
0x64: {  	_ = 	snop  }
0x65: {  	[tilespmem:s23], [sflag:$0x1] =	stream.indirect_vreg.gather [hbm4b:s3+s2], $0x80, v3, vm0, $0xb8;
	[tilespmem:$0x8080] =	vst v63  }
0x66: {  	_ =	swait.ge [sflag:s24], $0x8000  }
0x67: {  	p0 =	sne.s32 s28, $0xC30;
	[sflag:s24] =	ssyncset.done $0x0  }
.Ltmp0:
0x68: {  	[sflag:s24] =	ssyncadd.s32 $0xFFFF8000;
	(pc) =	sbr.rel @p0 .LBB2_2-.Ltmp0, $4  }
0x69: {  	[hbm4b:s26+s2] =	stream.linear.scatter [tilespmem:s8], [sflag:$0x2], $0x8000, $0x38;
	[tilespmem:$0x8080] =	vst v63  }
0x6a: {  	_ =	swait.ge [sflag:s7], $0x8000  }
0x6b: {  	[sflag:s7] =	ssyncset.done $0x0  }
0x6c: {  	s28 =	sadd.s32 $0x10, s28;
	s26 =	sadd.s32 $0x1000, s26;
	[sflag:s7] =	ssyncadd.s32 $0xFFFF8000  }
0x6d: {  	s25 =	sadd.s32 $0x1, s25  }
0x6e: {  	p0 =	sne.s32 s25, s4  }
.Ltmp1:
0x6f: {  	_ = 	snop;
	(pc) =	sbr.rel @p0 .LBB2_1-.Ltmp1, $1  }
0x70: {  	_ =	sdelay $0x3  }
0x71: {  	_ =	sfence.sel $0x180000  }
0x72: {  	[bflag:$0x0] =	sbarrier.arrive $0xFFFF  }
0x73: {  	p0 =	sne.s32 s1, $0x0;
	_ =	strace $0x9000004D  }
0x74: {  	s0 =	sadd.s32 @!p0 $0x100000, s0;
	[bflag:$0x2] =	sbarrier.arrive $0xFFFF  }
0x75: {  	[sflag:s0] =	ssyncadd.tile.s32 @!p0 $0x1;
	_ =	shalt  }
.Lfunc_end2:
_tile_overlayer_lowered:
.L_overlay_start_2:
0x76: {  	(tag) =	ssettag $0x2  }
0x77: {  	s0 =	rddreg [dreg:$0x0];
	s2 =	stileid.u32  }
0x78: {  	s1 =	rddreg [dreg:$0x1];
	p0 =	sne.s32 s2, $0x0  }
0x79: {  	s3 =	rddreg [dreg:$0x2];
	[bflag:$0x3] =	sbarrier.arrive $0xFFFF;
	s2 =	simm.s32 @!p0 $0x1C02  }
0x7a: {  	[timem:s3], [sflag:s2] =	dma.local @!p0 [hbm:s0], s1  }
0x7b: {  	s0 =	simm.s32 @!p0 $0x2  }
0x7c: {  	_ =	swait.ge @!p0 [sflag:s0], s1  }
0x7d: {  	s1 =	ssub.s32 @!p0 $0x0, s1;
	[sflag:s0] =	ssyncset.done @!p0 $0x0  }
0x7e: {  	[sflag:s0] =	ssyncadd.s32 @!p0 s1  }
0x7f: {  	[bflag:$0x3] =	sbarrier.arrive $0xFFFF  }
0x80: {  	_ =	shalt  }

// kernel: kernel.18.cloned.1.call-start
scs
__scs_entry_jumppad:
0x0: {  	(pc) =	sbr.rel $0x88, $3  }
0x1: {  	(tag) =	ssettag $0x0;
	lr =	simm.s32 $0x1  }
0x2: {  	[smem:$0x3F8E] =	sst lr;
	_ =	strace $0xD0000000  }
0x3: {  	_ = 	snop  }
0x4: {  	_ = 	snop  }
0x5: {  	_ = 	snop  }
0x6: {  	_ = 	snop  }
0x7: {  	_ = 	snop  }
__scs_overlays_trampoline_lowered:
0x8: {  	[smem:$0x3F9D] =	sst s0  }
0x9: {  	[smem:$0x3F9E] =	sst s1  }
0xa: {  	[smem:$0x3F9F] =	sst s2  }
0xb: {  	[smem:$0x3FA0] =	sst s3  }
0xc: {  	[smem:$0x3FA1] =	sst s4  }
0xd: {  	[smem:$0x3FA2] =	sst s5  }
0xe: {  	[smem:$0x3FA3] =	sst s6  }
0xf: {  	[smem:$0x3FA4] =	sst s7  }
0x10: {  	[smem:$0x3FA5] =	sst s8  }
0x11: {  	[smem:$0x3FA6] =	sst s9;
	s0 =	simm.s32 @!p0 $0x0  }
0x12: {  	s1 =	sld [smem:$0x3F8C];
	s0 =	simm.s32 @p0 $0x1  }
0x13: {  	[smem:$0x3FA7] =	sst s0;
	s0 =	simm.s32 @!p1 $0x0  }
0x14: {  	s2 =	sld [smem:$0x3F8B];
	s0 =	simm.s32 @p1 $0x1  }
0x15: {  	[smem:$0x3FA8] =	sst s0;
	s0 =	simm.s32 @!p2 $0x0  }
0x16: {  	s3 =	sld [smem:$0x3FDB];
	s0 =	simm.s32 @p2 $0x1  }
0x17: {  	s4 =	simm.s32 $0x1BF5;
	[smem:$0x3FAA] =	sst s0  }
0x18: {  	s0 =	sld [smem:$0x3F8D];
	_ =	swait.ge [sflag:s4], $0x0  }
0x19: {  	s7 =	sld [smem:$0x3F8E]  }
0x1a: {  	s8 =	sadd.s32 $0xFFFFE003, lr  }
0x1b: {  	s9 =	sadd.s32 $0xFFFFFEF7, lr;
	s5 =	simm.s32 $0xFFFFFFFF;
	p2 =	slt.u32 s8, $0xFFFFF086  }
0x1c: {  	p1 =	slt.u32 s9, $0xF7A;
	s5 =	simm.s32 @!p2 $0x0  }
0x1d: {  	s5 =	simm.s32 @p1 $0x1;
	p0 =	seq.s32 s7, s2  }
0x1e: {  	s7 =	smul.u32 @!p0 $0xF7A, s2;
	p2 =	seq.s32 @!p0 s5, $0x0  }
0x1f: {  	s9 =	smul.u32 $0xF7A, s1;
	s8 =	simm.s32 @!p0 $0x1BF5;
	p2 =	por !p2, p0  }
0x20: {  	[sflag:s8] =	ssyncset.s32 @!p0 $0xFFFFF086;
	s6 =	sadd.s32 @!p0 s3, s7;
	s7 =	simm.s32 @!p0 $0x108  }
0x21: {  	s3 =	sadd.s32 s3, s9;
	s6 =	sadd.s32 @!p0 $0x88, s6;
	s7 =	simm.s32 @p2 $0x1082  }
0x22: {  	[simem:s7], [sflag:s8] =	dma.local @!p0 [hbm:s6], $0xF7A  }
0x23: {  	s9 =	sor.u32 $0xD0000000, s2;
	s6 =	simm.s32 $0x108;
	_ =	swait.ge @!p0 [sflag:s8], $0x0  }
0x24: {  	s3 =	sadd.s32 $0x88, s3;
	s6 =	simm.s32 @!p1 $0x1082;
	[sflag:s4] =	ssyncset.s32 $0xFFFFF086  }
0x25: {  	[simem:s6], [sflag:s4] =	dma.local [hbm:s3], $0xF7A  }
0x26: {  	[smem:$0x3F8E] =	sst s1;
	(tag) =	ssettag s2;
	_ =	strace s9  }
0x27: {  	s1 =	sld [smem:$0x3F9E]  }
0x28: {  	s2 =	sld [smem:$0x3F9F]  }
0x29: {  	s4 =	sld [smem:$0x3FA1]  }
0x2a: {  	p0 =	seq.s32 s5, $0x0;
	s5 =	sld [smem:$0x3FA2]  }
0x2b: {  	s6 =	sld [smem:$0x3FA3]  }
0x2c: {  	s7 =	sld [smem:$0x3FA4]  }
0x2d: {  	s3 =	simm.s32 $0x108;
	s8 =	sld [smem:$0x3FA5]  }
0x2e: {  	s3 =	simm.s32 @!p0 $0x1082;
	s9 =	sld [smem:$0x3FA6]  }
0x2f: {  	lr =	sadd.s32 s0, s3;
	s0 =	sld [smem:$0x3F9D]  }
0x30: {  	s3 =	sld [smem:$0x3FA0]  }
0x31: {  	[smem:$0x3FA9] =	sst s10  }
0x32: {  	s10 =	sld [smem:$0x3FA7];
	_ =	sdelay $0x3  }
0x33: {  	p0 =	seq.s32 s10, $0x1;
	s10 =	sld [smem:$0x3FA9];
	_ =	sdelay $0x3  }
0x34: {  	[smem:$0x3FA9] =	sst s10  }
0x35: {  	s10 =	sld [smem:$0x3FA8];
	_ =	sdelay $0x3  }
0x36: {  	p1 =	seq.s32 s10, $0x1;
	s10 =	sld [smem:$0x3FA9];
	_ =	sdelay $0x3  }
0x37: {  	[smem:$0x3FA9] =	sst s10  }
0x38: {  	s10 =	sld [smem:$0x3FAA]  }
0x39: {  	_ = 	snop;
	(pc) =	sbr.ind lr, $3  }
0x3a: {  	_ = 	snop  }
0x3b: {  	_ = 	snop  }
0x3c: {  	p2 =	seq.s32 s10, $0x1;
	s10 =	sld [smem:$0x3FA9]  }
0x3d: {  	_ =	shalt  }
0x3e: {  	_ =	shalt  }
0x3f: {  	_ =	shalt  }
0x40: {  	_ =	shalt  }
0x41: {  	_ =	shalt  }
0x42: {  	_ =	shalt  }
0x43: {  	_ =	shalt  }
0x44: {  	_ =	shalt  }
0x45: {  	_ =	shalt  }
0x46: {  	_ =	shalt  }
0x47: {  	_ =	shalt  }
0x48: {  	_ =	shalt  }
0x49: {  	_ =	shalt  }
0x4a: {  	_ =	shalt  }
0x4b: {  	_ =	shalt  }
0x4c: {  	_ =	shalt  }
0x4d: {  	_ =	shalt  }
0x4e: {  	_ =	shalt  }
0x4f: {  	_ =	shalt  }
0x50: {  	_ =	shalt  }
0x51: {  	_ =	shalt  }
0x52: {  	_ =	shalt  }
0x53: {  	_ =	shalt  }
0x54: {  	_ =	shalt  }
0x55: {  	_ =	shalt  }
0x56: {  	_ =	shalt  }
0x57: {  	_ =	shalt  }
0x58: {  	_ =	shalt  }
0x59: {  	_ =	shalt  }
0x5a: {  	_ =	shalt  }
0x5b: {  	_ =	shalt  }
0x5c: {  	_ =	shalt  }
0x5d: {  	_ =	shalt  }
0x5e: {  	_ =	shalt  }
0x5f: {  	_ =	shalt  }
0x60: {  	_ =	shalt  }
0x61: {  	_ =	shalt  }
0x62: {  	_ =	shalt  }
0x63: {  	_ =	shalt  }
0x64: {  	_ =	shalt  }
0x65: {  	_ =	shalt  }
0x66: {  	_ =	shalt  }
0x67: {  	_ =	shalt  }
0x68: {  	_ =	shalt  }
0x69: {  	_ =	shalt  }
0x6a: {  	_ =	shalt  }
0x6b: {  	_ =	shalt  }
0x6c: {  	_ =	shalt  }
0x6d: {  	_ =	shalt  }
0x6e: {  	_ =	shalt  }
0x6f: {  	_ =	shalt  }
0x70: {  	_ =	shalt  }
0x71: {  	_ =	shalt  }
0x72: {  	_ =	shalt  }
0x73: {  	_ =	shalt  }
0x74: {  	_ =	shalt  }
0x75: {  	_ =	shalt  }
0x76: {  	_ =	shalt  }
0x77: {  	_ =	shalt  }
0x78: {  	_ =	shalt  }
0x79: {  	_ =	shalt  }
0x7a: {  	_ =	shalt  }
0x7b: {  	_ =	shalt  }
0x7c: {  	_ =	shalt  }
0x7d: {  	_ =	shalt  }
0x7e: {  	_ =	shalt  }
0x7f: {  	_ =	shalt  }
0x80: {  	_ =	shalt  }
0x81: {  	_ =	shalt  }
0x82: {  	_ =	shalt  }
0x83: {  	_ =	shalt  }
0x84: {  	_ =	shalt  }
0x85: {  	_ =	shalt  }
0x86: {  	_ =	shalt  }
0x87: {  	_ =	shalt  }
.Lfunc_end0:
.L_simem_size_0:
called_computation.11_lowered:
.L_overlay_start_0:
0x88: {  	s2 =	sld [smem:$0x3FD9]  }
0x89: {  	s3 =	sld [smem:$0x3FFE];
	_ =	sdelay $0x1  }
0x8a: {  	s1 =	srdreg.scid  }
0x8b: {  	s0 =	sand.u32 $0x1, s1  }
0x8c: {  	s16 =	sshll.u32 s0, $0xA;
	s2 =	sadd.s32 s3, s2  }
0x8d: {  	s2 =	sadd.s32 s2, s16  }
0x8e: {  	[smem:$0x3FB5] =	sst s2  }
0x8f: {  	_ = 	snop  }
0x90: {  	(tm) =	ssettm $0x1  }
0x91: {  	s17 =	sld [smem:$0x3FFB];
	_ =	sdelay $0x3  }
0x92: {  	_ =	strace s17  }
0x93: {  	s2 =	sld [smem:$0x3FFC];
	_ =	sdelay $0x3  }
0x94: {  	_ =	strace s2  }
0x95: {  	s2 =	sld [smem:$0x3FFD];
	_ =	sdelay $0x3  }
0x96: {  	_ =	strace s2  }
0x97: {  	_ =	strace $0x8FFFFFFF  }
0x98: {  	s18 =	sld [smem:$0x3FDB];
	_ =	sdelay $0x1  }
0x99: {  	s19 =	simm.s32 $_scs_section_size  }
0x9a: {  	s4 =	simm.s32 $_size__tile_overlayer_lowered;
	s5 =	simm.s32 $_tile_overlayer_lowered  }
0x9b: {  	s22 =	simm.s32 $0x1BFF;
	s21 =	sshll.u32 s5, $0x1;
	s2 =	sadd.s32 s19, s18  }
0x9c: {  	s6 =	simm.s32 $0x0;
	s20 =	sshll.u32 s4, $0x1;
	s4 =	sadd.s32 s21, s2  }
0x9d: {  	[timem:s6], [sflag:s22] =	dma.local [hbm:s4], s20  }
0x9e: {  	_ =	swait.ge [sflag:s22], s20  }
0x9f: {  	s3 =	ssub.s32 $0x0, s20;
	[sflag:s22] =	ssyncset.done $0x0  }
0xa0: {  	[sflag:s22] =	ssyncadd.s32 s3;
	_ =	sdelay $0x1  }
0xa1: {  	s23 =	simm.s32 $0x1B8B  }
0xa2: {  	_ =	swait.ge [sflag:s23], $0x1  }
0xa3: {  	[sflag:s23] =	ssyncset.done $0x0  }
0xa4: {  	s25 =	simm.s32 $0x1B8E;
	s24 =	sld [smem:$0x3FFE];
	[sflag:s23] =	ssyncadd.s32 $0xFFFFFFFF  }
0xa5: {  	s26 =	simm.s32 $execute0_lowered;
	[smem:$0x3FD2] =	sst s25  }
0xa6: {  	s4 =	sshll.u32 s26, $0x1;
	_ =	strace $0x80000058;
	[dreg:$0x1] =	wrdreg $0xFFFFFFFF  }
0xa7: {  	s28 =	simm.s32 $_size_execute0_lowered;
	s2 =	sadd.s32 s2, s4;
	[dreg:$0x0] =	wrdreg $0x0  }
0xa8: {  	s4 =	sshll.u32 s28, $0x1;
	[dreg:$0x2] =	wrdreg s2  }
0xa9: {  	[dreg:$0x3] =	wrdreg s4  }
0xaa: {  	[dreg:$0x4] =	wrdreg $0xC0  }
0xab: {  	_ =	task [dreg:s6], $0x5FFFF  }
0xac: {  	[dreg:$0x1] =	wrdreg $0xFFFFFFFF  }
0xad: {  	[dreg:$0x0] =	wrdreg $0x60  }
0xae: {  	[dreg:$0x2] =	wrdreg s24  }
0xaf: {  	[dreg:$0x3] =	wrdreg $0x9  }
0xb0: {  	_ =	task.clear_ibuf [dreg:s6], $0x4FFFF;
	_ =	strace $0x90000058  }
0xb1: {  	s29 =	simm.s32 $0x9;
	_ =	strace $0x8000005A  }
0xb2: {  	_ =	swait.ge [sflag:s29], $0x1  }
0xb3: {  	[sflag:s29] =	ssyncadd.s32 $0xFFFFFFFF  }
0xb4: {  	_ =	strace $0x9000005A  }
0xb5: {  	_ =	sfence  }
0xb6: {  	s30 =	sld [smem:$0x0];
	_ =	sdelay $0x2  }
0xb7: {  	s31 =	sshll.u32 s1, $0xD;
	s1 =	sshrl.u32 s1, $0x2  }
0xb8: {  	s3 =	sand.u32 $0x4000, s31;
	s1 =	sadd.s32 s1, s30  }
0xb9: {  	s0 =	sor.u32 s3, s0;
	s1 =	sshll.u32 s1, $0x11  }
0xba: {  	s0 =	sor.u32 s1, s0  }
0xbb: {  	s0 =	sadd.s32 $0x8F2B, s0  }
0xbc: {  	[sflag:s0] =	ssyncadd.remote.s32 $0x1  }
0xbd: {  	_ =	sfence.sel $0xFFFF  }
0xbe: {  	[dreg:$0x0] =	wrdreg $0xFFFFFFFF;
	(pc) =	sbr.abs _section_cstart, $3  }
0xbf: {  	[dreg:$0x1] =	wrdreg $0xFFFFFFFF  }
0xc0: {  	_ =	task.clear_ibuf [dreg:s6], $0x2FFFF;
	_ =	strace $0x9FFFFFFF  }
0xc1: {  	(tm) =	ssettm $0x7FFFFFFF  }
tec
execute0_lowered:
.L_overlay_start_1:
0x0: {  	(tag) =	ssettag $0x1  }
0x1: {  	s4 =	rddreg [dreg:$0x0]  }
0x2: {  	s0 =	rddreg [dreg:$0x1];
	s2 =	simm.s32 $0x0;
	s3 =	srdreg.scid  }
0x3: {  	s1 =	stileid.u32;
	s10 =	simm.s32 $0x1080;
	s11 =	simm.s32 $0x1880  }
0x4: {  	s12 =	simm.s32 $0x2080;
	s13 =	simm.s32 $0x2880;
	s14 =	simm.s32 $0x3080  }
0x5: {  	s15 =	simm.s32 $0x3880;
	s16 =	simm.s32 $0x4080;
	s17 =	simm.s32 $0x4880  }
0x6: {  	s18 =	simm.s32 $0x5080;
	s19 =	simm.s32 $0x5880;
	s20 =	simm.s32 $0x6080  }
0x7: {  	s21 =	simm.s32 $0x6880;
	s22 =	simm.s32 $0x7080;
	s23 =	simm.s32 $0x7880  }
0x8: {  	s24 =	simm.s32 $0x1;
	s25 =	simm.s32 $0x0;
	s6 =	smul.u32 $0xC400, s1  }
0x9: {  	[smem:$0x7FF] =	sst s2;
	s5 =	sand.u32 $0x1, s3;
	s8 =	smul.u32 $0x188000, s1  }
0xa: {  	s3 =	sadd.s32 $0xFFFC00, s4;
	s7 =	smul.u32 $0x6200, s5;
	s9 =	ssub.s32 $0x2, s5  }
0xb: {  	_ =	strace $0x80000059;
	s5 =	smul.u32 $0xC4000, s5;
	s31 =	sshrl.u32 s9, $0x1  }
0xc: {  	s8 =	sadd.s32 s8, s4;
	s6 =	sadd.s32 s7, s6;
	s7 =	ssub.s32 s9, s31  }
0xd: {  	v2 =	vlaneseq.u32;
	s5 =	sadd.s32 s5, s8;
	s8 =	simm.s32 $0x80;
	s6 =	sshrl.u32 s6, $0x3  }
0xe: {  	vm0 =	vmmov $0xffff;
	v1 =	vshrl.u32 v2, $0x3;
	s9 =	simm.s32 $0x880;
	s5 =	sadd.s32 $0x6EBE400, s5;
	s6 =	sadd.s32 s6, s4  }
0xf: {  	v0 =	vand.u32 $0x7, v2;
	v2 =	vor.u32 $0x8, v2;
	v1 =	vmul.u32 $0x8, v1;
	s4 =	smax.u32 s7, $0x1;
	s7 =	simm.s32 $0x2;
	s6 =	sadd.s32 $0x81000, s6  }
.LBB2_1:
0x10: {  	s26 =	smov.u32 s5;
	s28 =	simm.s32 $0x0  }
.LBB2_2:
0x11: {  	s29 =	sadd.s32 s28, s6  }
0x12: {  	[tilespmem:s2], [sflag:$0x2] =	stream.linear.gather [hbm4b:s29+s2], $0x80, $0x38;
	[tilespmem:$0x8080] =	vst v63  }
0x13: {  	_ =	swait.ge [sflag:s7], $0x80  }
0x14: {  	[sflag:s7] =	ssyncset.done $0x0  }
0x15: {  	[sflag:s7] =	ssyncadd.s32 $0xFFFFFF80  }
0x16: {  	v3 =	vld [tilespmem:$0x0];
	_ =	sdelay $0x4  }
0x17: {  	v4 =	vshll.u32 v3, $0x1  }
0x18: {  	v3 =	vand.u32 $0x7, v3;
	v4 =	vand.u32 $0xFFFFFFF0, v4  }
0x19: {  	v3 =	vor.u32 v3, v4  }
0x1a: {  	v4 =	vperm.xlane v3, v0;
	_ =	sdelay $0x1  }
0x1b: {  	v3 =	vperm.xlane v3, v2;
	v4 =	vadd.s32 v1, v4;
	_ =	sdelay $0x1  }
0x1c: {  	v3 =	vadd.s32 v1, v3;
	_ =	sdelay $0x2  }
0x1d: {  	[tilespmem:s8], [sflag:$0x1] =	stream.indirect_vreg.gather [hbm4b:s3+s2], $0x80, v4, vm0, $0xb8;
	[tilespmem:$0x8080] =	vst v63  }
0x1e: {  	_ = 	snop  }
0x1f: {  	[tilespmem:s9], [sflag:$0x1] =	stream.indirect_vreg.gather [hbm4b:s3+s2], $0x80, v3, vm0, $0xb8;
	[tilespmem:$0x8080] =	vst v63  }
0x20: {  	v3 =	vld [tilespmem:$0x10];
	_ =	sdelay $0x4  }
0x21: {  	v57 =	vshll.u32 v3, $0x1  }
0x22: {  	v3 =	vand.u32 $0x7, v3;
	v4 =	vand.u32 $0xFFFFFFF0, v57  }
0x23: {  	v3 =	vor.u32 v3, v4  }
0x24: {  	v4 =	vperm.xlane v3, v0;
	_ =	sdelay $0x1  }
0x25: {  	v3 =	vperm.xlane v3, v2;
	v4 =	vadd.s32 v1, v4;
	_ =	sdelay $0x1  }
0x26: {  	v3 =	vadd.s32 v1, v3;
	_ =	sdelay $0x2  }
0x27: {  	[tilespmem:s10], [sflag:$0x1] =	stream.indirect_vreg.gather [hbm4b:s3+s2], $0x80, v4, vm0, $0xb8;
	[tilespmem:$0x8080] =	vst v63  }
0x28: {  	_ = 	snop  }
0x29: {  	[tilespmem:s11], [sflag:$0x1] =	stream.indirect_vreg.gather [hbm4b:s3+s2], $0x80, v3, vm0, $0xb8;
	[tilespmem:$0x8080] =	vst v63  }
0x2a: {  	v3 =	vld [tilespmem:$0x20];
	_ =	sdelay $0x4  }
0x2b: {  	v58 =	vshll.u32 v3, $0x1  }
0x2c: {  	v3 =	vand.u32 $0x7, v3;
	v4 =	vand.u32 $0xFFFFFFF0, v58  }
0x2d: {  	v3 =	vor.u32 v3, v4  }
0x2e: {  	v4 =	vperm.xlane v3, v0;
	_ =	sdelay $0x1  }
0x2f: {  	v3 =	vperm.xlane v3, v2;
	v4 =	vadd.s32 v1, v4;
	_ =	sdelay $0x1  }
0x30: {  	v3 =	vadd.s32 v1, v3;
	_ =	sdelay $0x2  }
0x31: {  	[tilespmem:s12], [sflag:$0x1] =	stream.indirect_vreg.gather [hbm4b:s3+s2], $0x80, v4, vm0, $0xb8;
	[tilespmem:$0x8080] =	vst v63  }
0x32: {  	_ = 	snop  }
0x33: {  	[tilespmem:s13], [sflag:$0x1] =	stream.indirect_vreg.gather [hbm4b:s3+s2], $0x80, v3, vm0, $0xb8;
	[tilespmem:$0x8080] =	vst v63  }
0x34: {  	v3 =	vld [tilespmem:$0x30];
	_ =	sdelay $0x4  }
0x35: {  	v59 =	vshll.u32 v3, $0x1  }
0x36: {  	v3 =	vand.u32 $0x7, v3;
	v4 =	vand.u32 $0xFFFFFFF0, v59  }
0x37: {  	v3 =	vor.u32 v3, v4  }
0x38: {  	v4 =	vperm.xlane v3, v0;
	_ =	sdelay $0x1  }
0x39: {  	v3 =	vperm.xlane v3, v2;
	v4 =	vadd.s32 v1, v4;
	_ =	sdelay $0x1  }
0x3a: {  	v3 =	vadd.s32 v1, v3;
	_ =	sdelay $0x2  }
0x3b: {  	[tilespmem:s14], [sflag:$0x1] =	stream.indirect_vreg.gather [hbm4b:s3+s2], $0x80, v4, vm0, $0xb8;
	[tilespmem:$0x8080] =	vst v63  }
0x3c: {  	_ = 	snop  }
0x3d: {  	[tilespmem:s15], [sflag:$0x1] =	stream.indirect_vreg.gather [hbm4b:s3+s2], $0x80, v3, vm0, $0xb8;
	[tilespmem:$0x8080] =	vst v63  }
0x3e: {  	v3 =	vld [tilespmem:$0x40];
	_ =	sdelay $0x4  }
0x3f: {  	v60 =	vshll.u32 v3, $0x1  }
0x40: {  	v3 =	vand.u32 $0x7, v3;
	v4 =	vand.u32 $0xFFFFFFF0, v60  }
0x41: {  	v3 =	vor.u32 v3, v4  }
0x42: {  	v4 =	vperm.xlane v3, v0;
	_ =	sdelay $0x1  }
0x43: {  	v3 =	vperm.xlane v3, v2;
	v4 =	vadd.s32 v1, v4;
	_ =	sdelay $0x1  }
0x44: {  	v3 =	vadd.s32 v1, v3;
	_ =	sdelay $0x2  }
0x45: {  	[tilespmem:s16], [sflag:$0x1] =	stream.indirect_vreg.gather [hbm4b:s3+s2], $0x80, v4, vm0, $0xb8;
	[tilespmem:$0x8080] =	vst v63  }
0x46: {  	_ = 	snop  }
0x47: {  	[tilespmem:s17], [sflag:$0x1] =	stream.indirect_vreg.gather [hbm4b:s3+s2], $0x80, v3, vm0, $0xb8;
	[tilespmem:$0x8080] =	vst v63  }
0x48: {  	v3 =	vld [tilespmem:$0x50];
	_ =	sdelay $0x4  }
0x49: {  	v61 =	vshll.u32 v3, $0x1  }
0x4a: {  	v3 =	vand.u32 $0x7, v3;
	v4 =	vand.u32 $0xFFFFFFF0, v61  }
0x4b: {  	v3 =	vor.u32 v3, v4  }
0x4c: {  	v4 =	vperm.xlane v3, v0;
	_ =	sdelay $0x1  }
0x4d: {  	v3 =	vperm.xlane v3, v2;
	v4 =	vadd.s32 v1, v4;
	_ =	sdelay $0x1  }
0x4e: {  	v3 =	vadd.s32 v1, v3;
	_ =	sdelay $0x2  }
0x4f: {  	[tilespmem:s18], [sflag:$0x1] =	stream.indirect_vreg.gather [hbm4b:s3+s2], $0x80, v4, vm0, $0xb8;
	[tilespmem:$0x8080] =	vst v63  }
0x50: {  	_ = 	snop  }
0x51: {  	[tilespmem:s19], [sflag:$0x1] =	stream.indirect_vreg.gather [hbm4b:s3+s2], $0x80, v3, vm0, $0xb8;
	[tilespmem:$0x8080] =	vst v63  }
0x52: {  	v3 =	vld [tilespmem:$0x60];
	_ =	sdelay $0x4  }
0x53: {  	v62 =	vshll.u32 v3, $0x1  }
0x54: {  	v3 =	vand.u32 $0x7, v3;
	v4 =	vand.u32 $0xFFFFFFF0, v62  }
0x55: {  	v3 =	vor.u32 v3, v4  }
0x56: {  	v4 =	vperm.xlane v3, v0;
	_ =	sdelay $0x1  }
0x57: {  	v3 =	vperm.xlane v3, v2;
	v4 =	vadd.s32 v1, v4;
	_ =	sdelay $0x1  }
0x58: {  	v3 =	vadd.s32 v1, v3;
	_ =	sdelay $0x2  }
0x59: {  	[tilespmem:s20], [sflag:$0x1] =	stream.indirect_vreg.gather [hbm4b:s3+s2], $0x80, v4, vm0, $0xb8;
	[tilespmem:$0x8080] =	vst v63  }
0x5a: {  	_ = 	snop  }
0x5b: {  	[tilespmem:s21], [sflag:$0x1] =	stream.indirect_vreg.gather [hbm4b:s3+s2], $0x80, v3, vm0, $0xb8;
	[tilespmem:$0x8080] =	vst v63  }
0x5c: {  	v3 =	vld [tilespmem:$0x70];
	_ =	sdelay $0x4  }
0x5d: {  	v63 =	vshll.u32 v3, $0x1  }
0x5e: {  	v3 =	vand.u32 $0x7, v3;
	v4 =	vand.u32 $0xFFFFFFF0, v63  }
0x5f: {  	v3 =	vor.u32 v3, v4  }
0x60: {  	v4 =	vperm.xlane v3, v0;
	_ =	sdelay $0x1  }
0x61: {  	v3 =	vperm.xlane v3, v2;
	v4 =	vadd.s32 v1, v4;
	_ =	sdelay $0x1  }
0x62: {  	v3 =	vadd.s32 v1, v3;
	_ =	sdelay $0x2  }
0x63: {  	[tilespmem:s22], [sflag:$0x1] =	stream.indirect_vreg.gather [hbm4b:s3+s2], $0x80, v4, vm0, $0xb8;
	[tilespmem:$0x8080] =	vst v63  }
0x64: {  	_ = 	snop  }
0x65: {  	[tilespmem:s23], [sflag:$0x1] =	stream.indirect_vreg.gather [hbm4b:s3+s2], $0x80, v3, vm0, $0xb8;
	[tilespmem:$0x8080] =	vst v63  }
0x66: {  	_ =	swait.ge [sflag:s24], $0x8000  }
0x67: {  	p0 =	sne.s32 s28, $0xC30;
	[sflag:s24] =	ssyncset.done $0x0  }
.Ltmp0:
0x68: {  	[sflag:s24] =	ssyncadd.s32 $0xFFFF8000;
	(pc) =	sbr.rel @p0 .LBB2_2-.Ltmp0, $4  }
0x69: {  	[hbm4b:s26+s2] =	stream.linear.scatter [tilespmem:s8], [sflag:$0x2], $0x8000, $0x38;
	[tilespmem:$0x8080] =	vst v63  }
0x6a: {  	_ =	swait.ge [sflag:s7], $0x8000  }
0x6b: {  	[sflag:s7] =	ssyncset.done $0x0  }
0x6c: {  	s28 =	sadd.s32 $0x10, s28;
	s26 =	sadd.s32 $0x1000, s26;
	[sflag:s7] =	ssyncadd.s32 $0xFFFF8000  }
0x6d: {  	s25 =	sadd.s32 $0x1, s25  }
0x6e: {  	p0 =	sne.s32 s25, s4  }
.Ltmp1:
0x6f: {  	_ = 	snop;
	(pc) =	sbr.rel @p0 .LBB2_1-.Ltmp1, $1  }
0x70: {  	_ =	sdelay $0x3  }
0x71: {  	_ =	sfence.sel $0x180000  }
0x72: {  	[bflag:$0x0] =	sbarrier.arrive $0xFFFF  }
0x73: {  	p0 =	sne.s32 s1, $0x0;
	_ =	strace $0x90000059  }
0x74: {  	s0 =	sadd.s32 @!p0 $0x100000, s0;
	[bflag:$0x2] =	sbarrier.arrive $0xFFFF  }
0x75: {  	[sflag:s0] =	ssyncadd.tile.s32 @!p0 $0x1;
	_ =	shalt  }
.Lfunc_end2:
_tile_overlayer_lowered:
.L_overlay_start_2:
0x76: {  	(tag) =	ssettag $0x2  }
0x77: {  	s0 =	rddreg [dreg:$0x0];
	s2 =	stileid.u32  }
0x78: {  	s1 =	rddreg [dreg:$0x1];
	p0 =	sne.s32 s2, $0x0  }
0x79: {  	s3 =	rddreg [dreg:$0x2];
	[bflag:$0x3] =	sbarrier.arrive $0xFFFF;
	s2 =	simm.s32 @!p0 $0x1C02  }
0x7a: {  	[timem:s3], [sflag:s2] =	dma.local @!p0 [hbm:s0], s1  }
0x7b: {  	s0 =	simm.s32 @!p0 $0x2  }
0x7c: {  	_ =	swait.ge @!p0 [sflag:s0], s1  }
0x7d: {  	s1 =	ssub.s32 @!p0 $0x0, s1;
	[sflag:s0] =	ssyncset.done @!p0 $0x0  }
0x7e: {  	[sflag:s0] =	ssyncadd.s32 @!p0 s1  }
0x7f: {  	[bflag:$0x3] =	sbarrier.arrive $0xFFFF  }
0x80: {  	_ =	shalt  }

// kernel: kernel.9.cloned.1.call-start
scs
__scs_entry_jumppad:
0x0: {  	(pc) =	sbr.rel $0x88, $3  }
0x1: {  	(tag) =	ssettag $0x0;
	lr =	simm.s32 $0x1  }
0x2: {  	[smem:$0x3F8E] =	sst lr;
	_ =	strace $0xD0000000  }
0x3: {  	_ = 	snop  }
0x4: {  	_ = 	snop  }
0x5: {  	_ = 	snop  }
0x6: {  	_ = 	snop  }
0x7: {  	_ = 	snop  }
__scs_overlays_trampoline_lowered:
0x8: {  	[smem:$0x3F9D] =	sst s0  }
0x9: {  	[smem:$0x3F9E] =	sst s1  }
0xa: {  	[smem:$0x3F9F] =	sst s2  }
0xb: {  	[smem:$0x3FA0] =	sst s3  }
0xc: {  	[smem:$0x3FA1] =	sst s4  }
0xd: {  	[smem:$0x3FA2] =	sst s5  }
0xe: {  	[smem:$0x3FA3] =	sst s6  }
0xf: {  	[smem:$0x3FA4] =	sst s7  }
0x10: {  	[smem:$0x3FA5] =	sst s8  }
0x11: {  	[smem:$0x3FA6] =	sst s9;
	s0 =	simm.s32 @!p0 $0x0  }
0x12: {  	s1 =	sld [smem:$0x3F8C];
	s0 =	simm.s32 @p0 $0x1  }
0x13: {  	[smem:$0x3FA7] =	sst s0;
	s0 =	simm.s32 @!p1 $0x0  }
0x14: {  	s2 =	sld [smem:$0x3F8B];
	s0 =	simm.s32 @p1 $0x1  }
0x15: {  	[smem:$0x3FA8] =	sst s0;
	s0 =	simm.s32 @!p2 $0x0  }
0x16: {  	s3 =	sld [smem:$0x3FDB];
	s0 =	simm.s32 @p2 $0x1  }
0x17: {  	s4 =	simm.s32 $0x1BF5;
	[smem:$0x3FAA] =	sst s0  }
0x18: {  	s0 =	sld [smem:$0x3F8D];
	_ =	swait.ge [sflag:s4], $0x0  }
0x19: {  	s7 =	sld [smem:$0x3F8E]  }
0x1a: {  	s8 =	sadd.s32 $0xFFFFE003, lr  }
0x1b: {  	s9 =	sadd.s32 $0xFFFFFEF7, lr;
	s5 =	simm.s32 $0xFFFFFFFF;
	p2 =	slt.u32 s8, $0xFFFFF086  }
0x1c: {  	p1 =	slt.u32 s9, $0xF7A;
	s5 =	simm.s32 @!p2 $0x0  }
0x1d: {  	s5 =	simm.s32 @p1 $0x1;
	p0 =	seq.s32 s7, s2  }
0x1e: {  	s7 =	smul.u32 @!p0 $0xF7A, s2;
	p2 =	seq.s32 @!p0 s5, $0x0  }
0x1f: {  	s9 =	smul.u32 $0xF7A, s1;
	s8 =	simm.s32 @!p0 $0x1BF5;
	p2 =	por !p2, p0  }
0x20: {  	[sflag:s8] =	ssyncset.s32 @!p0 $0xFFFFF086;
	s6 =	sadd.s32 @!p0 s3, s7;
	s7 =	simm.s32 @!p0 $0x108  }
0x21: {  	s3 =	sadd.s32 s3, s9;
	s6 =	sadd.s32 @!p0 $0x88, s6;
	s7 =	simm.s32 @p2 $0x1082  }
0x22: {  	[simem:s7], [sflag:s8] =	dma.local @!p0 [hbm:s6], $0xF7A  }
0x23: {  	s9 =	sor.u32 $0xD0000000, s2;
	s6 =	simm.s32 $0x108;
	_ =	swait.ge @!p0 [sflag:s8], $0x0  }
0x24: {  	s3 =	sadd.s32 $0x88, s3;
	s6 =	simm.s32 @!p1 $0x1082;
	[sflag:s4] =	ssyncset.s32 $0xFFFFF086  }
0x25: {  	[simem:s6], [sflag:s4] =	dma.local [hbm:s3], $0xF7A  }
0x26: {  	[smem:$0x3F8E] =	sst s1;
	(tag) =	ssettag s2;
	_ =	strace s9  }
0x27: {  	s1 =	sld [smem:$0x3F9E]  }
0x28: {  	s2 =	sld [smem:$0x3F9F]  }
0x29: {  	s4 =	sld [smem:$0x3FA1]  }
0x2a: {  	p0 =	seq.s32 s5, $0x0;
	s5 =	sld [smem:$0x3FA2]  }
0x2b: {  	s6 =	sld [smem:$0x3FA3]  }
0x2c: {  	s7 =	sld [smem:$0x3FA4]  }
0x2d: {  	s3 =	simm.s32 $0x108;
	s8 =	sld [smem:$0x3FA5]  }
0x2e: {  	s3 =	simm.s32 @!p0 $0x1082;
	s9 =	sld [smem:$0x3FA6]  }
0x2f: {  	lr =	sadd.s32 s0, s3;
	s0 =	sld [smem:$0x3F9D]  }
0x30: {  	s3 =	sld [smem:$0x3FA0]  }
0x31: {  	[smem:$0x3FA9] =	sst s10  }
0x32: {  	s10 =	sld [smem:$0x3FA7];
	_ =	sdelay $0x3  }
0x33: {  	p0 =	seq.s32 s10, $0x1;
	s10 =	sld [smem:$0x3FA9];
	_ =	sdelay $0x3  }
0x34: {  	[smem:$0x3FA9] =	sst s10  }
0x35: {  	s10 =	sld [smem:$0x3FA8];
	_ =	sdelay $0x3  }
0x36: {  	p1 =	seq.s32 s10, $0x1;
	s10 =	sld [smem:$0x3FA9];
	_ =	sdelay $0x3  }
0x37: {  	[smem:$0x3FA9] =	sst s10  }
0x38: {  	s10 =	sld [smem:$0x3FAA]  }
0x39: {  	_ = 	snop;
	(pc) =	sbr.ind lr, $3  }
0x3a: {  	_ = 	snop  }
0x3b: {  	_ = 	snop  }
0x3c: {  	p2 =	seq.s32 s10, $0x1;
	s10 =	sld [smem:$0x3FA9]  }
0x3d: {  	_ =	shalt  }
0x3e: {  	_ =	shalt  }
0x3f: {  	_ =	shalt  }
0x40: {  	_ =	shalt  }
0x41: {  	_ =	shalt  }
0x42: {  	_ =	shalt  }
0x43: {  	_ =	shalt  }
0x44: {  	_ =	shalt  }
0x45: {  	_ =	shalt  }
0x46: {  	_ =	shalt  }
0x47: {  	_ =	shalt  }
0x48: {  	_ =	shalt  }
0x49: {  	_ =	shalt  }
0x4a: {  	_ =	shalt  }
0x4b: {  	_ =	shalt  }
0x4c: {  	_ =	shalt  }
0x4d: {  	_ =	shalt  }
0x4e: {  	_ =	shalt  }
0x4f: {  	_ =	shalt  }
0x50: {  	_ =	shalt  }
0x51: {  	_ =	shalt  }
0x52: {  	_ =	shalt  }
0x53: {  	_ =	shalt  }
0x54: {  	_ =	shalt  }
0x55: {  	_ =	shalt  }
0x56: {  	_ =	shalt  }
0x57: {  	_ =	shalt  }
0x58: {  	_ =	shalt  }
0x59: {  	_ =	shalt  }
0x5a: {  	_ =	shalt  }
0x5b: {  	_ =	shalt  }
0x5c: {  	_ =	shalt  }
0x5d: {  	_ =	shalt  }
0x5e: {  	_ =	shalt  }
0x5f: {  	_ =	shalt  }
0x60: {  	_ =	shalt  }
0x61: {  	_ =	shalt  }
0x62: {  	_ =	shalt  }
0x63: {  	_ =	shalt  }
0x64: {  	_ =	shalt  }
0x65: {  	_ =	shalt  }
0x66: {  	_ =	shalt  }
0x67: {  	_ =	shalt  }
0x68: {  	_ =	shalt  }
0x69: {  	_ =	shalt  }
0x6a: {  	_ =	shalt  }
0x6b: {  	_ =	shalt  }
0x6c: {  	_ =	shalt  }
0x6d: {  	_ =	shalt  }
0x6e: {  	_ =	shalt  }
0x6f: {  	_ =	shalt  }
0x70: {  	_ =	shalt  }
0x71: {  	_ =	shalt  }
0x72: {  	_ =	shalt  }
0x73: {  	_ =	shalt  }
0x74: {  	_ =	shalt  }
0x75: {  	_ =	shalt  }
0x76: {  	_ =	shalt  }
0x77: {  	_ =	shalt  }
0x78: {  	_ =	shalt  }
0x79: {  	_ =	shalt  }
0x7a: {  	_ =	shalt  }
0x7b: {  	_ =	shalt  }
0x7c: {  	_ =	shalt  }
0x7d: {  	_ =	shalt  }
0x7e: {  	_ =	shalt  }
0x7f: {  	_ =	shalt  }
0x80: {  	_ =	shalt  }
0x81: {  	_ =	shalt  }
0x82: {  	_ =	shalt  }
0x83: {  	_ =	shalt  }
0x84: {  	_ =	shalt  }
0x85: {  	_ =	shalt  }
0x86: {  	_ =	shalt  }
0x87: {  	_ =	shalt  }
.Lfunc_end0:
.L_simem_size_0:
called_computation.8_lowered:
.L_overlay_start_0:
0x88: {  	s2 =	sld [smem:$0x3FD9]  }
0x89: {  	s3 =	sld [smem:$0x3FFE];
	_ =	sdelay $0x1  }
0x8a: {  	s1 =	srdreg.scid  }
0x8b: {  	s0 =	sand.u32 $0x1, s1  }
0x8c: {  	s16 =	sshll.u32 s0, $0xA;
	s2 =	sadd.s32 s3, s2  }
0x8d: {  	s2 =	sadd.s32 s2, s16  }
0x8e: {  	[smem:$0x3FB5] =	sst s2  }
0x8f: {  	_ = 	snop  }
0x90: {  	(tm) =	ssettm $0x1  }
0x91: {  	s17 =	sld [smem:$0x3FFB];
	_ =	sdelay $0x3  }
0x92: {  	_ =	strace s17  }
0x93: {  	s2 =	sld [smem:$0x3FFC];
	_ =	sdelay $0x3  }
0x94: {  	_ =	strace s2  }
0x95: {  	s2 =	sld [smem:$0x3FFD];
	_ =	sdelay $0x3  }
0x96: {  	_ =	strace s2  }
0x97: {  	_ =	strace $0x8FFFFFFF  }
0x98: {  	s18 =	sld [smem:$0x3FDB];
	_ =	sdelay $0x1  }
0x99: {  	s19 =	simm.s32 $_scs_section_size  }
0x9a: {  	s4 =	simm.s32 $_size__tile_overlayer_lowered;
	s5 =	simm.s32 $_tile_overlayer_lowered  }
0x9b: {  	s22 =	simm.s32 $0x1BFF;
	s21 =	sshll.u32 s5, $0x1;
	s2 =	sadd.s32 s19, s18  }
0x9c: {  	s6 =	simm.s32 $0x0;
	s20 =	sshll.u32 s4, $0x1;
	s4 =	sadd.s32 s21, s2  }
0x9d: {  	[timem:s6], [sflag:s22] =	dma.local [hbm:s4], s20  }
0x9e: {  	_ =	swait.ge [sflag:s22], s20  }
0x9f: {  	s3 =	ssub.s32 $0x0, s20;
	[sflag:s22] =	ssyncset.done $0x0  }
0xa0: {  	[sflag:s22] =	ssyncadd.s32 s3;
	_ =	sdelay $0x1  }
0xa1: {  	s23 =	simm.s32 $0x1B8B  }
0xa2: {  	_ =	swait.ge [sflag:s23], $0x1  }
0xa3: {  	[sflag:s23] =	ssyncset.done $0x0  }
0xa4: {  	s25 =	simm.s32 $0x1B8E;
	s24 =	sld [smem:$0x3FFE];
	[sflag:s23] =	ssyncadd.s32 $0xFFFFFFFF  }
0xa5: {  	s26 =	simm.s32 $execute0_lowered;
	[smem:$0x3FD2] =	sst s25  }
0xa6: {  	s4 =	sshll.u32 s26, $0x1;
	_ =	strace $0x80000046;
	[dreg:$0x1] =	wrdreg $0xFFFFFFFF  }
0xa7: {  	s28 =	simm.s32 $_size_execute0_lowered;
	s2 =	sadd.s32 s2, s4;
	[dreg:$0x0] =	wrdreg $0x0  }
0xa8: {  	s4 =	sshll.u32 s28, $0x1;
	[dreg:$0x2] =	wrdreg s2  }
0xa9: {  	[dreg:$0x3] =	wrdreg s4  }
0xaa: {  	[dreg:$0x4] =	wrdreg $0xC0  }
0xab: {  	_ =	task [dreg:s6], $0x5FFFF  }
0xac: {  	[dreg:$0x1] =	wrdreg $0xFFFFFFFF  }
0xad: {  	[dreg:$0x0] =	wrdreg $0x60  }
0xae: {  	[dreg:$0x2] =	wrdreg s24  }
0xaf: {  	[dreg:$0x3] =	wrdreg $0x9  }
0xb0: {  	_ =	task.clear_ibuf [dreg:s6], $0x4FFFF;
	_ =	strace $0x90000046  }
0xb1: {  	s29 =	simm.s32 $0x9;
	_ =	strace $0x80000048  }
0xb2: {  	_ =	swait.ge [sflag:s29], $0x1  }
0xb3: {  	[sflag:s29] =	ssyncadd.s32 $0xFFFFFFFF  }
0xb4: {  	_ =	strace $0x90000048  }
0xb5: {  	_ =	sfence  }
0xb6: {  	s30 =	sld [smem:$0x0];
	_ =	sdelay $0x2  }
0xb7: {  	s31 =	sshll.u32 s1, $0xD;
	s1 =	sshrl.u32 s1, $0x2  }
0xb8: {  	s3 =	sand.u32 $0x4000, s31;
	s1 =	sadd.s32 s1, s30  }
0xb9: {  	s0 =	sor.u32 s3, s0;
	s1 =	sshll.u32 s1, $0x11  }
0xba: {  	s0 =	sor.u32 s1, s0  }
0xbb: {  	s0 =	sadd.s32 $0x8F2B, s0  }
0xbc: {  	[sflag:s0] =	ssyncadd.remote.s32 $0x1  }
0xbd: {  	_ =	sfence.sel $0xFFFF  }
0xbe: {  	[dreg:$0x0] =	wrdreg $0xFFFFFFFF;
	(pc) =	sbr.abs _section_cstart, $3  }
0xbf: {  	[dreg:$0x1] =	wrdreg $0xFFFFFFFF  }
0xc0: {  	_ =	task.clear_ibuf [dreg:s6], $0x2FFFF;
	_ =	strace $0x9FFFFFFF  }
0xc1: {  	(tm) =	ssettm $0x7FFFFFFF  }
tec
execute0_lowered:
.L_overlay_start_1:
0x0: {  	(tag) =	ssettag $0x1  }
0x1: {  	s4 =	rddreg [dreg:$0x0]  }
0x2: {  	s0 =	rddreg [dreg:$0x1];
	s2 =	simm.s32 $0x0;
	s1 =	stileid.u32  }
0x3: {  	s3 =	srdreg.scid;
	s10 =	simm.s32 $0x0;
	s6 =	smul.u32 $0xC400, s1  }
0x4: {  	[smem:$0x7FF] =	sst s2;
	s5 =	sand.u32 $0x1, s3;
	s8 =	smul.u32 $0xC4000, s1  }
0x5: {  	s3 =	sadd.s32 $0x68800, s4;
	s7 =	smul.u32 $0x6200, s5;
	s9 =	ssub.s32 $0x2, s5  }
0x6: {  	_ =	strace $0x80000047;
	s5 =	smul.u32 $0x62000, s5;
	s31 =	sshrl.u32 s9, $0x1  }
0x7: {  	s8 =	sadd.s32 s8, s4;
	s6 =	sadd.s32 s7, s6;
	s7 =	ssub.s32 s9, s31  }
0x8: {  	s5 =	sadd.s32 s5, s8;
	s8 =	simm.s32 $0x80;
	s6 =	sshrl.u32 s6, $0x3  }
0x9: {  	s9 =	simm.s32 $0x1;
	s5 =	sadd.s32 $0x12BE00, s5;
	s6 =	sadd.s32 s6, s4  }
0xa: {  	s4 =	smax.u32 s7, $0x1;
	s7 =	simm.s32 $0x2;
	s6 =	sadd.s32 $0x50000, s6  }
.LBB2_1:
0xb: {  	s11 =	sadd.s32 $0x0, s6  }
0xc: {  	[tilespmem:s2], [sflag:$0x2] =	stream.linear.gather [hbm4b:s11+s2], $0x80, $0x38;
	[tilespmem:$0x4080] =	vst v63  }
0xd: {  	_ =	swait.ge [sflag:s7], $0x80  }
0xe: {  	[sflag:s7] =	ssyncset.done $0x0  }
0xf: {  	[sflag:s7] =	ssyncadd.s32 $0xFFFFFF80  }
0x10: {  	[tilespmem:s8], [sflag:$0x1] =	stream.indirect.gather [hbm4b:s3+s8], $0x80, s2, s8, $0xb8;
	[tilespmem:$0x4080] =	vst v63  }
0x11: {  	_ =	swait.ge [sflag:s9], $0x4000  }
0x12: {  	[sflag:s9] =	ssyncset.done $0x0  }
0x13: {  	[sflag:s9] =	ssyncadd.s32 $0xFFFFC000  }
0x14: {  	[hbm4b:s5+s2] =	stream.linear.scatter [tilespmem:s8], [sflag:$0x2], $0x4000, $0x38;
	[tilespmem:$0x4080] =	vst v63  }
0x15: {  	s12 =	simm.s32 $0x10;
	_ =	swait.ge [sflag:s7], $0x4000  }
0x16: {  	s13 =	simm.s32 $0x20;
	s11 =	sadd.s32 $0x800, s5;
	[sflag:s7] =	ssyncset.done $0x0  }
.LBB2_2:
0x17: {  	s14 =	sadd.s32 s12, s6  }
0x18: {  	[sflag:s7] =	ssyncadd.s32 $0xFFFFC000;
	s12 =	smov.u32 s13;
	s15 =	sadd.s32 $0x10, s13  }
0x19: {  	[tilespmem:s2], [sflag:$0x2] =	stream.linear.gather [hbm4b:s14+s2], $0x80, $0x38;
	[tilespmem:$0x4080] =	vst v63  }
0x1a: {  	p0 =	sne.s32 s13, $0xC30;
	_ =	swait.ge [sflag:s7], $0x80  }
0x1b: {  	[sflag:s7] =	ssyncset.done $0x0  }
0x1c: {  	[sflag:s7] =	ssyncadd.s32 $0xFFFFFF80  }
0x1d: {  	[tilespmem:s8], [sflag:$0x1] =	stream.indirect.gather [hbm4b:s3+s8], $0x80, s2, s8, $0xb8;
	[tilespmem:$0x4080] =	vst v63  }
0x1e: {  	_ =	swait.ge [sflag:s9], $0x4000  }
.Ltmp0:
0x1f: {  	[sflag:s9] =	ssyncset.done $0x0;
	(pc) =	sbr.rel @p0 .LBB2_2-.Ltmp0, $4  }
0x20: {  	[sflag:s9] =	ssyncadd.s32 $0xFFFFC000  }
0x21: {  	[hbm4b:s11+s2] =	stream.linear.scatter [tilespmem:s8], [sflag:$0x2], $0x4000, $0x38;
	[tilespmem:$0x4080] =	vst v63  }
0x22: {  	_ =	swait.ge [sflag:s7], $0x4000  }
0x23: {  	s13 =	smov.u32 s15;
	s11 =	sadd.s32 $0x800, s11;
	[sflag:s7] =	ssyncset.done $0x0  }
0x24: {  	s12 =	sadd.s32 s12, s6;
	[sflag:s7] =	ssyncadd.s32 $0xFFFFC000  }
0x25: {  	[tilespmem:s2], [sflag:$0x2] =	stream.linear.gather [hbm4b:s12+s2], $0x80, $0x38;
	[tilespmem:$0x4080] =	vst v63  }
0x26: {  	_ =	swait.ge [sflag:s7], $0x80  }
0x27: {  	[sflag:s7] =	ssyncset.done $0x0  }
0x28: {  	[sflag:s7] =	ssyncadd.s32 $0xFFFFFF80  }
0x29: {  	[tilespmem:s8], [sflag:$0x1] =	stream.indirect.gather [hbm4b:s3+s8], $0x80, s2, s8, $0xb8;
	[tilespmem:$0x4080] =	vst v63  }
0x2a: {  	s10 =	sadd.s32 $0x1, s10;
	_ =	swait.ge [sflag:s9], $0x4000  }
0x2b: {  	p0 =	sne.s32 s10, s4;
	[sflag:s9] =	ssyncset.done $0x0  }
.Ltmp1:
0x2c: {  	[sflag:s9] =	ssyncadd.s32 $0xFFFFC000;
	(pc) =	sbr.rel @p0 .LBB2_1-.Ltmp1, $4  }
0x2d: {  	[hbm4b:s11+s2] =	stream.linear.scatter [tilespmem:s8], [sflag:$0x2], $0x4000, $0x38;
	[tilespmem:$0x4080] =	vst v63  }
0x2e: {  	_ =	swait.ge [sflag:s7], $0x4000  }
0x2f: {  	[sflag:s7] =	ssyncset.done $0x0  }
0x30: {  	[sflag:s7] =	ssyncadd.s32 $0xFFFFC000  }
0x31: {  	_ =	sfence.sel $0x180000  }
0x32: {  	[bflag:$0x0] =	sbarrier.arrive $0xFFFF  }
0x33: {  	p0 =	sne.s32 s1, $0x0;
	_ =	strace $0x90000047  }
0x34: {  	s0 =	sadd.s32 @!p0 $0x100000, s0;
	[bflag:$0x2] =	sbarrier.arrive $0xFFFF  }
0x35: {  	[sflag:s0] =	ssyncadd.tile.s32 @!p0 $0x1;
	_ =	shalt  }
.Lfunc_end2:
_tile_overlayer_lowered:
.L_overlay_start_2:
0x36: {  	(tag) =	ssettag $0x2  }
0x37: {  	s0 =	rddreg [dreg:$0x0];
	s2 =	stileid.u32  }
0x38: {  	s1 =	rddreg [dreg:$0x1];
	p0 =	sne.s32 s2, $0x0  }
0x39: {  	s3 =	rddreg [dreg:$0x2];
	[bflag:$0x3] =	sbarrier.arrive $0xFFFF;
	s2 =	simm.s32 @!p0 $0x1C02  }
0x3a: {  	[timem:s3], [sflag:s2] =	dma.local @!p0 [hbm:s0], s1  }
0x3b: {  	s0 =	simm.s32 @!p0 $0x2  }
0x3c: {  	_ =	swait.ge @!p0 [sflag:s0], s1  }
0x3d: {  	s1 =	ssub.s32 @!p0 $0x0, s1;
	[sflag:s0] =	ssyncset.done @!p0 $0x0  }
0x3e: {  	[sflag:s0] =	ssyncadd.s32 @!p0 s1  }
0x3f: {  	[bflag:$0x3] =	sbarrier.arrive $0xFFFF  }
0x40: {  	_ =	shalt  }

// kernel: scatter_offload_async_start.1
scs
__scs_entry_jumppad:
0x0: {  	(pc) =	sbr.rel $0x88, $3  }
0x1: {  	(tag) =	ssettag $0x0;
	lr =	simm.s32 $0x1  }
0x2: {  	[smem:$0x3F8E] =	sst lr;
	_ =	strace $0xD0000000  }
0x3: {  	_ = 	snop  }
0x4: {  	_ = 	snop  }
0x5: {  	_ = 	snop  }
0x6: {  	_ = 	snop  }
0x7: {  	_ = 	snop  }
__scs_overlays_trampoline_lowered:
0x8: {  	[smem:$0x3F9D] =	sst s0  }
0x9: {  	[smem:$0x3F9E] =	sst s1  }
0xa: {  	[smem:$0x3F9F] =	sst s2  }
0xb: {  	[smem:$0x3FA0] =	sst s3  }
0xc: {  	[smem:$0x3FA1] =	sst s4  }
0xd: {  	[smem:$0x3FA2] =	sst s5  }
0xe: {  	[smem:$0x3FA3] =	sst s6  }
0xf: {  	[smem:$0x3FA4] =	sst s7  }
0x10: {  	[smem:$0x3FA5] =	sst s8  }
0x11: {  	[smem:$0x3FA6] =	sst s9;
	s0 =	simm.s32 @!p0 $0x0  }
0x12: {  	s1 =	sld [smem:$0x3F8C];
	s0 =	simm.s32 @p0 $0x1  }
0x13: {  	[smem:$0x3FA7] =	sst s0;
	s0 =	simm.s32 @!p1 $0x0  }
0x14: {  	s2 =	sld [smem:$0x3F8B];
	s0 =	simm.s32 @p1 $0x1  }
0x15: {  	[smem:$0x3FA8] =	sst s0;
	s0 =	simm.s32 @!p2 $0x0  }
0x16: {  	s3 =	sld [smem:$0x3FDB];
	s0 =	simm.s32 @p2 $0x1  }
0x17: {  	s4 =	simm.s32 $0x1BF5;
	[smem:$0x3FAA] =	sst s0  }
0x18: {  	s0 =	sld [smem:$0x3F8D];
	_ =	swait.ge [sflag:s4], $0x0  }
0x19: {  	s7 =	sld [smem:$0x3F8E]  }
0x1a: {  	s8 =	sadd.s32 $0xFFFFE003, lr  }
0x1b: {  	s9 =	sadd.s32 $0xFFFFFEF7, lr;
	s5 =	simm.s32 $0xFFFFFFFF;
	p2 =	slt.u32 s8, $0xFFFFF086  }
0x1c: {  	p1 =	slt.u32 s9, $0xF7A;
	s5 =	simm.s32 @!p2 $0x0  }
0x1d: {  	s5 =	simm.s32 @p1 $0x1;
	p0 =	seq.s32 s7, s2  }
0x1e: {  	s7 =	smul.u32 @!p0 $0xF7A, s2;
	p2 =	seq.s32 @!p0 s5, $0x0  }
0x1f: {  	s9 =	smul.u32 $0xF7A, s1;
	s8 =	simm.s32 @!p0 $0x1BF5;
	p2 =	por !p2, p0  }
0x20: {  	[sflag:s8] =	ssyncset.s32 @!p0 $0xFFFFF086;
	s6 =	sadd.s32 @!p0 s3, s7;
	s7 =	simm.s32 @!p0 $0x108  }
0x21: {  	s3 =	sadd.s32 s3, s9;
	s6 =	sadd.s32 @!p0 $0x88, s6;
	s7 =	simm.s32 @p2 $0x1082  }
0x22: {  	[simem:s7], [sflag:s8] =	dma.local @!p0 [hbm:s6], $0xF7A  }
0x23: {  	s9 =	sor.u32 $0xD0000000, s2;
	s6 =	simm.s32 $0x108;
	_ =	swait.ge @!p0 [sflag:s8], $0x0  }
0x24: {  	s3 =	sadd.s32 $0x88, s3;
	s6 =	simm.s32 @!p1 $0x1082;
	[sflag:s4] =	ssyncset.s32 $0xFFFFF086  }
0x25: {  	[simem:s6], [sflag:s4] =	dma.local [hbm:s3], $0xF7A  }
0x26: {  	[smem:$0x3F8E] =	sst s1;
	(tag) =	ssettag s2;
	_ =	strace s9  }
0x27: {  	s1 =	sld [smem:$0x3F9E]  }
0x28: {  	s2 =	sld [smem:$0x3F9F]  }
0x29: {  	s4 =	sld [smem:$0x3FA1]  }
0x2a: {  	p0 =	seq.s32 s5, $0x0;
	s5 =	sld [smem:$0x3FA2]  }
0x2b: {  	s6 =	sld [smem:$0x3FA3]  }
0x2c: {  	s7 =	sld [smem:$0x3FA4]  }
0x2d: {  	s3 =	simm.s32 $0x108;
	s8 =	sld [smem:$0x3FA5]  }
0x2e: {  	s3 =	simm.s32 @!p0 $0x1082;
	s9 =	sld [smem:$0x3FA6]  }
0x2f: {  	lr =	sadd.s32 s0, s3;
	s0 =	sld [smem:$0x3F9D]  }
0x30: {  	s3 =	sld [smem:$0x3FA0]  }
0x31: {  	[smem:$0x3FA9] =	sst s10  }
0x32: {  	s10 =	sld [smem:$0x3FA7];
	_ =	sdelay $0x3  }
0x33: {  	p0 =	seq.s32 s10, $0x1;
	s10 =	sld [smem:$0x3FA9];
	_ =	sdelay $0x3  }
0x34: {  	[smem:$0x3FA9] =	sst s10  }
0x35: {  	s10 =	sld [smem:$0x3FA8];
	_ =	sdelay $0x3  }
0x36: {  	p1 =	seq.s32 s10, $0x1;
	s10 =	sld [smem:$0x3FA9];
	_ =	sdelay $0x3  }
0x37: {  	[smem:$0x3FA9] =	sst s10  }
0x38: {  	s10 =	sld [smem:$0x3FAA]  }
0x39: {  	_ = 	snop;
	(pc) =	sbr.ind lr, $3  }
0x3a: {  	_ = 	snop  }
0x3b: {  	_ = 	snop  }
0x3c: {  	p2 =	seq.s32 s10, $0x1;
	s10 =	sld [smem:$0x3FA9]  }
0x3d: {  	_ =	shalt  }
0x3e: {  	_ =	shalt  }
0x3f: {  	_ =	shalt  }
0x40: {  	_ =	shalt  }
0x41: {  	_ =	shalt  }
0x42: {  	_ =	shalt  }
0x43: {  	_ =	shalt  }
0x44: {  	_ =	shalt  }
0x45: {  	_ =	shalt  }
0x46: {  	_ =	shalt  }
0x47: {  	_ =	shalt  }
0x48: {  	_ =	shalt  }
0x49: {  	_ =	shalt  }
0x4a: {  	_ =	shalt  }
0x4b: {  	_ =	shalt  }
0x4c: {  	_ =	shalt  }
0x4d: {  	_ =	shalt  }
0x4e: {  	_ =	shalt  }
0x4f: {  	_ =	shalt  }
0x50: {  	_ =	shalt  }
0x51: {  	_ =	shalt  }
0x52: {  	_ =	shalt  }
0x53: {  	_ =	shalt  }
0x54: {  	_ =	shalt  }
0x55: {  	_ =	shalt  }
0x56: {  	_ =	shalt  }
0x57: {  	_ =	shalt  }
0x58: {  	_ =	shalt  }
0x59: {  	_ =	shalt  }
0x5a: {  	_ =	shalt  }
0x5b: {  	_ =	shalt  }
0x5c: {  	_ =	shalt  }
0x5d: {  	_ =	shalt  }
0x5e: {  	_ =	shalt  }
0x5f: {  	_ =	shalt  }
0x60: {  	_ =	shalt  }
0x61: {  	_ =	shalt  }
0x62: {  	_ =	shalt  }
0x63: {  	_ =	shalt  }
0x64: {  	_ =	shalt  }
0x65: {  	_ =	shalt  }
0x66: {  	_ =	shalt  }
0x67: {  	_ =	shalt  }
0x68: {  	_ =	shalt  }
0x69: {  	_ =	shalt  }
0x6a: {  	_ =	shalt  }
0x6b: {  	_ =	shalt  }
0x6c: {  	_ =	shalt  }
0x6d: {  	_ =	shalt  }
0x6e: {  	_ =	shalt  }
0x6f: {  	_ =	shalt  }
0x70: {  	_ =	shalt  }
0x71: {  	_ =	shalt  }
0x72: {  	_ =	shalt  }
0x73: {  	_ =	shalt  }
0x74: {  	_ =	shalt  }
0x75: {  	_ =	shalt  }
0x76: {  	_ =	shalt  }
0x77: {  	_ =	shalt  }
0x78: {  	_ =	shalt  }
0x79: {  	_ =	shalt  }
0x7a: {  	_ =	shalt  }
0x7b: {  	_ =	shalt  }
0x7c: {  	_ =	shalt  }
0x7d: {  	_ =	shalt  }
0x7e: {  	_ =	shalt  }
0x7f: {  	_ =	shalt  }
0x80: {  	_ =	shalt  }
0x81: {  	_ =	shalt  }
0x82: {  	_ =	shalt  }
0x83: {  	_ =	shalt  }
0x84: {  	_ =	shalt  }
0x85: {  	_ =	shalt  }
0x86: {  	_ =	shalt  }
0x87: {  	_ =	shalt  }
.Lfunc_end0:
.L_simem_size_0:
called_computation.1_lowered:
.L_overlay_start_0:
0x88: {  	s2 =	sld [smem:$0x3FD9]  }
0x89: {  	s3 =	sld [smem:$0x3FFE];
	_ =	sdelay $0x1  }
0x8a: {  	s1 =	srdreg.scid  }
0x8b: {  	s0 =	sand.u32 $0x1, s1  }
0x8c: {  	s12 =	sshll.u32 s0, $0xA;
	s2 =	sadd.s32 s3, s2  }
0x8d: {  	s2 =	sadd.s32 s2, s12  }
0x8e: {  	[smem:$0x3FB5] =	sst s2  }
0x8f: {  	_ = 	snop  }
0x90: {  	(tm) =	ssettm $0x1  }
0x91: {  	s13 =	sld [smem:$0x3FFB];
	_ =	sdelay $0x3  }
0x92: {  	_ =	strace s13  }
0x93: {  	s2 =	sld [smem:$0x3FFC];
	_ =	sdelay $0x3  }
0x94: {  	_ =	strace s2  }
0x95: {  	s2 =	sld [smem:$0x3FFD];
	_ =	sdelay $0x3  }
0x96: {  	_ =	strace s2  }
0x97: {  	_ =	strace $0x8FFFFFFF  }
0x98: {  	s14 =	sld [smem:$0x3FDB];
	_ =	sdelay $0x1  }
0x99: {  	s15 =	simm.s32 $_scs_section_size  }
0x9a: {  	s4 =	simm.s32 $_size__tile_overlayer_lowered;
	s5 =	simm.s32 $_tile_overlayer_lowered  }
0x9b: {  	s19 =	simm.s32 $0x1BFF;
	s17 =	sshll.u32 s5, $0x1;
	s6 =	sadd.s32 s15, s14  }
0x9c: {  	s20 =	simm.s32 $0x0;
	s16 =	sshll.u32 s4, $0x1;
	s18 =	sadd.s32 s17, s6  }
0x9d: {  	[timem:s20], [sflag:s19] =	dma.local [hbm:s18], s16  }
0x9e: {  	_ =	swait.ge [sflag:s19], s16  }
0x9f: {  	s3 =	ssub.s32 $0x0, s16;
	[sflag:s19] =	ssyncset.done $0x0  }
0xa0: {  	[sflag:s19] =	ssyncadd.s32 s3;
	_ =	sdelay $0x1  }
0xa1: {  	s21 =	simm.s32 $0x1B8B  }
0xa2: {  	_ =	swait.ge [sflag:s21], $0x1  }
0xa3: {  	[sflag:s21] =	ssyncset.done $0x0  }
0xa4: {  	[sflag:s21] =	ssyncadd.s32 $0xFFFFFFFF  }
0xa5: {  	s3 =	sld [smem:$0x0]  }
0xa6: {  	s4 =	sand.u32 $0xFFFFFFFE, s1  }
0xa7: {  	p0 =	sne.s32 s1, s4  }
0xa8: {  	s4 =	sshll.u32 @p0 s4, $0xE  }
0xa9: {  	s5 =	sadd.s32 @p0 $0x11B8D, s4;
	s7 =	sshll.u32 @p0 s3, $0x11  }
0xaa: {  	s5 =	sor.u32 @p0 s7, s5  }
0xab: {  	[sflag:s5] =	ssyncadd.remote.s32 @p0 $0x1;
	_ =	sdelay $0x1  }
0xac: {  	s5 =	simm.s32 @p0 $0x1B8D  }
0xad: {  	_ =	swait.eq @p0 [sflag:s5], $0x1  }
0xae: {  	[sflag:s5] =	ssyncadd.s32 @p0 $0xFFFFFFFF  }
0xaf: {  	s7 =	sshll.u32 @!p0 s1, $0xE  }
0xb0: {  	s7 =	sor.u32 @!p0 $0x4000, s7;
	s5 =	simm.s32 @!p0 $0x1B8D  }
0xb1: {  	s9 =	sshll.u32 @!p0 s3, $0x11;
	s8 =	sadd.s32 @!p0 $0x11B8D, s7;
	_ =	swait.eq @!p0 [sflag:s5], $0x1  }
0xb2: {  	[sflag:s5] =	ssyncadd.s32 @!p0 $0xFFFFFFFF;
	s5 =	sor.u32 @!p0 s9, s8  }
0xb3: {  	s23 =	simm.s32 $0x1B8E;
	s22 =	sld [smem:$0x3FFE];
	[sflag:s5] =	ssyncadd.remote.s32 @!p0 $0x1  }
0xb4: {  	s24 =	simm.s32 $execute0_lowered;
	[smem:$0x3FD2] =	sst s23  }
0xb5: {  	s8 =	sshll.u32 s24, $0x1;
	_ =	strace $0x8000006A;
	[dreg:$0x1] =	wrdreg $0xFFFFFFFF  }
0xb6: {  	s25 =	simm.s32 $_size_execute0_lowered;
	s8 =	sadd.s32 s6, s8;
	[dreg:$0x0] =	wrdreg $0x0  }
0xb7: {  	s9 =	sshll.u32 s25, $0x1;
	[dreg:$0x2] =	wrdreg s8  }
0xb8: {  	[dreg:$0x3] =	wrdreg s9  }
0xb9: {  	[dreg:$0x4] =	wrdreg $0xC0  }
0xba: {  	s26 =	simm.s32 $execute1_lowered;
	_ =	task [dreg:s20], $0x5FFFF  }
0xbb: {  	s8 =	sshll.u32 s26, $0x1;
	[dreg:$0x1] =	wrdreg $0xFFFFFFFF  }
0xbc: {  	s6 =	sadd.s32 s6, s8;
	[dreg:$0x0] =	wrdreg $0x60  }
0xbd: {  	[dreg:$0x2] =	wrdreg s6  }
0xbe: {  	[dreg:$0x3] =	wrdreg s22  }
0xbf: {  	[dreg:$0x4] =	wrdreg $0x9  }
0xc0: {  	_ =	task.clear_ibuf [dreg:s20], $0x5FFFF;
	_ =	strace $0x9000006A  }
0xc1: {  	s28 =	simm.s32 $0x9;
	_ =	strace $0x8000006C  }
0xc2: {  	_ =	swait.ge [sflag:s28], $0x1  }
0xc3: {  	[sflag:s28] =	ssyncadd.s32 $0xFFFFFFFF  }
0xc4: {  	_ =	strace $0x9000006C  }
0xc5: {  	s6 =	sld [smem:$0x0];
	_ =	sdelay $0x3  }
0xc6: {  	s4 =	sadd.s32 @p0 $0x11BF3, s4;
	s8 =	sshll.u32 @p0 s6, $0x11  }
0xc7: {  	s4 =	sor.u32 @p0 s8, s4  }
0xc8: {  	[sflag:s4] =	ssyncadd.remote.s32 @p0 $0x1;
	_ =	sdelay $0x1  }
0xc9: {  	s4 =	simm.s32 @p0 $0x1BF3  }
0xca: {  	_ =	swait.eq @p0 [sflag:s4], $0x1  }
0xcb: {  	[sflag:s4] =	ssyncadd.s32 @p0 $0xFFFFFFFF;
	_ =	sdelay $0x1  }
0xcc: {  	s4 =	simm.s32 @!p0 $0x1BF3  }
0xcd: {  	s7 =	sadd.s32 @!p0 $0x11BF3, s7;
	s6 =	sshll.u32 @!p0 s6, $0x11;
	_ =	swait.eq @!p0 [sflag:s4], $0x1  }
0xce: {  	[sflag:s4] =	ssyncadd.s32 @!p0 $0xFFFFFFFF;
	s4 =	sor.u32 @!p0 s6, s7  }
0xcf: {  	[sflag:s4] =	ssyncadd.remote.s32 @!p0 $0x1  }
0xd0: {  	_ =	strace $0x8000006D;
	[dreg:$0x1] =	wrdreg $0xFFFFFFFF  }
0xd1: {  	[dreg:$0x0] =	wrdreg $0x2030  }
0xd2: {  	[dreg:$0x2] =	wrdreg s22  }
0xd3: {  	[dreg:$0x3] =	wrdreg s1  }
0xd4: {  	[dreg:$0x4] =	wrdreg s3  }
0xd5: {  	[dreg:$0x5] =	wrdreg $0xA  }
0xd6: {  	_ =	task.clear_ibuf [dreg:s20], $0x6FFFF;
	_ =	strace $0x9000006D  }
0xd7: {  	s29 =	simm.s32 $0xA;
	_ =	strace $0x8000006F  }
0xd8: {  	_ =	swait.ge [sflag:s29], $0x1  }
0xd9: {  	[sflag:s29] =	ssyncadd.s32 $0xFFFFFFFF  }
0xda: {  	_ =	strace $0x9000006F  }
0xdb: {  	_ =	sfence  }
0xdc: {  	s30 =	sld [smem:$0x0];
	_ =	sdelay $0x2  }
0xdd: {  	s31 =	sshll.u32 s1, $0xD;
	s1 =	sshrl.u32 s1, $0x2  }
0xde: {  	s4 =	sand.u32 $0x4000, s31;
	s1 =	sadd.s32 s1, s30  }
0xdf: {  	s0 =	sor.u32 s4, s0;
	s1 =	sshll.u32 s1, $0x11  }
0xe0: {  	s0 =	sor.u32 s1, s0  }
0xe1: {  	s0 =	sadd.s32 $0x8F2B, s0  }
0xe2: {  	[sflag:s0] =	ssyncadd.remote.s32 $0x1  }
0xe3: {  	_ =	sfence.sel $0xFFFF  }
0xe4: {  	[dreg:$0x0] =	wrdreg $0xFFFFFFFF;
	(pc) =	sbr.abs _section_cstart, $3  }
0xe5: {  	[dreg:$0x1] =	wrdreg $0xFFFFFFFF  }
0xe6: {  	_ =	task.clear_ibuf [dreg:s20], $0x2FFFF;
	_ =	strace $0x9FFFFFFF  }
0xe7: {  	(tm) =	ssettm $0x7FFFFFFF  }
tec
execute0_lowered:
.L_overlay_start_1:
0x0: {  	(tag) =	ssettag $0x1  }
0x1: {  	s2 =	rddreg [dreg:$0x0]  }
0x2: {  	s5 =	rddreg [dreg:$0x1]  }
0x3: {  	s0 =	rddreg [dreg:$0x2];
	s3 =	stileid.u32;
	[bflag:$0x3] =	sbarrier.arrive $0xFFFF  }
0x4: {  	s1 =	simm.s32 $_size_execute1_lowered;
	s29 =	srdreg.scid;
	s31 =	simm.s32 $0x2  }
0x5: {  	s13 =	simm.s32 $0x0;
	s8 =	simm.s32 $0x20;
	p0 =	sne.s32 s3, $0x0  }
0x6: {  	s1 =	sshll.u32 s1, $0x1;
	s4 =	simm.s32 @!p0 $0x1C3F;
	s6 =	simm.s32 @!p0 $0x4060  }
0x7: {  	[timem:s6], [sflag:s4] =	dma.local @!p0 [hbm:s2], s1  }
0x8: {  	s9 =	simm.s32 $0x80;
	s11 =	simm.s32 $0x0;
	s2 =	sshll.u32 s29, $0x9  }
.Ltmp0:
0x9: {  	s3 =	sshll.u32 s3, $0xA;
	s30 =	sand.u32 $0x200, s2;
	(pc) =	sbr.rel .LBB2_1-.Ltmp0, $4  }
0xa: {  	s12 =	simm.s32 $0x0;
	s4 =	simm.s32 $0x1;
	s3 =	sor.u32 s3, s30  }
0xb: {  	_ =	strace $0x8000006B;
	s2 =	sadd.s32 $0xCE7000, s5;
	s7 =	ssub.s32 $0xC200, s3  }
0xc: {  	s5 =	sadd.s32 $0xE6DC00, s5;
	[sflag:s4] =	ssyncpa.u1 $0x0;
	s6 =	sshrl.u32 s7, $0xE  }
0xd: {  	[sflag:s31] =	ssyncpa.u1 $0x0;
	s10 =	smov.u32 s3;
	s7 =	sadd.s32 $0x2, s6  }
.LBB2_5:
0xe: {  	_ =	sdelay $0x3  }
0xf: {  	[tilespmem:v1+s16+$0x0 ss:$0x1] =	vst.idx.msk $0xffff, v2  }
.LBB2_6:
0x10: {  	s16 =	sand.u32 $0x1FFFFFF, s11  }
0x11: {  	s17 =	smulhi.u32 $0x14F8B59, s16;
	_ =	sdelay $0x1  }
0x12: {  	s17 =	sshrl.u32 s17, $0x8  }
0x13: {  	s17 =	smul.u32 $0xC350, s17;
	_ =	sdelay $0x1  }
0x14: {  	s16 =	ssub.s32 s16, s17  }
0x15: {  	s16 =	sshll.u32 s16, $0x4  }
0x16: {  	s16 =	sadd.s32 s5, s16  }
0x17: {  	[hbm4b:s16+s8] =	stream.strided.scatter [tilespmem:s15], [sflag:$0x2], s14, s9, s8, $0x38;
	[tilespmem:$0x10000] =	vst v63  }
.LBB2_7:
0x18: {  	p1 =	slt.u32 s12, $0x2  }
0x19: {  	p2 =	sgt.s32 @!p1 s13, $0xC150  }
0x1a: {  	s14 =	smov.u32 s13;
	s15 =	sshra.s32 @!p1 s13, $0x1F;
	p2 =	por !p2, p1  }
0x1b: {  	s13 =	sand.u32 @!p1 s15, s13;
	s14 =	simm.s32 @p2 $0xC150  }
0x1c: {  	s13 =	ssub.s32 @!p1 s14, s13  }
0x1d: {  	s13 =	sadd.s32 @!p1 $0xFFFF3EB0, s13  }
0x1e: {  	s14 =	sshll.u32 @!p1 s13, $0x7  }
0x1f: {  	p2 =	sgt.s32 @!p1 s13, $0x1FF;
	s13 =	ssub.s32 @!p1 $0x10000, s14  }
0x20: {  	s15 =	sadd.s32 $0x4000, s10;
	p2 =	por !p2, p1;
	s13 =	sshrl.u32 @!p1 s13, $0x2  }
0x21: {  	s13 =	simm.s32 @!p2 $0x0;
	p2 =	sgt.s32 s15, $0xC34F  }
0x22: {  	s15 =	smov.u32 @p2 s3;
	p2 =	sne.s32 s12, s7  }
.Ltmp1:
0x23: {  	_ = 	snop;
	(pc) =	sbr.rel @!p2 .LBB2_8-.Ltmp1, $4  }
0x24: {  	s14 =	simm.s32 @!p1 $0x2  }
0x25: {  	_ =	swait.ge @!p1 [sflag:s14], s13;
	s16 =	ssub.s32 @!p1 $0x0, s13  }
0x26: {  	s13 =	smov.u32 s11;
	s12 =	sadd.s32 $0x1, s12;
	[sflag:s14] =	ssyncset.done @!p1 $0x0  }
0x27: {  	s11 =	smov.u32 s10;
	s10 =	smov.u32 s15;
	[sflag:s14] =	ssyncadd.s32 @!p1 s16  }
.LBB2_1:
0x28: {  	p1 =	sgt.u32 s12, s6  }
0x29: {  	s15 =	smov.u32 s10;
	p2 =	sgt.s32 @!p1 s10, $0xC150  }
0x2a: {  	s14 =	sand.u32 @!p1 $0x1FFFFFF, s10;
	s16 =	sshra.s32 @!p1 s10, $0x1F;
	p2 =	por !p2, p1  }
0x2b: {  	s17 =	smulhi.u32 @!p1 $0x14F8B59, s14;
	s16 =	sand.u32 @!p1 s16, s10;
	s15 =	simm.s32 @p2 $0xC150  }
0x2c: {  	s15 =	ssub.s32 @!p1 s15, s16  }
0x2d: {  	s16 =	sshrl.u32 @!p1 s17, $0x8;
	s15 =	sadd.s32 @!p1 $0xFFFF3EB0, s15  }
0x2e: {  	s17 =	sxor.u32 @!p1 $0xFFFFFFFF, s12;
	s16 =	smul.u32 @!p1 $0xC350, s16;
	s18 =	sshll.u32 @!p1 s15, $0x7  }
0x2f: {  	s17 =	sshll.u32 @!p1 s17, $0xE;
	p2 =	sgt.s32 @!p1 s15, $0x1FF;
	s15 =	ssub.s32 @!p1 $0x10000, s18  }
0x30: {  	s14 =	ssub.s32 @!p1 s14, s16;
	p2 =	por !p2, p1;
	s16 =	sand.u32 @!p1 $0x4000, s17  }
0x31: {  	s17 =	simm.s32 @!p1 $0x20;
	s15 =	sshrl.u32 @!p1 s15, $0x2;
	s14 =	sshll.u32 @!p1 s14, $0x4  }
0x32: {  	s18 =	simm.s32 @!p1 $0x80;
	s15 =	simm.s32 @!p2 $0x0;
	s14 =	sadd.s32 @!p1 s2, s14  }
0x33: {  	[tilespmem:s16], [sflag:$0x1] =	stream.strided.gather @!p1 [hbm4b:s14+s17], s15, s18, s17, $0x38;
	[tilespmem:$0x10000] =	vst v63  }
0x34: {  	p1 =	seq.s32 s12, $0x0  }
0x35: {  	p2 =	sge.u32 @!p1 s12, s7  }
0x36: {  	p1 =	por p1, p2  }
.Ltmp2:
0x37: {  	_ = 	snop;
	(pc) =	sbr.rel @p1 .LBB2_7-.Ltmp2, $1  }
0x38: {  	_ =	sdelay $0x3  }
0x39: {  	p1 =	sgt.s32 s11, $0xC150;
	s14 =	smov.u32 s11;
	s15 =	sshra.s32 s11, $0x1F  }
0x3a: {  	s14 =	simm.s32 @!p1 $0xC150;
	s15 =	sand.u32 s15, s11  }
0x3b: {  	s14 =	ssub.s32 s14, s15  }
0x3c: {  	s14 =	sadd.s32 $0xFFFF3EB0, s14  }
0x3d: {  	s31 =	sshll.u32 s14, $0x7  }
0x3e: {  	s15 =	ssub.s32 $0x10000, s31  }
0x3f: {  	p1 =	sgt.s32 s14, $0x1FF;
	s14 =	sshrl.u32 s15, $0x2;
	s15 =	sadd.s32 $0x200, s11  }
0x40: {  	s14 =	simm.s32 @p1 $0x0;
	p1 =	slt.s32 s15, $0xC350  }
0x41: {  	s15 =	simm.s32 @!p1 $0xC350  }
0x42: {  	s17 =	ssub.s32 s15, s11  }
0x43: {  	p1 =	slt.s32 s17, $0x1  }
.Ltmp3:
0x44: {  	_ = 	snop;
	(pc) =	sbr.rel @p1 .LBB2_6-.Ltmp3, $4  }
0x45: {  	_ = 	snop  }
0x46: {  	s16 =	sshll.u32 s12, $0xE;
	_ =	swait.ge [sflag:s4], s14  }
0x47: {  	s16 =	sand.u32 $0x4000, s16;
	s18 =	ssub.s32 $0x0, s14;
	[sflag:s4] =	ssyncset.done $0x0  }
0x48: {  	s15 =	sor.u32 $0x8000, s16;
	[sflag:s4] =	ssyncadd.s32 s18  }
0x49: {  	v0 =	vmov s16;
	_ =	sdelay $0x2  }
0x4a: {  	s31 =	simm.s32 $0x0;
	p1 =	sne.s32 s17, $0x1  }
.Ltmp4:
0x4b: {  	s16 =	sand.u32 $0x3FE0, s31;
	(pc) =	sbr.rel @!p1 .LBB2_5-.Ltmp4, $2  }
0x4c: {  	v1 =	vmov s15;
	v2 =	vld.idx.msk [tilespmem:v0+s16+$0x0 ss:$0x1], $0xffff;
	_ =	sdelay $0x2  }
0x4d: {  	s17 =	sadd.s32 $0xFFFFFFFF, s17;
	s18 =	simm.s32 $0x20  }
.LBB2_4:
0x4e: {  	s19 =	sand.u32 $0x3FE0, s18;
	p1 =	sne.s32 s17, $0x1;
	s17 =	sadd.s32 $0xFFFFFFFF, s17  }
.Ltmp5:
0x4f: {  	[tilespmem:v1+s16+$0x0 ss:$0x1] =	vst.idx.msk $0xffff, v2;
	v2 =	vld.idx.msk [tilespmem:v0+s19+$0x0 ss:$0x1], $0xffff;
	s16 =	smov.u32 s19;
	(pc) =	sbr.rel @p1 .LBB2_4-.Ltmp5, $2  }
0x50: {  	_ =	sdelay $0x2  }
0x51: {  	s18 =	sadd.s32 $0x20, s18  }
.Ltmp6:
0x52: {  	_ = 	snop;
	(pc) =	sbr.rel .LBB2_5-.Ltmp6, $1  }
0x53: {  	_ =	sdelay $0x3  }
.LBB2_8:
0x54: {  	_ =	sfence.sel $0x180000  }
0x55: {  	s2 =	simm.s32 $0x1;
	[bflag:$0x0] =	sbarrier.arrive $0xFFFF  }
0x56: {  	s31 =	simm.s32 $0x2;
	[sflag:s2] =	ssyncpa.u1 $0x1  }
0x57: {  	[sflag:s31] =	ssyncpa.u1 $0x1  }
0x58: {  	_ =	strace $0x9000006B  }
0x59: {  	s0 =	sadd.s32 @!p0 $0x100000, s0;
	[bflag:$0x2] =	sbarrier.arrive $0xFFFF  }
0x5a: {  	[sflag:s0] =	ssyncadd.tile.s32 @!p0 $0x1;
	s0 =	simm.s32 @!p0 $0x3F  }
0x5b: {  	_ =	swait.ge @!p0 [sflag:s0], s1  }
0x5c: {  	s1 =	ssub.s32 @!p0 $0x0, s1;
	[sflag:s0] =	ssyncset.done @!p0 $0x0  }
0x5d: {  	[sflag:s0] =	ssyncadd.s32 @!p0 s1  }
0x5e: {  	[bflag:$0x3] =	sbarrier.arrive $0xFFFF  }
0x5f: {  	_ =	shalt  }
.Lfunc_end2:
execute1_lowered:
.L_overlay_start_2:
0x60: {  	(tag) =	ssettag $0x2  }
0x61: {  	s11 =	rddreg [dreg:$0x0]  }
0x62: {  	s2 =	rddreg [dreg:$0x1];
	_ =	strace $0x8000006E;
	s12 =	simm.s32 $0x1  }
0x63: {  	v0 =	vimm.s32 $0x0;
	[sflag:s12] =	ssyncpa.u1 $0x0  }
0x64: {  	[tilespmem:$0x28] =	vst v0  }
0x65: {  	[tilespmem:$0x38] =	vst v0  }
0x66: {  	[tilespmem:$0x48] =	vst v0  }
0x67: {  	[tilespmem:$0x58] =	vst v0  }
0x68: {  	[tilespmem:$0x68] =	vst v0  }
0x69: {  	[tilespmem:$0x78] =	vst v0  }
0x6a: {  	[tilespmem:$0x88] =	vst v0  }
0x6b: {  	[tilespmem:$0x98] =	vst v0  }
0x6c: {  	[tilespmem:$0xA8] =	vst v0  }
0x6d: {  	[tilespmem:$0xB8] =	vst v0  }
0x6e: {  	[tilespmem:$0xC8] =	vst v0  }
0x6f: {  	[tilespmem:$0xD8] =	vst v0  }
0x70: {  	[tilespmem:$0xE8] =	vst v0  }
0x71: {  	[tilespmem:$0xF8] =	vst v0  }
0x72: {  	[tilespmem:$0x108] =	vst v0  }
0x73: {  	[tilespmem:$0x118] =	vst v0  }
0x74: {  	[tilespmem:$0x128] =	vst v0  }
0x75: {  	[tilespmem:$0x138] =	vst v0  }
0x76: {  	[tilespmem:$0x148] =	vst v0  }
0x77: {  	[tilespmem:$0x158] =	vst v0  }
0x78: {  	[tilespmem:$0x168] =	vst v0  }
0x79: {  	[tilespmem:$0x178] =	vst v0  }
0x7a: {  	[tilespmem:$0x188] =	vst v0  }
0x7b: {  	[tilespmem:$0x198] =	vst v0  }
0x7c: {  	[tilespmem:$0x1A8] =	vst v0  }
0x7d: {  	[tilespmem:$0x1B8] =	vst v0  }
0x7e: {  	[tilespmem:$0x1C8] =	vst v0  }
0x7f: {  	[tilespmem:$0x1D8] =	vst v0  }
0x80: {  	[tilespmem:$0x1E8] =	vst v0  }
0x81: {  	[tilespmem:$0x1F8] =	vst v0  }
0x82: {  	[tilespmem:$0x208] =	vst v0  }
0x83: {  	[tilespmem:$0x218] =	vst v0  }
0x84: {  	[tilespmem:$0x228] =	vst v0  }
0x85: {  	[tilespmem:$0x238] =	vst v0  }
0x86: {  	[tilespmem:$0x248] =	vst v0  }
0x87: {  	[tilespmem:$0x258] =	vst v0  }
0x88: {  	[tilespmem:$0x268] =	vst v0  }
0x89: {  	[tilespmem:$0x278] =	vst v0  }
0x8a: {  	[tilespmem:$0x288] =	vst v0  }
0x8b: {  	[tilespmem:$0x298] =	vst v0  }
0x8c: {  	[tilespmem:$0x2A8] =	vst v0  }
0x8d: {  	[tilespmem:$0x2B8] =	vst v0  }
0x8e: {  	[tilespmem:$0x2C8] =	vst v0  }
0x8f: {  	[tilespmem:$0x2D8] =	vst v0  }
0x90: {  	[tilespmem:$0x2E8] =	vst v0  }
0x91: {  	[tilespmem:$0x2F8] =	vst v0  }
0x92: {  	[tilespmem:$0x308] =	vst v0  }
0x93: {  	[tilespmem:$0x318] =	vst v0  }
0x94: {  	[tilespmem:$0x328] =	vst v0  }
0x95: {  	[tilespmem:$0x338] =	vst v0  }
0x96: {  	[tilespmem:$0x348] =	vst v0  }
0x97: {  	[tilespmem:$0x358] =	vst v0  }
0x98: {  	[tilespmem:$0x368] =	vst v0  }
0x99: {  	[tilespmem:$0x378] =	vst v0  }
0x9a: {  	[tilespmem:$0x388] =	vst v0  }
0x9b: {  	[tilespmem:$0x398] =	vst v0  }
0x9c: {  	[tilespmem:$0x3A8] =	vst v0  }
0x9d: {  	[tilespmem:$0x3B8] =	vst v0  }
0x9e: {  	[tilespmem:$0x3C8] =	vst v0  }
0x9f: {  	[tilespmem:$0x3D8] =	vst v0  }
0xa0: {  	[tilespmem:$0x3E8] =	vst v0  }
0xa1: {  	[tilespmem:$0x3F8] =	vst v0  }
0xa2: {  	[tilespmem:$0x408] =	vst v0  }
0xa3: {  	[tilespmem:$0x418] =	vst v0  }
0xa4: {  	[tilespmem:$0x428] =	vst v0  }
0xa5: {  	[tilespmem:$0x438] =	vst v0  }
0xa6: {  	[tilespmem:$0x448] =	vst v0  }
0xa7: {  	[tilespmem:$0x458] =	vst v0  }
0xa8: {  	[tilespmem:$0x468] =	vst v0  }
0xa9: {  	[tilespmem:$0x478] =	vst v0  }
0xaa: {  	[tilespmem:$0x488] =	vst v0  }
0xab: {  	[tilespmem:$0x498] =	vst v0  }
0xac: {  	[tilespmem:$0x4A8] =	vst v0  }
0xad: {  	[tilespmem:$0x4B8] =	vst v0  }
0xae: {  	[tilespmem:$0x4C8] =	vst v0  }
0xaf: {  	[tilespmem:$0x4D8] =	vst v0  }
0xb0: {  	[tilespmem:$0x4E8] =	vst v0  }
0xb1: {  	[tilespmem:$0x4F8] =	vst v0  }
0xb2: {  	[tilespmem:$0x508] =	vst v0  }
0xb3: {  	[tilespmem:$0x518] =	vst v0  }
0xb4: {  	[tilespmem:$0x528] =	vst v0  }
0xb5: {  	[tilespmem:$0x538] =	vst v0  }
0xb6: {  	[tilespmem:$0x548] =	vst v0  }
0xb7: {  	[tilespmem:$0x558] =	vst v0  }
0xb8: {  	[tilespmem:$0x568] =	vst v0  }
0xb9: {  	[tilespmem:$0x578] =	vst v0  }
0xba: {  	[tilespmem:$0x588] =	vst v0  }
0xbb: {  	[tilespmem:$0x598] =	vst v0  }
0xbc: {  	[tilespmem:$0x5A8] =	vst v0  }
0xbd: {  	[tilespmem:$0x5B8] =	vst v0  }
0xbe: {  	[tilespmem:$0x5C8] =	vst v0  }
0xbf: {  	[tilespmem:$0x5D8] =	vst v0  }
0xc0: {  	[tilespmem:$0x5E8] =	vst v0  }
0xc1: {  	[tilespmem:$0x5F8] =	vst v0  }
0xc2: {  	[tilespmem:$0x608] =	vst v0  }
0xc3: {  	[tilespmem:$0x618] =	vst v0  }
0xc4: {  	[tilespmem:$0x628] =	vst v0  }
0xc5: {  	[tilespmem:$0x638] =	vst v0  }
0xc6: {  	[tilespmem:$0x648] =	vst v0  }
0xc7: {  	[tilespmem:$0x658] =	vst v0  }
0xc8: {  	[tilespmem:$0x668] =	vst v0  }
0xc9: {  	[tilespmem:$0x678] =	vst v0  }
0xca: {  	[tilespmem:$0x688] =	vst v0  }
0xcb: {  	[tilespmem:$0x698] =	vst v0  }
0xcc: {  	[tilespmem:$0x6A8] =	vst v0  }
0xcd: {  	[tilespmem:$0x6B8] =	vst v0  }
0xce: {  	[tilespmem:$0x6C8] =	vst v0  }
0xcf: {  	[tilespmem:$0x6D8] =	vst v0  }
0xd0: {  	[tilespmem:$0x6E8] =	vst v0  }
0xd1: {  	[tilespmem:$0x6F8] =	vst v0  }
0xd2: {  	[tilespmem:$0x708] =	vst v0  }
0xd3: {  	[tilespmem:$0x718] =	vst v0  }
0xd4: {  	[tilespmem:$0x728] =	vst v0  }
0xd5: {  	[tilespmem:$0x738] =	vst v0  }
0xd6: {  	[tilespmem:$0x748] =	vst v0  }
0xd7: {  	[tilespmem:$0x758] =	vst v0  }
0xd8: {  	[tilespmem:$0x768] =	vst v0  }
0xd9: {  	[tilespmem:$0x778] =	vst v0  }
0xda: {  	[tilespmem:$0x788] =	vst v0  }
0xdb: {  	[tilespmem:$0x798] =	vst v0  }
0xdc: {  	[tilespmem:$0x7A8] =	vst v0  }
0xdd: {  	[tilespmem:$0x7B8] =	vst v0  }
0xde: {  	[tilespmem:$0x7C8] =	vst v0  }
0xdf: {  	[tilespmem:$0x7D8] =	vst v0  }
0xe0: {  	[tilespmem:$0x7E8] =	vst v0  }
0xe1: {  	[tilespmem:$0x7F8] =	vst v0  }
0xe2: {  	[tilespmem:$0x808] =	vst v0  }
0xe3: {  	[tilespmem:$0x818] =	vst v0  }
0xe4: {  	[tilespmem:$0x828] =	vst v0  }
0xe5: {  	[tilespmem:$0x838] =	vst v0  }
0xe6: {  	[tilespmem:$0x848] =	vst v0  }
0xe7: {  	[tilespmem:$0x858] =	vst v0  }
0xe8: {  	[tilespmem:$0x868] =	vst v0  }
0xe9: {  	[tilespmem:$0x878] =	vst v0  }
0xea: {  	[tilespmem:$0x888] =	vst v0  }
0xeb: {  	[tilespmem:$0x898] =	vst v0  }
0xec: {  	[tilespmem:$0x8A8] =	vst v0  }
0xed: {  	[tilespmem:$0x8B8] =	vst v0  }
0xee: {  	[tilespmem:$0x8C8] =	vst v0  }
0xef: {  	[tilespmem:$0x8D8] =	vst v0  }
0xf0: {  	[tilespmem:$0x8E8] =	vst v0  }
0xf1: {  	[tilespmem:$0x8F8] =	vst v0  }
0xf2: {  	[tilespmem:$0x908] =	vst v0  }
0xf3: {  	[tilespmem:$0x918] =	vst v0  }
0xf4: {  	[tilespmem:$0x928] =	vst v0  }
0xf5: {  	[tilespmem:$0x938] =	vst v0  }
0xf6: {  	[tilespmem:$0x948] =	vst v0  }
0xf7: {  	[tilespmem:$0x958] =	vst v0  }
0xf8: {  	[tilespmem:$0x968] =	vst v0  }
0xf9: {  	[tilespmem:$0x978] =	vst v0  }
0xfa: {  	[tilespmem:$0x988] =	vst v0  }
0xfb: {  	[tilespmem:$0x998] =	vst v0  }
0xfc: {  	[tilespmem:$0x9A8] =	vst v0  }
0xfd: {  	[tilespmem:$0x9B8] =	vst v0  }
0xfe: {  	[tilespmem:$0x9C8] =	vst v0  }
0xff: {  	[tilespmem:$0x9D8] =	vst v0  }
0x100: {  	[tilespmem:$0x9E8] =	vst v0  }
0x101: {  	[tilespmem:$0x9F8] =	vst v0  }
0x102: {  	[tilespmem:$0xA08] =	vst v0  }
0x103: {  	[tilespmem:$0xA18] =	vst v0  }
0x104: {  	[tilespmem:$0xA28] =	vst v0  }
0x105: {  	[tilespmem:$0xA38] =	vst v0  }
0x106: {  	[tilespmem:$0xA48] =	vst v0  }
0x107: {  	[tilespmem:$0xA58] =	vst v0  }
0x108: {  	[tilespmem:$0xA68] =	vst v0  }
0x109: {  	[tilespmem:$0xA78] =	vst v0  }
0x10a: {  	[tilespmem:$0xA88] =	vst v0  }
0x10b: {  	[tilespmem:$0xA98] =	vst v0  }
0x10c: {  	[tilespmem:$0xAA8] =	vst v0  }
0x10d: {  	[tilespmem:$0xAB8] =	vst v0  }
0x10e: {  	[tilespmem:$0xAC8] =	vst v0  }
0x10f: {  	[tilespmem:$0xAD8] =	vst v0  }
0x110: {  	[tilespmem:$0xAE8] =	vst v0  }
0x111: {  	[tilespmem:$0xAF8] =	vst v0  }
0x112: {  	[tilespmem:$0xB08] =	vst v0  }
0x113: {  	[tilespmem:$0xB18] =	vst v0  }
0x114: {  	[tilespmem:$0xB28] =	vst v0  }
0x115: {  	[tilespmem:$0xB38] =	vst v0  }
0x116: {  	[tilespmem:$0xB48] =	vst v0  }
0x117: {  	[tilespmem:$0xB58] =	vst v0  }
0x118: {  	[tilespmem:$0xB68] =	vst v0  }
0x119: {  	[tilespmem:$0xB78] =	vst v0  }
0x11a: {  	[tilespmem:$0xB88] =	vst v0  }
0x11b: {  	[tilespmem:$0xB98] =	vst v0  }
0x11c: {  	[tilespmem:$0xBA8] =	vst v0  }
0x11d: {  	[tilespmem:$0xBB8] =	vst v0  }
0x11e: {  	[tilespmem:$0xBC8] =	vst v0  }
0x11f: {  	[tilespmem:$0xBD8] =	vst v0  }
0x120: {  	[tilespmem:$0xBE8] =	vst v0  }
0x121: {  	[tilespmem:$0xBF8] =	vst v0  }
0x122: {  	[tilespmem:$0xC08] =	vst v0  }
0x123: {  	[tilespmem:$0xC18] =	vst v0  }
0x124: {  	[tilespmem:$0xC28] =	vst v0  }
0x125: {  	[tilespmem:$0xC38] =	vst v0  }
0x126: {  	[tilespmem:$0xC48] =	vst v0  }
0x127: {  	[tilespmem:$0xC58] =	vst v0  }
0x128: {  	[tilespmem:$0xC68] =	vst v0  }
0x129: {  	[tilespmem:$0xC78] =	vst v0  }
0x12a: {  	[tilespmem:$0xC88] =	vst v0  }
0x12b: {  	[tilespmem:$0xC98] =	vst v0  }
0x12c: {  	[tilespmem:$0xCA8] =	vst v0  }
0x12d: {  	[tilespmem:$0xCB8] =	vst v0  }
0x12e: {  	[tilespmem:$0xCC8] =	vst v0  }
0x12f: {  	[tilespmem:$0xCD8] =	vst v0  }
0x130: {  	[tilespmem:$0xCE8] =	vst v0  }
0x131: {  	[tilespmem:$0xCF8] =	vst v0  }
0x132: {  	[tilespmem:$0xD08] =	vst v0  }
0x133: {  	[tilespmem:$0xD18] =	vst v0  }
0x134: {  	[tilespmem:$0xD28] =	vst v0  }
0x135: {  	[tilespmem:$0xD38] =	vst v0  }
0x136: {  	[tilespmem:$0xD48] =	vst v0  }
0x137: {  	[tilespmem:$0xD58] =	vst v0  }
0x138: {  	[tilespmem:$0xD68] =	vst v0  }
0x139: {  	[tilespmem:$0xD78] =	vst v0  }
0x13a: {  	[tilespmem:$0xD88] =	vst v0  }
0x13b: {  	[tilespmem:$0xD98] =	vst v0  }
0x13c: {  	[tilespmem:$0xDA8] =	vst v0  }
0x13d: {  	[tilespmem:$0xDB8] =	vst v0  }
0x13e: {  	[tilespmem:$0xDC8] =	vst v0  }
0x13f: {  	[tilespmem:$0xDD8] =	vst v0  }
0x140: {  	[tilespmem:$0xDE8] =	vst v0  }
0x141: {  	[tilespmem:$0xDF8] =	vst v0  }
0x142: {  	[tilespmem:$0xE08] =	vst v0  }
0x143: {  	[tilespmem:$0xE18] =	vst v0  }
0x144: {  	[tilespmem:$0xE28] =	vst v0  }
0x145: {  	[tilespmem:$0xE38] =	vst v0  }
0x146: {  	[tilespmem:$0xE48] =	vst v0  }
0x147: {  	[tilespmem:$0xE58] =	vst v0  }
0x148: {  	[tilespmem:$0xE68] =	vst v0  }
0x149: {  	[tilespmem:$0xE78] =	vst v0  }
0x14a: {  	[tilespmem:$0xE88] =	vst v0  }
0x14b: {  	[tilespmem:$0xE98] =	vst v0  }
0x14c: {  	[tilespmem:$0xEA8] =	vst v0  }
0x14d: {  	[tilespmem:$0xEB8] =	vst v0  }
0x14e: {  	[tilespmem:$0xEC8] =	vst v0  }
0x14f: {  	[tilespmem:$0xED8] =	vst v0  }
0x150: {  	[tilespmem:$0xEE8] =	vst v0  }
0x151: {  	[tilespmem:$0xEF8] =	vst v0  }
0x152: {  	[tilespmem:$0xF08] =	vst v0  }
0x153: {  	[tilespmem:$0xF18] =	vst v0  }
0x154: {  	[tilespmem:$0xF28] =	vst v0  }
0x155: {  	[tilespmem:$0xF38] =	vst v0  }
0x156: {  	[tilespmem:$0xF48] =	vst v0  }
0x157: {  	[tilespmem:$0xF58] =	vst v0  }
0x158: {  	[tilespmem:$0xF68] =	vst v0  }
0x159: {  	[tilespmem:$0xF78] =	vst v0  }
0x15a: {  	[tilespmem:$0xF88] =	vst v0  }
0x15b: {  	[tilespmem:$0xF98] =	vst v0  }
0x15c: {  	[tilespmem:$0xFA8] =	vst v0  }
0x15d: {  	[tilespmem:$0xFB8] =	vst v0  }
0x15e: {  	[tilespmem:$0xFC8] =	vst v0  }
0x15f: {  	[tilespmem:$0xFD8] =	vst v0  }
0x160: {  	[tilespmem:$0xFE8] =	vst v0  }
0x161: {  	[tilespmem:$0xFF8] =	vst v0  }
0x162: {  	[tilespmem:$0x1028] =	vst v0  }
0x163: {  	[tilespmem:$0x10E8] =	vst v0  }
0x164: {  	[tilespmem:$0x1068] =	vst v0  }
0x165: {  	[tilespmem:$0x1B28] =	vst v0  }
0x166: {  	[tilespmem:$0x1B18] =	vst v0  }
0x167: {  	[tilespmem:$0x1B08] =	vst v0  }
0x168: {  	[tilespmem:$0x1AF8] =	vst v0  }
0x169: {  	[tilespmem:$0x1AE8] =	vst v0  }
0x16a: {  	[tilespmem:$0x1AD8] =	vst v0  }
0x16b: {  	[tilespmem:$0x1AC8] =	vst v0  }
0x16c: {  	[tilespmem:$0x1AB8] =	vst v0  }
0x16d: {  	[tilespmem:$0x1AA8] =	vst v0  }
0x16e: {  	[tilespmem:$0x1A98] =	vst v0  }
0x16f: {  	[tilespmem:$0x1A88] =	vst v0  }
0x170: {  	[tilespmem:$0x1A78] =	vst v0  }
0x171: {  	[tilespmem:$0x1A68] =	vst v0  }
0x172: {  	[tilespmem:$0x1A58] =	vst v0  }
0x173: {  	[tilespmem:$0x1A48] =	vst v0  }
0x174: {  	[tilespmem:$0x1A38] =	vst v0  }
0x175: {  	[tilespmem:$0x1A28] =	vst v0  }
0x176: {  	[tilespmem:$0x1A18] =	vst v0  }
0x177: {  	[tilespmem:$0x1A08] =	vst v0  }
0x178: {  	[tilespmem:$0x19F8] =	vst v0  }
0x179: {  	[tilespmem:$0x19E8] =	vst v0  }
0x17a: {  	[tilespmem:$0x19D8] =	vst v0  }
0x17b: {  	[tilespmem:$0x19C8] =	vst v0  }
0x17c: {  	[tilespmem:$0x19B8] =	vst v0  }
0x17d: {  	[tilespmem:$0x19A8] =	vst v0  }
0x17e: {  	[tilespmem:$0x1998] =	vst v0  }
0x17f: {  	[tilespmem:$0x1988] =	vst v0  }
0x180: {  	[tilespmem:$0x1978] =	vst v0  }
0x181: {  	[tilespmem:$0x1968] =	vst v0  }
0x182: {  	[tilespmem:$0x1958] =	vst v0  }
0x183: {  	[tilespmem:$0x1948] =	vst v0  }
0x184: {  	[tilespmem:$0x1938] =	vst v0  }
0x185: {  	[tilespmem:$0x1928] =	vst v0  }
0x186: {  	[tilespmem:$0x1918] =	vst v0  }
0x187: {  	[tilespmem:$0x1908] =	vst v0  }
0x188: {  	[tilespmem:$0x18F8] =	vst v0  }
0x189: {  	[tilespmem:$0x18E8] =	vst v0  }
0x18a: {  	[tilespmem:$0x18D8] =	vst v0  }
0x18b: {  	[tilespmem:$0x18C8] =	vst v0  }
0x18c: {  	[tilespmem:$0x18B8] =	vst v0  }
0x18d: {  	[tilespmem:$0x18A8] =	vst v0  }
0x18e: {  	[tilespmem:$0x1898] =	vst v0  }
0x18f: {  	[tilespmem:$0x1888] =	vst v0  }
0x190: {  	[tilespmem:$0x1878] =	vst v0  }
0x191: {  	[tilespmem:$0x1868] =	vst v0  }
0x192: {  	[tilespmem:$0x1858] =	vst v0  }
0x193: {  	[tilespmem:$0x1848] =	vst v0  }
0x194: {  	[tilespmem:$0x1838] =	vst v0  }
0x195: {  	[tilespmem:$0x1828] =	vst v0  }
0x196: {  	[tilespmem:$0x1818] =	vst v0  }
0x197: {  	[tilespmem:$0x1808] =	vst v0  }
0x198: {  	[tilespmem:$0x17F8] =	vst v0  }
0x199: {  	[tilespmem:$0x17E8] =	vst v0  }
0x19a: {  	[tilespmem:$0x17D8] =	vst v0  }
0x19b: {  	[tilespmem:$0x17C8] =	vst v0  }
0x19c: {  	[tilespmem:$0x17B8] =	vst v0  }
0x19d: {  	[tilespmem:$0x17A8] =	vst v0  }
0x19e: {  	[tilespmem:$0x1798] =	vst v0  }
0x19f: {  	[tilespmem:$0x1788] =	vst v0  }
0x1a0: {  	[tilespmem:$0x1778] =	vst v0  }
0x1a1: {  	[tilespmem:$0x1768] =	vst v0  }
0x1a2: {  	[tilespmem:$0x1758] =	vst v0  }
0x1a3: {  	[tilespmem:$0x1748] =	vst v0  }
0x1a4: {  	[tilespmem:$0x1738] =	vst v0  }
0x1a5: {  	[tilespmem:$0x1728] =	vst v0  }
0x1a6: {  	[tilespmem:$0x1718] =	vst v0  }
0x1a7: {  	[tilespmem:$0x1708] =	vst v0  }
0x1a8: {  	[tilespmem:$0x16F8] =	vst v0  }
0x1a9: {  	[tilespmem:$0x16E8] =	vst v0  }
0x1aa: {  	[tilespmem:$0x16D8] =	vst v0  }
0x1ab: {  	[tilespmem:$0x16C8] =	vst v0  }
0x1ac: {  	[tilespmem:$0x16B8] =	vst v0  }
0x1ad: {  	[tilespmem:$0x16A8] =	vst v0  }
0x1ae: {  	[tilespmem:$0x1698] =	vst v0  }
0x1af: {  	[tilespmem:$0x1688] =	vst v0  }
0x1b0: {  	[tilespmem:$0x1678] =	vst v0  }
0x1b1: {  	[tilespmem:$0x1668] =	vst v0  }
0x1b2: {  	[tilespmem:$0x1658] =	vst v0  }
0x1b3: {  	[tilespmem:$0x1648] =	vst v0  }
0x1b4: {  	[tilespmem:$0x1638] =	vst v0  }
0x1b5: {  	[tilespmem:$0x1628] =	vst v0  }
0x1b6: {  	[tilespmem:$0x1618] =	vst v0  }
0x1b7: {  	[tilespmem:$0x1608] =	vst v0  }
0x1b8: {  	[tilespmem:$0x15F8] =	vst v0  }
0x1b9: {  	[tilespmem:$0x15E8] =	vst v0  }
0x1ba: {  	[tilespmem:$0x15D8] =	vst v0  }
0x1bb: {  	[tilespmem:$0x15C8] =	vst v0  }
0x1bc: {  	[tilespmem:$0x15B8] =	vst v0  }
0x1bd: {  	[tilespmem:$0x15A8] =	vst v0  }
0x1be: {  	[tilespmem:$0x1598] =	vst v0  }
0x1bf: {  	[tilespmem:$0x1588] =	vst v0  }
0x1c0: {  	[tilespmem:$0x1578] =	vst v0  }
0x1c1: {  	[tilespmem:$0x1568] =	vst v0  }
0x1c2: {  	[tilespmem:$0x1558] =	vst v0  }
0x1c3: {  	[tilespmem:$0x1548] =	vst v0  }
0x1c4: {  	[tilespmem:$0x1538] =	vst v0  }
0x1c5: {  	[tilespmem:$0x1528] =	vst v0  }
0x1c6: {  	[tilespmem:$0x1518] =	vst v0  }
0x1c7: {  	[tilespmem:$0x1508] =	vst v0  }
0x1c8: {  	[tilespmem:$0x14F8] =	vst v0  }
0x1c9: {  	[tilespmem:$0x14E8] =	vst v0  }
0x1ca: {  	[tilespmem:$0x14D8] =	vst v0  }
0x1cb: {  	[tilespmem:$0x14C8] =	vst v0  }
0x1cc: {  	[tilespmem:$0x14B8] =	vst v0  }
0x1cd: {  	[tilespmem:$0x14A8] =	vst v0  }
0x1ce: {  	[tilespmem:$0x1498] =	vst v0  }
0x1cf: {  	[tilespmem:$0x1488] =	vst v0  }
0x1d0: {  	[tilespmem:$0x1478] =	vst v0  }
0x1d1: {  	[tilespmem:$0x1468] =	vst v0  }
0x1d2: {  	[tilespmem:$0x1458] =	vst v0  }
0x1d3: {  	[tilespmem:$0x1448] =	vst v0  }
0x1d4: {  	[tilespmem:$0x1438] =	vst v0  }
0x1d5: {  	[tilespmem:$0x1428] =	vst v0  }
0x1d6: {  	[tilespmem:$0x1418] =	vst v0  }
0x1d7: {  	[tilespmem:$0x1408] =	vst v0  }
0x1d8: {  	[tilespmem:$0x13F8] =	vst v0  }
0x1d9: {  	[tilespmem:$0x13E8] =	vst v0  }
0x1da: {  	[tilespmem:$0x13D8] =	vst v0  }
0x1db: {  	[tilespmem:$0x13C8] =	vst v0  }
0x1dc: {  	[tilespmem:$0x13B8] =	vst v0  }
0x1dd: {  	[tilespmem:$0x13A8] =	vst v0  }
0x1de: {  	[tilespmem:$0x1398] =	vst v0  }
0x1df: {  	[tilespmem:$0x1388] =	vst v0  }
0x1e0: {  	[tilespmem:$0x1378] =	vst v0  }
0x1e1: {  	[tilespmem:$0x1368] =	vst v0  }
0x1e2: {  	[tilespmem:$0x1358] =	vst v0  }
0x1e3: {  	[tilespmem:$0x1348] =	vst v0  }
0x1e4: {  	[tilespmem:$0x1338] =	vst v0  }
0x1e5: {  	[tilespmem:$0x1328] =	vst v0  }
0x1e6: {  	[tilespmem:$0x1318] =	vst v0  }
0x1e7: {  	[tilespmem:$0x1308] =	vst v0  }
0x1e8: {  	[tilespmem:$0x12F8] =	vst v0  }
0x1e9: {  	[tilespmem:$0x12E8] =	vst v0  }
0x1ea: {  	[tilespmem:$0x12D8] =	vst v0  }
0x1eb: {  	[tilespmem:$0x12C8] =	vst v0  }
0x1ec: {  	[tilespmem:$0x12B8] =	vst v0  }
0x1ed: {  	[tilespmem:$0x12A8] =	vst v0  }
0x1ee: {  	[tilespmem:$0x1298] =	vst v0  }
0x1ef: {  	[tilespmem:$0x1288] =	vst v0  }
0x1f0: {  	[tilespmem:$0x1278] =	vst v0  }
0x1f1: {  	[tilespmem:$0x1268] =	vst v0  }
0x1f2: {  	[tilespmem:$0x1258] =	vst v0  }
0x1f3: {  	[tilespmem:$0x1248] =	vst v0  }
0x1f4: {  	[tilespmem:$0x1238] =	vst v0  }
0x1f5: {  	[tilespmem:$0x1228] =	vst v0  }
0x1f6: {  	[tilespmem:$0x1218] =	vst v0  }
0x1f7: {  	[tilespmem:$0x1208] =	vst v0  }
0x1f8: {  	[tilespmem:$0x11F8] =	vst v0  }
0x1f9: {  	[tilespmem:$0x11E8] =	vst v0  }
0x1fa: {  	[tilespmem:$0x11D8] =	vst v0  }
0x1fb: {  	[tilespmem:$0x11C8] =	vst v0  }
0x1fc: {  	[tilespmem:$0x11B8] =	vst v0  }
0x1fd: {  	[tilespmem:$0x11A8] =	vst v0  }
0x1fe: {  	[tilespmem:$0x1198] =	vst v0  }
0x1ff: {  	[tilespmem:$0x1188] =	vst v0  }
0x200: {  	[tilespmem:$0x1178] =	vst v0  }
0x201: {  	[tilespmem:$0x1168] =	vst v0  }
0x202: {  	[tilespmem:$0x1158] =	vst v0  }
0x203: {  	[tilespmem:$0x1148] =	vst v0  }
0x204: {  	[tilespmem:$0x1138] =	vst v0  }
0x205: {  	[tilespmem:$0x1128] =	vst v0  }
0x206: {  	[tilespmem:$0x1118] =	vst v0  }
0x207: {  	s4 =	stileid.u32;
	[tilespmem:$0x1108] =	vst v0  }
0x208: {  	s0 =	smul.u32 $0x39, s4;
	[tilespmem:$0x10F8] =	vst v0  }
0x209: {  	s1 =	smin.u32 s4, $0xE;
	[tilespmem:$0x10C8] =	vst v0  }
0x20a: {  	[tilespmem:$0x10D8] =	vst v0;
	s0 =	sadd.s32 s1, s0  }
0x20b: {  	p0 =	slt.u32 s4, $0xE;
	[tilespmem:$0x10B8] =	vst v0;
	s1 =	simm.s32 $0x61E0;
	s6 =	smul.u32 $0x1B0, s0  }
0x20c: {  	s1 =	simm.s32 @!p0 $0x6030;
	[tilespmem:$0x1038] =	vst v0  }
0x20d: {  	[tilespmem:$0x10A8] =	vst v0;
	s0 =	sadd.s32 s1, s6  }
0x20e: {  	s3 =	simm.s32 $0x2;
	s8 =	simm.s32 $0x9;
	[tilespmem:$0x1098] =	vst v0;
	s7 =	smin.u32 s0, $0x61A80  }
0x20f: {  	s10 =	simm.s32 $0xA;
	s30 =	simm.s32 $0xB;
	[tilespmem:$0x1088] =	vst v0;
	s0 =	ssub.s32 s7, s6  }
0x210: {  	s16 =	simm.s32 $0x0;
	p4 =	por $0x0, $0x0;
	[tilespmem:$0x1078] =	vst v0;
	p0 =	sgt.s32 s0, $0x0  }
0x211: {  	s17 =	simm.s32 $0xC;
	s21 =	simm.s32 $0x0;
	[tilespmem:$0x1058] =	vst v0;
	s0 =	simm.s32 @!p0 $0x0  }
0x212: {  	s18 =	simm.s32 $0x0;
	s2 =	sand.u32 $0x1, s2;
	[tilespmem:$0x1048] =	vst v0;
	s29 =	smulhi.u32 $0x4BDA12F7, s0  }
0x213: {  	s20 =	simm.s32 $0x0;
	s31 =	sshll.u32 s4, $0x5;
	[tilespmem:$0x1018] =	vst v0;
	[dreg:$0x5] =	wrdreg s2  }
0x214: {  	s2 =	smul.u32 $0xC350, s2;
	[tilespmem:$0x1008] =	vst v0;
	[sflag:s3] =	ssyncpa.u1 $0x0;
	s1 =	sshrl.u32 s29, $0x7  }
0x215: {  	v0 =	vimm.s32 $0xFFFFFFFF;
	s3 =	sadd.s32 $0xE6DC00, s11;
	[dreg:$0x4] =	wrdreg s31;
	s5 =	smul.u32 $0x1B0, s1  }
.Ltmp7:
0x216: {  	[tilespmem:$0x3648] =	vst v0;
	[sflag:s8] =	ssyncpa.u1 $0x0;
	s2 =	sadd.s32 s2, s11;
	(pc) =	sbr.rel .LBB3_1-.Ltmp7, $4  }
0x217: {  	[sflag:s10] =	ssyncpa.u1 $0x0;
	s11 =	sadd.s32 $0xB2000, s11;
	p0 =	sne.s32 s0, s5  }
0x218: {  	[sflag:s30] =	ssyncpa.u1 $0x0;
	s14 =	sadd.s32 $0x81000, s2;
	s12 =	simm.s32 @!p0 $0x0  }
0x219: {  	s15 =	sadd.s32 $0x68800, s2;
	s19 =	smov.u32 s6;
	s12 =	sadd.s32 s12, s1  }
0x21a: {  	v0 =	vlaneseq.u32;
	[dreg:$0x6] =	wrdreg s6;
	p0 =	por $0x1, $0x1;
	s4 =	sadd.s32 $0x1, s12  }
.LBB3_18:
0x21b: {  	s0 =	simm.s32 $0x2  }
0x21c: {  	_ =	swait.ge [sflag:s0], $0x0  }
0x21d: {  	[sflag:s0] =	ssyncset.done $0x0;
	s0 =	simm.s32 $0x0  }
.LBB3_19:
0x21e: {  	_ =	swait.ge [sflag:s17], s0  }
0x21f: {  	s31 =	ssub.s32 $0x0, s0;
	v1 =	vmov s23;
	vm0 =	veq.s32 v0, $0x0;
	[sflag:s17] =	ssyncset.done $0x0  }
0x220: {  	vm15 =	veq.s32 v0, $0x2;
	v1 =	vsel vm0, s28, v1;
	[sflag:s17] =	ssyncadd.s32 s31  }
0x221: {  	v1 =	vsel vm15, s21, v1;
	[sflag:s17] =	ssyncpa.u1 $0x1  }
0x222: {  	[tilespmem:$0x3648] =	vst v1  }
.LBB3_20:
0x223: {  	s0 =	sadd.s32 $0x1B0, s19  }
0x224: {  	s1 =	smov.u32 s6;
	p1 =	slt.s32 s0, s7  }
0x225: {  	s1 =	smov.u32 @p1 s0;
	p1 =	sne.s32 s20, s4  }
.Ltmp8:
0x226: {  	_ = 	snop;
	(pc) =	sbr.rel @!p1 .LBB3_21-.Ltmp8, $4  }
0x227: {  	_ = 	snop  }
0x228: {  	s21 =	smov.u32 s18  }
0x229: {  	s31 =	sadd.s32 $0x1, s20;
	s18 =	smov.u32 s19;
	p0 =	por !p0, !p0  }
0x22a: {  	p4 =	por !p4, !p4;
	s20 =	smov.u32 s31;
	s19 =	smov.u32 s1  }
.LBB3_1:
0x22b: {  	p2 =	sge.u32 s20, s12  }
0x22c: {  	s0 =	smulhi.u32 @!p2 $0xAAAAAAAB, s20  }
0x22d: {  	s1 =	smov.u32 s19;
	p3 =	sgt.s32 @!p2 s19, $0x618D0  }
0x22e: {  	s2 =	sshra.s32 @!p2 s19, $0x1F;
	p3 =	por !p3, p2;
	s0 =	sshrl.u32 @!p2 s0, $0x1  }
0x22f: {  	s2 =	sand.u32 @!p2 s2, s19;
	s1 =	simm.s32 @p3 $0x618D0;
	s0 =	smul.u32 @!p2 $0x3, s0  }
0x230: {  	s1 =	ssub.s32 @!p2 s1, s2  }
0x231: {  	s23 =	sadd.s32 $0xFFFFFFFF, s20;
	s1 =	sadd.s32 @!p2 $0xFFF9E730, s1;
	s0 =	ssub.s32 @!p2 s20, s0  }
0x232: {  	s2 =	sshll.u32 @!p2 s1, $0x2;
	p3 =	sgt.s32 @!p2 s1, $0x1AF;
	s0 =	smul.u32 @!p2 $0x6C0, s0  }
0x233: {  	s5 =	sand.u32 @!p2 $0x7, s19;
	s1 =	ssub.s32 @!p2 $0x6C0, s2;
	p3 =	por !p3, p2  }
0x234: {  	s2 =	sshrl.u32 @!p2 s19, $0x3;
	s1 =	sshrl.u32 @!p2 s1, $0x2;
	s0 =	sshrl.u32 @!p2 s0, $0x2  }
0x235: {  	s2 =	sadd.s32 @!p2 s2, s14;
	s1 =	simm.s32 @!p3 $0x0;
	s0 =	sadd.s32 @!p2 $0x3888, s0  }
0x236: {  	[tilespmem:s0], [sflag:$0xA] =	stream.linear.gather @!p2 [hbm4b:s2+s5], s1, $0x38;
	[tilespmem:$0x1F0F8] =	vst v63  }
0x237: {  	p2 =	sge.u32 s23, s12  }
0x238: {  	p3 =	sgt.s32 @!p2 s18, $0x618D0  }
0x239: {  	s0 =	smov.u32 s18;
	s1 =	sshra.s32 @!p2 s18, $0x1F;
	p3 =	por !p3, p2  }
0x23a: {  	s1 =	sand.u32 @!p2 s1, s18;
	s0 =	simm.s32 @p3 $0x618D0  }
0x23b: {  	s0 =	ssub.s32 @!p2 s0, s1  }
0x23c: {  	s0 =	sadd.s32 @!p2 $0xFFF9E730, s0  }
0x23d: {  	s1 =	sshll.u32 @!p2 s0, $0x2  }
0x23e: {  	p3 =	sgt.s32 @!p2 s0, $0x1AF;
	s0 =	ssub.s32 @!p2 $0x6C0, s1  }
0x23f: {  	s22 =	ssub.s32 @!p2 $0x61A80, s18;
	p3 =	por !p3, p2;
	s0 =	sshrl.u32 @!p2 s0, $0x2  }
0x240: {  	s1 =	sand.u32 @!p2 $0x1, s23;
	s0 =	simm.s32 @!p3 $0x0;
	p3 =	slt.s32 @!p2 s22, $0x1  }
0x241: {  	s2 =	simm.s32 @!p2 $0xA;
	s1 =	smul.u32 @!p2 $0x6C0, s1;
	p3 =	por p2, p3  }
.Ltmp9:
0x242: {  	_ =	swait.ge @!p2 [sflag:s2], s0;
	(pc) =	sbr.rel @p3 .LBB3_7-.Ltmp9, $4  }
0x243: {  	s5 =	ssub.s32 @!p2 $0x0, s0;
	[sflag:s2] =	ssyncset.done @!p2 $0x0  }
0x244: {  	s1 =	sshrl.u32 @!p2 s1, $0x2;
	[sflag:s2] =	ssyncadd.s32 @!p2 s5;
	s2 =	sshrl.u32 @!p2 s18, $0x3  }
0x245: {  	s1 =	sadd.s32 @!p2 $0x3D98, s1;
	s5 =	sand.u32 @!p2 $0x7, s18;
	s2 =	sadd.s32 @!p2 s2, s15  }
0x246: {  	[tilespmem:s1], [sflag:$0xB] =	stream.linear.gather @!p2 [hbm4b:s2+s5], s0, $0x38;
	[tilespmem:$0x1F0F8] =	vst v63  }
0x247: {  	s0 =	smulhi.u32 $0xAAAAAAAB, s23;
	_ =	sdelay $0x1  }
0x248: {  	s0 =	sshrl.u32 s0, $0x1  }
0x249: {  	s0 =	smul.u32 $0x3, s0;
	_ =	sdelay $0x1  }
0x24a: {  	s0 =	ssub.s32 s23, s0  }
0x24b: {  	s1 =	simm.s32 $0x1;
	s0 =	smul.u32 $0x6C0, s0  }
.Ltmp10:
0x24c: {  	s1 =	simm.s32 @!p0 $0x0;
	(pc) =	sbr.rel .LBB3_4-.Ltmp10, $4  }
0x24d: {  	s1 =	smul.u32 $0x36000, s1  }
0x24e: {  	p3 =	slt.s32 @!p2 s22, $0x1B0;
	s0 =	sshrl.u32 s0, $0x2  }
0x24f: {  	p2 =	por !p3, p2;
	s1 =	sshrl.u32 s1, $0x2;
	s0 =	sadd.s32 $0x3888, s0  }
0x250: {  	s24 =	simm.s32 $0x0;
	s22 =	simm.s32 @p2 $0x1B0;
	s23 =	sadd.s32 $0x40F8, s1;
	v1 =	vmov s0  }
.LBB3_3:
0x251: {  	p2 =	sge.s32 s24, s22  }
.Ltmp11:
0x252: {  	_ = 	snop;
	(pc) =	sbr.rel @p2 .LBB3_7-.Ltmp11, $2  }
0x253: {  	_ =	sdelay $0x2  }
0x254: {  	s23 =	sadd.s32 $0x800, s23  }
.LBB3_4:
0x255: {  	p2 =	sle.s32 s22, s24  }
.Ltmp12:
0x256: {  	_ = 	snop;
	(pc) =	sbr.rel @p2 .LBB3_3-.Ltmp12, $2  }
0x257: {  	_ =	sdelay $0x2  }
0x258: {  	s0 =	smov.u32 s24;
	s24 =	sadd.s32 $0x10, s24  }
0x259: {  	s1 =	ssub.s32 s22, s0  }
0x25a: {  	p2 =	slt.s32 s1, $0x10  }
0x25b: {  	s1 =	simm.s32 @!p2 $0x10  }
0x25c: {  	v2 =	vmov s1  }
0x25d: {  	vm0 =	vgt.s32 v2, v0;
	_ =	sdelay $0x5  }
0x25e: {  	v2 =	vld.idx.msk [tilespmem:v1+s0+$0x0 ss:$0x1], vm0;
	_ =	sdelay $0x2  }
0x25f: {  	p2 =	slt.s32 s24, s22;
	s1 =	smov.u32 s22  }
0x260: {  	s2 =	smov.u32 s23;
	s25 =	simm.s32 $0x0;
	s1 =	smov.u32 @p2 s24  }
.LBB3_6:
0x261: {  	(v2sf) =	vpush v2, s25;
	_ =	sdelay $0xc  }
0x262: {  	s25 =	sadd.s32 $0x1, s25  }
0x263: {  	s31 =	sadd.s32 s25, s0  }
0x264: {  	p2 =	slt.s32 s31, s1;
	s5 =	spop (v2sf)  }
.Ltmp13:
0x265: {  	s5 =	sshll.u32 s5, $0x4;
	(pc) =	sbr.rel @p2 .LBB3_6-.Ltmp13, $4  }
0x266: {  	s5 =	sand.u32 $0x1FFFFFF0, s5  }
0x267: {  	s5 =	sadd.s32 s11, s5  }
0x268: {  	[tilespmem:s2], [sflag:$0x9] =	stream.linear.gather [hbm4b:s5+s16], $0x3, $0x38;
	[tilespmem:$0x1F0F8] =	vst v63  }
0x269: {  	s2 =	sadd.s32 $0x80, s2  }
.Ltmp14:
0x26a: {  	_ = 	snop;
	(pc) =	sbr.rel .LBB3_3-.Ltmp14, $1  }
0x26b: {  	_ =	sdelay $0x3  }
.LBB3_7:
0x26c: {  	p2 =	slt.u32 s20, $0x2  }
.Ltmp15:
0x26d: {  	_ = 	snop;
	(pc) =	sbr.rel @p2 .LBB3_20-.Ltmp15, $1  }
0x26e: {  	_ =	sdelay $0x3  }
0x26f: {  	s0 =	ssub.s32 $0x61A80, s21;
	p2 =	sgt.s32 s21, $0x618D0  }
0x270: {  	s1 =	smov.u32 s21;
	s2 =	sshra.s32 s21, $0x1F;
	p3 =	slt.s32 s0, $0x1B0  }
0x271: {  	s1 =	simm.s32 @!p2 $0x618D0;
	s2 =	sand.u32 s2, s21;
	s0 =	simm.s32 @!p3 $0x1B0  }
0x272: {  	s1 =	ssub.s32 s1, s2;
	s0 =	smul.u32 $0xC, s0  }
0x273: {  	s1 =	sadd.s32 $0xFFF9E730, s1  }
0x274: {  	s26 =	simm.s32 $0x9;
	s24 =	sshll.u32 s1, $0x2;
	s0 =	sshrl.u32 s0, $0x2  }
0x275: {  	p2 =	sgt.s32 s1, $0x1AF;
	s25 =	ssub.s32 $0x6C0, s24;
	_ =	swait.ge [sflag:s26], s0  }
0x276: {  	s0 =	ssub.s32 $0x0, s0;
	s1 =	sshrl.u32 s25, $0x2;
	[sflag:s26] =	ssyncset.done $0x0  }
0x277: {  	s28 =	simm.s32 $0xB;
	s1 =	simm.s32 @p2 $0x0;
	[sflag:s26] =	ssyncadd.s32 s0  }
0x278: {  	_ =	swait.ge [sflag:s28], s1  }
0x279: {  	s30 =	ssub.s32 $0x0, s1;
	[sflag:s28] =	ssyncset.done $0x0  }
0x27a: {  	[sflag:s28] =	ssyncadd.s32 s30  }
0x27b: {  	v1 =	vld [tilespmem:$0x3648];
	_ =	sdelay $0x4  }
0x27c: {  	(v2sf) =	vpush v1, $0x0  }
0x27d: {  	(v2sf) =	vpush v1, $0x1  }
0x27e: {  	(v2sf) =	vpush v1, $0x2;
	_ =	sdelay $0x3  }
0x27f: {  	s0 =	sadd.s32 $0x1B0, s21  }
0x280: {  	p2 =	slt.s32 s7, s0;
	s1 =	ssub.s32 $0xC3500, s21  }
0x281: {  	s0 =	smov.u32 @p2 s7;
	p2 =	sgt.s32 s1, $0x0  }
0x282: {  	s25 =	ssub.s32 s0, s21;
	s1 =	simm.s32 @!p2 $0x0  }
0x283: {  	p2 =	slt.s32 s1, s25  }
0x284: {  	s25 =	smov.u32 @p2 s1  }
0x285: {  	s24 =	simm.s32 $0x1;
	p2 =	slt.s32 s25, $0x1  }
.Ltmp16:
0x286: {  	s24 =	simm.s32 @!p4 $0x0;
	(pc) =	sbr.rel @p2 .LBB3_12-.Ltmp16, $4  }
0x287: {  	s31 =	smul.u32 $0x6C0, s24  }
0x288: {  	s26 =	spop (v2sf)  }
0x289: {  	s0 =	sshrl.u32 s31, $0x2;
	s29 =	spop (v2sf)  }
0x28a: {  	s22 =	sadd.s32 $0x3D98, s0;
	s21 =	spop (v2sf)  }
0x28b: {  	s0 =	smin.u32 s25, $0x10  }
0x28c: {  	v1 =	vmov s0  }
0x28d: {  	p3 =	sgt.s32 s25, $0x10;
	vm1 =	vgt.u32 v1, v0  }
.Ltmp17:
0x28e: {  	_ = 	snop;
	(pc) =	sbr.rel @!p3 .LBB3_11-.Ltmp17, $2  }
0x28f: {  	_ =	sdelay $0x2  }
0x290: {  	s23 =	simm.s32 $0x10;
	s28 =	sadd.s32 $0xFFFFFFF0, s25;
	s0 =	smov.u32 s22;
	vm0 =	vmmov vm1  }
.LBB3_10:
0x291: {  	s1 =	smin.u32 s28, $0x10;
	s23 =	sadd.s32 $0x10, s23;
	v1 =	vld.msk [tilespmem:s0+$0x0 ss:$0x1], vm1  }
0x292: {  	v2 =	vmov s1;
	p3 =	slt.s32 s23, s25  }
0x293: {  	vm1 =	vgt.u32 v2, v0  }
.Ltmp18:
0x294: {  	(pc) =	sbr.rel @p3 .LBB3_10-.Ltmp18, $3  }
0x295: {  	_ =	sdelay $0x1  }
0x296: {  	v1 =	vshll.u32 v1, $0x4  }
0x297: {  	s28 =	sadd.s32 $0xFFFFFFF0, s28;
	[tilespmem:s0+$0x0] =	vst.msk vm0, v1;
	s0 =	sadd.s32 $0x10, s0;
	vm0 =	vmmov vm1  }
.LBB3_11:
0x298: {  	_ =	sdelay $0x4  }
0x299: {  	v1 =	vld.msk [tilespmem:s0+$0x0 ss:$0x1], vm1;
	_ =	sdelay $0x4  }
0x29a: {  	v1 =	vshll.u32 v1, $0x4  }
0x29b: {  	[tilespmem:s0+$0x0] =	vst.msk vm0, v1  }
.LBB3_12:
0x29c: {  	s0 =	sand.u32 $0x1, s20  }
0x29d: {  	s0 =	smul.u32 $0x1B0, s0  }
0x29e: {  	p3 =	sne.s32 s29, $0xFFFFFFFF  }
0x29f: {  	v1 =	vld.msk @!p3 [tilespmem:s0+$0x3D98], $0x1;
	_ =	sdelay $0x4  }
0x2a0: {  	(v2sf) =	vpush @!p3 v1, $0x0;
	_ =	sdelay $0xc  }
.Ltmp19:
0x2a1: {  	_ = 	snop;
	(pc) =	sbr.rel @p2 .LBB3_18-.Ltmp19, $4  }
0x2a2: {  	_ = 	snop  }
0x2a3: {  	s28 =	spop @!p3 (v2sf)  }
0x2a4: {  	s21 =	simm.s32 @!p3 $0x0;
	s23 =	smov.u32 s28  }
0x2a5: {  	[sflag:s17] =	ssyncpa.u1 $0x0;
	s28 =	smov.u32 @p3 s26;
	s23 =	smov.u32 @p3 s29  }
0x2a6: {  	v1 =	vld.msk [tilespmem:s22+$0x0], $0x1;
	_ =	sdelay $0x4  }
0x2a7: {  	(v2sf) =	vpush v1, $0x0;
	_ =	sdelay $0xe  }
0x2a8: {  	s0 =	simm.s32 @!p4 $0x0;
	s26 =	smul.u32 $0x36000, s24;
	s31 =	spop (v2sf)  }
0x2a9: {  	s29 =	ssub.s32 $0x0, s25;
	s0 =	simm.s32 @p4 $0x1;
	p2 =	seq.s32 s28, s31  }
0x2aa: {  	s1 =	smov.u32 s28;
	[smem:$0x7FD] =	sst s0;
	p3 =	sgt.s32 @!p2 s28, $0x0  }
0x2ab: {  	s0 =	sshrl.u32 s26, $0x2;
	s26 =	sadd.s32 $0x1, s29;
	p3 =	por !p3, p2  }
0x2ac: {  	s1 =	simm.s32 @p3 $0x0;
	p3 =	seq.s32 s26, $0x0  }
.Ltmp20:
0x2ad: {  	_ = 	snop;
	(pc) =	sbr.rel @p3 .LBB3_15-.Ltmp20, $4  }
0x2ae: {  	s6 =	smov.u32 s4;
	s25 =	simm.s32 $0x0  }
0x2af: {  	s24 =	sadd.s32 $0x40F8, s0;
	s0 =	simm.s32 @!p2 $0x1;
	s2 =	smin.u32 @!p2 s1, $0xC34FF  }
0x2b0: {  	s30 =	sadd.s32 $0x1, s22;
	s0 =	smov.u32 @p2 s25;
	s5 =	sand.u32 @!p2 $0xFFFF8, s2  }
0x2b1: {  	s1 =	simm.s32 @!p2 $0x1B38;
	s2 =	sand.u32 @!p2 $0x7, s2;
	s5 =	sadd.s32 @!p2 s3, s5  }
.LBB3_14:
0x2b2: {  	s4 =	smov.u32 s0  }
0x2b3: {  	[tilespmem:s1], [sflag:$0x2] =	stream.linear.gather @!p2 [hbm4b:s5+s2], $0x3, $0x38;
	[tilespmem:$0x1F0F8] =	vst v63  }
0x2b4: {  	s26 =	sadd.s32 $0x1, s26;
	s2 =	smov.u32 s31;
	v1 =	vld.msk [tilespmem:s30+$0x0], $0x1  }
0x2b5: {  	p3 =	seq.s32 s26, $0x0;
	_ =	sdelay $0x3  }
0x2b6: {  	(v2sf) =	vpush v1, $0x0;
	_ =	sdelay $0xe  }
0x2b7: {  	s31 =	spop (v2sf)  }
0x2b8: {  	p2 =	seq.s32 s2, s31  }
0x2b9: {  	p4 =	sgt.s32 @!p2 s2, $0x0;
	s1 =	sshll.u32 @!p2 s0, $0x6;
	s0 =	sadd.s32 @!p2 $0x1, s0  }
.Ltmp21:
0x2ba: {  	p4 =	por !p4, p2;
	s1 =	sshra.s32 @!p2 s1, $0x2;
	(pc) =	sbr.rel @!p3 .LBB3_14-.Ltmp21, $4  }
0x2bb: {  	s0 =	smov.u32 @p2 s4;
	s2 =	simm.s32 @p4 $0x0;
	s1 =	sadd.s32 @!p2 $0x1B38, s1  }
0x2bc: {  	s2 =	smin.u32 @!p2 s2, $0xC34FF  }
0x2bd: {  	s4 =	sand.u32 @!p2 $0xFFFF8, s2;
	s2 =	sand.u32 @!p2 $0x7, s2  }
0x2be: {  	s30 =	sadd.s32 $0x1, s30;
	s5 =	sadd.s32 @!p2 s3, s4  }
.LBB3_15:
0x2bf: {  	s0 =	smul.u32 $0xC, s0  }
0x2c0: {  	[tilespmem:s1], [sflag:$0x2] =	stream.linear.gather @!p2 [hbm4b:s5+s2], $0x3, $0x38;
	[tilespmem:$0x1F0F8] =	vst v63  }
0x2c1: {  	s31 =	simm.s32 $0x2;
	s0 =	sshrl.u32 s0, $0x2  }
0x2c2: {  	_ =	swait.ge [sflag:s31], s0  }
0x2c3: {  	s0 =	ssub.s32 $0x0, s0;
	[sflag:s31] =	ssyncset.done $0x0  }
0x2c4: {  	[sflag:s31] =	ssyncadd.s32 s0  }
0x2c5: {  	v1 =	vld.msk [tilespmem:s22+$0x0], $0x1;
	_ =	sdelay $0x4  }
0x2c6: {  	(v2sf) =	vpush v1, $0x0;
	_ =	sdelay $0xe  }
0x2c7: {  	s26 =	spop (v2sf)  }
0x2c8: {  	p2 =	sne.s32 s28, s26  }
0x2c9: {  	p4 =	sne.s32 @p2 s28, s23  }
0x2ca: {  	p3 =	por !p4, !p2  }
0x2cb: {  	s0 =	simm.s32 @!p3 $0x0  }
0x2cc: {  	v1 =	vld.msk @!p3 [tilespmem:s0+$0x1B38], $0x7  }
0x2cd: {  	p5 =	sgt.u32 @!p3 s28, $0xC34FF  }
0x2ce: {  	s1 =	sshll.u32 @!p3 s21, $0x6;
	p6 =	por @p2 p5, !p4  }
0x2cf: {  	s1 =	sshra.s32 @!p3 s1, $0x2;
	p1 =	por p6, !p2;
	p6 =	por p4, !p2  }
0x2d0: {  	s2 =	sadd.s32 @!p3 $0x28, s1;
	s4 =	sand.u32 @!p1 $0xFFFF8, s28;
	s5 =	sshll.u32 @!p6 s21, $0x6  }
0x2d1: {  	s28 =	sand.u32 @!p1 $0x7, s28;
	[tilespmem:s1+$0x28] =	vst.add.f32.msk @!p3 $0x7, v1;
	s1 =	sadd.s32 @!p1 s3, s4;
	s4 =	sshra.s32 @!p6 s5, $0x2  }
0x2d2: {  	[hbm4b:s1+s28] =	stream.linear.scatter @!p1 [tilespmem:s2], [sflag:$0xC], $0x3, $0x38;
	[tilespmem:$0x1F0F8] =	vst v63  }
0x2d3: {  	s0 =	rddreg [dreg:$0x4];
	s1 =	sadd.s32 @!p6 $0x28, s4;
	s2 =	simm.s32 @!p6 $0x1  }
0x2d4: {  	[spmem:s0] =	stream.linear.scatter @!p6 [tilespmem:s1], [sflag:$0x1], $0x3, $0x38;
	[tilespmem:$0x1F0F8] =	vst v63  }
0x2d5: {  	s0 =	sadd.s32 @p2 $0x1, s21;
	_ =	swait.ge @!p6 [sflag:s2], $0x3  }
0x2d6: {  	s1 =	sshrl.u32 @p2 s0, $0x4;
	[sflag:s2] =	ssyncset.done @!p6 $0x0  }
0x2d7: {  	s1 =	smulhi.u32 @p2 $0x97B425F, s1;
	[sflag:s2] =	ssyncadd.s32 @!p6 $0xFFFFFFFD  }
0x2d8: {  	s28 =	sadd.s32 $0x1, s29;
	v1 =	vld.msk @p2 [tilespmem:s24+$0x0], $0x7  }
0x2d9: {  	p1 =	por @p2 !p5, !p4;
	p4 =	seq.s32 s28, $0x0;
	s1 =	smul.u32 @p2 $0x1B0, s1  }
.Ltmp22:
0x2da: {  	p1 =	por !p1, !p2;
	s2 =	simm.s32 @!p3 $0x0;
	(pc) =	sbr.rel @p4 .LBB3_17-.Ltmp22, $4  }
0x2db: {  	s4 =	sshll.u32 @!p2 s21, $0x6;
	s2 =	simm.s32 @!p1 $0xC;
	s0 =	ssub.s32 @p2 s0, s1  }
0x2dc: {  	s29 =	simm.s32 $0x0;
	s2 =	sadd.s32 @!p3 $0x0, s2;
	s5 =	sshll.u32 @p2 s0, $0x4  }
0x2dd: {  	s30 =	sshra.s32 @!p2 s4, $0x2;
	s1 =	simm.s32 @p2 $0x1;
	s2 =	smov.u32 @p3 s25;
	[tilespmem:s5+$0x28] =	vst.msk @p2 $0x7, v1  }
0x2de: {  	s21 =	smov.u32 @p2 s0;
	s29 =	smov.u32 @p2 s2;
	s25 =	smov.u32 @p2 s1;
	v1 =	vld.msk @!p2 [tilespmem:s24+$0x0], $0x7  }
.LBB3_16:
0x2df: {  	_ =	sdelay $0x3  }
0x2e0: {  	s22 =	sadd.s32 $0x1, s22;
	[tilespmem:s30+$0x28] =	vst.add.f32.msk @!p2 $0x7, v1  }
0x2e1: {  	v1 =	vld.msk [tilespmem:s22+$0x0], $0x1;
	_ =	sdelay $0x4  }
0x2e2: {  	(v2sf) =	vpush v1, $0x0;
	_ =	sdelay $0xe  }
0x2e3: {  	s0 =	smov.u32 s26;
	s26 =	spop (v2sf)  }
0x2e4: {  	p2 =	sne.s32 s0, s26  }
0x2e5: {  	p5 =	sne.s32 @p2 s0, s23  }
0x2e6: {  	s4 =	sshll.u32 @!p2 s21, $0x6;
	p4 =	por !p5, !p2  }
0x2e7: {  	s30 =	sshra.s32 @!p2 s4, $0x2;
	s4 =	sshll.u32 @!p4 s25, $0x6  }
0x2e8: {  	s4 =	sshra.s32 @!p4 s4, $0x2  }
0x2e9: {  	p1 =	sgt.u32 @!p4 s0, $0xC34FF;
	v1 =	vld.msk @!p4 [tilespmem:s4+$0x1B38], $0x7  }
0x2ea: {  	s31 =	sshll.u32 @!p4 s21, $0x6;
	p6 =	por @p2 p1, !p5;
	p1 =	por @p2 !p1, !p5  }
0x2eb: {  	s8 =	simm.s32 @!p4 $0x0;
	s31 =	sshra.s32 @!p4 s31, $0x2;
	p1 =	por !p1, !p2  }
0x2ec: {  	p5 =	por p5, !p2;
	s8 =	simm.s32 @!p1 $0xC;
	p1 =	por p6, !p2  }
0x2ed: {  	s4 =	sadd.s32 @!p4 $0x28, s31;
	s13 =	sshll.u32 @!p5 s21, $0x6;
	s10 =	sand.u32 @!p1 $0xFFFF8, s0  }
0x2ee: {  	s13 =	sshra.s32 @!p5 s13, $0x2;
	s0 =	sand.u32 @!p1 $0x7, s0;
	s10 =	sadd.s32 @!p1 s3, s10;
	[tilespmem:s31+$0x28] =	vst.add.f32.msk @!p4 $0x7, v1  }
0x2ef: {  	[hbm4b:s10+s0] =	stream.linear.scatter @!p1 [tilespmem:s4], [sflag:$0xC], $0x3, $0x38;
	[tilespmem:$0x1F0F8] =	vst v63  }
0x2f0: {  	s1 =	rddreg [dreg:$0x4];
	s0 =	sadd.s32 @!p5 $0x28, s13;
	s4 =	simm.s32 @!p5 $0x1  }
0x2f1: {  	[spmem:s1] =	stream.linear.scatter @!p5 [tilespmem:s0], [sflag:$0x1], $0x3, $0x38;
	[tilespmem:$0x1F0F8] =	vst v63  }
0x2f2: {  	s2 =	sadd.s32 @p2 $0x1, s21;
	_ =	swait.ge @!p5 [sflag:s4], $0x3  }
0x2f3: {  	s5 =	sshrl.u32 @p2 s2, $0x4;
	[sflag:s4] =	ssyncset.done @!p5 $0x0  }
0x2f4: {  	s24 =	sadd.s32 $0x80, s24;
	s5 =	smulhi.u32 @p2 $0x97B425F, s5;
	[sflag:s4] =	ssyncadd.s32 @!p5 $0xFFFFFFFD  }
0x2f5: {  	s28 =	sadd.s32 $0x1, s28;
	v1 =	vld.msk @p2 [tilespmem:s24+$0x0], $0x7  }
0x2f6: {  	p3 =	seq.s32 s28, $0x0;
	s5 =	smul.u32 @p2 $0x1B0, s5  }
.Ltmp23:
0x2f7: {  	_ = 	snop;
	(pc) =	sbr.rel @!p3 .LBB3_16-.Ltmp23, $4  }
0x2f8: {  	s2 =	ssub.s32 @p2 s2, s5  }
0x2f9: {  	s8 =	sadd.s32 @!p4 s8, s29;
	s5 =	sshll.u32 @p2 s2, $0x4  }
0x2fa: {  	s9 =	sadd.s32 @p2 $0x1, s25;
	s8 =	smov.u32 @p4 s29;
	[tilespmem:s5+$0x28] =	vst.msk @p2 $0x7, v1  }
0x2fb: {  	s25 =	smov.u32 @p2 s9;
	s21 =	smov.u32 @p2 s2;
	s29 =	smov.u32 @p2 s8;
	v1 =	vld.msk @!p2 [tilespmem:s24+$0x0], $0x7  }
.LBB3_17:
.Ltmp24:
0x2fc: {  	_ = 	snop;
	(pc) =	sbr.rel .LBB3_19-.Ltmp24, $3  }
0x2fd: {  	s1 =	sld [smem:$0x7FD];
	_ =	sdelay $0x1  }
0x2fe: {  	s0 =	sshrl.u32 s29, $0x2;
	s28 =	smov.u32 s26  }
0x2ff: {  	s4 =	smov.u32 s6;
	s6 =	rddreg [dreg:$0x6];
	p4 =	seq.s32 s1, $0x1;
	[tilespmem:s30+$0x28] =	vst.add.f32.msk @!p2 $0x7, v1  }
.LBB3_21:
0x300: {  	_ =	sfence.sel $0x180000  }
0x301: {  	s0 =	simm.s32 $0x9;
	[bflag:$0x0] =	sbarrier.arrive $0xFFFF  }
0x302: {  	s24 =	simm.s32 $0xA;
	[sflag:s0] =	ssyncpa.u1 $0x1  }
0x303: {  	s25 =	simm.s32 $0xB;
	[sflag:s24] =	ssyncpa.u1 $0x1  }
0x304: {  	s26 =	simm.s32 $0x2;
	[sflag:s25] =	ssyncpa.u1 $0x1  }
0x305: {  	[sflag:s26] =	ssyncpa.u1 $0x1  }
0x306: {  	v0 =	vld [tilespmem:$0x3648];
	_ =	sdelay $0x4  }
0x307: {  	(v2sf) =	vpush v0, $0x0  }
0x308: {  	(v2sf) =	vpush v0, $0x1;
	_ =	sdelay $0x1  }
0x309: {  	(v2sf) =	vpush v0, $0x2;
	_ =	sdelay $0xb  }
0x30a: {  	s0 =	spop (v2sf)  }
0x30b: {  	s1 =	spop (v2sf)  }
0x30c: {  	s2 =	smov.u32 s0;
	p0 =	sne.s32 s0, s1  }
0x30d: {  	s4 =	spop (v2sf);
	s2 =	simm.s32 @!p0 $0xFFFFFFFF  }
0x30e: {  	v2 =	vimm.s32 $0x1;
	v3 =	vlaneseq.u32;
	p0 =	seq.s32 s4, $0xFFFFFFFF;
	v1 =	vmov s2  }
0x30f: {  	s16 =	stileid.u32;
	v0 =	vperm.xlane v0, v2;
	p1 =	sne.s32 @!p0 s0, s1;
	v1 =	vperm.xlane v1, v3  }
0x310: {  	vm0 =	vcmask $0x3F04;
	s6 =	simm.s32 $0x3648;
	s0 =	simm.s32 @!p0 $0x1;
	p1 =	por !p1, p0  }
0x311: {  	s2 =	sshll.u32 s16, $0x1;
	s1 =	sshll.u32 @!p0 s4, $0x6;
	s0 =	simm.s32 @p1 $0x0;
	v0 =	vsel vm0, v1, v0  }
0x312: {  	s5 =	sor.u32 $0x200, s2;
	s1 =	sshra.s32 @!p0 s1, $0x2;
	s0 =	sor.u32 @!p0 s0, s2;
	[tilespmem:$0x3648] =	vst v0  }
0x313: {  	[spmem:s5] =	stream.linear.scatter [tilespmem:s6], [sflag:$0x1], $0x2, $0x38;
	[tilespmem:$0x1F0F8] =	vst v63  }
0x314: {  	s1 =	sadd.s32 @!p0 $0x28, s1;
	s0 =	sshll.u32 @!p0 s0, $0x4  }
0x315: {  	[spmem:s0] =	stream.linear.scatter @!p0 [tilespmem:s1], [sflag:$0x1], $0x10, $0x38;
	[tilespmem:$0x1F0F8] =	vst v63  }
0x316: {  	s0 =	simm.s32 @!p0 $0x12  }
0x317: {  	s28 =	simm.s32 $0x1;
	s0 =	simm.s32 @p0 $0x2  }
0x318: {  	_ =	swait.ge [sflag:s28], s0  }
0x319: {  	s0 =	ssub.s32 $0x0, s0;
	[sflag:s28] =	ssyncset.done $0x0  }
0x31a: {  	p0 =	sne.s32 s16, $0x0;
	[sflag:s28] =	ssyncadd.s32 s0  }
.Ltmp25:
0x31b: {  	_ =	sfence.stream.spmem;
	(pc) =	sbr.rel @p0 .LBB3_38-.Ltmp25, $4  }
0x31c: {  	s29 =	simm.s32 $0x3;
	[bflag:$0x0] =	sbarrier.arrive $0xFFFF  }
0x31d: {  	s30 =	simm.s32 $0x4;
	[sflag:s29] =	ssyncpa.u1 $0x1  }
0x31e: {  	s31 =	simm.s32 $0x3C;
	[sflag:s30] =	ssyncpa.u1 $0x1  }
0x31f: {  	s17 =	rddreg [dreg:$0x5];
	[sflag:s31] =	ssyncpa.u1 $0x1  }
0x320: {  	_ =	sfence.stream.spmem;
	s0 =	simm.s32 $0x5  }
0x321: {  	s1 =	simm.s32 $0x200;
	s2 =	simm.s32 $0x3658;
	[sflag:s0] =	ssyncpa.u1 $0x0  }
0x322: {  	[tilespmem:s2], [sflag:$0x5] =	stream.linear.gather [spmem:s1], $0x20, $0x38;
	[tilespmem:$0x1F0F8] =	vst v63  }
0x323: {  	s26 =	simm.s32 $0x0;
	s28 =	simm.s32 $0x3678  }
0x324: {  	[tilespmem:s28], [sflag:$0x5] =	stream.linear.gather [spmem:s26], $0x200, $0x38;
	[tilespmem:$0x1F0F8] =	vst v63  }
0x325: {  	_ =	swait.ge [sflag:s0], $0x220  }
0x326: {  	[sflag:s0] =	ssyncset.done $0x0  }
0x327: {  	s29 =	simm.s32 $0x0;
	[sflag:s0] =	ssyncadd.s32 $0xFFFFFDE0  }
0x328: {  	v0 =	vld.msk [tilespmem:s29+$0x3658], $0x1;
	_ =	sdelay $0x1  }
0x329: {  	s30 =	simm.s32 $0x1  }
0x32a: {  	v1 =	vld.msk [tilespmem:s30+$0x3658], $0x1;
	_ =	sdelay $0x1  }
0x32b: {  	(v2sf) =	vpush v0, $0x0;
	_ =	sdelay $0x2  }
0x32c: {  	(v2sf) =	vpush v1, $0x0;
	_ =	sdelay $0x2  }
0x32d: {  	s31 =	simm.s32 $0x2  }
0x32e: {  	v0 =	vld.msk [tilespmem:s31+$0x3658], $0x1;
	_ =	sdelay $0x2  }
0x32f: {  	s6 =	simm.s32 $0xFFFFFFFF;
	s1 =	simm.s32 $0xFFFFFFFF;
	s0 =	simm.s32 $0xC  }
.LBB3_23:
0x330: {  	s2 =	smov.u32 s6;
	s4 =	smov.u32 s1  }
0x331: {  	s1 =	sshra.s32 s0, $0x2;
	p1 =	sne.s32 s0, $0x7C;
	s0 =	sadd.s32 $0x4, s0;
	(v2sf) =	vpush v0, $0x0  }
0x332: {  	v0 =	vld.msk [tilespmem:s1+$0x3658], $0x1  }
.Ltmp26:
0x333: {  	(pc) =	sbr.rel @p1 .LBB3_23-.Ltmp26, $4  }
0x334: {  	s6 =	spop (v2sf)  }
0x335: {  	p2 =	sne.s32 s4, $0xFFFFFFFF;
	s1 =	smov.u32 s6  }
0x336: {  	p3 =	seq.s32 s6, $0xFFFFFFFF;
	s1 =	smov.u32 @p2 s4  }
0x337: {  	s6 =	smov.u32 @p3 s2;
	s1 =	smov.u32 @p3 s4  }
0x338: {  	(v2sf) =	vpush v0, $0x0;
	_ =	sdelay $0x8  }
0x339: {  	s0 =	spop (v2sf)  }
0x33a: {  	p1 =	sne.s32 s1, $0xFFFFFFFF;
	s2 =	smov.u32 s0  }
0x33b: {  	s9 =	simm.s32 $0x6;
	p2 =	seq.s32 s0, $0xFFFFFFFF;
	s2 =	smov.u32 @p1 s1  }
0x33c: {  	s10 =	simm.s32 $0x3638;
	s2 =	smov.u32 @p2 s1;
	s1 =	spop (v2sf)  }
0x33d: {  	s0 =	smov.u32 @p2 s6;
	p1 =	sne.s32 s2, $0xFFFFFFFF;
	s4 =	smov.u32 s1  }
.Ltmp27:
0x33e: {  	p2 =	seq.s32 s1, $0xFFFFFFFF;
	s4 =	smov.u32 @p1 s2;
	(pc) =	sbr.rel .LBB3_25-.Ltmp27, $4  }
0x33f: {  	s11 =	simm.s32 $0x0;
	s4 =	smov.u32 @p2 s2;
	s7 =	spop (v2sf)  }
0x340: {  	[sflag:s9] =	ssyncpa.u1 $0x0;
	p1 =	sne.s32 s4, $0xFFFFFFFF;
	s8 =	smov.u32 s7  }
0x341: {  	s1 =	smov.u32 @p2 s0;
	p2 =	seq.s32 s7, $0xFFFFFFFF;
	s8 =	smov.u32 @p1 s4  }
0x342: {  	s6 =	simm.s32 $0x0;
	s7 =	smov.u32 @p2 s1;
	s8 =	smov.u32 @p2 s4  }
.LBB3_30:
0x343: {  	p1 =	sgt.u32 s12, $0xC34FF  }
0x344: {  	p2 =	seq.s32 @!p1 s12, s8  }
0x345: {  	p1 =	por p1, p2  }
0x346: {  	p2 =	sne.s32 @!p1 s12, s7  }
0x347: {  	p1 =	por p1, !p2  }
0x348: {  	s0 =	sshll.u32 @p1 s11, $0x6  }
0x349: {  	s0 =	sand.u32 @!p1 $0xFFFF8, s12  }
0x34a: {  	s1 =	sand.u32 @!p1 $0x7, s12;
	s0 =	sadd.s32 @!p1 s3, s0  }
0x34b: {  	[tilespmem:s10], [sflag:$0x6] =	stream.linear.gather @!p1 [hbm4b:s0+s1], $0x3, $0x38;
	[tilespmem:$0x1F0F8] =	vst v63  }
0x34c: {  	_ =	swait.ge @!p1 [sflag:s9], $0x3  }
0x34d: {  	[sflag:s9] =	ssyncset.done @!p1 $0x0  }
0x34e: {  	[sflag:s9] =	ssyncadd.s32 @!p1 $0xFFFFFFFD  }
0x34f: {  	v1 =	vld @!p1 [tilespmem:$0x3638];
	_ =	sdelay $0x2  }
0x350: {  	s0 =	sshll.u32 @!p1 s11, $0x6  }
0x351: {  	s1 =	sshrl.u32 @!p1 s0, $0x2  }
0x352: {  	[tilespmem:s1+$0x3678] =	vst.add.f32.msk @!p1 $0xffff, v1  }
0x353: {  	s0 =	sshrl.u32 s0, $0x2;
	[tilespmem:s6+$0x3658] =	vst.msk $0x1, v0  }
0x354: {  	v0 =	vld [tilespmem:s0+$0x3678];
	_ =	sdelay $0x2  }
0x355: {  	s31 =	sshll.u32 s6, $0x6  }
0x356: {  	s0 =	sshra.s32 s31, $0x2  }
0x357: {  	s6 =	sadd.s32 $0x1, s6;
	[tilespmem:s0+$0x3678] =	vst v0  }
.LBB3_32:
0x358: {  	s11 =	sadd.s32 $0x1, s11  }
0x359: {  	p1 =	sne.s32 s11, $0x20  }
.Ltmp28:
0x35a: {  	_ = 	snop;
	(pc) =	sbr.rel @!p1 .LBB3_33-.Ltmp28, $1  }
0x35b: {  	_ =	sdelay $0x3  }
.LBB3_25:
0x35c: {  	v0 =	vld.msk [tilespmem:s11+$0x3658], $0x1;
	_ =	sdelay $0x4  }
0x35d: {  	(v2sf) =	vpush v0, $0x0;
	_ =	sdelay $0xe  }
0x35e: {  	s12 =	spop (v2sf)  }
0x35f: {  	p1 =	seq.s32 s12, $0xFFFFFFFF  }
.Ltmp29:
0x360: {  	_ = 	snop;
	(pc) =	sbr.rel @p1 .LBB3_32-.Ltmp29, $1  }
0x361: {  	_ =	sdelay $0x3  }
0x362: {  	p1 =	slt.s32 s6, $0x1  }
.Ltmp30:
0x363: {  	_ = 	snop;
	(pc) =	sbr.rel @p1 .LBB3_30-.Ltmp30, $1  }
0x364: {  	_ =	sdelay $0x3  }
0x365: {  	s13 =	simm.s32 $0x3658;
	p1 =	por $0x0, $0x0  }
0x366: {  	v1 =	vld.msk @!p1 [tilespmem:s13+$0x0], $0x1;
	_ =	sdelay $0x4  }
0x367: {  	(v2sf) =	vpush @!p1 v1, $0x0;
	_ =	sdelay $0xd  }
0x368: {  	p3 =	sne.s32 s6, $0x1  }
.Ltmp31:
0x369: {  	s0 =	spop @!p1 (v2sf);
	(pc) =	sbr.rel @!p3 .LBB3_29-.Ltmp31, $4  }
0x36a: {  	p2 =	seq.s32 @!p1 s12, s0  }
0x36b: {  	s14 =	simm.s32 $0x0;
	p2 =	por !p2, p1  }
0x36c: {  	s0 =	simm.s32 $0xFFFFFFFF;
	s14 =	simm.s32 @p2 $0xFFFFFFFF  }
0x36d: {  	s15 =	simm.s32 $0x1;
	s14 =	smov.u32 @p1 s0  }
.LBB3_28:
0x36e: {  	s0 =	smov.u32 s14;
	p1 =	sne.s32 s14, $0xFFFFFFFF  }
0x36f: {  	s13 =	sadd.s32 $0x1, s13;
	s14 =	smov.u32 s15;
	s15 =	sadd.s32 $0x1, s15  }
0x370: {  	p2 =	sne.s32 s6, s15;
	v1 =	vld.msk @!p1 [tilespmem:s13+$0x0], $0x1;
	_ =	sdelay $0x4  }
0x371: {  	(v2sf) =	vpush @!p1 v1, $0x0;
	_ =	sdelay $0xe  }
.Ltmp32:
0x372: {  	s1 =	spop @!p1 (v2sf);
	(pc) =	sbr.rel @p2 .LBB3_28-.Ltmp32, $4  }
0x373: {  	p3 =	seq.s32 @!p1 s12, s1  }
0x374: {  	p3 =	por !p3, p1  }
0x375: {  	s14 =	simm.s32 @p3 $0xFFFFFFFF  }
0x376: {  	s14 =	smov.u32 @p1 s0  }
.LBB3_29:
0x377: {  	p1 =	sne.s32 s14, $0xFFFFFFFF  }
.Ltmp33:
0x378: {  	_ = 	snop;
	(pc) =	sbr.rel @!p1 .LBB3_30-.Ltmp33, $1  }
0x379: {  	_ =	sdelay $0x3  }
0x37a: {  	s0 =	sshll.u32 s11, $0x4  }
0x37b: {  	s0 =	sand.u32 $0x3FFFFFF0, s0  }
0x37c: {  	v0 =	vld [tilespmem:s0+$0x3678]  }
.Ltmp34:
0x37d: {  	_ = 	snop;
	(pc) =	sbr.rel .LBB3_32-.Ltmp34, $4  }
0x37e: {  	_ = 	snop  }
0x37f: {  	s31 =	sshll.u32 s14, $0x6  }
0x380: {  	s0 =	sshra.s32 s31, $0x2  }
0x381: {  	[tilespmem:s0+$0x3678] =	vst.add.f32.msk $0xffff, v0  }
.LBB3_33:
0x382: {  	s0 =	simm.s32 $0x6;
	p1 =	seq.s32 s6, $0x0  }
0x383: {  	[sflag:s0] =	ssyncpa.u1 $0x1;
	v0 =	vimm.s32 @p1 $0xFFFFFFFF  }
0x384: {  	s9 =	sadd.s32 $0xFFFFFFFF, s6;
	[tilespmem:$0x3878] =	vst @p1 v0  }
0x385: {  	v0 =	vld.msk @!p1 [tilespmem:s9+$0x3658], $0x1;
	_ =	sdelay $0x1  }
0x386: {  	v1 =	vld.msk @!p1 [tilespmem:$0x3658], $0x1;
	_ =	sdelay $0x2  }
0x387: {  	p2 =	seq.s32 @!p1 s9, $0x0;
	v0 =	vbroadcast @!p1 v0, $0x0  }
0x388: {  	vm0 =	vmmov @!p1 $0x1;
	p2 =	por !p2, p1  }
0x389: {  	v1 =	vnsel @!p1 vm0, $0xFFFFFFFF, v1;
	vm0 =	vcmask @!p1 $0x308;
	v0 =	vpsel !p2, $0xFFFFFFFF, v0  }
0x38a: {  	p2 =	sne.s32 @!p1 s8, s7;
	v0 =	vsel @!p1 vm0, v1, v0  }
0x38b: {  	s0 =	simm.s32 @!p1 $0x3678;
	s1 =	simm.s32 @!p1 $0x0;
	p3 =	por !p2, p1;
	[tilespmem:$0x3878] =	vst @!p1 v0  }
0x38c: {  	[spmem:s1] =	stream.linear.scatter @!p1 [tilespmem:s0], [sflag:$0x1], $0x10, $0x38;
	[tilespmem:$0x1F0F8] =	vst v63  }
0x38d: {  	s0 =	sshll.u32 @!p3 s9, $0x6  }
0x38e: {  	s0 =	sshra.s32 @!p3 s0, $0x2  }
0x38f: {  	s1 =	simm.s32 @!p3 $0x10;
	s0 =	sadd.s32 @!p3 $0x3678, s0  }
0x390: {  	[spmem:s1] =	stream.linear.scatter @!p3 [tilespmem:s0], [sflag:$0x1], $0x10, $0x38;
	[tilespmem:$0x1F0F8] =	vst v63  }
0x391: {  	s0 =	simm.s32 @!p3 $0x1  }
0x392: {  	_ =	swait.ge @!p3 [sflag:s0], $0x20  }
0x393: {  	p1 =	por p2, p1;
	[sflag:s0] =	ssyncset.done @!p3 $0x0  }
0x394: {  	[sflag:s0] =	ssyncadd.s32 @!p3 $0xFFFFFFE0;
	s0 =	simm.s32 @!p1 $0x1  }
0x395: {  	_ =	swait.ge @!p1 [sflag:s0], $0x10  }
0x396: {  	s29 =	simm.s32 $0x3878;
	[sflag:s0] =	ssyncset.done @!p1 $0x0  }
0x397: {  	s30 =	simm.s32 $0x200;
	s31 =	simm.s32 $0x1;
	[sflag:s0] =	ssyncadd.s32 @!p1 $0xFFFFFFF0  }
0x398: {  	[spmem:s30] =	stream.linear.scatter [tilespmem:s29], [sflag:$0x1], $0x10, $0x38;
	[tilespmem:$0x1F0F8] =	vst v63  }
0x399: {  	_ =	swait.ge [sflag:s31], $0x10  }
0x39a: {  	[sflag:s31] =	ssyncset.done $0x0  }
0x39b: {  	p1 =	seq.s32 s17, $0x0;
	s8 =	rddreg [dreg:$0x1];
	[sflag:s31] =	ssyncadd.s32 $0xFFFFFFF0  }
0x39c: {  	s1 =	sshll.u32 @p1 s8, $0xE;
	s7 =	rddreg [dreg:$0x2]  }
0x39d: {  	s0 =	sadd.s32 @p1 $0x15C3C, s1;
	s1 =	sshll.u32 @p1 s7, $0x11  }
0x39e: {  	_ =	sfence.stream.spmem;
	s0 =	sor.u32 @p1 s1, s0  }
0x39f: {  	[sflag:s0] =	ssyncadd.remote.s32 @p1 $0x1;
	s0 =	simm.s32 @p1 $0x4  }
0x3a0: {  	s2 =	simm.s32 @!p1 $0x3C;
	s1 =	sand.u32 $0xFFFFFFFE, s8;
	_ =	swait.ge @p1 [sflag:s0], $0x6  }
0x3a1: {  	s4 =	simm.s32 @!p1 $0x0;
	s1 =	sadd.s32 @!p1 $0x4, s1;
	[sflag:s0] =	ssyncset.done @p1 $0x0  }
0x3a2: {  	s5 =	simm.s32 @!p1 $0x20;
	[sflag:s0] =	ssyncadd.s32 @p1 $0xFFFFFFFA;
	s0 =	sshll.u32 @!p1 s1, $0x1A  }
0x3a3: {  	s1 =	sshll.u32 @!p1 s1, $0xD;
	s0 =	sor.u32 @!p1 s0, s7;
	_ =	swait.eq @!p1 [sflag:s2], $0x1  }
0x3a4: {  	s1 =	sor.u32 @!p1 $0x1C04, s1;
	s2 =	simm.s32 @!p1 $0x1C03;
	s0 =	sor.u32 @!p1 $0x80004000, s0  }
0x3a5: {  	[spmem:s5], [sflag:s1] =	dma.general @!p1 [spmem:s4], [sflag:s2], length:$0x4, [dreg:$0x0], stride_count:$0x0, ici_dest:s0, dma_misc:DstOpCode:WRITE  }
0x3a6: {  	p2 =	slt.s32 s9, $0x2;
	s4 =	simm.s32 @!p1 $0x40;
	s5 =	simm.s32 @!p1 $0x42  }
0x3a7: {  	[spmem:s5], [sflag:s1] =	dma.general @!p1 [spmem:s4], [sflag:s2], length:$0x2, [dreg:$0x0], stride_count:$0x0, ici_dest:s0, dma_misc:DstOpCode:WRITE  }
.Ltmp35:
0x3a8: {  	s0 =	simm.s32 @!p1 $0x3;
	(pc) =	sbr.rel @p2 .LBB3_37-.Ltmp35, $4  }
0x3a9: {  	s1 =	sshll.u32 @!p1 s8, $0xE;
	_ =	swait.ge @!p1 [sflag:s0], $0x6  }
0x3aa: {  	s2 =	sshll.u32 @!p1 s7, $0x11;
	s1 =	sadd.s32 @!p1 $0x11C3C, s1;
	[sflag:s0] =	ssyncset.done @!p1 $0x0  }
0x3ab: {  	[sflag:s0] =	ssyncadd.s32 @!p1 $0xFFFFFFFA;
	s0 =	sor.u32 @!p1 s2, s1  }
0x3ac: {  	[sflag:s0] =	ssyncadd.remote.s32 @!p1 $0xFFFFFFFF;
	s0 =	simm.s32 $0x0  }
0x3ad: {  	s0 =	simm.s32 $0x3659  }
0x3ae: {  	v0 =	vld.msk [tilespmem:s0+$0x0], $0x1;
	_ =	sdelay $0x4  }
0x3af: {  	(v2sf) =	vpush v0, $0x0;
	_ =	sdelay $0xd  }
0x3b0: {  	s2 =	sadd.s32 $0xFFFFFFFE, s6  }
0x3b1: {  	s2 =	sadd.s32 $0xFFFFFFFF, s2;
	s0 =	spop (v2sf)  }
0x3b2: {  	p2 =	sne.s32 s2, $0x0;
	p1 =	sgt.u32 s0, $0xC34FF  }
.Ltmp36:
0x3b3: {  	s4 =	sand.u32 @!p1 $0xFFFF8, s0;
	(pc) =	sbr.rel @!p2 .LBB3_36-.Ltmp36, $4  }
0x3b4: {  	s1 =	simm.s32 $0x3688;
	s0 =	sand.u32 @!p1 $0x7, s0;
	s4 =	sadd.s32 @!p1 s3, s4  }
0x3b5: {  	[hbm4b:s4+s0] =	stream.linear.scatter @!p1 [tilespmem:s1], [sflag:$0x5], $0x3, $0x38;
	[tilespmem:$0x1F0F8] =	vst v63  }
0x3b6: {  	s0 =	simm.s32 $0x0  }
0x3b7: {  	s6 =	simm.s32 $0x0;
	s7 =	simm.s32 $0x365A;
	s0 =	simm.s32 @!p1 $0xC  }
.LBB3_35:
0x3b8: {  	v0 =	vld.msk [tilespmem:s7+$0x0], $0x1;
	s2 =	sadd.s32 $0xFFFFFFFF, s2;
	s6 =	sadd.s32 s6, s0  }
0x3b9: {  	p1 =	sne.s32 s2, $0x0;
	_ =	sdelay $0x3  }
0x3ba: {  	(v2sf) =	vpush v0, $0x0;
	_ =	sdelay $0xe  }
.Ltmp37:
0x3bb: {  	s4 =	spop (v2sf);
	(pc) =	sbr.rel @p1 .LBB3_35-.Ltmp37, $4  }
0x3bc: {  	s0 =	simm.s32 $0x0;
	p2 =	sgt.u32 s4, $0xC34FF  }
0x3bd: {  	s1 =	sadd.s32 $0x10, s1;
	s0 =	simm.s32 @!p2 $0xC;
	s5 =	sand.u32 @!p2 $0xFFFF8, s4  }
0x3be: {  	s7 =	sadd.s32 $0x1, s7;
	s4 =	sand.u32 @!p2 $0x7, s4;
	s5 =	sadd.s32 @!p2 s3, s5  }
0x3bf: {  	[hbm4b:s5+s4] =	stream.linear.scatter @!p2 [tilespmem:s1], [sflag:$0x5], $0x3, $0x38;
	[tilespmem:$0x1F0F8] =	vst v63  }
.LBB3_36:
0x3c0: {  	s0 =	sadd.s32 s6, s0  }
0x3c1: {  	s0 =	sshrl.u32 s0, $0x2  }
.LBB3_37:
0x3c2: {  	s1 =	simm.s32 $0x5  }
0x3c3: {  	_ =	swait.ge [sflag:s1], s0  }
0x3c4: {  	s31 =	ssub.s32 $0x0, s0;
	[sflag:s1] =	ssyncset.done $0x0  }
0x3c5: {  	[sflag:s1] =	ssyncadd.s32 s31  }
0x3c6: {  	[sflag:s1] =	ssyncpa.u1 $0x1  }
.LBB3_38:
0x3c7: {  	s0 =	sor.u32 s17, s16  }
0x3c8: {  	p1 =	sne.s32 s0, $0x0  }
.Ltmp38:
0x3c9: {  	_ = 	snop;
	(pc) =	sbr.rel @p1 .LBB3_53-.Ltmp38, $3  }
0x3ca: {  	_ =	sdelay $0x1  }
0x3cb: {  	[bflag:$0x0] =	sbarrier.arrive $0xFFFF  }
0x3cc: {  	_ =	sfence  }
0x3cd: {  	s0 =	simm.s32 $0x7  }
0x3ce: {  	s1 =	simm.s32 $0x200;
	s2 =	simm.s32 $0x3658;
	[sflag:s0] =	ssyncpa.u1 $0x0  }
0x3cf: {  	[tilespmem:s2], [sflag:$0x7] =	stream.linear.gather [spmem:s1], $0x20, $0x38;
	[tilespmem:$0x1F0F8] =	vst v63  }
0x3d0: {  	s30 =	simm.s32 $0x3678;
	s1 =	simm.s32 $0x0  }
0x3d1: {  	[tilespmem:s30], [sflag:$0x7] =	stream.linear.gather [spmem:s1], $0x200, $0x38;
	[tilespmem:$0x1F0F8] =	vst v63  }
.Ltmp39:
0x3d2: {  	_ = 	snop;
	(pc) =	sbr.rel .LBB3_40-.Ltmp39, $4  }
0x3d3: {  	_ =	swait.ge [sflag:s0], $0x220  }
0x3d4: {  	[sflag:s0] =	ssyncset.done $0x0  }
0x3d5: {  	s31 =	simm.s32 $0x8;
	[sflag:s0] =	ssyncadd.s32 $0xFFFFFDE0  }
0x3d6: {  	s2 =	simm.s32 $0x0;
	[sflag:s31] =	ssyncpa.u1 $0x0  }
.LBB3_45:
0x3d7: {  	p1 =	slt.u32 s4, $0xC3500  }
0x3d8: {  	s0 =	sand.u32 @p1 $0xFFFF8, s4  }
0x3d9: {  	s4 =	sand.u32 @p1 $0x7, s4;
	s5 =	simm.s32 @p1 $0x3638;
	s0 =	sadd.s32 @p1 s3, s0  }
0x3da: {  	[tilespmem:s5], [sflag:$0x8] =	stream.linear.gather @p1 [hbm4b:s0+s4], $0x3, $0x38;
	[tilespmem:$0x1F0F8] =	vst v63  }
0x3db: {  	s0 =	simm.s32 @p1 $0x8  }
0x3dc: {  	_ =	swait.ge @p1 [sflag:s0], $0x3  }
0x3dd: {  	[sflag:s0] =	ssyncset.done @p1 $0x0  }
0x3de: {  	[sflag:s0] =	ssyncadd.s32 @p1 $0xFFFFFFFD  }
0x3df: {  	v1 =	vld @p1 [tilespmem:$0x3638];
	_ =	sdelay $0x2  }
0x3e0: {  	s0 =	sshll.u32 @p1 s2, $0x6  }
0x3e1: {  	s5 =	sshll.u32 @!p1 s2, $0x6;
	s4 =	sshrl.u32 @p1 s0, $0x2  }
0x3e2: {  	s5 =	smov.u32 @p1 s0;
	[tilespmem:s4+$0x3678] =	vst.add.f32.msk @p1 $0xffff, v1  }
0x3e3: {  	s0 =	sshrl.u32 s5, $0x2;
	[tilespmem:s1+$0x3658] =	vst.msk $0x1, v0  }
0x3e4: {  	v0 =	vld [tilespmem:s0+$0x3678];
	_ =	sdelay $0x2  }
0x3e5: {  	s31 =	sshll.u32 s1, $0x6  }
0x3e6: {  	s0 =	sshra.s32 s31, $0x2  }
0x3e7: {  	s1 =	sadd.s32 $0x1, s1;
	[tilespmem:s0+$0x3678] =	vst v0  }
.LBB3_47:
0x3e8: {  	s2 =	sadd.s32 $0x1, s2  }
0x3e9: {  	p1 =	sne.s32 s2, $0x20  }
.Ltmp40:
0x3ea: {  	_ = 	snop;
	(pc) =	sbr.rel @!p1 .LBB3_48-.Ltmp40, $1  }
0x3eb: {  	_ =	sdelay $0x3  }
.LBB3_40:
0x3ec: {  	v0 =	vld.msk [tilespmem:s2+$0x3658], $0x1;
	_ =	sdelay $0x4  }
0x3ed: {  	(v2sf) =	vpush v0, $0x0;
	_ =	sdelay $0xe  }
0x3ee: {  	s4 =	spop (v2sf)  }
0x3ef: {  	p1 =	seq.s32 s4, $0xFFFFFFFF  }
.Ltmp41:
0x3f0: {  	_ = 	snop;
	(pc) =	sbr.rel @p1 .LBB3_47-.Ltmp41, $1  }
0x3f1: {  	_ =	sdelay $0x3  }
0x3f2: {  	p1 =	slt.s32 s1, $0x1  }
.Ltmp42:
0x3f3: {  	_ = 	snop;
	(pc) =	sbr.rel @p1 .LBB3_45-.Ltmp42, $1  }
0x3f4: {  	_ =	sdelay $0x3  }
0x3f5: {  	s5 =	simm.s32 $0x3658;
	p1 =	por $0x0, $0x0  }
0x3f6: {  	v1 =	vld.msk @!p1 [tilespmem:s5+$0x0], $0x1;
	_ =	sdelay $0x4  }
0x3f7: {  	(v2sf) =	vpush @!p1 v1, $0x0;
	_ =	sdelay $0xd  }
0x3f8: {  	p3 =	sne.s32 s1, $0x1  }
.Ltmp43:
0x3f9: {  	s0 =	spop @!p1 (v2sf);
	(pc) =	sbr.rel @!p3 .LBB3_44-.Ltmp43, $4  }
0x3fa: {  	p2 =	seq.s32 @!p1 s4, s0  }
0x3fb: {  	s6 =	simm.s32 $0x0;
	p2 =	por !p2, p1  }
0x3fc: {  	s0 =	simm.s32 $0xFFFFFFFF;
	s6 =	simm.s32 @p2 $0xFFFFFFFF  }
0x3fd: {  	s7 =	simm.s32 $0x1;
	s6 =	smov.u32 @p1 s0  }
.LBB3_43:
0x3fe: {  	s0 =	smov.u32 s6;
	p1 =	sne.s32 s6, $0xFFFFFFFF  }
0x3ff: {  	s5 =	sadd.s32 $0x1, s5;
	s6 =	smov.u32 s7;
	s7 =	sadd.s32 $0x1, s7  }
0x400: {  	p2 =	sne.s32 s1, s7;
	v1 =	vld.msk @!p1 [tilespmem:s5+$0x0], $0x1;
	_ =	sdelay $0x4  }
0x401: {  	(v2sf) =	vpush @!p1 v1, $0x0;
	_ =	sdelay $0xe  }
.Ltmp44:
0x402: {  	s8 =	spop @!p1 (v2sf);
	(pc) =	sbr.rel @p2 .LBB3_43-.Ltmp44, $4  }
0x403: {  	p3 =	seq.s32 @!p1 s4, s8  }
0x404: {  	p3 =	por !p3, p1  }
0x405: {  	s6 =	simm.s32 @p3 $0xFFFFFFFF  }
0x406: {  	s6 =	smov.u32 @p1 s0  }
.LBB3_44:
0x407: {  	p1 =	sne.s32 s6, $0xFFFFFFFF  }
.Ltmp45:
0x408: {  	_ = 	snop;
	(pc) =	sbr.rel @!p1 .LBB3_45-.Ltmp45, $1  }
0x409: {  	_ =	sdelay $0x3  }
0x40a: {  	s0 =	sshll.u32 s2, $0x4  }
0x40b: {  	s0 =	sand.u32 $0x3FFFFFF0, s0  }
0x40c: {  	v0 =	vld [tilespmem:s0+$0x3678]  }
.Ltmp46:
0x40d: {  	_ = 	snop;
	(pc) =	sbr.rel .LBB3_47-.Ltmp46, $4  }
0x40e: {  	_ = 	snop  }
0x40f: {  	s31 =	sshll.u32 s6, $0x6  }
0x410: {  	s0 =	sshra.s32 s31, $0x2  }
0x411: {  	[tilespmem:s0+$0x3678] =	vst.add.f32.msk $0xffff, v0  }
.LBB3_48:
0x412: {  	p1 =	slt.s32 s1, $0x1  }
.Ltmp47:
0x413: {  	_ = 	snop;
	(pc) =	sbr.rel @p1 .LBB3_52-.Ltmp47, $3  }
0x414: {  	_ =	sdelay $0x1  }
0x415: {  	s0 =	simm.s32 $0x8  }
0x416: {  	s2 =	simm.s32 $0x0;
	[sflag:s0] =	ssyncpa.u1 $0x1  }
0x417: {  	s0 =	simm.s32 $0x3658  }
0x418: {  	v0 =	vld.msk [tilespmem:s0+$0x0], $0x1;
	_ =	sdelay $0x4  }
0x419: {  	(v2sf) =	vpush v0, $0x0;
	_ =	sdelay $0xe  }
0x41a: {  	s1 =	sadd.s32 $0xFFFFFFFF, s1;
	s0 =	spop (v2sf)  }
0x41b: {  	p2 =	sne.s32 s1, $0x0;
	p1 =	sgt.u32 s0, $0xC34FF  }
.Ltmp48:
0x41c: {  	s5 =	sand.u32 @!p1 $0xFFFF8, s0;
	(pc) =	sbr.rel @!p2 .LBB3_51-.Ltmp48, $4  }
0x41d: {  	s4 =	simm.s32 $0x3678;
	s0 =	sand.u32 @!p1 $0x7, s0;
	s5 =	sadd.s32 @!p1 s3, s5  }
0x41e: {  	[hbm4b:s5+s0] =	stream.linear.scatter @!p1 [tilespmem:s4], [sflag:$0x7], $0x3, $0x38;
	[tilespmem:$0x1F0F8] =	vst v63  }
0x41f: {  	s0 =	simm.s32 $0x0  }
0x420: {  	s5 =	simm.s32 $0x3659;
	s0 =	simm.s32 @!p1 $0xC  }
.LBB3_50:
0x421: {  	v0 =	vld.msk [tilespmem:s5+$0x0], $0x1;
	s1 =	sadd.s32 $0xFFFFFFFF, s1;
	s2 =	sadd.s32 s2, s0  }
0x422: {  	p1 =	sne.s32 s1, $0x0;
	_ =	sdelay $0x3  }
0x423: {  	(v2sf) =	vpush v0, $0x0;
	_ =	sdelay $0xe  }
.Ltmp49:
0x424: {  	s6 =	spop (v2sf);
	(pc) =	sbr.rel @p1 .LBB3_50-.Ltmp49, $4  }
0x425: {  	s0 =	simm.s32 $0x0;
	p2 =	sgt.u32 s6, $0xC34FF  }
0x426: {  	s4 =	sadd.s32 $0x10, s4;
	s0 =	simm.s32 @!p2 $0xC;
	s7 =	sand.u32 @!p2 $0xFFFF8, s6  }
0x427: {  	s5 =	sadd.s32 $0x1, s5;
	s6 =	sand.u32 @!p2 $0x7, s6;
	s7 =	sadd.s32 @!p2 s3, s7  }
0x428: {  	[hbm4b:s7+s6] =	stream.linear.scatter @!p2 [tilespmem:s4], [sflag:$0x7], $0x3, $0x38;
	[tilespmem:$0x1F0F8] =	vst v63  }
.LBB3_51:
0x429: {  	s0 =	sadd.s32 s2, s0  }
0x42a: {  	s2 =	sshrl.u32 s0, $0x2  }
.LBB3_52:
0x42b: {  	s0 =	simm.s32 $0x7  }
0x42c: {  	_ =	swait.ge [sflag:s0], s2  }
0x42d: {  	s1 =	ssub.s32 $0x0, s2;
	[sflag:s0] =	ssyncset.done $0x0  }
0x42e: {  	[sflag:s0] =	ssyncadd.s32 s1  }
0x42f: {  	[sflag:s0] =	ssyncpa.u1 $0x1  }
.LBB3_53:
0x430: {  	_ =	sfence;
	s0 =	simm.s32 $0x1  }
0x431: {  	[sflag:s0] =	ssyncpa.u1 $0x1  }
0x432: {  	_ =	strace $0x9000006E  }
0x433: {  	[bflag:$0x2] =	sbarrier.arrive $0xFFFF  }
0x434: {  	s0 =	rddreg [dreg:$0x3]  }
0x435: {  	s0 =	sadd.s32 @!p0 $0x100000, s0  }
0x436: {  	[sflag:s0] =	ssyncadd.tile.s32 @!p0 $0x1;
	_ =	shalt  }
.Lfunc_end3:
_tile_overlayer_lowered:
.L_overlay_start_3:
0x437: {  	(tag) =	ssettag $0x3  }
0x438: {  	s0 =	rddreg [dreg:$0x0];
	s2 =	stileid.u32  }
0x439: {  	s1 =	rddreg [dreg:$0x1];
	p0 =	sne.s32 s2, $0x0  }
0x43a: {  	s3 =	rddreg [dreg:$0x2];
	[bflag:$0x3] =	sbarrier.arrive $0xFFFF;
	s2 =	simm.s32 @!p0 $0x1C01  }
0x43b: {  	[timem:s3], [sflag:s2] =	dma.local @!p0 [hbm:s0], s1  }
0x43c: {  	s0 =	simm.s32 @!p0 $0x1  }
0x43d: {  	_ =	swait.ge @!p0 [sflag:s0], s1  }
0x43e: {  	s1 =	ssub.s32 @!p0 $0x0, s1;
	[sflag:s0] =	ssyncset.done @!p0 $0x0  }
0x43f: {  	[sflag:s0] =	ssyncadd.s32 @!p0 s1  }
0x440: {  	[bflag:$0x3] =	sbarrier.arrive $0xFFFF  }
0x441: {  	_ =	shalt  }

// kernel: scatter_offload_async_start.2
scs
__scs_entry_jumppad:
0x0: {  	(pc) =	sbr.rel $0x88, $3  }
0x1: {  	(tag) =	ssettag $0x0;
	lr =	simm.s32 $0x1  }
0x2: {  	[smem:$0x3F8E] =	sst lr;
	_ =	strace $0xD0000000  }
0x3: {  	_ = 	snop  }
0x4: {  	_ = 	snop  }
0x5: {  	_ = 	snop  }
0x6: {  	_ = 	snop  }
0x7: {  	_ = 	snop  }
__scs_overlays_trampoline_lowered:
0x8: {  	[smem:$0x3F9D] =	sst s0  }
0x9: {  	[smem:$0x3F9E] =	sst s1  }
0xa: {  	[smem:$0x3F9F] =	sst s2  }
0xb: {  	[smem:$0x3FA0] =	sst s3  }
0xc: {  	[smem:$0x3FA1] =	sst s4  }
0xd: {  	[smem:$0x3FA2] =	sst s5  }
0xe: {  	[smem:$0x3FA3] =	sst s6  }
0xf: {  	[smem:$0x3FA4] =	sst s7  }
0x10: {  	[smem:$0x3FA5] =	sst s8  }
0x11: {  	[smem:$0x3FA6] =	sst s9;
	s0 =	simm.s32 @!p0 $0x0  }
0x12: {  	s1 =	sld [smem:$0x3F8C];
	s0 =	simm.s32 @p0 $0x1  }
0x13: {  	[smem:$0x3FA7] =	sst s0;
	s0 =	simm.s32 @!p1 $0x0  }
0x14: {  	s2 =	sld [smem:$0x3F8B];
	s0 =	simm.s32 @p1 $0x1  }
0x15: {  	[smem:$0x3FA8] =	sst s0;
	s0 =	simm.s32 @!p2 $0x0  }
0x16: {  	s3 =	sld [smem:$0x3FDB];
	s0 =	simm.s32 @p2 $0x1  }
0x17: {  	s4 =	simm.s32 $0x1BF5;
	[smem:$0x3FAA] =	sst s0  }
0x18: {  	s0 =	sld [smem:$0x3F8D];
	_ =	swait.ge [sflag:s4], $0x0  }
0x19: {  	s7 =	sld [smem:$0x3F8E]  }
0x1a: {  	s8 =	sadd.s32 $0xFFFFE003, lr  }
0x1b: {  	s9 =	sadd.s32 $0xFFFFFEF7, lr;
	s5 =	simm.s32 $0xFFFFFFFF;
	p2 =	slt.u32 s8, $0xFFFFF086  }
0x1c: {  	p1 =	slt.u32 s9, $0xF7A;
	s5 =	simm.s32 @!p2 $0x0  }
0x1d: {  	s5 =	simm.s32 @p1 $0x1;
	p0 =	seq.s32 s7, s2  }
0x1e: {  	s7 =	smul.u32 @!p0 $0xF7A, s2;
	p2 =	seq.s32 @!p0 s5, $0x0  }
0x1f: {  	s9 =	smul.u32 $0xF7A, s1;
	s8 =	simm.s32 @!p0 $0x1BF5;
	p2 =	por !p2, p0  }
0x20: {  	[sflag:s8] =	ssyncset.s32 @!p0 $0xFFFFF086;
	s6 =	sadd.s32 @!p0 s3, s7;
	s7 =	simm.s32 @!p0 $0x108  }
0x21: {  	s3 =	sadd.s32 s3, s9;
	s6 =	sadd.s32 @!p0 $0x88, s6;
	s7 =	simm.s32 @p2 $0x1082  }
0x22: {  	[simem:s7], [sflag:s8] =	dma.local @!p0 [hbm:s6], $0xF7A  }
0x23: {  	s9 =	sor.u32 $0xD0000000, s2;
	s6 =	simm.s32 $0x108;
	_ =	swait.ge @!p0 [sflag:s8], $0x0  }
0x24: {  	s3 =	sadd.s32 $0x88, s3;
	s6 =	simm.s32 @!p1 $0x1082;
	[sflag:s4] =	ssyncset.s32 $0xFFFFF086  }
0x25: {  	[simem:s6], [sflag:s4] =	dma.local [hbm:s3], $0xF7A  }
0x26: {  	[smem:$0x3F8E] =	sst s1;
	(tag) =	ssettag s2;
	_ =	strace s9  }
0x27: {  	s1 =	sld [smem:$0x3F9E]  }
0x28: {  	s2 =	sld [smem:$0x3F9F]  }
0x29: {  	s4 =	sld [smem:$0x3FA1]  }
0x2a: {  	p0 =	seq.s32 s5, $0x0;
	s5 =	sld [smem:$0x3FA2]  }
0x2b: {  	s6 =	sld [smem:$0x3FA3]  }
0x2c: {  	s7 =	sld [smem:$0x3FA4]  }
0x2d: {  	s3 =	simm.s32 $0x108;
	s8 =	sld [smem:$0x3FA5]  }
0x2e: {  	s3 =	simm.s32 @!p0 $0x1082;
	s9 =	sld [smem:$0x3FA6]  }
0x2f: {  	lr =	sadd.s32 s0, s3;
	s0 =	sld [smem:$0x3F9D]  }
0x30: {  	s3 =	sld [smem:$0x3FA0]  }
0x31: {  	[smem:$0x3FA9] =	sst s10  }
0x32: {  	s10 =	sld [smem:$0x3FA7];
	_ =	sdelay $0x3  }
0x33: {  	p0 =	seq.s32 s10, $0x1;
	s10 =	sld [smem:$0x3FA9];
	_ =	sdelay $0x3  }
0x34: {  	[smem:$0x3FA9] =	sst s10  }
0x35: {  	s10 =	sld [smem:$0x3FA8];
	_ =	sdelay $0x3  }
0x36: {  	p1 =	seq.s32 s10, $0x1;
	s10 =	sld [smem:$0x3FA9];
	_ =	sdelay $0x3  }
0x37: {  	[smem:$0x3FA9] =	sst s10  }
0x38: {  	s10 =	sld [smem:$0x3FAA]  }
0x39: {  	_ = 	snop;
	(pc) =	sbr.ind lr, $3  }
0x3a: {  	_ = 	snop  }
0x3b: {  	_ = 	snop  }
0x3c: {  	p2 =	seq.s32 s10, $0x1;
	s10 =	sld [smem:$0x3FA9]  }
0x3d: {  	_ =	shalt  }
0x3e: {  	_ =	shalt  }
0x3f: {  	_ =	shalt  }
0x40: {  	_ =	shalt  }
0x41: {  	_ =	shalt  }
0x42: {  	_ =	shalt  }
0x43: {  	_ =	shalt  }
0x44: {  	_ =	shalt  }
0x45: {  	_ =	shalt  }
0x46: {  	_ =	shalt  }
0x47: {  	_ =	shalt  }
0x48: {  	_ =	shalt  }
0x49: {  	_ =	shalt  }
0x4a: {  	_ =	shalt  }
0x4b: {  	_ =	shalt  }
0x4c: {  	_ =	shalt  }
0x4d: {  	_ =	shalt  }
0x4e: {  	_ =	shalt  }
0x4f: {  	_ =	shalt  }
0x50: {  	_ =	shalt  }
0x51: {  	_ =	shalt  }
0x52: {  	_ =	shalt  }
0x53: {  	_ =	shalt  }
0x54: {  	_ =	shalt  }
0x55: {  	_ =	shalt  }
0x56: {  	_ =	shalt  }
0x57: {  	_ =	shalt  }
0x58: {  	_ =	shalt  }
0x59: {  	_ =	shalt  }
0x5a: {  	_ =	shalt  }
0x5b: {  	_ =	shalt  }
0x5c: {  	_ =	shalt  }
0x5d: {  	_ =	shalt  }
0x5e: {  	_ =	shalt  }
0x5f: {  	_ =	shalt  }
0x60: {  	_ =	shalt  }
0x61: {  	_ =	shalt  }
0x62: {  	_ =	shalt  }
0x63: {  	_ =	shalt  }
0x64: {  	_ =	shalt  }
0x65: {  	_ =	shalt  }
0x66: {  	_ =	shalt  }
0x67: {  	_ =	shalt  }
0x68: {  	_ =	shalt  }
0x69: {  	_ =	shalt  }
0x6a: {  	_ =	shalt  }
0x6b: {  	_ =	shalt  }
0x6c: {  	_ =	shalt  }
0x6d: {  	_ =	shalt  }
0x6e: {  	_ =	shalt  }
0x6f: {  	_ =	shalt  }
0x70: {  	_ =	shalt  }
0x71: {  	_ =	shalt  }
0x72: {  	_ =	shalt  }
0x73: {  	_ =	shalt  }
0x74: {  	_ =	shalt  }
0x75: {  	_ =	shalt  }
0x76: {  	_ =	shalt  }
0x77: {  	_ =	shalt  }
0x78: {  	_ =	shalt  }
0x79: {  	_ =	shalt  }
0x7a: {  	_ =	shalt  }
0x7b: {  	_ =	shalt  }
0x7c: {  	_ =	shalt  }
0x7d: {  	_ =	shalt  }
0x7e: {  	_ =	shalt  }
0x7f: {  	_ =	shalt  }
0x80: {  	_ =	shalt  }
0x81: {  	_ =	shalt  }
0x82: {  	_ =	shalt  }
0x83: {  	_ =	shalt  }
0x84: {  	_ =	shalt  }
0x85: {  	_ =	shalt  }
0x86: {  	_ =	shalt  }
0x87: {  	_ =	shalt  }
.Lfunc_end0:
.L_simem_size_0:
called_computation.2_lowered:
.L_overlay_start_0:
0x88: {  	s2 =	sld [smem:$0x3FD9]  }
0x89: {  	s3 =	sld [smem:$0x3FFE];
	_ =	sdelay $0x1  }
0x8a: {  	s1 =	srdreg.scid  }
0x8b: {  	s0 =	sand.u32 $0x1, s1  }
0x8c: {  	s15 =	sshll.u32 s0, $0xA;
	s2 =	sadd.s32 s3, s2  }
0x8d: {  	s2 =	sadd.s32 s2, s15  }
0x8e: {  	[smem:$0x3FB5] =	sst s2  }
0x8f: {  	_ = 	snop  }
0x90: {  	(tm) =	ssettm $0x1  }
0x91: {  	s16 =	sld [smem:$0x3FFB];
	_ =	sdelay $0x3  }
0x92: {  	_ =	strace s16  }
0x93: {  	s2 =	sld [smem:$0x3FFC];
	_ =	sdelay $0x3  }
0x94: {  	_ =	strace s2  }
0x95: {  	s2 =	sld [smem:$0x3FFD];
	_ =	sdelay $0x3  }
0x96: {  	_ =	strace s2  }
0x97: {  	_ =	strace $0x8FFFFFFF  }
0x98: {  	s17 =	sld [smem:$0x3FDB];
	_ =	sdelay $0x1  }
0x99: {  	s18 =	simm.s32 $_scs_section_size  }
0x9a: {  	s4 =	simm.s32 $_size__tile_overlayer_lowered;
	s5 =	simm.s32 $_tile_overlayer_lowered  }
0x9b: {  	s6 =	simm.s32 $0x1BFF;
	s19 =	sshll.u32 s5, $0x1;
	s3 =	sadd.s32 s18, s17  }
0x9c: {  	s20 =	simm.s32 $0x0;
	s4 =	sshll.u32 s4, $0x1;
	s5 =	sadd.s32 s19, s3  }
0x9d: {  	[timem:s20], [sflag:s6] =	dma.local [hbm:s5], s4  }
0x9e: {  	_ =	swait.ge [sflag:s6], s4  }
0x9f: {  	s4 =	ssub.s32 $0x0, s4;
	[sflag:s6] =	ssyncset.done $0x0  }
0xa0: {  	[sflag:s6] =	ssyncadd.s32 s4;
	_ =	sdelay $0x1  }
0xa1: {  	s21 =	simm.s32 $0x1B8B  }
0xa2: {  	_ =	swait.ge [sflag:s21], $0x1  }
0xa3: {  	[sflag:s21] =	ssyncset.done $0x0  }
0xa4: {  	s22 =	sld [smem:$0x3FFE];
	[sflag:s21] =	ssyncadd.s32 $0xFFFFFFFF  }
0xa5: {  	s24 =	simm.s32 $0x1B8E;
	s23 =	sld [smem:$0x0]  }
0xa6: {  	s25 =	simm.s32 $execute0_lowered;
	[smem:$0x3FD2] =	sst s24  }
0xa7: {  	s6 =	sshll.u32 s25, $0x1;
	_ =	strace $0x80000064;
	[dreg:$0x1] =	wrdreg $0xFFFFFFFF  }
0xa8: {  	s7 =	simm.s32 $_size_execute0_lowered;
	s6 =	sadd.s32 s3, s6;
	[dreg:$0x0] =	wrdreg $0x0  }
0xa9: {  	s7 =	sshll.u32 s7, $0x1;
	[dreg:$0x2] =	wrdreg s6  }
0xaa: {  	[dreg:$0x3] =	wrdreg s7  }
0xab: {  	[dreg:$0x4] =	wrdreg $0xC0  }
0xac: {  	s26 =	simm.s32 $execute1_lowered;
	_ =	task [dreg:s20], $0x5FFFF  }
0xad: {  	s6 =	sshll.u32 s26, $0x1;
	[dreg:$0x1] =	wrdreg $0xFFFFFFFF  }
0xae: {  	s3 =	sadd.s32 s3, s6;
	[dreg:$0x0] =	wrdreg $0x60  }
0xaf: {  	[dreg:$0x2] =	wrdreg s3  }
0xb0: {  	[dreg:$0x3] =	wrdreg s22  }
0xb1: {  	[dreg:$0x4] =	wrdreg $0xB  }
0xb2: {  	_ =	task.clear_ibuf [dreg:s20], $0x5FFFF;
	_ =	strace $0x90000064  }
0xb3: {  	s28 =	simm.s32 $0xB;
	_ =	strace $0x80000066  }
0xb4: {  	_ =	swait.ge [sflag:s28], $0x1  }
0xb5: {  	[sflag:s28] =	ssyncadd.s32 $0xFFFFFFFF  }
0xb6: {  	_ =	strace $0x90000066  }
0xb7: {  	s3 =	sld [smem:$0x0]  }
0xb8: {  	s6 =	sand.u32 $0xFFFFFFFE, s1  }
0xb9: {  	p0 =	sne.s32 s1, s6  }
0xba: {  	s6 =	sshll.u32 @p0 s6, $0xE  }
0xbb: {  	s6 =	sadd.s32 @p0 $0x11BF3, s6;
	s7 =	sshll.u32 @p0 s3, $0x11  }
0xbc: {  	s6 =	sor.u32 @p0 s7, s6  }
0xbd: {  	[sflag:s6] =	ssyncadd.remote.s32 @p0 $0x1;
	_ =	sdelay $0x1  }
0xbe: {  	s6 =	simm.s32 @p0 $0x1BF3  }
0xbf: {  	_ =	swait.eq @p0 [sflag:s6], $0x1  }
0xc0: {  	[sflag:s6] =	ssyncadd.s32 @p0 $0xFFFFFFFF  }
0xc1: {  	s7 =	sshll.u32 @!p0 s1, $0xE  }
0xc2: {  	s7 =	sor.u32 @!p0 $0x4000, s7;
	s6 =	simm.s32 @!p0 $0x1BF3  }
0xc3: {  	s3 =	sshll.u32 @!p0 s3, $0x11;
	s7 =	sadd.s32 @!p0 $0x11BF3, s7;
	_ =	swait.eq @!p0 [sflag:s6], $0x1  }
0xc4: {  	s3 =	sor.u32 @!p0 s3, s7;
	[sflag:s6] =	ssyncadd.s32 @!p0 $0xFFFFFFFF  }
0xc5: {  	[sflag:s3] =	ssyncadd.remote.s32 @!p0 $0x1  }
0xc6: {  	_ =	strace $0x80000067;
	[dreg:$0x1] =	wrdreg $0xFFFFFFFF  }
0xc7: {  	[dreg:$0x0] =	wrdreg $0x2030  }
0xc8: {  	[dreg:$0x2] =	wrdreg s22  }
0xc9: {  	[dreg:$0x3] =	wrdreg s1  }
0xca: {  	[dreg:$0x4] =	wrdreg s23  }
0xcb: {  	[dreg:$0x5] =	wrdreg $0xC  }
0xcc: {  	_ =	task.clear_ibuf [dreg:s20], $0x6FFFF;
	_ =	strace $0x90000067  }
0xcd: {  	s29 =	simm.s32 $0xC;
	_ =	strace $0x80000069  }
0xce: {  	_ =	swait.ge [sflag:s29], $0x1  }
0xcf: {  	[sflag:s29] =	ssyncadd.s32 $0xFFFFFFFF  }
0xd0: {  	_ =	strace $0x90000069  }
0xd1: {  	_ =	sfence  }
0xd2: {  	s30 =	sld [smem:$0x0];
	_ =	sdelay $0x2  }
0xd3: {  	s31 =	sshll.u32 s1, $0xD;
	s1 =	sshrl.u32 s1, $0x2  }
0xd4: {  	s4 =	sand.u32 $0x4000, s31;
	s1 =	sadd.s32 s1, s30  }
0xd5: {  	s0 =	sor.u32 s4, s0;
	s1 =	sshll.u32 s1, $0x11  }
0xd6: {  	s0 =	sor.u32 s1, s0  }
0xd7: {  	s0 =	sadd.s32 $0x8F2B, s0  }
0xd8: {  	[sflag:s0] =	ssyncadd.remote.s32 $0x1  }
0xd9: {  	_ =	sfence.sel $0xFFFF  }
0xda: {  	[dreg:$0x0] =	wrdreg $0xFFFFFFFF;
	(pc) =	sbr.abs _section_cstart, $3  }
0xdb: {  	[dreg:$0x1] =	wrdreg $0xFFFFFFFF  }
0xdc: {  	_ =	task.clear_ibuf [dreg:s20], $0x2FFFF;
	_ =	strace $0x9FFFFFFF  }
0xdd: {  	(tm) =	ssettm $0x7FFFFFFF  }
tec
execute0_lowered:
.L_overlay_start_1:
0x0: {  	(tag) =	ssettag $0x1  }
0x1: {  	s2 =	rddreg [dreg:$0x0]  }
0x2: {  	s5 =	rddreg [dreg:$0x1]  }
0x3: {  	s0 =	rddreg [dreg:$0x2];
	s3 =	stileid.u32;
	[bflag:$0x3] =	sbarrier.arrive $0xFFFF  }
0x4: {  	s1 =	simm.s32 $_size_execute1_lowered;
	s29 =	srdreg.scid;
	s31 =	simm.s32 $0x2  }
0x5: {  	s13 =	simm.s32 $0x0;
	s8 =	simm.s32 $0x20;
	p0 =	sne.s32 s3, $0x0  }
0x6: {  	s1 =	sshll.u32 s1, $0x1;
	s4 =	simm.s32 @!p0 $0x1C3F;
	s6 =	simm.s32 @!p0 $0x4060  }
0x7: {  	[timem:s6], [sflag:s4] =	dma.local @!p0 [hbm:s2], s1  }
0x8: {  	s9 =	simm.s32 $0x80;
	s11 =	simm.s32 $0x0;
	s2 =	sshll.u32 s29, $0x9  }
.Ltmp0:
0x9: {  	s3 =	sshll.u32 s3, $0xA;
	s30 =	sand.u32 $0x200, s2;
	(pc) =	sbr.rel .LBB2_1-.Ltmp0, $4  }
0xa: {  	s12 =	simm.s32 $0x0;
	s4 =	simm.s32 $0x1;
	s3 =	sor.u32 s3, s30  }
0xb: {  	_ =	strace $0x80000065;
	s2 =	sadd.s32 $0xCE7000, s5;
	s7 =	ssub.s32 $0xC200, s3  }
0xc: {  	s5 =	sadd.s32 $0xDAA600, s5;
	[sflag:s4] =	ssyncpa.u1 $0x0;
	s6 =	sshrl.u32 s7, $0xE  }
0xd: {  	[sflag:s31] =	ssyncpa.u1 $0x0;
	s10 =	smov.u32 s3;
	s7 =	sadd.s32 $0x2, s6  }
.LBB2_5:
0xe: {  	_ =	sdelay $0x3  }
0xf: {  	[tilespmem:v1+s16+$0x0 ss:$0x1] =	vst.idx.msk $0xffff, v2  }
.LBB2_6:
0x10: {  	s16 =	sand.u32 $0x1FFFFFF, s11  }
0x11: {  	s17 =	smulhi.u32 $0x14F8B59, s16;
	_ =	sdelay $0x1  }
0x12: {  	s17 =	sshrl.u32 s17, $0x8  }
0x13: {  	s17 =	smul.u32 $0xC350, s17;
	_ =	sdelay $0x1  }
0x14: {  	s16 =	ssub.s32 s16, s17  }
0x15: {  	s16 =	sshll.u32 s16, $0x4  }
0x16: {  	s16 =	sadd.s32 s5, s16  }
0x17: {  	[hbm4b:s16+s8] =	stream.strided.scatter [tilespmem:s15], [sflag:$0x2], s14, s9, s8, $0x38;
	[tilespmem:$0x10000] =	vst v63  }
.LBB2_7:
0x18: {  	p1 =	slt.u32 s12, $0x2  }
0x19: {  	p2 =	sgt.s32 @!p1 s13, $0xC150  }
0x1a: {  	s14 =	smov.u32 s13;
	s15 =	sshra.s32 @!p1 s13, $0x1F;
	p2 =	por !p2, p1  }
0x1b: {  	s13 =	sand.u32 @!p1 s15, s13;
	s14 =	simm.s32 @p2 $0xC150  }
0x1c: {  	s13 =	ssub.s32 @!p1 s14, s13  }
0x1d: {  	s13 =	sadd.s32 @!p1 $0xFFFF3EB0, s13  }
0x1e: {  	s14 =	sshll.u32 @!p1 s13, $0x7  }
0x1f: {  	p2 =	sgt.s32 @!p1 s13, $0x1FF;
	s13 =	ssub.s32 @!p1 $0x10000, s14  }
0x20: {  	s15 =	sadd.s32 $0x4000, s10;
	p2 =	por !p2, p1;
	s13 =	sshrl.u32 @!p1 s13, $0x2  }
0x21: {  	s13 =	simm.s32 @!p2 $0x0;
	p2 =	sgt.s32 s15, $0xC34F  }
0x22: {  	s15 =	smov.u32 @p2 s3;
	p2 =	sne.s32 s12, s7  }
.Ltmp1:
0x23: {  	_ = 	snop;
	(pc) =	sbr.rel @!p2 .LBB2_8-.Ltmp1, $4  }
0x24: {  	s14 =	simm.s32 @!p1 $0x2  }
0x25: {  	_ =	swait.ge @!p1 [sflag:s14], s13;
	s16 =	ssub.s32 @!p1 $0x0, s13  }
0x26: {  	s13 =	smov.u32 s11;
	s12 =	sadd.s32 $0x1, s12;
	[sflag:s14] =	ssyncset.done @!p1 $0x0  }
0x27: {  	s11 =	smov.u32 s10;
	s10 =	smov.u32 s15;
	[sflag:s14] =	ssyncadd.s32 @!p1 s16  }
.LBB2_1:
0x28: {  	p1 =	sgt.u32 s12, s6  }
0x29: {  	s15 =	smov.u32 s10;
	p2 =	sgt.s32 @!p1 s10, $0xC150  }
0x2a: {  	s14 =	sand.u32 @!p1 $0x1FFFFFF, s10;
	s16 =	sshra.s32 @!p1 s10, $0x1F;
	p2 =	por !p2, p1  }
0x2b: {  	s17 =	smulhi.u32 @!p1 $0x14F8B59, s14;
	s16 =	sand.u32 @!p1 s16, s10;
	s15 =	simm.s32 @p2 $0xC150  }
0x2c: {  	s15 =	ssub.s32 @!p1 s15, s16  }
0x2d: {  	s16 =	sshrl.u32 @!p1 s17, $0x8;
	s15 =	sadd.s32 @!p1 $0xFFFF3EB0, s15  }
0x2e: {  	s17 =	sxor.u32 @!p1 $0xFFFFFFFF, s12;
	s16 =	smul.u32 @!p1 $0xC350, s16;
	s18 =	sshll.u32 @!p1 s15, $0x7  }
0x2f: {  	s17 =	sshll.u32 @!p1 s17, $0xE;
	p2 =	sgt.s32 @!p1 s15, $0x1FF;
	s15 =	ssub.s32 @!p1 $0x10000, s18  }
0x30: {  	s14 =	ssub.s32 @!p1 s14, s16;
	p2 =	por !p2, p1;
	s16 =	sand.u32 @!p1 $0x4000, s17  }
0x31: {  	s17 =	simm.s32 @!p1 $0x20;
	s15 =	sshrl.u32 @!p1 s15, $0x2;
	s14 =	sshll.u32 @!p1 s14, $0x4  }
0x32: {  	s18 =	simm.s32 @!p1 $0x80;
	s15 =	simm.s32 @!p2 $0x0;
	s14 =	sadd.s32 @!p1 s2, s14  }
0x33: {  	[tilespmem:s16], [sflag:$0x1] =	stream.strided.gather @!p1 [hbm4b:s14+s17], s15, s18, s17, $0x38;
	[tilespmem:$0x10000] =	vst v63  }
0x34: {  	p1 =	seq.s32 s12, $0x0  }
0x35: {  	p2 =	sge.u32 @!p1 s12, s7  }
0x36: {  	p1 =	por p1, p2  }
.Ltmp2:
0x37: {  	_ = 	snop;
	(pc) =	sbr.rel @p1 .LBB2_7-.Ltmp2, $1  }
0x38: {  	_ =	sdelay $0x3  }
0x39: {  	p1 =	sgt.s32 s11, $0xC150;
	s14 =	smov.u32 s11;
	s15 =	sshra.s32 s11, $0x1F  }
0x3a: {  	s14 =	simm.s32 @!p1 $0xC150;
	s15 =	sand.u32 s15, s11  }
0x3b: {  	s14 =	ssub.s32 s14, s15  }
0x3c: {  	s14 =	sadd.s32 $0xFFFF3EB0, s14  }
0x3d: {  	s31 =	sshll.u32 s14, $0x7  }
0x3e: {  	s15 =	ssub.s32 $0x10000, s31  }
0x3f: {  	p1 =	sgt.s32 s14, $0x1FF;
	s14 =	sshrl.u32 s15, $0x2;
	s15 =	sadd.s32 $0x200, s11  }
0x40: {  	s14 =	simm.s32 @p1 $0x0;
	p1 =	slt.s32 s15, $0xC350  }
0x41: {  	s15 =	simm.s32 @!p1 $0xC350  }
0x42: {  	s17 =	ssub.s32 s15, s11  }
0x43: {  	p1 =	slt.s32 s17, $0x1  }
.Ltmp3:
0x44: {  	_ = 	snop;
	(pc) =	sbr.rel @p1 .LBB2_6-.Ltmp3, $4  }
0x45: {  	_ = 	snop  }
0x46: {  	s16 =	sshll.u32 s12, $0xE;
	_ =	swait.ge [sflag:s4], s14  }
0x47: {  	s16 =	sand.u32 $0x4000, s16;
	s18 =	ssub.s32 $0x0, s14;
	[sflag:s4] =	ssyncset.done $0x0  }
0x48: {  	s15 =	sor.u32 $0x8000, s16;
	[sflag:s4] =	ssyncadd.s32 s18  }
0x49: {  	v0 =	vmov s16;
	_ =	sdelay $0x2  }
0x4a: {  	s31 =	simm.s32 $0x0;
	p1 =	sne.s32 s17, $0x1  }
.Ltmp4:
0x4b: {  	s16 =	sand.u32 $0x3FE0, s31;
	(pc) =	sbr.rel @!p1 .LBB2_5-.Ltmp4, $2  }
0x4c: {  	v1 =	vmov s15;
	v2 =	vld.idx.msk [tilespmem:v0+s16+$0x0 ss:$0x1], $0xffff;
	_ =	sdelay $0x2  }
0x4d: {  	s17 =	sadd.s32 $0xFFFFFFFF, s17;
	s18 =	simm.s32 $0x20  }
.LBB2_4:
0x4e: {  	s19 =	sand.u32 $0x3FE0, s18;
	p1 =	sne.s32 s17, $0x1;
	s17 =	sadd.s32 $0xFFFFFFFF, s17  }
.Ltmp5:
0x4f: {  	[tilespmem:v1+s16+$0x0 ss:$0x1] =	vst.idx.msk $0xffff, v2;
	v2 =	vld.idx.msk [tilespmem:v0+s19+$0x0 ss:$0x1], $0xffff;
	s16 =	smov.u32 s19;
	(pc) =	sbr.rel @p1 .LBB2_4-.Ltmp5, $2  }
0x50: {  	_ =	sdelay $0x2  }
0x51: {  	s18 =	sadd.s32 $0x20, s18  }
.Ltmp6:
0x52: {  	_ = 	snop;
	(pc) =	sbr.rel .LBB2_5-.Ltmp6, $1  }
0x53: {  	_ =	sdelay $0x3  }
.LBB2_8:
0x54: {  	_ =	sfence.sel $0x180000  }
0x55: {  	s2 =	simm.s32 $0x1;
	[bflag:$0x0] =	sbarrier.arrive $0xFFFF  }
0x56: {  	s31 =	simm.s32 $0x2;
	[sflag:s2] =	ssyncpa.u1 $0x1  }
0x57: {  	[sflag:s31] =	ssyncpa.u1 $0x1  }
0x58: {  	_ =	strace $0x90000065  }
0x59: {  	s0 =	sadd.s32 @!p0 $0x100000, s0;
	[bflag:$0x2] =	sbarrier.arrive $0xFFFF  }
0x5a: {  	[sflag:s0] =	ssyncadd.tile.s32 @!p0 $0x1;
	s0 =	simm.s32 @!p0 $0x3F  }
0x5b: {  	_ =	swait.ge @!p0 [sflag:s0], s1  }
0x5c: {  	s1 =	ssub.s32 @!p0 $0x0, s1;
	[sflag:s0] =	ssyncset.done @!p0 $0x0  }
0x5d: {  	[sflag:s0] =	ssyncadd.s32 @!p0 s1  }
0x5e: {  	[bflag:$0x3] =	sbarrier.arrive $0xFFFF  }
0x5f: {  	_ =	shalt  }
.Lfunc_end2:
execute1_lowered:
.L_overlay_start_2:
0x60: {  	(tag) =	ssettag $0x2  }
0x61: {  	s11 =	rddreg [dreg:$0x0]  }
0x62: {  	s2 =	rddreg [dreg:$0x1];
	_ =	strace $0x80000068;
	s12 =	simm.s32 $0x1  }
0x63: {  	v0 =	vimm.s32 $0x0;
	[sflag:s12] =	ssyncpa.u1 $0x0  }
0x64: {  	[tilespmem:$0x28] =	vst v0  }
0x65: {  	[tilespmem:$0x38] =	vst v0  }
0x66: {  	[tilespmem:$0x48] =	vst v0  }
0x67: {  	[tilespmem:$0x58] =	vst v0  }
0x68: {  	[tilespmem:$0x68] =	vst v0  }
0x69: {  	[tilespmem:$0x78] =	vst v0  }
0x6a: {  	[tilespmem:$0x88] =	vst v0  }
0x6b: {  	[tilespmem:$0x98] =	vst v0  }
0x6c: {  	[tilespmem:$0xA8] =	vst v0  }
0x6d: {  	[tilespmem:$0xB8] =	vst v0  }
0x6e: {  	[tilespmem:$0xC8] =	vst v0  }
0x6f: {  	[tilespmem:$0xD8] =	vst v0  }
0x70: {  	[tilespmem:$0xE8] =	vst v0  }
0x71: {  	[tilespmem:$0xF8] =	vst v0  }
0x72: {  	[tilespmem:$0x108] =	vst v0  }
0x73: {  	[tilespmem:$0x118] =	vst v0  }
0x74: {  	[tilespmem:$0x128] =	vst v0  }
0x75: {  	[tilespmem:$0x138] =	vst v0  }
0x76: {  	[tilespmem:$0x148] =	vst v0  }
0x77: {  	[tilespmem:$0x158] =	vst v0  }
0x78: {  	[tilespmem:$0x168] =	vst v0  }
0x79: {  	[tilespmem:$0x178] =	vst v0  }
0x7a: {  	[tilespmem:$0x188] =	vst v0  }
0x7b: {  	[tilespmem:$0x198] =	vst v0  }
0x7c: {  	[tilespmem:$0x1A8] =	vst v0  }
0x7d: {  	[tilespmem:$0x1B8] =	vst v0  }
0x7e: {  	[tilespmem:$0x1C8] =	vst v0  }
0x7f: {  	[tilespmem:$0x1D8] =	vst v0  }
0x80: {  	[tilespmem:$0x1E8] =	vst v0  }
0x81: {  	[tilespmem:$0x1F8] =	vst v0  }
0x82: {  	[tilespmem:$0x208] =	vst v0  }
0x83: {  	[tilespmem:$0x218] =	vst v0  }
0x84: {  	[tilespmem:$0x228] =	vst v0  }
0x85: {  	[tilespmem:$0x238] =	vst v0  }
0x86: {  	[tilespmem:$0x248] =	vst v0  }
0x87: {  	[tilespmem:$0x258] =	vst v0  }
0x88: {  	[tilespmem:$0x268] =	vst v0  }
0x89: {  	[tilespmem:$0x278] =	vst v0  }
0x8a: {  	[tilespmem:$0x288] =	vst v0  }
0x8b: {  	[tilespmem:$0x298] =	vst v0  }
0x8c: {  	[tilespmem:$0x2A8] =	vst v0  }
0x8d: {  	[tilespmem:$0x2B8] =	vst v0  }
0x8e: {  	[tilespmem:$0x2C8] =	vst v0  }
0x8f: {  	[tilespmem:$0x2D8] =	vst v0  }
0x90: {  	[tilespmem:$0x2E8] =	vst v0  }
0x91: {  	[tilespmem:$0x2F8] =	vst v0  }
0x92: {  	[tilespmem:$0x308] =	vst v0  }
0x93: {  	[tilespmem:$0x318] =	vst v0  }
0x94: {  	[tilespmem:$0x328] =	vst v0  }
0x95: {  	[tilespmem:$0x338] =	vst v0  }
0x96: {  	[tilespmem:$0x348] =	vst v0  }
0x97: {  	[tilespmem:$0x358] =	vst v0  }
0x98: {  	[tilespmem:$0x368] =	vst v0  }
0x99: {  	[tilespmem:$0x378] =	vst v0  }
0x9a: {  	[tilespmem:$0x388] =	vst v0  }
0x9b: {  	[tilespmem:$0x398] =	vst v0  }
0x9c: {  	[tilespmem:$0x3A8] =	vst v0  }
0x9d: {  	[tilespmem:$0x3B8] =	vst v0  }
0x9e: {  	[tilespmem:$0x3C8] =	vst v0  }
0x9f: {  	[tilespmem:$0x3D8] =	vst v0  }
0xa0: {  	[tilespmem:$0x3E8] =	vst v0  }
0xa1: {  	[tilespmem:$0x3F8] =	vst v0  }
0xa2: {  	[tilespmem:$0x408] =	vst v0  }
0xa3: {  	[tilespmem:$0x418] =	vst v0  }
0xa4: {  	[tilespmem:$0x428] =	vst v0  }
0xa5: {  	[tilespmem:$0x438] =	vst v0  }
0xa6: {  	[tilespmem:$0x448] =	vst v0  }
0xa7: {  	[tilespmem:$0x458] =	vst v0  }
0xa8: {  	[tilespmem:$0x468] =	vst v0  }
0xa9: {  	[tilespmem:$0x478] =	vst v0  }
0xaa: {  	[tilespmem:$0x488] =	vst v0  }
0xab: {  	[tilespmem:$0x498] =	vst v0  }
0xac: {  	[tilespmem:$0x4A8] =	vst v0  }
0xad: {  	[tilespmem:$0x4B8] =	vst v0  }
0xae: {  	[tilespmem:$0x4C8] =	vst v0  }
0xaf: {  	[tilespmem:$0x4D8] =	vst v0  }
0xb0: {  	[tilespmem:$0x4E8] =	vst v0  }
0xb1: {  	[tilespmem:$0x4F8] =	vst v0  }
0xb2: {  	[tilespmem:$0x508] =	vst v0  }
0xb3: {  	[tilespmem:$0x518] =	vst v0  }
0xb4: {  	[tilespmem:$0x528] =	vst v0  }
0xb5: {  	[tilespmem:$0x538] =	vst v0  }
0xb6: {  	[tilespmem:$0x548] =	vst v0  }
0xb7: {  	[tilespmem:$0x558] =	vst v0  }
0xb8: {  	[tilespmem:$0x568] =	vst v0  }
0xb9: {  	[tilespmem:$0x578] =	vst v0  }
0xba: {  	[tilespmem:$0x588] =	vst v0  }
0xbb: {  	[tilespmem:$0x598] =	vst v0  }
0xbc: {  	[tilespmem:$0x5A8] =	vst v0  }
0xbd: {  	[tilespmem:$0x5B8] =	vst v0  }
0xbe: {  	[tilespmem:$0x5C8] =	vst v0  }
0xbf: {  	[tilespmem:$0x5D8] =	vst v0  }
0xc0: {  	[tilespmem:$0x5E8] =	vst v0  }
0xc1: {  	[tilespmem:$0x5F8] =	vst v0  }
0xc2: {  	[tilespmem:$0x608] =	vst v0  }
0xc3: {  	[tilespmem:$0x618] =	vst v0  }
0xc4: {  	[tilespmem:$0x628] =	vst v0  }
0xc5: {  	[tilespmem:$0x638] =	vst v0  }
0xc6: {  	[tilespmem:$0x648] =	vst v0  }
0xc7: {  	[tilespmem:$0x658] =	vst v0  }
0xc8: {  	[tilespmem:$0x668] =	vst v0  }
0xc9: {  	[tilespmem:$0x678] =	vst v0  }
0xca: {  	[tilespmem:$0x688] =	vst v0  }
0xcb: {  	[tilespmem:$0x698] =	vst v0  }
0xcc: {  	[tilespmem:$0x6A8] =	vst v0  }
0xcd: {  	[tilespmem:$0x6B8] =	vst v0  }
0xce: {  	[tilespmem:$0x6C8] =	vst v0  }
0xcf: {  	[tilespmem:$0x6D8] =	vst v0  }
0xd0: {  	[tilespmem:$0x6E8] =	vst v0  }
0xd1: {  	[tilespmem:$0x6F8] =	vst v0  }
0xd2: {  	[tilespmem:$0x708] =	vst v0  }
0xd3: {  	[tilespmem:$0x718] =	vst v0  }
0xd4: {  	[tilespmem:$0x728] =	vst v0  }
0xd5: {  	[tilespmem:$0x738] =	vst v0  }
0xd6: {  	[tilespmem:$0x748] =	vst v0  }
0xd7: {  	[tilespmem:$0x758] =	vst v0  }
0xd8: {  	[tilespmem:$0x768] =	vst v0  }
0xd9: {  	[tilespmem:$0x778] =	vst v0  }
0xda: {  	[tilespmem:$0x788] =	vst v0  }
0xdb: {  	[tilespmem:$0x798] =	vst v0  }
0xdc: {  	[tilespmem:$0x7A8] =	vst v0  }
0xdd: {  	[tilespmem:$0x7B8] =	vst v0  }
0xde: {  	[tilespmem:$0x7C8] =	vst v0  }
0xdf: {  	[tilespmem:$0x7D8] =	vst v0  }
0xe0: {  	[tilespmem:$0x7E8] =	vst v0  }
0xe1: {  	[tilespmem:$0x7F8] =	vst v0  }
0xe2: {  	[tilespmem:$0x808] =	vst v0  }
0xe3: {  	[tilespmem:$0x818] =	vst v0  }
0xe4: {  	[tilespmem:$0x828] =	vst v0  }
0xe5: {  	[tilespmem:$0x838] =	vst v0  }
0xe6: {  	[tilespmem:$0x848] =	vst v0  }
0xe7: {  	[tilespmem:$0x858] =	vst v0  }
0xe8: {  	[tilespmem:$0x868] =	vst v0  }
0xe9: {  	[tilespmem:$0x878] =	vst v0  }
0xea: {  	[tilespmem:$0x888] =	vst v0  }
0xeb: {  	[tilespmem:$0x898] =	vst v0  }
0xec: {  	[tilespmem:$0x8A8] =	vst v0  }
0xed: {  	[tilespmem:$0x8B8] =	vst v0  }
0xee: {  	[tilespmem:$0x8C8] =	vst v0  }
0xef: {  	[tilespmem:$0x8D8] =	vst v0  }
0xf0: {  	[tilespmem:$0x8E8] =	vst v0  }
0xf1: {  	[tilespmem:$0x8F8] =	vst v0  }
0xf2: {  	[tilespmem:$0x908] =	vst v0  }
0xf3: {  	[tilespmem:$0x918] =	vst v0  }
0xf4: {  	[tilespmem:$0x928] =	vst v0  }
0xf5: {  	[tilespmem:$0x938] =	vst v0  }
0xf6: {  	[tilespmem:$0x948] =	vst v0  }
0xf7: {  	[tilespmem:$0x958] =	vst v0  }
0xf8: {  	[tilespmem:$0x968] =	vst v0  }
0xf9: {  	[tilespmem:$0x978] =	vst v0  }
0xfa: {  	[tilespmem:$0x988] =	vst v0  }
0xfb: {  	[tilespmem:$0x998] =	vst v0  }
0xfc: {  	[tilespmem:$0x9A8] =	vst v0  }
0xfd: {  	[tilespmem:$0x9B8] =	vst v0  }
0xfe: {  	[tilespmem:$0x9C8] =	vst v0  }
0xff: {  	[tilespmem:$0x9D8] =	vst v0  }
0x100: {  	[tilespmem:$0x9E8] =	vst v0  }
0x101: {  	[tilespmem:$0x9F8] =	vst v0  }
0x102: {  	[tilespmem:$0xA08] =	vst v0  }
0x103: {  	[tilespmem:$0xA18] =	vst v0  }
0x104: {  	[tilespmem:$0xA28] =	vst v0  }
0x105: {  	[tilespmem:$0xA38] =	vst v0  }
0x106: {  	[tilespmem:$0xA48] =	vst v0  }
0x107: {  	[tilespmem:$0xA58] =	vst v0  }
0x108: {  	[tilespmem:$0xA68] =	vst v0  }
0x109: {  	[tilespmem:$0xA78] =	vst v0  }
0x10a: {  	[tilespmem:$0xA88] =	vst v0  }
0x10b: {  	[tilespmem:$0xA98] =	vst v0  }
0x10c: {  	[tilespmem:$0xAA8] =	vst v0  }
0x10d: {  	[tilespmem:$0xAB8] =	vst v0  }
0x10e: {  	[tilespmem:$0xAC8] =	vst v0  }
0x10f: {  	[tilespmem:$0xAD8] =	vst v0  }
0x110: {  	[tilespmem:$0xAE8] =	vst v0  }
0x111: {  	[tilespmem:$0xAF8] =	vst v0  }
0x112: {  	[tilespmem:$0xB08] =	vst v0  }
0x113: {  	[tilespmem:$0xB18] =	vst v0  }
0x114: {  	[tilespmem:$0xB28] =	vst v0  }
0x115: {  	[tilespmem:$0xB38] =	vst v0  }
0x116: {  	[tilespmem:$0xB48] =	vst v0  }
0x117: {  	[tilespmem:$0xB58] =	vst v0  }
0x118: {  	[tilespmem:$0xB68] =	vst v0  }
0x119: {  	[tilespmem:$0xB78] =	vst v0  }
0x11a: {  	[tilespmem:$0xB88] =	vst v0  }
0x11b: {  	[tilespmem:$0xB98] =	vst v0  }
0x11c: {  	[tilespmem:$0xBA8] =	vst v0  }
0x11d: {  	[tilespmem:$0xBB8] =	vst v0  }
0x11e: {  	[tilespmem:$0xBC8] =	vst v0  }
0x11f: {  	[tilespmem:$0xBD8] =	vst v0  }
0x120: {  	[tilespmem:$0xBE8] =	vst v0  }
0x121: {  	[tilespmem:$0xBF8] =	vst v0  }
0x122: {  	[tilespmem:$0xC08] =	vst v0  }
0x123: {  	[tilespmem:$0xC18] =	vst v0  }
0x124: {  	[tilespmem:$0xC28] =	vst v0  }
0x125: {  	[tilespmem:$0xC38] =	vst v0  }
0x126: {  	[tilespmem:$0xC48] =	vst v0  }
0x127: {  	[tilespmem:$0xC58] =	vst v0  }
0x128: {  	[tilespmem:$0xC68] =	vst v0  }
0x129: {  	[tilespmem:$0xC78] =	vst v0  }
0x12a: {  	[tilespmem:$0xC88] =	vst v0  }
0x12b: {  	[tilespmem:$0xC98] =	vst v0  }
0x12c: {  	[tilespmem:$0xCA8] =	vst v0  }
0x12d: {  	[tilespmem:$0xCB8] =	vst v0  }
0x12e: {  	[tilespmem:$0xCC8] =	vst v0  }
0x12f: {  	[tilespmem:$0xCD8] =	vst v0  }
0x130: {  	[tilespmem:$0xCE8] =	vst v0  }
0x131: {  	[tilespmem:$0xCF8] =	vst v0  }
0x132: {  	[tilespmem:$0xD08] =	vst v0  }
0x133: {  	[tilespmem:$0xD18] =	vst v0  }
0x134: {  	[tilespmem:$0xD28] =	vst v0  }
0x135: {  	[tilespmem:$0xD38] =	vst v0  }
0x136: {  	[tilespmem:$0xD48] =	vst v0  }
0x137: {  	[tilespmem:$0xD58] =	vst v0  }
0x138: {  	[tilespmem:$0xD68] =	vst v0  }
0x139: {  	[tilespmem:$0xD78] =	vst v0  }
0x13a: {  	[tilespmem:$0xD88] =	vst v0  }
0x13b: {  	[tilespmem:$0xD98] =	vst v0  }
0x13c: {  	[tilespmem:$0xDA8] =	vst v0  }
0x13d: {  	[tilespmem:$0xDB8] =	vst v0  }
0x13e: {  	[tilespmem:$0xDC8] =	vst v0  }
0x13f: {  	[tilespmem:$0xDD8] =	vst v0  }
0x140: {  	[tilespmem:$0xDE8] =	vst v0  }
0x141: {  	[tilespmem:$0xDF8] =	vst v0  }
0x142: {  	[tilespmem:$0xE08] =	vst v0  }
0x143: {  	[tilespmem:$0xE18] =	vst v0  }
0x144: {  	[tilespmem:$0xE28] =	vst v0  }
0x145: {  	[tilespmem:$0xE38] =	vst v0  }
0x146: {  	[tilespmem:$0xE48] =	vst v0  }
0x147: {  	[tilespmem:$0xE58] =	vst v0  }
0x148: {  	[tilespmem:$0xE68] =	vst v0  }
0x149: {  	[tilespmem:$0xE78] =	vst v0  }
0x14a: {  	[tilespmem:$0xE88] =	vst v0  }
0x14b: {  	[tilespmem:$0xE98] =	vst v0  }
0x14c: {  	[tilespmem:$0xEA8] =	vst v0  }
0x14d: {  	[tilespmem:$0xEB8] =	vst v0  }
0x14e: {  	[tilespmem:$0xEC8] =	vst v0  }
0x14f: {  	[tilespmem:$0xED8] =	vst v0  }
0x150: {  	[tilespmem:$0xEE8] =	vst v0  }
0x151: {  	[tilespmem:$0xEF8] =	vst v0  }
0x152: {  	[tilespmem:$0xF08] =	vst v0  }
0x153: {  	[tilespmem:$0xF18] =	vst v0  }
0x154: {  	[tilespmem:$0xF28] =	vst v0  }
0x155: {  	[tilespmem:$0xF38] =	vst v0  }
0x156: {  	[tilespmem:$0xF48] =	vst v0  }
0x157: {  	[tilespmem:$0xF58] =	vst v0  }
0x158: {  	[tilespmem:$0xF68] =	vst v0  }
0x159: {  	[tilespmem:$0xF78] =	vst v0  }
0x15a: {  	[tilespmem:$0xF88] =	vst v0  }
0x15b: {  	[tilespmem:$0xF98] =	vst v0  }
0x15c: {  	[tilespmem:$0xFA8] =	vst v0  }
0x15d: {  	[tilespmem:$0xFB8] =	vst v0  }
0x15e: {  	[tilespmem:$0xFC8] =	vst v0  }
0x15f: {  	[tilespmem:$0xFD8] =	vst v0  }
0x160: {  	[tilespmem:$0xFE8] =	vst v0  }
0x161: {  	[tilespmem:$0xFF8] =	vst v0  }
0x162: {  	[tilespmem:$0x1028] =	vst v0  }
0x163: {  	[tilespmem:$0x10E8] =	vst v0  }
0x164: {  	[tilespmem:$0x1068] =	vst v0  }
0x165: {  	[tilespmem:$0x1B28] =	vst v0  }
0x166: {  	[tilespmem:$0x1B18] =	vst v0  }
0x167: {  	[tilespmem:$0x1B08] =	vst v0  }
0x168: {  	[tilespmem:$0x1AF8] =	vst v0  }
0x169: {  	[tilespmem:$0x1AE8] =	vst v0  }
0x16a: {  	[tilespmem:$0x1AD8] =	vst v0  }
0x16b: {  	[tilespmem:$0x1AC8] =	vst v0  }
0x16c: {  	[tilespmem:$0x1AB8] =	vst v0  }
0x16d: {  	[tilespmem:$0x1AA8] =	vst v0  }
0x16e: {  	[tilespmem:$0x1A98] =	vst v0  }
0x16f: {  	[tilespmem:$0x1A88] =	vst v0  }
0x170: {  	[tilespmem:$0x1A78] =	vst v0  }
0x171: {  	[tilespmem:$0x1A68] =	vst v0  }
0x172: {  	[tilespmem:$0x1A58] =	vst v0  }
0x173: {  	[tilespmem:$0x1A48] =	vst v0  }
0x174: {  	[tilespmem:$0x1A38] =	vst v0  }
0x175: {  	[tilespmem:$0x1A28] =	vst v0  }
0x176: {  	[tilespmem:$0x1A18] =	vst v0  }
0x177: {  	[tilespmem:$0x1A08] =	vst v0  }
0x178: {  	[tilespmem:$0x19F8] =	vst v0  }
0x179: {  	[tilespmem:$0x19E8] =	vst v0  }
0x17a: {  	[tilespmem:$0x19D8] =	vst v0  }
0x17b: {  	[tilespmem:$0x19C8] =	vst v0  }
0x17c: {  	[tilespmem:$0x19B8] =	vst v0  }
0x17d: {  	[tilespmem:$0x19A8] =	vst v0  }
0x17e: {  	[tilespmem:$0x1998] =	vst v0  }
0x17f: {  	[tilespmem:$0x1988] =	vst v0  }
0x180: {  	[tilespmem:$0x1978] =	vst v0  }
0x181: {  	[tilespmem:$0x1968] =	vst v0  }
0x182: {  	[tilespmem:$0x1958] =	vst v0  }
0x183: {  	[tilespmem:$0x1948] =	vst v0  }
0x184: {  	[tilespmem:$0x1938] =	vst v0  }
0x185: {  	[tilespmem:$0x1928] =	vst v0  }
0x186: {  	[tilespmem:$0x1918] =	vst v0  }
0x187: {  	[tilespmem:$0x1908] =	vst v0  }
0x188: {  	[tilespmem:$0x18F8] =	vst v0  }
0x189: {  	[tilespmem:$0x18E8] =	vst v0  }
0x18a: {  	[tilespmem:$0x18D8] =	vst v0  }
0x18b: {  	[tilespmem:$0x18C8] =	vst v0  }
0x18c: {  	[tilespmem:$0x18B8] =	vst v0  }
0x18d: {  	[tilespmem:$0x18A8] =	vst v0  }
0x18e: {  	[tilespmem:$0x1898] =	vst v0  }
0x18f: {  	[tilespmem:$0x1888] =	vst v0  }
0x190: {  	[tilespmem:$0x1878] =	vst v0  }
0x191: {  	[tilespmem:$0x1868] =	vst v0  }
0x192: {  	[tilespmem:$0x1858] =	vst v0  }
0x193: {  	[tilespmem:$0x1848] =	vst v0  }
0x194: {  	[tilespmem:$0x1838] =	vst v0  }
0x195: {  	[tilespmem:$0x1828] =	vst v0  }
0x196: {  	[tilespmem:$0x1818] =	vst v0  }
0x197: {  	[tilespmem:$0x1808] =	vst v0  }
0x198: {  	[tilespmem:$0x17F8] =	vst v0  }
0x199: {  	[tilespmem:$0x17E8] =	vst v0  }
0x19a: {  	[tilespmem:$0x17D8] =	vst v0  }
0x19b: {  	[tilespmem:$0x17C8] =	vst v0  }
0x19c: {  	[tilespmem:$0x17B8] =	vst v0  }
0x19d: {  	[tilespmem:$0x17A8] =	vst v0  }
0x19e: {  	[tilespmem:$0x1798] =	vst v0  }
0x19f: {  	[tilespmem:$0x1788] =	vst v0  }
0x1a0: {  	[tilespmem:$0x1778] =	vst v0  }
0x1a1: {  	[tilespmem:$0x1768] =	vst v0  }
0x1a2: {  	[tilespmem:$0x1758] =	vst v0  }
0x1a3: {  	[tilespmem:$0x1748] =	vst v0  }
0x1a4: {  	[tilespmem:$0x1738] =	vst v0  }
0x1a5: {  	[tilespmem:$0x1728] =	vst v0  }
0x1a6: {  	[tilespmem:$0x1718] =	vst v0  }
0x1a7: {  	[tilespmem:$0x1708] =	vst v0  }
0x1a8: {  	[tilespmem:$0x16F8] =	vst v0  }
0x1a9: {  	[tilespmem:$0x16E8] =	vst v0  }
0x1aa: {  	[tilespmem:$0x16D8] =	vst v0  }
0x1ab: {  	[tilespmem:$0x16C8] =	vst v0  }
0x1ac: {  	[tilespmem:$0x16B8] =	vst v0  }
0x1ad: {  	[tilespmem:$0x16A8] =	vst v0  }
0x1ae: {  	[tilespmem:$0x1698] =	vst v0  }
0x1af: {  	[tilespmem:$0x1688] =	vst v0  }
0x1b0: {  	[tilespmem:$0x1678] =	vst v0  }
0x1b1: {  	[tilespmem:$0x1668] =	vst v0  }
0x1b2: {  	[tilespmem:$0x1658] =	vst v0  }
0x1b3: {  	[tilespmem:$0x1648] =	vst v0  }
0x1b4: {  	[tilespmem:$0x1638] =	vst v0  }
0x1b5: {  	[tilespmem:$0x1628] =	vst v0  }
0x1b6: {  	[tilespmem:$0x1618] =	vst v0  }
0x1b7: {  	[tilespmem:$0x1608] =	vst v0  }
0x1b8: {  	[tilespmem:$0x15F8] =	vst v0  }
0x1b9: {  	[tilespmem:$0x15E8] =	vst v0  }
0x1ba: {  	[tilespmem:$0x15D8] =	vst v0  }
0x1bb: {  	[tilespmem:$0x15C8] =	vst v0  }
0x1bc: {  	[tilespmem:$0x15B8] =	vst v0  }
0x1bd: {  	[tilespmem:$0x15A8] =	vst v0  }
0x1be: {  	[tilespmem:$0x1598] =	vst v0  }
0x1bf: {  	[tilespmem:$0x1588] =	vst v0  }
0x1c0: {  	[tilespmem:$0x1578] =	vst v0  }
0x1c1: {  	[tilespmem:$0x1568] =	vst v0  }
0x1c2: {  	[tilespmem:$0x1558] =	vst v0  }
0x1c3: {  	[tilespmem:$0x1548] =	vst v0  }
0x1c4: {  	[tilespmem:$0x1538] =	vst v0  }
0x1c5: {  	[tilespmem:$0x1528] =	vst v0  }
0x1c6: {  	[tilespmem:$0x1518] =	vst v0  }
0x1c7: {  	[tilespmem:$0x1508] =	vst v0  }
0x1c8: {  	[tilespmem:$0x14F8] =	vst v0  }
0x1c9: {  	[tilespmem:$0x14E8] =	vst v0  }
0x1ca: {  	[tilespmem:$0x14D8] =	vst v0  }
0x1cb: {  	[tilespmem:$0x14C8] =	vst v0  }
0x1cc: {  	[tilespmem:$0x14B8] =	vst v0  }
0x1cd: {  	[tilespmem:$0x14A8] =	vst v0  }
0x1ce: {  	[tilespmem:$0x1498] =	vst v0  }
0x1cf: {  	[tilespmem:$0x1488] =	vst v0  }
0x1d0: {  	[tilespmem:$0x1478] =	vst v0  }
0x1d1: {  	[tilespmem:$0x1468] =	vst v0  }
0x1d2: {  	[tilespmem:$0x1458] =	vst v0  }
0x1d3: {  	[tilespmem:$0x1448] =	vst v0  }
0x1d4: {  	[tilespmem:$0x1438] =	vst v0  }
0x1d5: {  	[tilespmem:$0x1428] =	vst v0  }
0x1d6: {  	[tilespmem:$0x1418] =	vst v0  }
0x1d7: {  	[tilespmem:$0x1408] =	vst v0  }
0x1d8: {  	[tilespmem:$0x13F8] =	vst v0  }
0x1d9: {  	[tilespmem:$0x13E8] =	vst v0  }
0x1da: {  	[tilespmem:$0x13D8] =	vst v0  }
0x1db: {  	[tilespmem:$0x13C8] =	vst v0  }
0x1dc: {  	[tilespmem:$0x13B8] =	vst v0  }
0x1dd: {  	[tilespmem:$0x13A8] =	vst v0  }
0x1de: {  	[tilespmem:$0x1398] =	vst v0  }
0x1df: {  	[tilespmem:$0x1388] =	vst v0  }
0x1e0: {  	[tilespmem:$0x1378] =	vst v0  }
0x1e1: {  	[tilespmem:$0x1368] =	vst v0  }
0x1e2: {  	[tilespmem:$0x1358] =	vst v0  }
0x1e3: {  	[tilespmem:$0x1348] =	vst v0  }
0x1e4: {  	[tilespmem:$0x1338] =	vst v0  }
0x1e5: {  	[tilespmem:$0x1328] =	vst v0  }
0x1e6: {  	[tilespmem:$0x1318] =	vst v0  }
0x1e7: {  	[tilespmem:$0x1308] =	vst v0  }
0x1e8: {  	[tilespmem:$0x12F8] =	vst v0  }
0x1e9: {  	[tilespmem:$0x12E8] =	vst v0  }
0x1ea: {  	[tilespmem:$0x12D8] =	vst v0  }
0x1eb: {  	[tilespmem:$0x12C8] =	vst v0  }
0x1ec: {  	[tilespmem:$0x12B8] =	vst v0  }
0x1ed: {  	[tilespmem:$0x12A8] =	vst v0  }
0x1ee: {  	[tilespmem:$0x1298] =	vst v0  }
0x1ef: {  	[tilespmem:$0x1288] =	vst v0  }
0x1f0: {  	[tilespmem:$0x1278] =	vst v0  }
0x1f1: {  	[tilespmem:$0x1268] =	vst v0  }
0x1f2: {  	[tilespmem:$0x1258] =	vst v0  }
0x1f3: {  	[tilespmem:$0x1248] =	vst v0  }
0x1f4: {  	[tilespmem:$0x1238] =	vst v0  }
0x1f5: {  	[tilespmem:$0x1228] =	vst v0  }
0x1f6: {  	[tilespmem:$0x1218] =	vst v0  }
0x1f7: {  	[tilespmem:$0x1208] =	vst v0  }
0x1f8: {  	[tilespmem:$0x11F8] =	vst v0  }
0x1f9: {  	[tilespmem:$0x11E8] =	vst v0  }
0x1fa: {  	[tilespmem:$0x11D8] =	vst v0  }
0x1fb: {  	[tilespmem:$0x11C8] =	vst v0  }
0x1fc: {  	[tilespmem:$0x11B8] =	vst v0  }
0x1fd: {  	[tilespmem:$0x11A8] =	vst v0  }
0x1fe: {  	[tilespmem:$0x1198] =	vst v0  }
0x1ff: {  	[tilespmem:$0x1188] =	vst v0  }
0x200: {  	[tilespmem:$0x1178] =	vst v0  }
0x201: {  	[tilespmem:$0x1168] =	vst v0  }
0x202: {  	[tilespmem:$0x1158] =	vst v0  }
0x203: {  	[tilespmem:$0x1148] =	vst v0  }
0x204: {  	[tilespmem:$0x1138] =	vst v0  }
0x205: {  	[tilespmem:$0x1128] =	vst v0  }
0x206: {  	[tilespmem:$0x1118] =	vst v0  }
0x207: {  	s4 =	stileid.u32;
	[tilespmem:$0x1108] =	vst v0  }
0x208: {  	s0 =	smul.u32 $0x39, s4;
	[tilespmem:$0x10F8] =	vst v0  }
0x209: {  	s1 =	smin.u32 s4, $0xE;
	[tilespmem:$0x10C8] =	vst v0  }
0x20a: {  	[tilespmem:$0x10D8] =	vst v0;
	s0 =	sadd.s32 s1, s0  }
0x20b: {  	p0 =	slt.u32 s4, $0xE;
	[tilespmem:$0x10B8] =	vst v0;
	s1 =	simm.s32 $0x61E0;
	s6 =	smul.u32 $0x1B0, s0  }
0x20c: {  	s1 =	simm.s32 @!p0 $0x6030;
	[tilespmem:$0x1038] =	vst v0  }
0x20d: {  	[tilespmem:$0x10A8] =	vst v0;
	s0 =	sadd.s32 s1, s6  }
0x20e: {  	s3 =	simm.s32 $0x2;
	s8 =	simm.s32 $0x9;
	[tilespmem:$0x1098] =	vst v0;
	s7 =	smin.u32 s0, $0x61A80  }
0x20f: {  	s10 =	simm.s32 $0xA;
	s30 =	simm.s32 $0xB;
	[tilespmem:$0x1088] =	vst v0;
	s0 =	ssub.s32 s7, s6  }
0x210: {  	s16 =	simm.s32 $0x0;
	p4 =	por $0x0, $0x0;
	[tilespmem:$0x1078] =	vst v0;
	p0 =	sgt.s32 s0, $0x0  }
0x211: {  	s17 =	simm.s32 $0xC;
	s21 =	simm.s32 $0x0;
	[tilespmem:$0x1058] =	vst v0;
	s0 =	simm.s32 @!p0 $0x0  }
0x212: {  	s18 =	simm.s32 $0x0;
	s2 =	sand.u32 $0x1, s2;
	[tilespmem:$0x1048] =	vst v0;
	s29 =	smulhi.u32 $0x4BDA12F7, s0  }
0x213: {  	s20 =	simm.s32 $0x0;
	s31 =	sshll.u32 s4, $0x5;
	[tilespmem:$0x1018] =	vst v0;
	[dreg:$0x5] =	wrdreg s2  }
0x214: {  	s2 =	smul.u32 $0xC350, s2;
	[tilespmem:$0x1008] =	vst v0;
	[sflag:s3] =	ssyncpa.u1 $0x0;
	s1 =	sshrl.u32 s29, $0x7  }
0x215: {  	v0 =	vimm.s32 $0xFFFFFFFF;
	s3 =	sadd.s32 $0xDAA600, s11;
	[dreg:$0x4] =	wrdreg s31;
	s5 =	smul.u32 $0x1B0, s1  }
.Ltmp7:
0x216: {  	[tilespmem:$0x3648] =	vst v0;
	[sflag:s8] =	ssyncpa.u1 $0x0;
	s2 =	sadd.s32 s2, s11;
	(pc) =	sbr.rel .LBB3_1-.Ltmp7, $4  }
0x217: {  	[sflag:s10] =	ssyncpa.u1 $0x0;
	s11 =	sadd.s32 $0xB2000, s11;
	p0 =	sne.s32 s0, s5  }
0x218: {  	[sflag:s30] =	ssyncpa.u1 $0x0;
	s14 =	sadd.s32 $0x50000, s2;
	s12 =	simm.s32 @!p0 $0x0  }
0x219: {  	s15 =	sadd.s32 $0x1F000, s2;
	s19 =	smov.u32 s6;
	s12 =	sadd.s32 s12, s1  }
0x21a: {  	v0 =	vlaneseq.u32;
	[dreg:$0x6] =	wrdreg s6;
	p0 =	por $0x1, $0x1;
	s4 =	sadd.s32 $0x1, s12  }
.LBB3_18:
0x21b: {  	s0 =	simm.s32 $0x2  }
0x21c: {  	_ =	swait.ge [sflag:s0], $0x0  }
0x21d: {  	[sflag:s0] =	ssyncset.done $0x0;
	s0 =	simm.s32 $0x0  }
.LBB3_19:
0x21e: {  	_ =	swait.ge [sflag:s17], s0  }
0x21f: {  	s31 =	ssub.s32 $0x0, s0;
	v1 =	vmov s23;
	vm0 =	veq.s32 v0, $0x0;
	[sflag:s17] =	ssyncset.done $0x0  }
0x220: {  	vm15 =	veq.s32 v0, $0x2;
	v1 =	vsel vm0, s28, v1;
	[sflag:s17] =	ssyncadd.s32 s31  }
0x221: {  	v1 =	vsel vm15, s21, v1;
	[sflag:s17] =	ssyncpa.u1 $0x1  }
0x222: {  	[tilespmem:$0x3648] =	vst v1  }
.LBB3_20:
0x223: {  	s0 =	sadd.s32 $0x1B0, s19  }
0x224: {  	s1 =	smov.u32 s6;
	p1 =	slt.s32 s0, s7  }
0x225: {  	s1 =	smov.u32 @p1 s0;
	p1 =	sne.s32 s20, s4  }
.Ltmp8:
0x226: {  	_ = 	snop;
	(pc) =	sbr.rel @!p1 .LBB3_21-.Ltmp8, $4  }
0x227: {  	_ = 	snop  }
0x228: {  	s21 =	smov.u32 s18  }
0x229: {  	s31 =	sadd.s32 $0x1, s20;
	s18 =	smov.u32 s19;
	p0 =	por !p0, !p0  }
0x22a: {  	p4 =	por !p4, !p4;
	s20 =	smov.u32 s31;
	s19 =	smov.u32 s1  }
.LBB3_1:
0x22b: {  	p2 =	sge.u32 s20, s12  }
0x22c: {  	s0 =	smulhi.u32 @!p2 $0xAAAAAAAB, s20  }
0x22d: {  	s1 =	smov.u32 s19;
	p3 =	sgt.s32 @!p2 s19, $0x618D0  }
0x22e: {  	s2 =	sshra.s32 @!p2 s19, $0x1F;
	p3 =	por !p3, p2;
	s0 =	sshrl.u32 @!p2 s0, $0x1  }
0x22f: {  	s2 =	sand.u32 @!p2 s2, s19;
	s1 =	simm.s32 @p3 $0x618D0;
	s0 =	smul.u32 @!p2 $0x3, s0  }
0x230: {  	s1 =	ssub.s32 @!p2 s1, s2  }
0x231: {  	s23 =	sadd.s32 $0xFFFFFFFF, s20;
	s1 =	sadd.s32 @!p2 $0xFFF9E730, s1;
	s0 =	ssub.s32 @!p2 s20, s0  }
0x232: {  	s2 =	sshll.u32 @!p2 s1, $0x2;
	p3 =	sgt.s32 @!p2 s1, $0x1AF;
	s0 =	smul.u32 @!p2 $0x6C0, s0  }
0x233: {  	s5 =	sand.u32 @!p2 $0x7, s19;
	s1 =	ssub.s32 @!p2 $0x6C0, s2;
	p3 =	por !p3, p2  }
0x234: {  	s2 =	sshrl.u32 @!p2 s19, $0x3;
	s1 =	sshrl.u32 @!p2 s1, $0x2;
	s0 =	sshrl.u32 @!p2 s0, $0x2  }
0x235: {  	s2 =	sadd.s32 @!p2 s2, s14;
	s1 =	simm.s32 @!p3 $0x0;
	s0 =	sadd.s32 @!p2 $0x3888, s0  }
0x236: {  	[tilespmem:s0], [sflag:$0xA] =	stream.linear.gather @!p2 [hbm4b:s2+s5], s1, $0x38;
	[tilespmem:$0x1F0F8] =	vst v63  }
0x237: {  	p2 =	sge.u32 s23, s12  }
0x238: {  	p3 =	sgt.s32 @!p2 s18, $0x618D0  }
0x239: {  	s0 =	smov.u32 s18;
	s1 =	sshra.s32 @!p2 s18, $0x1F;
	p3 =	por !p3, p2  }
0x23a: {  	s1 =	sand.u32 @!p2 s1, s18;
	s0 =	simm.s32 @p3 $0x618D0  }
0x23b: {  	s0 =	ssub.s32 @!p2 s0, s1  }
0x23c: {  	s0 =	sadd.s32 @!p2 $0xFFF9E730, s0  }
0x23d: {  	s1 =	sshll.u32 @!p2 s0, $0x2  }
0x23e: {  	p3 =	sgt.s32 @!p2 s0, $0x1AF;
	s0 =	ssub.s32 @!p2 $0x6C0, s1  }
0x23f: {  	s22 =	ssub.s32 @!p2 $0x61A80, s18;
	p3 =	por !p3, p2;
	s0 =	sshrl.u32 @!p2 s0, $0x2  }
0x240: {  	s1 =	sand.u32 @!p2 $0x1, s23;
	s0 =	simm.s32 @!p3 $0x0;
	p3 =	slt.s32 @!p2 s22, $0x1  }
0x241: {  	s2 =	simm.s32 @!p2 $0xA;
	s1 =	smul.u32 @!p2 $0x6C0, s1;
	p3 =	por p2, p3  }
.Ltmp9:
0x242: {  	_ =	swait.ge @!p2 [sflag:s2], s0;
	(pc) =	sbr.rel @p3 .LBB3_7-.Ltmp9, $4  }
0x243: {  	s5 =	ssub.s32 @!p2 $0x0, s0;
	[sflag:s2] =	ssyncset.done @!p2 $0x0  }
0x244: {  	s1 =	sshrl.u32 @!p2 s1, $0x2;
	[sflag:s2] =	ssyncadd.s32 @!p2 s5;
	s2 =	sshrl.u32 @!p2 s18, $0x3  }
0x245: {  	s1 =	sadd.s32 @!p2 $0x3D98, s1;
	s5 =	sand.u32 @!p2 $0x7, s18;
	s2 =	sadd.s32 @!p2 s2, s15  }
0x246: {  	[tilespmem:s1], [sflag:$0xB] =	stream.linear.gather @!p2 [hbm4b:s2+s5], s0, $0x38;
	[tilespmem:$0x1F0F8] =	vst v63  }
0x247: {  	s0 =	smulhi.u32 $0xAAAAAAAB, s23;
	_ =	sdelay $0x1  }
0x248: {  	s0 =	sshrl.u32 s0, $0x1  }
0x249: {  	s0 =	smul.u32 $0x3, s0;
	_ =	sdelay $0x1  }
0x24a: {  	s0 =	ssub.s32 s23, s0  }
0x24b: {  	s1 =	simm.s32 $0x1;
	s0 =	smul.u32 $0x6C0, s0  }
.Ltmp10:
0x24c: {  	s1 =	simm.s32 @!p0 $0x0;
	(pc) =	sbr.rel .LBB3_4-.Ltmp10, $4  }
0x24d: {  	s1 =	smul.u32 $0x36000, s1  }
0x24e: {  	p3 =	slt.s32 @!p2 s22, $0x1B0;
	s0 =	sshrl.u32 s0, $0x2  }
0x24f: {  	p2 =	por !p3, p2;
	s1 =	sshrl.u32 s1, $0x2;
	s0 =	sadd.s32 $0x3888, s0  }
0x250: {  	s24 =	simm.s32 $0x0;
	s22 =	simm.s32 @p2 $0x1B0;
	s23 =	sadd.s32 $0x40F8, s1;
	v1 =	vmov s0  }
.LBB3_3:
0x251: {  	p2 =	sge.s32 s24, s22  }
.Ltmp11:
0x252: {  	_ = 	snop;
	(pc) =	sbr.rel @p2 .LBB3_7-.Ltmp11, $2  }
0x253: {  	_ =	sdelay $0x2  }
0x254: {  	s23 =	sadd.s32 $0x800, s23  }
.LBB3_4:
0x255: {  	p2 =	sle.s32 s22, s24  }
.Ltmp12:
0x256: {  	_ = 	snop;
	(pc) =	sbr.rel @p2 .LBB3_3-.Ltmp12, $2  }
0x257: {  	_ =	sdelay $0x2  }
0x258: {  	s0 =	smov.u32 s24;
	s24 =	sadd.s32 $0x10, s24  }
0x259: {  	s1 =	ssub.s32 s22, s0  }
0x25a: {  	p2 =	slt.s32 s1, $0x10  }
0x25b: {  	s1 =	simm.s32 @!p2 $0x10  }
0x25c: {  	v2 =	vmov s1  }
0x25d: {  	vm0 =	vgt.s32 v2, v0;
	_ =	sdelay $0x5  }
0x25e: {  	v2 =	vld.idx.msk [tilespmem:v1+s0+$0x0 ss:$0x1], vm0;
	_ =	sdelay $0x2  }
0x25f: {  	p2 =	slt.s32 s24, s22;
	s1 =	smov.u32 s22  }
0x260: {  	s2 =	smov.u32 s23;
	s25 =	simm.s32 $0x0;
	s1 =	smov.u32 @p2 s24  }
.LBB3_6:
0x261: {  	(v2sf) =	vpush v2, s25;
	_ =	sdelay $0xc  }
0x262: {  	s25 =	sadd.s32 $0x1, s25  }
0x263: {  	s31 =	sadd.s32 s25, s0  }
0x264: {  	p2 =	slt.s32 s31, s1;
	s5 =	spop (v2sf)  }
.Ltmp13:
0x265: {  	s5 =	sshll.u32 s5, $0x4;
	(pc) =	sbr.rel @p2 .LBB3_6-.Ltmp13, $4  }
0x266: {  	s5 =	sand.u32 $0x1FFFFFF0, s5  }
0x267: {  	s5 =	sadd.s32 s11, s5  }
0x268: {  	[tilespmem:s2], [sflag:$0x9] =	stream.linear.gather [hbm4b:s5+s16], $0x3, $0x38;
	[tilespmem:$0x1F0F8] =	vst v63  }
0x269: {  	s2 =	sadd.s32 $0x80, s2  }
.Ltmp14:
0x26a: {  	_ = 	snop;
	(pc) =	sbr.rel .LBB3_3-.Ltmp14, $1  }
0x26b: {  	_ =	sdelay $0x3  }
.LBB3_7:
0x26c: {  	p2 =	slt.u32 s20, $0x2  }
.Ltmp15:
0x26d: {  	_ = 	snop;
	(pc) =	sbr.rel @p2 .LBB3_20-.Ltmp15, $1  }
0x26e: {  	_ =	sdelay $0x3  }
0x26f: {  	s0 =	ssub.s32 $0x61A80, s21;
	p2 =	sgt.s32 s21, $0x618D0  }
0x270: {  	s1 =	smov.u32 s21;
	s2 =	sshra.s32 s21, $0x1F;
	p3 =	slt.s32 s0, $0x1B0  }
0x271: {  	s1 =	simm.s32 @!p2 $0x618D0;
	s2 =	sand.u32 s2, s21;
	s0 =	simm.s32 @!p3 $0x1B0  }
0x272: {  	s1 =	ssub.s32 s1, s2;
	s0 =	smul.u32 $0xC, s0  }
0x273: {  	s1 =	sadd.s32 $0xFFF9E730, s1  }
0x274: {  	s26 =	simm.s32 $0x9;
	s24 =	sshll.u32 s1, $0x2;
	s0 =	sshrl.u32 s0, $0x2  }
0x275: {  	p2 =	sgt.s32 s1, $0x1AF;
	s25 =	ssub.s32 $0x6C0, s24;
	_ =	swait.ge [sflag:s26], s0  }
0x276: {  	s0 =	ssub.s32 $0x0, s0;
	s1 =	sshrl.u32 s25, $0x2;
	[sflag:s26] =	ssyncset.done $0x0  }
0x277: {  	s28 =	simm.s32 $0xB;
	s1 =	simm.s32 @p2 $0x0;
	[sflag:s26] =	ssyncadd.s32 s0  }
0x278: {  	_ =	swait.ge [sflag:s28], s1  }
0x279: {  	s30 =	ssub.s32 $0x0, s1;
	[sflag:s28] =	ssyncset.done $0x0  }
0x27a: {  	[sflag:s28] =	ssyncadd.s32 s30  }
0x27b: {  	v1 =	vld [tilespmem:$0x3648];
	_ =	sdelay $0x4  }
0x27c: {  	(v2sf) =	vpush v1, $0x0  }
0x27d: {  	(v2sf) =	vpush v1, $0x1  }
0x27e: {  	(v2sf) =	vpush v1, $0x2;
	_ =	sdelay $0x3  }
0x27f: {  	s0 =	sadd.s32 $0x1B0, s21  }
0x280: {  	p2 =	slt.s32 s7, s0;
	s1 =	ssub.s32 $0xC3500, s21  }
0x281: {  	s0 =	smov.u32 @p2 s7;
	p2 =	sgt.s32 s1, $0x0  }
0x282: {  	s25 =	ssub.s32 s0, s21;
	s1 =	simm.s32 @!p2 $0x0  }
0x283: {  	p2 =	slt.s32 s1, s25  }
0x284: {  	s25 =	smov.u32 @p2 s1  }
0x285: {  	s24 =	simm.s32 $0x1;
	p2 =	slt.s32 s25, $0x1  }
.Ltmp16:
0x286: {  	s24 =	simm.s32 @!p4 $0x0;
	(pc) =	sbr.rel @p2 .LBB3_12-.Ltmp16, $4  }
0x287: {  	s31 =	smul.u32 $0x6C0, s24  }
0x288: {  	s26 =	spop (v2sf)  }
0x289: {  	s0 =	sshrl.u32 s31, $0x2;
	s29 =	spop (v2sf)  }
0x28a: {  	s22 =	sadd.s32 $0x3D98, s0;
	s21 =	spop (v2sf)  }
0x28b: {  	s0 =	smin.u32 s25, $0x10  }
0x28c: {  	v1 =	vmov s0  }
0x28d: {  	p3 =	sgt.s32 s25, $0x10;
	vm1 =	vgt.u32 v1, v0  }
.Ltmp17:
0x28e: {  	_ = 	snop;
	(pc) =	sbr.rel @!p3 .LBB3_11-.Ltmp17, $2  }
0x28f: {  	_ =	sdelay $0x2  }
0x290: {  	s23 =	simm.s32 $0x10;
	s28 =	sadd.s32 $0xFFFFFFF0, s25;
	s0 =	smov.u32 s22;
	vm0 =	vmmov vm1  }
.LBB3_10:
0x291: {  	s1 =	smin.u32 s28, $0x10;
	s23 =	sadd.s32 $0x10, s23;
	v1 =	vld.msk [tilespmem:s0+$0x0 ss:$0x1], vm1  }
0x292: {  	v2 =	vmov s1;
	p3 =	slt.s32 s23, s25  }
0x293: {  	vm1 =	vgt.u32 v2, v0  }
.Ltmp18:
0x294: {  	(pc) =	sbr.rel @p3 .LBB3_10-.Ltmp18, $3  }
0x295: {  	_ =	sdelay $0x1  }
0x296: {  	v1 =	vshll.u32 v1, $0x4  }
0x297: {  	s28 =	sadd.s32 $0xFFFFFFF0, s28;
	[tilespmem:s0+$0x0] =	vst.msk vm0, v1;
	s0 =	sadd.s32 $0x10, s0;
	vm0 =	vmmov vm1  }
.LBB3_11:
0x298: {  	_ =	sdelay $0x4  }
0x299: {  	v1 =	vld.msk [tilespmem:s0+$0x0 ss:$0x1], vm1;
	_ =	sdelay $0x4  }
0x29a: {  	v1 =	vshll.u32 v1, $0x4  }
0x29b: {  	[tilespmem:s0+$0x0] =	vst.msk vm0, v1  }
.LBB3_12:
0x29c: {  	s0 =	sand.u32 $0x1, s20  }
0x29d: {  	s0 =	smul.u32 $0x1B0, s0  }
0x29e: {  	p3 =	sne.s32 s29, $0xFFFFFFFF  }
0x29f: {  	v1 =	vld.msk @!p3 [tilespmem:s0+$0x3D98], $0x1;
	_ =	sdelay $0x4  }
0x2a0: {  	(v2sf) =	vpush @!p3 v1, $0x0;
	_ =	sdelay $0xc  }
.Ltmp19:
0x2a1: {  	_ = 	snop;
	(pc) =	sbr.rel @p2 .LBB3_18-.Ltmp19, $4  }
0x2a2: {  	_ = 	snop  }
0x2a3: {  	s28 =	spop @!p3 (v2sf)  }
0x2a4: {  	s21 =	simm.s32 @!p3 $0x0;
	s23 =	smov.u32 s28  }
0x2a5: {  	[sflag:s17] =	ssyncpa.u1 $0x0;
	s28 =	smov.u32 @p3 s26;
	s23 =	smov.u32 @p3 s29  }
0x2a6: {  	v1 =	vld.msk [tilespmem:s22+$0x0], $0x1;
	_ =	sdelay $0x4  }
0x2a7: {  	(v2sf) =	vpush v1, $0x0;
	_ =	sdelay $0xe  }
0x2a8: {  	s0 =	simm.s32 @!p4 $0x0;
	s26 =	smul.u32 $0x36000, s24;
	s31 =	spop (v2sf)  }
0x2a9: {  	s29 =	ssub.s32 $0x0, s25;
	s0 =	simm.s32 @p4 $0x1;
	p2 =	seq.s32 s28, s31  }
0x2aa: {  	s1 =	smov.u32 s28;
	[smem:$0x7FD] =	sst s0;
	p3 =	sgt.s32 @!p2 s28, $0x0  }
0x2ab: {  	s0 =	sshrl.u32 s26, $0x2;
	s26 =	sadd.s32 $0x1, s29;
	p3 =	por !p3, p2  }
0x2ac: {  	s1 =	simm.s32 @p3 $0x0;
	p3 =	seq.s32 s26, $0x0  }
.Ltmp20:
0x2ad: {  	_ = 	snop;
	(pc) =	sbr.rel @p3 .LBB3_15-.Ltmp20, $4  }
0x2ae: {  	s6 =	smov.u32 s4;
	s25 =	simm.s32 $0x0  }
0x2af: {  	s24 =	sadd.s32 $0x40F8, s0;
	s0 =	simm.s32 @!p2 $0x1;
	s2 =	smin.u32 @!p2 s1, $0xC34FF  }
0x2b0: {  	s30 =	sadd.s32 $0x1, s22;
	s0 =	smov.u32 @p2 s25;
	s5 =	sand.u32 @!p2 $0xFFFF8, s2  }
0x2b1: {  	s1 =	simm.s32 @!p2 $0x1B38;
	s2 =	sand.u32 @!p2 $0x7, s2;
	s5 =	sadd.s32 @!p2 s3, s5  }
.LBB3_14:
0x2b2: {  	s4 =	smov.u32 s0  }
0x2b3: {  	[tilespmem:s1], [sflag:$0x2] =	stream.linear.gather @!p2 [hbm4b:s5+s2], $0x3, $0x38;
	[tilespmem:$0x1F0F8] =	vst v63  }
0x2b4: {  	s26 =	sadd.s32 $0x1, s26;
	s2 =	smov.u32 s31;
	v1 =	vld.msk [tilespmem:s30+$0x0], $0x1  }
0x2b5: {  	p3 =	seq.s32 s26, $0x0;
	_ =	sdelay $0x3  }
0x2b6: {  	(v2sf) =	vpush v1, $0x0;
	_ =	sdelay $0xe  }
0x2b7: {  	s31 =	spop (v2sf)  }
0x2b8: {  	p2 =	seq.s32 s2, s31  }
0x2b9: {  	p4 =	sgt.s32 @!p2 s2, $0x0;
	s1 =	sshll.u32 @!p2 s0, $0x6;
	s0 =	sadd.s32 @!p2 $0x1, s0  }
.Ltmp21:
0x2ba: {  	p4 =	por !p4, p2;
	s1 =	sshra.s32 @!p2 s1, $0x2;
	(pc) =	sbr.rel @!p3 .LBB3_14-.Ltmp21, $4  }
0x2bb: {  	s0 =	smov.u32 @p2 s4;
	s2 =	simm.s32 @p4 $0x0;
	s1 =	sadd.s32 @!p2 $0x1B38, s1  }
0x2bc: {  	s2 =	smin.u32 @!p2 s2, $0xC34FF  }
0x2bd: {  	s4 =	sand.u32 @!p2 $0xFFFF8, s2;
	s2 =	sand.u32 @!p2 $0x7, s2  }
0x2be: {  	s30 =	sadd.s32 $0x1, s30;
	s5 =	sadd.s32 @!p2 s3, s4  }
.LBB3_15:
0x2bf: {  	s0 =	smul.u32 $0xC, s0  }
0x2c0: {  	[tilespmem:s1], [sflag:$0x2] =	stream.linear.gather @!p2 [hbm4b:s5+s2], $0x3, $0x38;
	[tilespmem:$0x1F0F8] =	vst v63  }
0x2c1: {  	s31 =	simm.s32 $0x2;
	s0 =	sshrl.u32 s0, $0x2  }
0x2c2: {  	_ =	swait.ge [sflag:s31], s0  }
0x2c3: {  	s0 =	ssub.s32 $0x0, s0;
	[sflag:s31] =	ssyncset.done $0x0  }
0x2c4: {  	[sflag:s31] =	ssyncadd.s32 s0  }
0x2c5: {  	v1 =	vld.msk [tilespmem:s22+$0x0], $0x1;
	_ =	sdelay $0x4  }
0x2c6: {  	(v2sf) =	vpush v1, $0x0;
	_ =	sdelay $0xe  }
0x2c7: {  	s26 =	spop (v2sf)  }
0x2c8: {  	p2 =	sne.s32 s28, s26  }
0x2c9: {  	p4 =	sne.s32 @p2 s28, s23  }
0x2ca: {  	p3 =	por !p4, !p2  }
0x2cb: {  	s0 =	simm.s32 @!p3 $0x0  }
0x2cc: {  	v1 =	vld.msk @!p3 [tilespmem:s0+$0x1B38], $0x7  }
0x2cd: {  	p5 =	sgt.u32 @!p3 s28, $0xC34FF  }
0x2ce: {  	s1 =	sshll.u32 @!p3 s21, $0x6;
	p6 =	por @p2 p5, !p4  }
0x2cf: {  	s1 =	sshra.s32 @!p3 s1, $0x2;
	p1 =	por p6, !p2;
	p6 =	por p4, !p2  }
0x2d0: {  	s2 =	sadd.s32 @!p3 $0x28, s1;
	s4 =	sand.u32 @!p1 $0xFFFF8, s28;
	s5 =	sshll.u32 @!p6 s21, $0x6  }
0x2d1: {  	s28 =	sand.u32 @!p1 $0x7, s28;
	[tilespmem:s1+$0x28] =	vst.add.f32.msk @!p3 $0x7, v1;
	s1 =	sadd.s32 @!p1 s3, s4;
	s4 =	sshra.s32 @!p6 s5, $0x2  }
0x2d2: {  	[hbm4b:s1+s28] =	stream.linear.scatter @!p1 [tilespmem:s2], [sflag:$0xC], $0x3, $0x38;
	[tilespmem:$0x1F0F8] =	vst v63  }
0x2d3: {  	s0 =	rddreg [dreg:$0x4];
	s1 =	sadd.s32 @!p6 $0x28, s4;
	s2 =	simm.s32 @!p6 $0x1  }
0x2d4: {  	[spmem:s0] =	stream.linear.scatter @!p6 [tilespmem:s1], [sflag:$0x1], $0x3, $0x38;
	[tilespmem:$0x1F0F8] =	vst v63  }
0x2d5: {  	s0 =	sadd.s32 @p2 $0x1, s21;
	_ =	swait.ge @!p6 [sflag:s2], $0x3  }
0x2d6: {  	s1 =	sshrl.u32 @p2 s0, $0x4;
	[sflag:s2] =	ssyncset.done @!p6 $0x0  }
0x2d7: {  	s1 =	smulhi.u32 @p2 $0x97B425F, s1;
	[sflag:s2] =	ssyncadd.s32 @!p6 $0xFFFFFFFD  }
0x2d8: {  	s28 =	sadd.s32 $0x1, s29;
	v1 =	vld.msk @p2 [tilespmem:s24+$0x0], $0x7  }
0x2d9: {  	p1 =	por @p2 !p5, !p4;
	p4 =	seq.s32 s28, $0x0;
	s1 =	smul.u32 @p2 $0x1B0, s1  }
.Ltmp22:
0x2da: {  	p1 =	por !p1, !p2;
	s2 =	simm.s32 @!p3 $0x0;
	(pc) =	sbr.rel @p4 .LBB3_17-.Ltmp22, $4  }
0x2db: {  	s4 =	sshll.u32 @!p2 s21, $0x6;
	s2 =	simm.s32 @!p1 $0xC;
	s0 =	ssub.s32 @p2 s0, s1  }
0x2dc: {  	s29 =	simm.s32 $0x0;
	s2 =	sadd.s32 @!p3 $0x0, s2;
	s5 =	sshll.u32 @p2 s0, $0x4  }
0x2dd: {  	s30 =	sshra.s32 @!p2 s4, $0x2;
	s1 =	simm.s32 @p2 $0x1;
	s2 =	smov.u32 @p3 s25;
	[tilespmem:s5+$0x28] =	vst.msk @p2 $0x7, v1  }
0x2de: {  	s21 =	smov.u32 @p2 s0;
	s29 =	smov.u32 @p2 s2;
	s25 =	smov.u32 @p2 s1;
	v1 =	vld.msk @!p2 [tilespmem:s24+$0x0], $0x7  }
.LBB3_16:
0x2df: {  	_ =	sdelay $0x3  }
0x2e0: {  	s22 =	sadd.s32 $0x1, s22;
	[tilespmem:s30+$0x28] =	vst.add.f32.msk @!p2 $0x7, v1  }
0x2e1: {  	v1 =	vld.msk [tilespmem:s22+$0x0], $0x1;
	_ =	sdelay $0x4  }
0x2e2: {  	(v2sf) =	vpush v1, $0x0;
	_ =	sdelay $0xe  }
0x2e3: {  	s0 =	smov.u32 s26;
	s26 =	spop (v2sf)  }
0x2e4: {  	p2 =	sne.s32 s0, s26  }
0x2e5: {  	p5 =	sne.s32 @p2 s0, s23  }
0x2e6: {  	s4 =	sshll.u32 @!p2 s21, $0x6;
	p4 =	por !p5, !p2  }
0x2e7: {  	s30 =	sshra.s32 @!p2 s4, $0x2;
	s4 =	sshll.u32 @!p4 s25, $0x6  }
0x2e8: {  	s4 =	sshra.s32 @!p4 s4, $0x2  }
0x2e9: {  	p1 =	sgt.u32 @!p4 s0, $0xC34FF;
	v1 =	vld.msk @!p4 [tilespmem:s4+$0x1B38], $0x7  }
0x2ea: {  	s31 =	sshll.u32 @!p4 s21, $0x6;
	p6 =	por @p2 p1, !p5;
	p1 =	por @p2 !p1, !p5  }
0x2eb: {  	s8 =	simm.s32 @!p4 $0x0;
	s31 =	sshra.s32 @!p4 s31, $0x2;
	p1 =	por !p1, !p2  }
0x2ec: {  	p5 =	por p5, !p2;
	s8 =	simm.s32 @!p1 $0xC;
	p1 =	por p6, !p2  }
0x2ed: {  	s4 =	sadd.s32 @!p4 $0x28, s31;
	s13 =	sshll.u32 @!p5 s21, $0x6;
	s10 =	sand.u32 @!p1 $0xFFFF8, s0  }
0x2ee: {  	s13 =	sshra.s32 @!p5 s13, $0x2;
	s0 =	sand.u32 @!p1 $0x7, s0;
	s10 =	sadd.s32 @!p1 s3, s10;
	[tilespmem:s31+$0x28] =	vst.add.f32.msk @!p4 $0x7, v1  }
0x2ef: {  	[hbm4b:s10+s0] =	stream.linear.scatter @!p1 [tilespmem:s4], [sflag:$0xC], $0x3, $0x38;
	[tilespmem:$0x1F0F8] =	vst v63  }
0x2f0: {  	s1 =	rddreg [dreg:$0x4];
	s0 =	sadd.s32 @!p5 $0x28, s13;
	s4 =	simm.s32 @!p5 $0x1  }
0x2f1: {  	[spmem:s1] =	stream.linear.scatter @!p5 [tilespmem:s0], [sflag:$0x1], $0x3, $0x38;
	[tilespmem:$0x1F0F8] =	vst v63  }
0x2f2: {  	s2 =	sadd.s32 @p2 $0x1, s21;
	_ =	swait.ge @!p5 [sflag:s4], $0x3  }
0x2f3: {  	s5 =	sshrl.u32 @p2 s2, $0x4;
	[sflag:s4] =	ssyncset.done @!p5 $0x0  }
0x2f4: {  	s24 =	sadd.s32 $0x80, s24;
	s5 =	smulhi.u32 @p2 $0x97B425F, s5;
	[sflag:s4] =	ssyncadd.s32 @!p5 $0xFFFFFFFD  }
0x2f5: {  	s28 =	sadd.s32 $0x1, s28;
	v1 =	vld.msk @p2 [tilespmem:s24+$0x0], $0x7  }
0x2f6: {  	p3 =	seq.s32 s28, $0x0;
	s5 =	smul.u32 @p2 $0x1B0, s5  }
.Ltmp23:
0x2f7: {  	_ = 	snop;
	(pc) =	sbr.rel @!p3 .LBB3_16-.Ltmp23, $4  }
0x2f8: {  	s2 =	ssub.s32 @p2 s2, s5  }
0x2f9: {  	s8 =	sadd.s32 @!p4 s8, s29;
	s5 =	sshll.u32 @p2 s2, $0x4  }
0x2fa: {  	s9 =	sadd.s32 @p2 $0x1, s25;
	s8 =	smov.u32 @p4 s29;
	[tilespmem:s5+$0x28] =	vst.msk @p2 $0x7, v1  }
0x2fb: {  	s25 =	smov.u32 @p2 s9;
	s21 =	smov.u32 @p2 s2;
	s29 =	smov.u32 @p2 s8;
	v1 =	vld.msk @!p2 [tilespmem:s24+$0x0], $0x7  }
.LBB3_17:
.Ltmp24:
0x2fc: {  	_ = 	snop;
	(pc) =	sbr.rel .LBB3_19-.Ltmp24, $3  }
0x2fd: {  	s1 =	sld [smem:$0x7FD];
	_ =	sdelay $0x1  }
0x2fe: {  	s0 =	sshrl.u32 s29, $0x2;
	s28 =	smov.u32 s26  }
0x2ff: {  	s4 =	smov.u32 s6;
	s6 =	rddreg [dreg:$0x6];
	p4 =	seq.s32 s1, $0x1;
	[tilespmem:s30+$0x28] =	vst.add.f32.msk @!p2 $0x7, v1  }
.LBB3_21:
0x300: {  	_ =	sfence.sel $0x180000  }
0x301: {  	s0 =	simm.s32 $0x9;
	[bflag:$0x0] =	sbarrier.arrive $0xFFFF  }
0x302: {  	s24 =	simm.s32 $0xA;
	[sflag:s0] =	ssyncpa.u1 $0x1  }
0x303: {  	s25 =	simm.s32 $0xB;
	[sflag:s24] =	ssyncpa.u1 $0x1  }
0x304: {  	s26 =	simm.s32 $0x2;
	[sflag:s25] =	ssyncpa.u1 $0x1  }
0x305: {  	[sflag:s26] =	ssyncpa.u1 $0x1  }
0x306: {  	v0 =	vld [tilespmem:$0x3648];
	_ =	sdelay $0x4  }
0x307: {  	(v2sf) =	vpush v0, $0x0  }
0x308: {  	(v2sf) =	vpush v0, $0x1;
	_ =	sdelay $0x1  }
0x309: {  	(v2sf) =	vpush v0, $0x2;
	_ =	sdelay $0xb  }
0x30a: {  	s0 =	spop (v2sf)  }
0x30b: {  	s1 =	spop (v2sf)  }
0x30c: {  	s2 =	smov.u32 s0;
	p0 =	sne.s32 s0, s1  }
0x30d: {  	s4 =	spop (v2sf);
	s2 =	simm.s32 @!p0 $0xFFFFFFFF  }
0x30e: {  	v2 =	vimm.s32 $0x1;
	v3 =	vlaneseq.u32;
	p0 =	seq.s32 s4, $0xFFFFFFFF;
	v1 =	vmov s2  }
0x30f: {  	s16 =	stileid.u32;
	v0 =	vperm.xlane v0, v2;
	p1 =	sne.s32 @!p0 s0, s1;
	v1 =	vperm.xlane v1, v3  }
0x310: {  	vm0 =	vcmask $0x3F04;
	s6 =	simm.s32 $0x3648;
	s0 =	simm.s32 @!p0 $0x1;
	p1 =	por !p1, p0  }
0x311: {  	s2 =	sshll.u32 s16, $0x1;
	s1 =	sshll.u32 @!p0 s4, $0x6;
	s0 =	simm.s32 @p1 $0x0;
	v0 =	vsel vm0, v1, v0  }
0x312: {  	s5 =	sor.u32 $0x200, s2;
	s1 =	sshra.s32 @!p0 s1, $0x2;
	s0 =	sor.u32 @!p0 s0, s2;
	[tilespmem:$0x3648] =	vst v0  }
0x313: {  	[spmem:s5] =	stream.linear.scatter [tilespmem:s6], [sflag:$0x1], $0x2, $0x38;
	[tilespmem:$0x1F0F8] =	vst v63  }
0x314: {  	s1 =	sadd.s32 @!p0 $0x28, s1;
	s0 =	sshll.u32 @!p0 s0, $0x4  }
0x315: {  	[spmem:s0] =	stream.linear.scatter @!p0 [tilespmem:s1], [sflag:$0x1], $0x10, $0x38;
	[tilespmem:$0x1F0F8] =	vst v63  }
0x316: {  	s0 =	simm.s32 @!p0 $0x12  }
0x317: {  	s28 =	simm.s32 $0x1;
	s0 =	simm.s32 @p0 $0x2  }
0x318: {  	_ =	swait.ge [sflag:s28], s0  }
0x319: {  	s0 =	ssub.s32 $0x0, s0;
	[sflag:s28] =	ssyncset.done $0x0  }
0x31a: {  	p0 =	sne.s32 s16, $0x0;
	[sflag:s28] =	ssyncadd.s32 s0  }
.Ltmp25:
0x31b: {  	_ =	sfence.stream.spmem;
	(pc) =	sbr.rel @p0 .LBB3_38-.Ltmp25, $4  }
0x31c: {  	s29 =	simm.s32 $0x3;
	[bflag:$0x0] =	sbarrier.arrive $0xFFFF  }
0x31d: {  	s30 =	simm.s32 $0x4;
	[sflag:s29] =	ssyncpa.u1 $0x1  }
0x31e: {  	s31 =	simm.s32 $0x3C;
	[sflag:s30] =	ssyncpa.u1 $0x1  }
0x31f: {  	s17 =	rddreg [dreg:$0x5];
	[sflag:s31] =	ssyncpa.u1 $0x1  }
0x320: {  	_ =	sfence.stream.spmem;
	s0 =	simm.s32 $0x5  }
0x321: {  	s1 =	simm.s32 $0x200;
	s2 =	simm.s32 $0x3658;
	[sflag:s0] =	ssyncpa.u1 $0x0  }
0x322: {  	[tilespmem:s2], [sflag:$0x5] =	stream.linear.gather [spmem:s1], $0x20, $0x38;
	[tilespmem:$0x1F0F8] =	vst v63  }
0x323: {  	s26 =	simm.s32 $0x0;
	s28 =	simm.s32 $0x3678  }
0x324: {  	[tilespmem:s28], [sflag:$0x5] =	stream.linear.gather [spmem:s26], $0x200, $0x38;
	[tilespmem:$0x1F0F8] =	vst v63  }
0x325: {  	_ =	swait.ge [sflag:s0], $0x220  }
0x326: {  	[sflag:s0] =	ssyncset.done $0x0  }
0x327: {  	s29 =	simm.s32 $0x0;
	[sflag:s0] =	ssyncadd.s32 $0xFFFFFDE0  }
0x328: {  	v0 =	vld.msk [tilespmem:s29+$0x3658], $0x1;
	_ =	sdelay $0x1  }
0x329: {  	s30 =	simm.s32 $0x1  }
0x32a: {  	v1 =	vld.msk [tilespmem:s30+$0x3658], $0x1;
	_ =	sdelay $0x1  }
0x32b: {  	(v2sf) =	vpush v0, $0x0;
	_ =	sdelay $0x2  }
0x32c: {  	(v2sf) =	vpush v1, $0x0;
	_ =	sdelay $0x2  }
0x32d: {  	s31 =	simm.s32 $0x2  }
0x32e: {  	v0 =	vld.msk [tilespmem:s31+$0x3658], $0x1;
	_ =	sdelay $0x2  }
0x32f: {  	s6 =	simm.s32 $0xFFFFFFFF;
	s1 =	simm.s32 $0xFFFFFFFF;
	s0 =	simm.s32 $0xC  }
.LBB3_23:
0x330: {  	s2 =	smov.u32 s6;
	s4 =	smov.u32 s1  }
0x331: {  	s1 =	sshra.s32 s0, $0x2;
	p1 =	sne.s32 s0, $0x7C;
	s0 =	sadd.s32 $0x4, s0;
	(v2sf) =	vpush v0, $0x0  }
0x332: {  	v0 =	vld.msk [tilespmem:s1+$0x3658], $0x1  }
.Ltmp26:
0x333: {  	(pc) =	sbr.rel @p1 .LBB3_23-.Ltmp26, $4  }
0x334: {  	s6 =	spop (v2sf)  }
0x335: {  	p2 =	sne.s32 s4, $0xFFFFFFFF;
	s1 =	smov.u32 s6  }
0x336: {  	p3 =	seq.s32 s6, $0xFFFFFFFF;
	s1 =	smov.u32 @p2 s4  }
0x337: {  	s6 =	smov.u32 @p3 s2;
	s1 =	smov.u32 @p3 s4  }
0x338: {  	(v2sf) =	vpush v0, $0x0;
	_ =	sdelay $0x8  }
0x339: {  	s0 =	spop (v2sf)  }
0x33a: {  	p1 =	sne.s32 s1, $0xFFFFFFFF;
	s2 =	smov.u32 s0  }
0x33b: {  	s9 =	simm.s32 $0x6;
	p2 =	seq.s32 s0, $0xFFFFFFFF;
	s2 =	smov.u32 @p1 s1  }
0x33c: {  	s10 =	simm.s32 $0x3638;
	s2 =	smov.u32 @p2 s1;
	s1 =	spop (v2sf)  }
0x33d: {  	s0 =	smov.u32 @p2 s6;
	p1 =	sne.s32 s2, $0xFFFFFFFF;
	s4 =	smov.u32 s1  }
.Ltmp27:
0x33e: {  	p2 =	seq.s32 s1, $0xFFFFFFFF;
	s4 =	smov.u32 @p1 s2;
	(pc) =	sbr.rel .LBB3_25-.Ltmp27, $4  }
0x33f: {  	s11 =	simm.s32 $0x0;
	s4 =	smov.u32 @p2 s2;
	s7 =	spop (v2sf)  }
0x340: {  	[sflag:s9] =	ssyncpa.u1 $0x0;
	p1 =	sne.s32 s4, $0xFFFFFFFF;
	s8 =	smov.u32 s7  }
0x341: {  	s1 =	smov.u32 @p2 s0;
	p2 =	seq.s32 s7, $0xFFFFFFFF;
	s8 =	smov.u32 @p1 s4  }
0x342: {  	s6 =	simm.s32 $0x0;
	s7 =	smov.u32 @p2 s1;
	s8 =	smov.u32 @p2 s4  }
.LBB3_30:
0x343: {  	p1 =	sgt.u32 s12, $0xC34FF  }
0x344: {  	p2 =	seq.s32 @!p1 s12, s8  }
0x345: {  	p1 =	por p1, p2  }
0x346: {  	p2 =	sne.s32 @!p1 s12, s7  }
0x347: {  	p1 =	por p1, !p2  }
0x348: {  	s0 =	sshll.u32 @p1 s11, $0x6  }
0x349: {  	s0 =	sand.u32 @!p1 $0xFFFF8, s12  }
0x34a: {  	s1 =	sand.u32 @!p1 $0x7, s12;
	s0 =	sadd.s32 @!p1 s3, s0  }
0x34b: {  	[tilespmem:s10], [sflag:$0x6] =	stream.linear.gather @!p1 [hbm4b:s0+s1], $0x3, $0x38;
	[tilespmem:$0x1F0F8] =	vst v63  }
0x34c: {  	_ =	swait.ge @!p1 [sflag:s9], $0x3  }
0x34d: {  	[sflag:s9] =	ssyncset.done @!p1 $0x0  }
0x34e: {  	[sflag:s9] =	ssyncadd.s32 @!p1 $0xFFFFFFFD  }
0x34f: {  	v1 =	vld @!p1 [tilespmem:$0x3638];
	_ =	sdelay $0x2  }
0x350: {  	s0 =	sshll.u32 @!p1 s11, $0x6  }
0x351: {  	s1 =	sshrl.u32 @!p1 s0, $0x2  }
0x352: {  	[tilespmem:s1+$0x3678] =	vst.add.f32.msk @!p1 $0xffff, v1  }
0x353: {  	s0 =	sshrl.u32 s0, $0x2;
	[tilespmem:s6+$0x3658] =	vst.msk $0x1, v0  }
0x354: {  	v0 =	vld [tilespmem:s0+$0x3678];
	_ =	sdelay $0x2  }
0x355: {  	s31 =	sshll.u32 s6, $0x6  }
0x356: {  	s0 =	sshra.s32 s31, $0x2  }
0x357: {  	s6 =	sadd.s32 $0x1, s6;
	[tilespmem:s0+$0x3678] =	vst v0  }
.LBB3_32:
0x358: {  	s11 =	sadd.s32 $0x1, s11  }
0x359: {  	p1 =	sne.s32 s11, $0x20  }
.Ltmp28:
0x35a: {  	_ = 	snop;
	(pc) =	sbr.rel @!p1 .LBB3_33-.Ltmp28, $1  }
0x35b: {  	_ =	sdelay $0x3  }
.LBB3_25:
0x35c: {  	v0 =	vld.msk [tilespmem:s11+$0x3658], $0x1;
	_ =	sdelay $0x4  }
0x35d: {  	(v2sf) =	vpush v0, $0x0;
	_ =	sdelay $0xe  }
0x35e: {  	s12 =	spop (v2sf)  }
0x35f: {  	p1 =	seq.s32 s12, $0xFFFFFFFF  }
.Ltmp29:
0x360: {  	_ = 	snop;
	(pc) =	sbr.rel @p1 .LBB3_32-.Ltmp29, $1  }
0x361: {  	_ =	sdelay $0x3  }
0x362: {  	p1 =	slt.s32 s6, $0x1  }
.Ltmp30:
0x363: {  	_ = 	snop;
	(pc) =	sbr.rel @p1 .LBB3_30-.Ltmp30, $1  }
0x364: {  	_ =	sdelay $0x3  }
0x365: {  	s13 =	simm.s32 $0x3658;
	p1 =	por $0x0, $0x0  }
0x366: {  	v1 =	vld.msk @!p1 [tilespmem:s13+$0x0], $0x1;
	_ =	sdelay $0x4  }
0x367: {  	(v2sf) =	vpush @!p1 v1, $0x0;
	_ =	sdelay $0xd  }
0x368: {  	p3 =	sne.s32 s6, $0x1  }
.Ltmp31:
0x369: {  	s0 =	spop @!p1 (v2sf);
	(pc) =	sbr.rel @!p3 .LBB3_29-.Ltmp31, $4  }
0x36a: {  	p2 =	seq.s32 @!p1 s12, s0  }
0x36b: {  	s14 =	simm.s32 $0x0;
	p2 =	por !p2, p1  }
0x36c: {  	s0 =	simm.s32 $0xFFFFFFFF;
	s14 =	simm.s32 @p2 $0xFFFFFFFF  }
0x36d: {  	s15 =	simm.s32 $0x1;
	s14 =	smov.u32 @p1 s0  }
.LBB3_28:
0x36e: {  	s0 =	smov.u32 s14;
	p1 =	sne.s32 s14, $0xFFFFFFFF  }
0x36f: {  	s13 =	sadd.s32 $0x1, s13;
	s14 =	smov.u32 s15;
	s15 =	sadd.s32 $0x1, s15  }
0x370: {  	p2 =	sne.s32 s6, s15;
	v1 =	vld.msk @!p1 [tilespmem:s13+$0x0], $0x1;
	_ =	sdelay $0x4  }
0x371: {  	(v2sf) =	vpush @!p1 v1, $0x0;
	_ =	sdelay $0xe  }
.Ltmp32:
0x372: {  	s1 =	spop @!p1 (v2sf);
	(pc) =	sbr.rel @p2 .LBB3_28-.Ltmp32, $4  }
0x373: {  	p3 =	seq.s32 @!p1 s12, s1  }
0x374: {  	p3 =	por !p3, p1  }
0x375: {  	s14 =	simm.s32 @p3 $0xFFFFFFFF  }
0x376: {  	s14 =	smov.u32 @p1 s0  }
.LBB3_29:
0x377: {  	p1 =	sne.s32 s14, $0xFFFFFFFF  }
.Ltmp33:
0x378: {  	_ = 	snop;
	(pc) =	sbr.rel @!p1 .LBB3_30-.Ltmp33, $1  }
0x379: {  	_ =	sdelay $0x3  }
0x37a: {  	s0 =	sshll.u32 s11, $0x4  }
0x37b: {  	s0 =	sand.u32 $0x3FFFFFF0, s0  }
0x37c: {  	v0 =	vld [tilespmem:s0+$0x3678]  }
.Ltmp34:
0x37d: {  	_ = 	snop;
	(pc) =	sbr.rel .LBB3_32-.Ltmp34, $4  }
0x37e: {  	_ = 	snop  }
0x37f: {  	s31 =	sshll.u32 s14, $0x6  }
0x380: {  	s0 =	sshra.s32 s31, $0x2  }
0x381: {  	[tilespmem:s0+$0x3678] =	vst.add.f32.msk $0xffff, v0  }
.LBB3_33:
0x382: {  	s0 =	simm.s32 $0x6;
	p1 =	seq.s32 s6, $0x0  }
0x383: {  	[sflag:s0] =	ssyncpa.u1 $0x1;
	v0 =	vimm.s32 @p1 $0xFFFFFFFF  }
0x384: {  	s9 =	sadd.s32 $0xFFFFFFFF, s6;
	[tilespmem:$0x3878] =	vst @p1 v0  }
0x385: {  	v0 =	vld.msk @!p1 [tilespmem:s9+$0x3658], $0x1;
	_ =	sdelay $0x1  }
0x386: {  	v1 =	vld.msk @!p1 [tilespmem:$0x3658], $0x1;
	_ =	sdelay $0x2  }
0x387: {  	p2 =	seq.s32 @!p1 s9, $0x0;
	v0 =	vbroadcast @!p1 v0, $0x0  }
0x388: {  	vm0 =	vmmov @!p1 $0x1;
	p2 =	por !p2, p1  }
0x389: {  	v1 =	vnsel @!p1 vm0, $0xFFFFFFFF, v1;
	vm0 =	vcmask @!p1 $0x308;
	v0 =	vpsel !p2, $0xFFFFFFFF, v0  }
0x38a: {  	p2 =	sne.s32 @!p1 s8, s7;
	v0 =	vsel @!p1 vm0, v1, v0  }
0x38b: {  	s0 =	simm.s32 @!p1 $0x3678;
	s1 =	simm.s32 @!p1 $0x0;
	p3 =	por !p2, p1;
	[tilespmem:$0x3878] =	vst @!p1 v0  }
0x38c: {  	[spmem:s1] =	stream.linear.scatter @!p1 [tilespmem:s0], [sflag:$0x1], $0x10, $0x38;
	[tilespmem:$0x1F0F8] =	vst v63  }
0x38d: {  	s0 =	sshll.u32 @!p3 s9, $0x6  }
0x38e: {  	s0 =	sshra.s32 @!p3 s0, $0x2  }
0x38f: {  	s1 =	simm.s32 @!p3 $0x10;
	s0 =	sadd.s32 @!p3 $0x3678, s0  }
0x390: {  	[spmem:s1] =	stream.linear.scatter @!p3 [tilespmem:s0], [sflag:$0x1], $0x10, $0x38;
	[tilespmem:$0x1F0F8] =	vst v63  }
0x391: {  	s0 =	simm.s32 @!p3 $0x1  }
0x392: {  	_ =	swait.ge @!p3 [sflag:s0], $0x20  }
0x393: {  	p1 =	por p2, p1;
	[sflag:s0] =	ssyncset.done @!p3 $0x0  }
0x394: {  	[sflag:s0] =	ssyncadd.s32 @!p3 $0xFFFFFFE0;
	s0 =	simm.s32 @!p1 $0x1  }
0x395: {  	_ =	swait.ge @!p1 [sflag:s0], $0x10  }
0x396: {  	s29 =	simm.s32 $0x3878;
	[sflag:s0] =	ssyncset.done @!p1 $0x0  }
0x397: {  	s30 =	simm.s32 $0x200;
	s31 =	simm.s32 $0x1;
	[sflag:s0] =	ssyncadd.s32 @!p1 $0xFFFFFFF0  }
0x398: {  	[spmem:s30] =	stream.linear.scatter [tilespmem:s29], [sflag:$0x1], $0x10, $0x38;
	[tilespmem:$0x1F0F8] =	vst v63  }
0x399: {  	_ =	swait.ge [sflag:s31], $0x10  }
0x39a: {  	[sflag:s31] =	ssyncset.done $0x0  }
0x39b: {  	p1 =	seq.s32 s17, $0x0;
	s8 =	rddreg [dreg:$0x1];
	[sflag:s31] =	ssyncadd.s32 $0xFFFFFFF0  }
0x39c: {  	s1 =	sshll.u32 @p1 s8, $0xE;
	s7 =	rddreg [dreg:$0x2]  }
0x39d: {  	s0 =	sadd.s32 @p1 $0x15C3C, s1;
	s1 =	sshll.u32 @p1 s7, $0x11  }
0x39e: {  	_ =	sfence.stream.spmem;
	s0 =	sor.u32 @p1 s1, s0  }
0x39f: {  	[sflag:s0] =	ssyncadd.remote.s32 @p1 $0x1;
	s0 =	simm.s32 @p1 $0x4  }
0x3a0: {  	s2 =	simm.s32 @!p1 $0x3C;
	s1 =	sand.u32 $0xFFFFFFFE, s8;
	_ =	swait.ge @p1 [sflag:s0], $0x6  }
0x3a1: {  	s4 =	simm.s32 @!p1 $0x0;
	s1 =	sadd.s32 @!p1 $0x4, s1;
	[sflag:s0] =	ssyncset.done @p1 $0x0  }
0x3a2: {  	s5 =	simm.s32 @!p1 $0x20;
	[sflag:s0] =	ssyncadd.s32 @p1 $0xFFFFFFFA;
	s0 =	sshll.u32 @!p1 s1, $0x1A  }
0x3a3: {  	s1 =	sshll.u32 @!p1 s1, $0xD;
	s0 =	sor.u32 @!p1 s0, s7;
	_ =	swait.eq @!p1 [sflag:s2], $0x1  }
0x3a4: {  	s1 =	sor.u32 @!p1 $0x1C04, s1;
	s2 =	simm.s32 @!p1 $0x1C03;
	s0 =	sor.u32 @!p1 $0x80004000, s0  }
0x3a5: {  	[spmem:s5], [sflag:s1] =	dma.general @!p1 [spmem:s4], [sflag:s2], length:$0x4, [dreg:$0x0], stride_count:$0x0, ici_dest:s0, dma_misc:DstOpCode:WRITE  }
0x3a6: {  	p2 =	slt.s32 s9, $0x2;
	s4 =	simm.s32 @!p1 $0x40;
	s5 =	simm.s32 @!p1 $0x42  }
0x3a7: {  	[spmem:s5], [sflag:s1] =	dma.general @!p1 [spmem:s4], [sflag:s2], length:$0x2, [dreg:$0x0], stride_count:$0x0, ici_dest:s0, dma_misc:DstOpCode:WRITE  }
.Ltmp35:
0x3a8: {  	s0 =	simm.s32 @!p1 $0x3;
	(pc) =	sbr.rel @p2 .LBB3_37-.Ltmp35, $4  }
0x3a9: {  	s1 =	sshll.u32 @!p1 s8, $0xE;
	_ =	swait.ge @!p1 [sflag:s0], $0x6  }
0x3aa: {  	s2 =	sshll.u32 @!p1 s7, $0x11;
	s1 =	sadd.s32 @!p1 $0x11C3C, s1;
	[sflag:s0] =	ssyncset.done @!p1 $0x0  }
0x3ab: {  	[sflag:s0] =	ssyncadd.s32 @!p1 $0xFFFFFFFA;
	s0 =	sor.u32 @!p1 s2, s1  }
0x3ac: {  	[sflag:s0] =	ssyncadd.remote.s32 @!p1 $0xFFFFFFFF;
	s0 =	simm.s32 $0x0  }
0x3ad: {  	s0 =	simm.s32 $0x3659  }
0x3ae: {  	v0 =	vld.msk [tilespmem:s0+$0x0], $0x1;
	_ =	sdelay $0x4  }
0x3af: {  	(v2sf) =	vpush v0, $0x0;
	_ =	sdelay $0xd  }
0x3b0: {  	s2 =	sadd.s32 $0xFFFFFFFE, s6  }
0x3b1: {  	s2 =	sadd.s32 $0xFFFFFFFF, s2;
	s0 =	spop (v2sf)  }
0x3b2: {  	p2 =	sne.s32 s2, $0x0;
	p1 =	sgt.u32 s0, $0xC34FF  }
.Ltmp36:
0x3b3: {  	s4 =	sand.u32 @!p1 $0xFFFF8, s0;
	(pc) =	sbr.rel @!p2 .LBB3_36-.Ltmp36, $4  }
0x3b4: {  	s1 =	simm.s32 $0x3688;
	s0 =	sand.u32 @!p1 $0x7, s0;
	s4 =	sadd.s32 @!p1 s3, s4  }
0x3b5: {  	[hbm4b:s4+s0] =	stream.linear.scatter @!p1 [tilespmem:s1], [sflag:$0x5], $0x3, $0x38;
	[tilespmem:$0x1F0F8] =	vst v63  }
0x3b6: {  	s0 =	simm.s32 $0x0  }
0x3b7: {  	s6 =	simm.s32 $0x0;
	s7 =	simm.s32 $0x365A;
	s0 =	simm.s32 @!p1 $0xC  }
.LBB3_35:
0x3b8: {  	v0 =	vld.msk [tilespmem:s7+$0x0], $0x1;
	s2 =	sadd.s32 $0xFFFFFFFF, s2;
	s6 =	sadd.s32 s6, s0  }
0x3b9: {  	p1 =	sne.s32 s2, $0x0;
	_ =	sdelay $0x3  }
0x3ba: {  	(v2sf) =	vpush v0, $0x0;
	_ =	sdelay $0xe  }
.Ltmp37:
0x3bb: {  	s4 =	spop (v2sf);
	(pc) =	sbr.rel @p1 .LBB3_35-.Ltmp37, $4  }
0x3bc: {  	s0 =	simm.s32 $0x0;
	p2 =	sgt.u32 s4, $0xC34FF  }
0x3bd: {  	s1 =	sadd.s32 $0x10, s1;
	s0 =	simm.s32 @!p2 $0xC;
	s5 =	sand.u32 @!p2 $0xFFFF8, s4  }
0x3be: {  	s7 =	sadd.s32 $0x1, s7;
	s4 =	sand.u32 @!p2 $0x7, s4;
	s5 =	sadd.s32 @!p2 s3, s5  }
0x3bf: {  	[hbm4b:s5+s4] =	stream.linear.scatter @!p2 [tilespmem:s1], [sflag:$0x5], $0x3, $0x38;
	[tilespmem:$0x1F0F8] =	vst v63  }
.LBB3_36:
0x3c0: {  	s0 =	sadd.s32 s6, s0  }
0x3c1: {  	s0 =	sshrl.u32 s0, $0x2  }
.LBB3_37:
0x3c2: {  	s1 =	simm.s32 $0x5  }
0x3c3: {  	_ =	swait.ge [sflag:s1], s0  }
0x3c4: {  	s31 =	ssub.s32 $0x0, s0;
	[sflag:s1] =	ssyncset.done $0x0  }
0x3c5: {  	[sflag:s1] =	ssyncadd.s32 s31  }
0x3c6: {  	[sflag:s1] =	ssyncpa.u1 $0x1  }
.LBB3_38:
0x3c7: {  	s0 =	sor.u32 s17, s16  }
0x3c8: {  	p1 =	sne.s32 s0, $0x0  }
.Ltmp38:
0x3c9: {  	_ = 	snop;
	(pc) =	sbr.rel @p1 .LBB3_53-.Ltmp38, $3  }
0x3ca: {  	_ =	sdelay $0x1  }
0x3cb: {  	[bflag:$0x0] =	sbarrier.arrive $0xFFFF  }
0x3cc: {  	_ =	sfence  }
0x3cd: {  	s0 =	simm.s32 $0x7  }
0x3ce: {  	s1 =	simm.s32 $0x200;
	s2 =	simm.s32 $0x3658;
	[sflag:s0] =	ssyncpa.u1 $0x0  }
0x3cf: {  	[tilespmem:s2], [sflag:$0x7] =	stream.linear.gather [spmem:s1], $0x20, $0x38;
	[tilespmem:$0x1F0F8] =	vst v63  }
0x3d0: {  	s30 =	simm.s32 $0x3678;
	s1 =	simm.s32 $0x0  }
0x3d1: {  	[tilespmem:s30], [sflag:$0x7] =	stream.linear.gather [spmem:s1], $0x200, $0x38;
	[tilespmem:$0x1F0F8] =	vst v63  }
.Ltmp39:
0x3d2: {  	_ = 	snop;
	(pc) =	sbr.rel .LBB3_40-.Ltmp39, $4  }
0x3d3: {  	_ =	swait.ge [sflag:s0], $0x220  }
0x3d4: {  	[sflag:s0] =	ssyncset.done $0x0  }
0x3d5: {  	s31 =	simm.s32 $0x8;
	[sflag:s0] =	ssyncadd.s32 $0xFFFFFDE0  }
0x3d6: {  	s2 =	simm.s32 $0x0;
	[sflag:s31] =	ssyncpa.u1 $0x0  }
.LBB3_45:
0x3d7: {  	p1 =	slt.u32 s4, $0xC3500  }
0x3d8: {  	s0 =	sand.u32 @p1 $0xFFFF8, s4  }
0x3d9: {  	s4 =	sand.u32 @p1 $0x7, s4;
	s5 =	simm.s32 @p1 $0x3638;
	s0 =	sadd.s32 @p1 s3, s0  }
0x3da: {  	[tilespmem:s5], [sflag:$0x8] =	stream.linear.gather @p1 [hbm4b:s0+s4], $0x3, $0x38;
	[tilespmem:$0x1F0F8] =	vst v63  }
0x3db: {  	s0 =	simm.s32 @p1 $0x8  }
0x3dc: {  	_ =	swait.ge @p1 [sflag:s0], $0x3  }
0x3dd: {  	[sflag:s0] =	ssyncset.done @p1 $0x0  }
0x3de: {  	[sflag:s0] =	ssyncadd.s32 @p1 $0xFFFFFFFD  }
0x3df: {  	v1 =	vld @p1 [tilespmem:$0x3638];
	_ =	sdelay $0x2  }
0x3e0: {  	s0 =	sshll.u32 @p1 s2, $0x6  }
0x3e1: {  	s5 =	sshll.u32 @!p1 s2, $0x6;
	s4 =	sshrl.u32 @p1 s0, $0x2  }
0x3e2: {  	s5 =	smov.u32 @p1 s0;
	[tilespmem:s4+$0x3678] =	vst.add.f32.msk @p1 $0xffff, v1  }
0x3e3: {  	s0 =	sshrl.u32 s5, $0x2;
	[tilespmem:s1+$0x3658] =	vst.msk $0x1, v0  }
0x3e4: {  	v0 =	vld [tilespmem:s0+$0x3678];
	_ =	sdelay $0x2  }
0x3e5: {  	s31 =	sshll.u32 s1, $0x6  }
0x3e6: {  	s0 =	sshra.s32 s31, $0x2  }
0x3e7: {  	s1 =	sadd.s32 $0x1, s1;
	[tilespmem:s0+$0x3678] =	vst v0  }
.LBB3_47:
0x3e8: {  	s2 =	sadd.s32 $0x1, s2  }
0x3e9: {  	p1 =	sne.s32 s2, $0x20  }
.Ltmp40:
0x3ea: {  	_ = 	snop;
	(pc) =	sbr.rel @!p1 .LBB3_48-.Ltmp40, $1  }
0x3eb: {  	_ =	sdelay $0x3  }
.LBB3_40:
0x3ec: {  	v0 =	vld.msk [tilespmem:s2+$0x3658], $0x1;
	_ =	sdelay $0x4  }
0x3ed: {  	(v2sf) =	vpush v0, $0x0;
	_ =	sdelay $0xe  }
0x3ee: {  	s4 =	spop (v2sf)  }
0x3ef: {  	p1 =	seq.s32 s4, $0xFFFFFFFF  }
.Ltmp41:
0x3f0: {  	_ = 	snop;
	(pc) =	sbr.rel @p1 .LBB3_47-.Ltmp41, $1  }
0x3f1: {  	_ =	sdelay $0x3  }
0x3f2: {  	p1 =	slt.s32 s1, $0x1  }
.Ltmp42:
0x3f3: {  	_ = 	snop;
	(pc) =	sbr.rel @p1 .LBB3_45-.Ltmp42, $1  }
0x3f4: {  	_ =	sdelay $0x3  }
0x3f5: {  	s5 =	simm.s32 $0x3658;
	p1 =	por $0x0, $0x0  }
0x3f6: {  	v1 =	vld.msk @!p1 [tilespmem:s5+$0x0], $0x1;
	_ =	sdelay $0x4  }
0x3f7: {  	(v2sf) =	vpush @!p1 v1, $0x0;
	_ =	sdelay $0xd  }
0x3f8: {  	p3 =	sne.s32 s1, $0x1  }
.Ltmp43:
0x3f9: {  	s0 =	spop @!p1 (v2sf);
	(pc) =	sbr.rel @!p3 .LBB3_44-.Ltmp43, $4  }
0x3fa: {  	p2 =	seq.s32 @!p1 s4, s0  }
0x3fb: {  	s6 =	simm.s32 $0x0;
	p2 =	por !p2, p1  }
0x3fc: {  	s0 =	simm.s32 $0xFFFFFFFF;
	s6 =	simm.s32 @p2 $0xFFFFFFFF  }
0x3fd: {  	s7 =	simm.s32 $0x1;
	s6 =	smov.u32 @p1 s0  }
.LBB3_43:
0x3fe: {  	s0 =	smov.u32 s6;
	p1 =	sne.s32 s6, $0xFFFFFFFF  }
0x3ff: {  	s5 =	sadd.s32 $0x1, s5;
	s6 =	smov.u32 s7;
	s7 =	sadd.s32 $0x1, s7  }
0x400: {  	p2 =	sne.s32 s1, s7;
	v1 =	vld.msk @!p1 [tilespmem:s5+$0x0], $0x1;
	_ =	sdelay $0x4  }
0x401: {  	(v2sf) =	vpush @!p1 v1, $0x0;
	_ =	sdelay $0xe  }
.Ltmp44:
0x402: {  	s8 =	spop @!p1 (v2sf);
	(pc) =	sbr.rel @p2 .LBB3_43-.Ltmp44, $4  }
0x403: {  	p3 =	seq.s32 @!p1 s4, s8  }
0x404: {  	p3 =	por !p3, p1  }
0x405: {  	s6 =	simm.s32 @p3 $0xFFFFFFFF  }
0x406: {  	s6 =	smov.u32 @p1 s0  }
.LBB3_44:
0x407: {  	p1 =	sne.s32 s6, $0xFFFFFFFF  }
.Ltmp45:
0x408: {  	_ = 	snop;
	(pc) =	sbr.rel @!p1 .LBB3_45-.Ltmp45, $1  }
0x409: {  	_ =	sdelay $0x3  }
0x40a: {  	s0 =	sshll.u32 s2, $0x4  }
0x40b: {  	s0 =	sand.u32 $0x3FFFFFF0, s0  }
0x40c: {  	v0 =	vld [tilespmem:s0+$0x3678]  }
.Ltmp46:
0x40d: {  	_ = 	snop;
	(pc) =	sbr.rel .LBB3_47-.Ltmp46, $4  }
0x40e: {  	_ = 	snop  }
0x40f: {  	s31 =	sshll.u32 s6, $0x6  }
0x410: {  	s0 =	sshra.s32 s31, $0x2  }
0x411: {  	[tilespmem:s0+$0x3678] =	vst.add.f32.msk $0xffff, v0  }
.LBB3_48:
0x412: {  	p1 =	slt.s32 s1, $0x1  }
.Ltmp47:
0x413: {  	_ = 	snop;
	(pc) =	sbr.rel @p1 .LBB3_52-.Ltmp47, $3  }
0x414: {  	_ =	sdelay $0x1  }
0x415: {  	s0 =	simm.s32 $0x8  }
0x416: {  	s2 =	simm.s32 $0x0;
	[sflag:s0] =	ssyncpa.u1 $0x1  }
0x417: {  	s0 =	simm.s32 $0x3658  }
0x418: {  	v0 =	vld.msk [tilespmem:s0+$0x0], $0x1;
	_ =	sdelay $0x4  }
0x419: {  	(v2sf) =	vpush v0, $0x0;
	_ =	sdelay $0xe  }
0x41a: {  	s1 =	sadd.s32 $0xFFFFFFFF, s1;
	s0 =	spop (v2sf)  }
0x41b: {  	p2 =	sne.s32 s1, $0x0;
	p1 =	sgt.u32 s0, $0xC34FF  }
.Ltmp48:
0x41c: {  	s5 =	sand.u32 @!p1 $0xFFFF8, s0;
	(pc) =	sbr.rel @!p2 .LBB3_51-.Ltmp48, $4  }
0x41d: {  	s4 =	simm.s32 $0x3678;
	s0 =	sand.u32 @!p1 $0x7, s0;
	s5 =	sadd.s32 @!p1 s3, s5  }
0x41e: {  	[hbm4b:s5+s0] =	stream.linear.scatter @!p1 [tilespmem:s4], [sflag:$0x7], $0x3, $0x38;
	[tilespmem:$0x1F0F8] =	vst v63  }
0x41f: {  	s0 =	simm.s32 $0x0  }
0x420: {  	s5 =	simm.s32 $0x3659;
	s0 =	simm.s32 @!p1 $0xC  }
.LBB3_50:
0x421: {  	v0 =	vld.msk [tilespmem:s5+$0x0], $0x1;
	s1 =	sadd.s32 $0xFFFFFFFF, s1;
	s2 =	sadd.s32 s2, s0  }
0x422: {  	p1 =	sne.s32 s1, $0x0;
	_ =	sdelay $0x3  }
0x423: {  	(v2sf) =	vpush v0, $0x0;
	_ =	sdelay $0xe  }
.Ltmp49:
0x424: {  	s6 =	spop (v2sf);
	(pc) =	sbr.rel @p1 .LBB3_50-.Ltmp49, $4  }
0x425: {  	s0 =	simm.s32 $0x0;
	p2 =	sgt.u32 s6, $0xC34FF  }
0x426: {  	s4 =	sadd.s32 $0x10, s4;
	s0 =	simm.s32 @!p2 $0xC;
	s7 =	sand.u32 @!p2 $0xFFFF8, s6  }
0x427: {  	s5 =	sadd.s32 $0x1, s5;
	s6 =	sand.u32 @!p2 $0x7, s6;
	s7 =	sadd.s32 @!p2 s3, s7  }
0x428: {  	[hbm4b:s7+s6] =	stream.linear.scatter @!p2 [tilespmem:s4], [sflag:$0x7], $0x3, $0x38;
	[tilespmem:$0x1F0F8] =	vst v63  }
.LBB3_51:
0x429: {  	s0 =	sadd.s32 s2, s0  }
0x42a: {  	s2 =	sshrl.u32 s0, $0x2  }
.LBB3_52:
0x42b: {  	s0 =	simm.s32 $0x7  }
0x42c: {  	_ =	swait.ge [sflag:s0], s2  }
0x42d: {  	s1 =	ssub.s32 $0x0, s2;
	[sflag:s0] =	ssyncset.done $0x0  }
0x42e: {  	[sflag:s0] =	ssyncadd.s32 s1  }
0x42f: {  	[sflag:s0] =	ssyncpa.u1 $0x1  }
.LBB3_53:
0x430: {  	_ =	sfence;
	s0 =	simm.s32 $0x1  }
0x431: {  	[sflag:s0] =	ssyncpa.u1 $0x1  }
0x432: {  	_ =	strace $0x90000068  }
0x433: {  	[bflag:$0x2] =	sbarrier.arrive $0xFFFF  }
0x434: {  	s0 =	rddreg [dreg:$0x3]  }
0x435: {  	s0 =	sadd.s32 @!p0 $0x100000, s0  }
0x436: {  	[sflag:s0] =	ssyncadd.tile.s32 @!p0 $0x1;
	_ =	shalt  }
.Lfunc_end3:
_tile_overlayer_lowered:
.L_overlay_start_3:
0x437: {  	(tag) =	ssettag $0x3  }
0x438: {  	s0 =	rddreg [dreg:$0x0];
	s2 =	stileid.u32  }
0x439: {  	s1 =	rddreg [dreg:$0x1];
	p0 =	sne.s32 s2, $0x0  }
0x43a: {  	s3 =	rddreg [dreg:$0x2];
	[bflag:$0x3] =	sbarrier.arrive $0xFFFF;
	s2 =	simm.s32 @!p0 $0x1C01  }
0x43b: {  	[timem:s3], [sflag:s2] =	dma.local @!p0 [hbm:s0], s1  }
0x43c: {  	s0 =	simm.s32 @!p0 $0x1  }
0x43d: {  	_ =	swait.ge @!p0 [sflag:s0], s1  }
0x43e: {  	s1 =	ssub.s32 @!p0 $0x0, s1;
	[sflag:s0] =	ssyncset.done @!p0 $0x0  }
0x43f: {  	[sflag:s0] =	ssyncadd.s32 @!p0 s1  }
0x440: {  	[bflag:$0x3] =	sbarrier.arrive $0xFFFF  }
0x441: {  	_ =	shalt  }

// kernel: scatter_offload_async_start
scs
__scs_entry_jumppad:
0x0: {  	(pc) =	sbr.rel $0x88, $3  }
0x1: {  	(tag) =	ssettag $0x0;
	lr =	simm.s32 $0x1  }
0x2: {  	[smem:$0x3F8E] =	sst lr;
	_ =	strace $0xD0000000  }
0x3: {  	_ = 	snop  }
0x4: {  	_ = 	snop  }
0x5: {  	_ = 	snop  }
0x6: {  	_ = 	snop  }
0x7: {  	_ = 	snop  }
__scs_overlays_trampoline_lowered:
0x8: {  	[smem:$0x3F9D] =	sst s0  }
0x9: {  	[smem:$0x3F9E] =	sst s1  }
0xa: {  	[smem:$0x3F9F] =	sst s2  }
0xb: {  	[smem:$0x3FA0] =	sst s3  }
0xc: {  	[smem:$0x3FA1] =	sst s4  }
0xd: {  	[smem:$0x3FA2] =	sst s5  }
0xe: {  	[smem:$0x3FA3] =	sst s6  }
0xf: {  	[smem:$0x3FA4] =	sst s7  }
0x10: {  	[smem:$0x3FA5] =	sst s8  }
0x11: {  	[smem:$0x3FA6] =	sst s9;
	s0 =	simm.s32 @!p0 $0x0  }
0x12: {  	s1 =	sld [smem:$0x3F8C];
	s0 =	simm.s32 @p0 $0x1  }
0x13: {  	[smem:$0x3FA7] =	sst s0;
	s0 =	simm.s32 @!p1 $0x0  }
0x14: {  	s2 =	sld [smem:$0x3F8B];
	s0 =	simm.s32 @p1 $0x1  }
0x15: {  	[smem:$0x3FA8] =	sst s0;
	s0 =	simm.s32 @!p2 $0x0  }
0x16: {  	s3 =	sld [smem:$0x3FDB];
	s0 =	simm.s32 @p2 $0x1  }
0x17: {  	s4 =	simm.s32 $0x1BF5;
	[smem:$0x3FAA] =	sst s0  }
0x18: {  	s0 =	sld [smem:$0x3F8D];
	_ =	swait.ge [sflag:s4], $0x0  }
0x19: {  	s7 =	sld [smem:$0x3F8E]  }
0x1a: {  	s8 =	sadd.s32 $0xFFFFE003, lr  }
0x1b: {  	s9 =	sadd.s32 $0xFFFFFEF7, lr;
	s5 =	simm.s32 $0xFFFFFFFF;
	p2 =	slt.u32 s8, $0xFFFFF086  }
0x1c: {  	p1 =	slt.u32 s9, $0xF7A;
	s5 =	simm.s32 @!p2 $0x0  }
0x1d: {  	s5 =	simm.s32 @p1 $0x1;
	p0 =	seq.s32 s7, s2  }
0x1e: {  	s7 =	smul.u32 @!p0 $0xF7A, s2;
	p2 =	seq.s32 @!p0 s5, $0x0  }
0x1f: {  	s9 =	smul.u32 $0xF7A, s1;
	s8 =	simm.s32 @!p0 $0x1BF5;
	p2 =	por !p2, p0  }
0x20: {  	[sflag:s8] =	ssyncset.s32 @!p0 $0xFFFFF086;
	s6 =	sadd.s32 @!p0 s3, s7;
	s7 =	simm.s32 @!p0 $0x108  }
0x21: {  	s3 =	sadd.s32 s3, s9;
	s6 =	sadd.s32 @!p0 $0x88, s6;
	s7 =	simm.s32 @p2 $0x1082  }
0x22: {  	[simem:s7], [sflag:s8] =	dma.local @!p0 [hbm:s6], $0xF7A  }
0x23: {  	s9 =	sor.u32 $0xD0000000, s2;
	s6 =	simm.s32 $0x108;
	_ =	swait.ge @!p0 [sflag:s8], $0x0  }
0x24: {  	s3 =	sadd.s32 $0x88, s3;
	s6 =	simm.s32 @!p1 $0x1082;
	[sflag:s4] =	ssyncset.s32 $0xFFFFF086  }
0x25: {  	[simem:s6], [sflag:s4] =	dma.local [hbm:s3], $0xF7A  }
0x26: {  	[smem:$0x3F8E] =	sst s1;
	(tag) =	ssettag s2;
	_ =	strace s9  }
0x27: {  	s1 =	sld [smem:$0x3F9E]  }
0x28: {  	s2 =	sld [smem:$0x3F9F]  }
0x29: {  	s4 =	sld [smem:$0x3FA1]  }
0x2a: {  	p0 =	seq.s32 s5, $0x0;
	s5 =	sld [smem:$0x3FA2]  }
0x2b: {  	s6 =	sld [smem:$0x3FA3]  }
0x2c: {  	s7 =	sld [smem:$0x3FA4]  }
0x2d: {  	s3 =	simm.s32 $0x108;
	s8 =	sld [smem:$0x3FA5]  }
0x2e: {  	s3 =	simm.s32 @!p0 $0x1082;
	s9 =	sld [smem:$0x3FA6]  }
0x2f: {  	lr =	sadd.s32 s0, s3;
	s0 =	sld [smem:$0x3F9D]  }
0x30: {  	s3 =	sld [smem:$0x3FA0]  }
0x31: {  	[smem:$0x3FA9] =	sst s10  }
0x32: {  	s10 =	sld [smem:$0x3FA7];
	_ =	sdelay $0x3  }
0x33: {  	p0 =	seq.s32 s10, $0x1;
	s10 =	sld [smem:$0x3FA9];
	_ =	sdelay $0x3  }
0x34: {  	[smem:$0x3FA9] =	sst s10  }
0x35: {  	s10 =	sld [smem:$0x3FA8];
	_ =	sdelay $0x3  }
0x36: {  	p1 =	seq.s32 s10, $0x1;
	s10 =	sld [smem:$0x3FA9];
	_ =	sdelay $0x3  }
0x37: {  	[smem:$0x3FA9] =	sst s10  }
0x38: {  	s10 =	sld [smem:$0x3FAA]  }
0x39: {  	_ = 	snop;
	(pc) =	sbr.ind lr, $3  }
0x3a: {  	_ = 	snop  }
0x3b: {  	_ = 	snop  }
0x3c: {  	p2 =	seq.s32 s10, $0x1;
	s10 =	sld [smem:$0x3FA9]  }
0x3d: {  	_ =	shalt  }
0x3e: {  	_ =	shalt  }
0x3f: {  	_ =	shalt  }
0x40: {  	_ =	shalt  }
0x41: {  	_ =	shalt  }
0x42: {  	_ =	shalt  }
0x43: {  	_ =	shalt  }
0x44: {  	_ =	shalt  }
0x45: {  	_ =	shalt  }
0x46: {  	_ =	shalt  }
0x47: {  	_ =	shalt  }
0x48: {  	_ =	shalt  }
0x49: {  	_ =	shalt  }
0x4a: {  	_ =	shalt  }
0x4b: {  	_ =	shalt  }
0x4c: {  	_ =	shalt  }
0x4d: {  	_ =	shalt  }
0x4e: {  	_ =	shalt  }
0x4f: {  	_ =	shalt  }
0x50: {  	_ =	shalt  }
0x51: {  	_ =	shalt  }
0x52: {  	_ =	shalt  }
0x53: {  	_ =	shalt  }
0x54: {  	_ =	shalt  }
0x55: {  	_ =	shalt  }
0x56: {  	_ =	shalt  }
0x57: {  	_ =	shalt  }
0x58: {  	_ =	shalt  }
0x59: {  	_ =	shalt  }
0x5a: {  	_ =	shalt  }
0x5b: {  	_ =	shalt  }
0x5c: {  	_ =	shalt  }
0x5d: {  	_ =	shalt  }
0x5e: {  	_ =	shalt  }
0x5f: {  	_ =	shalt  }
0x60: {  	_ =	shalt  }
0x61: {  	_ =	shalt  }
0x62: {  	_ =	shalt  }
0x63: {  	_ =	shalt  }
0x64: {  	_ =	shalt  }
0x65: {  	_ =	shalt  }
0x66: {  	_ =	shalt  }
0x67: {  	_ =	shalt  }
0x68: {  	_ =	shalt  }
0x69: {  	_ =	shalt  }
0x6a: {  	_ =	shalt  }
0x6b: {  	_ =	shalt  }
0x6c: {  	_ =	shalt  }
0x6d: {  	_ =	shalt  }
0x6e: {  	_ =	shalt  }
0x6f: {  	_ =	shalt  }
0x70: {  	_ =	shalt  }
0x71: {  	_ =	shalt  }
0x72: {  	_ =	shalt  }
0x73: {  	_ =	shalt  }
0x74: {  	_ =	shalt  }
0x75: {  	_ =	shalt  }
0x76: {  	_ =	shalt  }
0x77: {  	_ =	shalt  }
0x78: {  	_ =	shalt  }
0x79: {  	_ =	shalt  }
0x7a: {  	_ =	shalt  }
0x7b: {  	_ =	shalt  }
0x7c: {  	_ =	shalt  }
0x7d: {  	_ =	shalt  }
0x7e: {  	_ =	shalt  }
0x7f: {  	_ =	shalt  }
0x80: {  	_ =	shalt  }
0x81: {  	_ =	shalt  }
0x82: {  	_ =	shalt  }
0x83: {  	_ =	shalt  }
0x84: {  	_ =	shalt  }
0x85: {  	_ =	shalt  }
0x86: {  	_ =	shalt  }
0x87: {  	_ =	shalt  }
.Lfunc_end0:
.L_simem_size_0:
called_computation_lowered:
.L_overlay_start_0:
0x88: {  	s2 =	sld [smem:$0x3FD9]  }
0x89: {  	s3 =	sld [smem:$0x3FFE];
	_ =	sdelay $0x1  }
0x8a: {  	s1 =	srdreg.scid  }
0x8b: {  	s0 =	sand.u32 $0x1, s1  }
0x8c: {  	s15 =	sshll.u32 s0, $0xA;
	s2 =	sadd.s32 s3, s2  }
0x8d: {  	s2 =	sadd.s32 s2, s15  }
0x8e: {  	[smem:$0x3FB5] =	sst s2  }
0x8f: {  	_ = 	snop  }
0x90: {  	(tm) =	ssettm $0x1  }
0x91: {  	s16 =	sld [smem:$0x3FFB];
	_ =	sdelay $0x3  }
0x92: {  	_ =	strace s16  }
0x93: {  	s2 =	sld [smem:$0x3FFC];
	_ =	sdelay $0x3  }
0x94: {  	_ =	strace s2  }
0x95: {  	s2 =	sld [smem:$0x3FFD];
	_ =	sdelay $0x3  }
0x96: {  	_ =	strace s2  }
0x97: {  	_ =	strace $0x8FFFFFFF  }
0x98: {  	s17 =	sld [smem:$0x3FDB];
	_ =	sdelay $0x1  }
0x99: {  	s18 =	simm.s32 $_scs_section_size  }
0x9a: {  	s4 =	simm.s32 $_size__tile_overlayer_lowered;
	s5 =	simm.s32 $_tile_overlayer_lowered  }
0x9b: {  	s21 =	simm.s32 $0x1BFF;
	s20 =	sshll.u32 s5, $0x1;
	s2 =	sadd.s32 s18, s17  }
0x9c: {  	s6 =	simm.s32 $0x0;
	s19 =	sshll.u32 s4, $0x1;
	s4 =	sadd.s32 s20, s2  }
0x9d: {  	[timem:s6], [sflag:s21] =	dma.local [hbm:s4], s19  }
0x9e: {  	_ =	swait.ge [sflag:s21], s19  }
0x9f: {  	s3 =	ssub.s32 $0x0, s19;
	[sflag:s21] =	ssyncset.done $0x0  }
0xa0: {  	[sflag:s21] =	ssyncadd.s32 s3;
	_ =	sdelay $0x1  }
0xa1: {  	s22 =	simm.s32 $0x1B8B  }
0xa2: {  	_ =	swait.ge [sflag:s22], $0x1  }
0xa3: {  	[sflag:s22] =	ssyncset.done $0x0  }
0xa4: {  	s23 =	sld [smem:$0x3FFE];
	[sflag:s22] =	ssyncadd.s32 $0xFFFFFFFF  }
0xa5: {  	s25 =	simm.s32 $0x1B8E;
	s24 =	sld [smem:$0x0]  }
0xa6: {  	s26 =	simm.s32 $execute0_lowered;
	[smem:$0x3FD2] =	sst s25  }
0xa7: {  	s5 =	sshll.u32 s26, $0x1;
	_ =	strace $0x80000055;
	[dreg:$0x1] =	wrdreg $0xFFFFFFFF  }
0xa8: {  	s28 =	simm.s32 $_size_execute0_lowered;
	s2 =	sadd.s32 s2, s5;
	[dreg:$0x0] =	wrdreg $0x0  }
0xa9: {  	s5 =	sshll.u32 s28, $0x1;
	[dreg:$0x2] =	wrdreg s2  }
0xaa: {  	[dreg:$0x3] =	wrdreg s5  }
0xab: {  	[dreg:$0x4] =	wrdreg $0xC0  }
0xac: {  	_ =	task [dreg:s6], $0x5FFFF  }
0xad: {  	[dreg:$0x1] =	wrdreg $0xFFFFFFFF  }
0xae: {  	[dreg:$0x0] =	wrdreg $0x60  }
0xaf: {  	[dreg:$0x2] =	wrdreg s23  }
0xb0: {  	[dreg:$0x3] =	wrdreg s1  }
0xb1: {  	[dreg:$0x4] =	wrdreg s24  }
0xb2: {  	[dreg:$0x5] =	wrdreg $0x9  }
0xb3: {  	_ =	task.clear_ibuf [dreg:s6], $0x6FFFF;
	_ =	strace $0x90000055  }
0xb4: {  	s29 =	simm.s32 $0x9;
	_ =	strace $0x80000057  }
0xb5: {  	_ =	swait.ge [sflag:s29], $0x1  }
0xb6: {  	[sflag:s29] =	ssyncadd.s32 $0xFFFFFFFF  }
0xb7: {  	_ =	strace $0x90000057  }
0xb8: {  	_ =	sfence  }
0xb9: {  	s30 =	sld [smem:$0x0];
	_ =	sdelay $0x2  }
0xba: {  	s31 =	sshll.u32 s1, $0xD;
	s1 =	sshrl.u32 s1, $0x2  }
0xbb: {  	s3 =	sand.u32 $0x4000, s31;
	s1 =	sadd.s32 s1, s30  }
0xbc: {  	s0 =	sor.u32 s3, s0;
	s1 =	sshll.u32 s1, $0x11  }
0xbd: {  	s0 =	sor.u32 s1, s0  }
0xbe: {  	s0 =	sadd.s32 $0x8F2B, s0  }
0xbf: {  	[sflag:s0] =	ssyncadd.remote.s32 $0x1  }
0xc0: {  	_ =	sfence.sel $0xFFFF  }
0xc1: {  	[dreg:$0x0] =	wrdreg $0xFFFFFFFF;
	(pc) =	sbr.abs _section_cstart, $3  }
0xc2: {  	[dreg:$0x1] =	wrdreg $0xFFFFFFFF  }
0xc3: {  	_ =	task.clear_ibuf [dreg:s6], $0x2FFFF;
	_ =	strace $0x9FFFFFFF  }
0xc4: {  	(tm) =	ssettm $0x7FFFFFFF  }
0xc5: {  	_ =	shalt  }
tec
execute0_lowered:
.L_overlay_start_1:
0x0: {  	(tag) =	ssettag $0x1  }
0x1: {  	s11 =	rddreg [dreg:$0x0]  }
0x2: {  	s2 =	rddreg [dreg:$0x1];
	_ =	strace $0x80000056;
	s12 =	simm.s32 $0x1  }
0x3: {  	v0 =	vimm.s32 $0x0;
	[sflag:s12] =	ssyncpa.u1 $0x0  }
0x4: {  	[tilespmem:$0x28] =	vst v0  }
0x5: {  	[tilespmem:$0x38] =	vst v0  }
0x6: {  	[tilespmem:$0x48] =	vst v0  }
0x7: {  	[tilespmem:$0x58] =	vst v0  }
0x8: {  	[tilespmem:$0x68] =	vst v0  }
0x9: {  	[tilespmem:$0x78] =	vst v0  }
0xa: {  	[tilespmem:$0x88] =	vst v0  }
0xb: {  	[tilespmem:$0x98] =	vst v0  }
0xc: {  	[tilespmem:$0xA8] =	vst v0  }
0xd: {  	[tilespmem:$0xB8] =	vst v0  }
0xe: {  	[tilespmem:$0xC8] =	vst v0  }
0xf: {  	[tilespmem:$0xD8] =	vst v0  }
0x10: {  	[tilespmem:$0xE8] =	vst v0  }
0x11: {  	[tilespmem:$0xF8] =	vst v0  }
0x12: {  	[tilespmem:$0x108] =	vst v0  }
0x13: {  	[tilespmem:$0x118] =	vst v0  }
0x14: {  	[tilespmem:$0x128] =	vst v0  }
0x15: {  	[tilespmem:$0x138] =	vst v0  }
0x16: {  	[tilespmem:$0x148] =	vst v0  }
0x17: {  	[tilespmem:$0x158] =	vst v0  }
0x18: {  	[tilespmem:$0x168] =	vst v0  }
0x19: {  	[tilespmem:$0x178] =	vst v0  }
0x1a: {  	[tilespmem:$0x188] =	vst v0  }
0x1b: {  	[tilespmem:$0x198] =	vst v0  }
0x1c: {  	[tilespmem:$0x1A8] =	vst v0  }
0x1d: {  	[tilespmem:$0x1B8] =	vst v0  }
0x1e: {  	[tilespmem:$0x1C8] =	vst v0  }
0x1f: {  	[tilespmem:$0x1D8] =	vst v0  }
0x20: {  	[tilespmem:$0x1E8] =	vst v0  }
0x21: {  	[tilespmem:$0x1F8] =	vst v0  }
0x22: {  	[tilespmem:$0x208] =	vst v0  }
0x23: {  	[tilespmem:$0x218] =	vst v0  }
0x24: {  	[tilespmem:$0x228] =	vst v0  }
0x25: {  	[tilespmem:$0x238] =	vst v0  }
0x26: {  	[tilespmem:$0x248] =	vst v0  }
0x27: {  	[tilespmem:$0x258] =	vst v0  }
0x28: {  	[tilespmem:$0x268] =	vst v0  }
0x29: {  	[tilespmem:$0x278] =	vst v0  }
0x2a: {  	[tilespmem:$0x288] =	vst v0  }
0x2b: {  	[tilespmem:$0x298] =	vst v0  }
0x2c: {  	[tilespmem:$0x2A8] =	vst v0  }
0x2d: {  	[tilespmem:$0x2B8] =	vst v0  }
0x2e: {  	[tilespmem:$0x2C8] =	vst v0  }
0x2f: {  	[tilespmem:$0x2D8] =	vst v0  }
0x30: {  	[tilespmem:$0x2E8] =	vst v0  }
0x31: {  	[tilespmem:$0x2F8] =	vst v0  }
0x32: {  	[tilespmem:$0x308] =	vst v0  }
0x33: {  	[tilespmem:$0x318] =	vst v0  }
0x34: {  	[tilespmem:$0x328] =	vst v0  }
0x35: {  	[tilespmem:$0x338] =	vst v0  }
0x36: {  	[tilespmem:$0x348] =	vst v0  }
0x37: {  	[tilespmem:$0x358] =	vst v0  }
0x38: {  	[tilespmem:$0x368] =	vst v0  }
0x39: {  	[tilespmem:$0x378] =	vst v0  }
0x3a: {  	[tilespmem:$0x388] =	vst v0  }
0x3b: {  	[tilespmem:$0x398] =	vst v0  }
0x3c: {  	[tilespmem:$0x3A8] =	vst v0  }
0x3d: {  	[tilespmem:$0x3B8] =	vst v0  }
0x3e: {  	[tilespmem:$0x3C8] =	vst v0  }
0x3f: {  	[tilespmem:$0x3D8] =	vst v0  }
0x40: {  	[tilespmem:$0x3E8] =	vst v0  }
0x41: {  	[tilespmem:$0x3F8] =	vst v0  }
0x42: {  	[tilespmem:$0x408] =	vst v0  }
0x43: {  	[tilespmem:$0x418] =	vst v0  }
0x44: {  	[tilespmem:$0x428] =	vst v0  }
0x45: {  	[tilespmem:$0x438] =	vst v0  }
0x46: {  	[tilespmem:$0x448] =	vst v0  }
0x47: {  	[tilespmem:$0x458] =	vst v0  }
0x48: {  	[tilespmem:$0x468] =	vst v0  }
0x49: {  	[tilespmem:$0x478] =	vst v0  }
0x4a: {  	[tilespmem:$0x488] =	vst v0  }
0x4b: {  	[tilespmem:$0x498] =	vst v0  }
0x4c: {  	[tilespmem:$0x4A8] =	vst v0  }
0x4d: {  	[tilespmem:$0x4B8] =	vst v0  }
0x4e: {  	[tilespmem:$0x4C8] =	vst v0  }
0x4f: {  	[tilespmem:$0x4D8] =	vst v0  }
0x50: {  	[tilespmem:$0x4E8] =	vst v0  }
0x51: {  	[tilespmem:$0x4F8] =	vst v0  }
0x52: {  	[tilespmem:$0x508] =	vst v0  }
0x53: {  	[tilespmem:$0x518] =	vst v0  }
0x54: {  	[tilespmem:$0x528] =	vst v0  }
0x55: {  	[tilespmem:$0x538] =	vst v0  }
0x56: {  	[tilespmem:$0x548] =	vst v0  }
0x57: {  	[tilespmem:$0x558] =	vst v0  }
0x58: {  	[tilespmem:$0x568] =	vst v0  }
0x59: {  	[tilespmem:$0x578] =	vst v0  }
0x5a: {  	[tilespmem:$0x588] =	vst v0  }
0x5b: {  	[tilespmem:$0x598] =	vst v0  }
0x5c: {  	[tilespmem:$0x5A8] =	vst v0  }
0x5d: {  	[tilespmem:$0x5B8] =	vst v0  }
0x5e: {  	[tilespmem:$0x5C8] =	vst v0  }
0x5f: {  	[tilespmem:$0x5D8] =	vst v0  }
0x60: {  	[tilespmem:$0x5E8] =	vst v0  }
0x61: {  	[tilespmem:$0x5F8] =	vst v0  }
0x62: {  	[tilespmem:$0x608] =	vst v0  }
0x63: {  	[tilespmem:$0x618] =	vst v0  }
0x64: {  	[tilespmem:$0x628] =	vst v0  }
0x65: {  	[tilespmem:$0x638] =	vst v0  }
0x66: {  	[tilespmem:$0x648] =	vst v0  }
0x67: {  	[tilespmem:$0x658] =	vst v0  }
0x68: {  	[tilespmem:$0x668] =	vst v0  }
0x69: {  	[tilespmem:$0x678] =	vst v0  }
0x6a: {  	[tilespmem:$0x688] =	vst v0  }
0x6b: {  	[tilespmem:$0x698] =	vst v0  }
0x6c: {  	[tilespmem:$0x6A8] =	vst v0  }
0x6d: {  	[tilespmem:$0x6B8] =	vst v0  }
0x6e: {  	[tilespmem:$0x6C8] =	vst v0  }
0x6f: {  	[tilespmem:$0x6D8] =	vst v0  }
0x70: {  	[tilespmem:$0x6E8] =	vst v0  }
0x71: {  	[tilespmem:$0x6F8] =	vst v0  }
0x72: {  	[tilespmem:$0x708] =	vst v0  }
0x73: {  	[tilespmem:$0x718] =	vst v0  }
0x74: {  	[tilespmem:$0x728] =	vst v0  }
0x75: {  	[tilespmem:$0x738] =	vst v0  }
0x76: {  	[tilespmem:$0x748] =	vst v0  }
0x77: {  	[tilespmem:$0x758] =	vst v0  }
0x78: {  	[tilespmem:$0x768] =	vst v0  }
0x79: {  	[tilespmem:$0x778] =	vst v0  }
0x7a: {  	[tilespmem:$0x788] =	vst v0  }
0x7b: {  	[tilespmem:$0x798] =	vst v0  }
0x7c: {  	[tilespmem:$0x7A8] =	vst v0  }
0x7d: {  	[tilespmem:$0x7B8] =	vst v0  }
0x7e: {  	[tilespmem:$0x7C8] =	vst v0  }
0x7f: {  	[tilespmem:$0x7D8] =	vst v0  }
0x80: {  	[tilespmem:$0x7E8] =	vst v0  }
0x81: {  	[tilespmem:$0x7F8] =	vst v0  }
0x82: {  	[tilespmem:$0x808] =	vst v0  }
0x83: {  	[tilespmem:$0x818] =	vst v0  }
0x84: {  	[tilespmem:$0x828] =	vst v0  }
0x85: {  	[tilespmem:$0x838] =	vst v0  }
0x86: {  	[tilespmem:$0x848] =	vst v0  }
0x87: {  	[tilespmem:$0x858] =	vst v0  }
0x88: {  	[tilespmem:$0x868] =	vst v0  }
0x89: {  	[tilespmem:$0x878] =	vst v0  }
0x8a: {  	[tilespmem:$0x888] =	vst v0  }
0x8b: {  	[tilespmem:$0x898] =	vst v0  }
0x8c: {  	[tilespmem:$0x8A8] =	vst v0  }
0x8d: {  	[tilespmem:$0x8B8] =	vst v0  }
0x8e: {  	[tilespmem:$0x8C8] =	vst v0  }
0x8f: {  	[tilespmem:$0x8D8] =	vst v0  }
0x90: {  	[tilespmem:$0x8E8] =	vst v0  }
0x91: {  	[tilespmem:$0x8F8] =	vst v0  }
0x92: {  	[tilespmem:$0x908] =	vst v0  }
0x93: {  	[tilespmem:$0x918] =	vst v0  }
0x94: {  	[tilespmem:$0x928] =	vst v0  }
0x95: {  	[tilespmem:$0x938] =	vst v0  }
0x96: {  	[tilespmem:$0x948] =	vst v0  }
0x97: {  	[tilespmem:$0x958] =	vst v0  }
0x98: {  	[tilespmem:$0x968] =	vst v0  }
0x99: {  	[tilespmem:$0x978] =	vst v0  }
0x9a: {  	[tilespmem:$0x988] =	vst v0  }
0x9b: {  	[tilespmem:$0x998] =	vst v0  }
0x9c: {  	[tilespmem:$0x9A8] =	vst v0  }
0x9d: {  	[tilespmem:$0x9B8] =	vst v0  }
0x9e: {  	[tilespmem:$0x9C8] =	vst v0  }
0x9f: {  	[tilespmem:$0x9D8] =	vst v0  }
0xa0: {  	[tilespmem:$0x9E8] =	vst v0  }
0xa1: {  	[tilespmem:$0x9F8] =	vst v0  }
0xa2: {  	[tilespmem:$0xA08] =	vst v0  }
0xa3: {  	[tilespmem:$0xA18] =	vst v0  }
0xa4: {  	[tilespmem:$0xA28] =	vst v0  }
0xa5: {  	[tilespmem:$0xA38] =	vst v0  }
0xa6: {  	[tilespmem:$0xA48] =	vst v0  }
0xa7: {  	[tilespmem:$0xA58] =	vst v0  }
0xa8: {  	[tilespmem:$0xA68] =	vst v0  }
0xa9: {  	[tilespmem:$0xA78] =	vst v0  }
0xaa: {  	[tilespmem:$0xA88] =	vst v0  }
0xab: {  	[tilespmem:$0xA98] =	vst v0  }
0xac: {  	[tilespmem:$0xAA8] =	vst v0  }
0xad: {  	[tilespmem:$0xAB8] =	vst v0  }
0xae: {  	[tilespmem:$0xAC8] =	vst v0  }
0xaf: {  	[tilespmem:$0xAD8] =	vst v0  }
0xb0: {  	[tilespmem:$0xAE8] =	vst v0  }
0xb1: {  	[tilespmem:$0xAF8] =	vst v0  }
0xb2: {  	[tilespmem:$0xB08] =	vst v0  }
0xb3: {  	[tilespmem:$0xB18] =	vst v0  }
0xb4: {  	[tilespmem:$0xB28] =	vst v0  }
0xb5: {  	[tilespmem:$0xB38] =	vst v0  }
0xb6: {  	[tilespmem:$0xB48] =	vst v0  }
0xb7: {  	[tilespmem:$0xB58] =	vst v0  }
0xb8: {  	[tilespmem:$0xB68] =	vst v0  }
0xb9: {  	[tilespmem:$0xB78] =	vst v0  }
0xba: {  	[tilespmem:$0xB88] =	vst v0  }
0xbb: {  	[tilespmem:$0xB98] =	vst v0  }
0xbc: {  	[tilespmem:$0xBA8] =	vst v0  }
0xbd: {  	[tilespmem:$0xBB8] =	vst v0  }
0xbe: {  	[tilespmem:$0xBC8] =	vst v0  }
0xbf: {  	[tilespmem:$0xBD8] =	vst v0  }
0xc0: {  	[tilespmem:$0xBE8] =	vst v0  }
0xc1: {  	[tilespmem:$0xBF8] =	vst v0  }
0xc2: {  	[tilespmem:$0xC08] =	vst v0  }
0xc3: {  	[tilespmem:$0xC18] =	vst v0  }
0xc4: {  	[tilespmem:$0xC28] =	vst v0  }
0xc5: {  	[tilespmem:$0xC38] =	vst v0  }
0xc6: {  	[tilespmem:$0xC48] =	vst v0  }
0xc7: {  	[tilespmem:$0xC58] =	vst v0  }
0xc8: {  	[tilespmem:$0xC68] =	vst v0  }
0xc9: {  	[tilespmem:$0xC78] =	vst v0  }
0xca: {  	[tilespmem:$0xC88] =	vst v0  }
0xcb: {  	[tilespmem:$0xC98] =	vst v0  }
0xcc: {  	[tilespmem:$0xCA8] =	vst v0  }
0xcd: {  	[tilespmem:$0xCB8] =	vst v0  }
0xce: {  	[tilespmem:$0xCC8] =	vst v0  }
0xcf: {  	[tilespmem:$0xCD8] =	vst v0  }
0xd0: {  	[tilespmem:$0xCE8] =	vst v0  }
0xd1: {  	[tilespmem:$0xCF8] =	vst v0  }
0xd2: {  	[tilespmem:$0xD08] =	vst v0  }
0xd3: {  	[tilespmem:$0xD18] =	vst v0  }
0xd4: {  	[tilespmem:$0xD28] =	vst v0  }
0xd5: {  	[tilespmem:$0xD38] =	vst v0  }
0xd6: {  	[tilespmem:$0xD48] =	vst v0  }
0xd7: {  	[tilespmem:$0xD58] =	vst v0  }
0xd8: {  	[tilespmem:$0xD68] =	vst v0  }
0xd9: {  	[tilespmem:$0xD78] =	vst v0  }
0xda: {  	[tilespmem:$0xD88] =	vst v0  }
0xdb: {  	[tilespmem:$0xD98] =	vst v0  }
0xdc: {  	[tilespmem:$0xDA8] =	vst v0  }
0xdd: {  	[tilespmem:$0xDB8] =	vst v0  }
0xde: {  	[tilespmem:$0xDC8] =	vst v0  }
0xdf: {  	[tilespmem:$0xDD8] =	vst v0  }
0xe0: {  	[tilespmem:$0xDE8] =	vst v0  }
0xe1: {  	[tilespmem:$0xDF8] =	vst v0  }
0xe2: {  	[tilespmem:$0xE08] =	vst v0  }
0xe3: {  	[tilespmem:$0xE18] =	vst v0  }
0xe4: {  	[tilespmem:$0xE28] =	vst v0  }
0xe5: {  	[tilespmem:$0xE38] =	vst v0  }
0xe6: {  	[tilespmem:$0xE48] =	vst v0  }
0xe7: {  	[tilespmem:$0xE58] =	vst v0  }
0xe8: {  	[tilespmem:$0xE68] =	vst v0  }
0xe9: {  	[tilespmem:$0xE78] =	vst v0  }
0xea: {  	[tilespmem:$0xE88] =	vst v0  }
0xeb: {  	[tilespmem:$0xE98] =	vst v0  }
0xec: {  	[tilespmem:$0xEA8] =	vst v0  }
0xed: {  	[tilespmem:$0xEB8] =	vst v0  }
0xee: {  	[tilespmem:$0xEC8] =	vst v0  }
0xef: {  	[tilespmem:$0xED8] =	vst v0  }
0xf0: {  	[tilespmem:$0xEE8] =	vst v0  }
0xf1: {  	[tilespmem:$0xEF8] =	vst v0  }
0xf2: {  	[tilespmem:$0xF08] =	vst v0  }
0xf3: {  	[tilespmem:$0xF18] =	vst v0  }
0xf4: {  	[tilespmem:$0xF28] =	vst v0  }
0xf5: {  	[tilespmem:$0xF38] =	vst v0  }
0xf6: {  	[tilespmem:$0xF48] =	vst v0  }
0xf7: {  	[tilespmem:$0xF58] =	vst v0  }
0xf8: {  	[tilespmem:$0xF68] =	vst v0  }
0xf9: {  	[tilespmem:$0xF78] =	vst v0  }
0xfa: {  	[tilespmem:$0xF88] =	vst v0  }
0xfb: {  	[tilespmem:$0xF98] =	vst v0  }
0xfc: {  	[tilespmem:$0xFA8] =	vst v0  }
0xfd: {  	[tilespmem:$0xFB8] =	vst v0  }
0xfe: {  	[tilespmem:$0xFC8] =	vst v0  }
0xff: {  	[tilespmem:$0xFD8] =	vst v0  }
0x100: {  	[tilespmem:$0xFE8] =	vst v0  }
0x101: {  	[tilespmem:$0xFF8] =	vst v0  }
0x102: {  	[tilespmem:$0x1028] =	vst v0  }
0x103: {  	[tilespmem:$0x10E8] =	vst v0  }
0x104: {  	[tilespmem:$0x1068] =	vst v0  }
0x105: {  	[tilespmem:$0x1B28] =	vst v0  }
0x106: {  	[tilespmem:$0x1B18] =	vst v0  }
0x107: {  	[tilespmem:$0x1B08] =	vst v0  }
0x108: {  	[tilespmem:$0x1AF8] =	vst v0  }
0x109: {  	[tilespmem:$0x1AE8] =	vst v0  }
0x10a: {  	[tilespmem:$0x1AD8] =	vst v0  }
0x10b: {  	[tilespmem:$0x1AC8] =	vst v0  }
0x10c: {  	[tilespmem:$0x1AB8] =	vst v0  }
0x10d: {  	[tilespmem:$0x1AA8] =	vst v0  }
0x10e: {  	[tilespmem:$0x1A98] =	vst v0  }
0x10f: {  	[tilespmem:$0x1A88] =	vst v0  }
0x110: {  	[tilespmem:$0x1A78] =	vst v0  }
0x111: {  	[tilespmem:$0x1A68] =	vst v0  }
0x112: {  	[tilespmem:$0x1A58] =	vst v0  }
0x113: {  	[tilespmem:$0x1A48] =	vst v0  }
0x114: {  	[tilespmem:$0x1A38] =	vst v0  }
0x115: {  	[tilespmem:$0x1A28] =	vst v0  }
0x116: {  	[tilespmem:$0x1A18] =	vst v0  }
0x117: {  	[tilespmem:$0x1A08] =	vst v0  }
0x118: {  	[tilespmem:$0x19F8] =	vst v0  }
0x119: {  	[tilespmem:$0x19E8] =	vst v0  }
0x11a: {  	[tilespmem:$0x19D8] =	vst v0  }
0x11b: {  	[tilespmem:$0x19C8] =	vst v0  }
0x11c: {  	[tilespmem:$0x19B8] =	vst v0  }
0x11d: {  	[tilespmem:$0x19A8] =	vst v0  }
0x11e: {  	[tilespmem:$0x1998] =	vst v0  }
0x11f: {  	[tilespmem:$0x1988] =	vst v0  }
0x120: {  	[tilespmem:$0x1978] =	vst v0  }
0x121: {  	[tilespmem:$0x1968] =	vst v0  }
0x122: {  	[tilespmem:$0x1958] =	vst v0  }
0x123: {  	[tilespmem:$0x1948] =	vst v0  }
0x124: {  	[tilespmem:$0x1938] =	vst v0  }
0x125: {  	[tilespmem:$0x1928] =	vst v0  }
0x126: {  	[tilespmem:$0x1918] =	vst v0  }
0x127: {  	[tilespmem:$0x1908] =	vst v0  }
0x128: {  	[tilespmem:$0x18F8] =	vst v0  }
0x129: {  	[tilespmem:$0x18E8] =	vst v0  }
0x12a: {  	[tilespmem:$0x18D8] =	vst v0  }
0x12b: {  	[tilespmem:$0x18C8] =	vst v0  }
0x12c: {  	[tilespmem:$0x18B8] =	vst v0  }
0x12d: {  	[tilespmem:$0x18A8] =	vst v0  }
0x12e: {  	[tilespmem:$0x1898] =	vst v0  }
0x12f: {  	[tilespmem:$0x1888] =	vst v0  }
0x130: {  	[tilespmem:$0x1878] =	vst v0  }
0x131: {  	[tilespmem:$0x1868] =	vst v0  }
0x132: {  	[tilespmem:$0x1858] =	vst v0  }
0x133: {  	[tilespmem:$0x1848] =	vst v0  }
0x134: {  	[tilespmem:$0x1838] =	vst v0  }
0x135: {  	[tilespmem:$0x1828] =	vst v0  }
0x136: {  	[tilespmem:$0x1818] =	vst v0  }
0x137: {  	[tilespmem:$0x1808] =	vst v0  }
0x138: {  	[tilespmem:$0x17F8] =	vst v0  }
0x139: {  	[tilespmem:$0x17E8] =	vst v0  }
0x13a: {  	[tilespmem:$0x17D8] =	vst v0  }
0x13b: {  	[tilespmem:$0x17C8] =	vst v0  }
0x13c: {  	[tilespmem:$0x17B8] =	vst v0  }
0x13d: {  	[tilespmem:$0x17A8] =	vst v0  }
0x13e: {  	[tilespmem:$0x1798] =	vst v0  }
0x13f: {  	[tilespmem:$0x1788] =	vst v0  }
0x140: {  	[tilespmem:$0x1778] =	vst v0  }
0x141: {  	[tilespmem:$0x1768] =	vst v0  }
0x142: {  	[tilespmem:$0x1758] =	vst v0  }
0x143: {  	[tilespmem:$0x1748] =	vst v0  }
0x144: {  	[tilespmem:$0x1738] =	vst v0  }
0x145: {  	[tilespmem:$0x1728] =	vst v0  }
0x146: {  	[tilespmem:$0x1718] =	vst v0  }
0x147: {  	[tilespmem:$0x1708] =	vst v0  }
0x148: {  	[tilespmem:$0x16F8] =	vst v0  }
0x149: {  	[tilespmem:$0x16E8] =	vst v0  }
0x14a: {  	[tilespmem:$0x16D8] =	vst v0  }
0x14b: {  	[tilespmem:$0x16C8] =	vst v0  }
0x14c: {  	[tilespmem:$0x16B8] =	vst v0  }
0x14d: {  	[tilespmem:$0x16A8] =	vst v0  }
0x14e: {  	[tilespmem:$0x1698] =	vst v0  }
0x14f: {  	[tilespmem:$0x1688] =	vst v0  }
0x150: {  	[tilespmem:$0x1678] =	vst v0  }
0x151: {  	[tilespmem:$0x1668] =	vst v0  }
0x152: {  	[tilespmem:$0x1658] =	vst v0  }
0x153: {  	[tilespmem:$0x1648] =	vst v0  }
0x154: {  	[tilespmem:$0x1638] =	vst v0  }
0x155: {  	[tilespmem:$0x1628] =	vst v0  }
0x156: {  	[tilespmem:$0x1618] =	vst v0  }
0x157: {  	[tilespmem:$0x1608] =	vst v0  }
0x158: {  	[tilespmem:$0x15F8] =	vst v0  }
0x159: {  	[tilespmem:$0x15E8] =	vst v0  }
0x15a: {  	[tilespmem:$0x15D8] =	vst v0  }
0x15b: {  	[tilespmem:$0x15C8] =	vst v0  }
0x15c: {  	[tilespmem:$0x15B8] =	vst v0  }
0x15d: {  	[tilespmem:$0x15A8] =	vst v0  }
0x15e: {  	[tilespmem:$0x1598] =	vst v0  }
0x15f: {  	[tilespmem:$0x1588] =	vst v0  }
0x160: {  	[tilespmem:$0x1578] =	vst v0  }
0x161: {  	[tilespmem:$0x1568] =	vst v0  }
0x162: {  	[tilespmem:$0x1558] =	vst v0  }
0x163: {  	[tilespmem:$0x1548] =	vst v0  }
0x164: {  	[tilespmem:$0x1538] =	vst v0  }
0x165: {  	[tilespmem:$0x1528] =	vst v0  }
0x166: {  	[tilespmem:$0x1518] =	vst v0  }
0x167: {  	[tilespmem:$0x1508] =	vst v0  }
0x168: {  	[tilespmem:$0x14F8] =	vst v0  }
0x169: {  	[tilespmem:$0x14E8] =	vst v0  }
0x16a: {  	[tilespmem:$0x14D8] =	vst v0  }
0x16b: {  	[tilespmem:$0x14C8] =	vst v0  }
0x16c: {  	[tilespmem:$0x14B8] =	vst v0  }
0x16d: {  	[tilespmem:$0x14A8] =	vst v0  }
0x16e: {  	[tilespmem:$0x1498] =	vst v0  }
0x16f: {  	[tilespmem:$0x1488] =	vst v0  }
0x170: {  	[tilespmem:$0x1478] =	vst v0  }
0x171: {  	[tilespmem:$0x1468] =	vst v0  }
0x172: {  	[tilespmem:$0x1458] =	vst v0  }
0x173: {  	[tilespmem:$0x1448] =	vst v0  }
0x174: {  	[tilespmem:$0x1438] =	vst v0  }
0x175: {  	[tilespmem:$0x1428] =	vst v0  }
0x176: {  	[tilespmem:$0x1418] =	vst v0  }
0x177: {  	[tilespmem:$0x1408] =	vst v0  }
0x178: {  	[tilespmem:$0x13F8] =	vst v0  }
0x179: {  	[tilespmem:$0x13E8] =	vst v0  }
0x17a: {  	[tilespmem:$0x13D8] =	vst v0  }
0x17b: {  	[tilespmem:$0x13C8] =	vst v0  }
0x17c: {  	[tilespmem:$0x13B8] =	vst v0  }
0x17d: {  	[tilespmem:$0x13A8] =	vst v0  }
0x17e: {  	[tilespmem:$0x1398] =	vst v0  }
0x17f: {  	[tilespmem:$0x1388] =	vst v0  }
0x180: {  	[tilespmem:$0x1378] =	vst v0  }
0x181: {  	[tilespmem:$0x1368] =	vst v0  }
0x182: {  	[tilespmem:$0x1358] =	vst v0  }
0x183: {  	[tilespmem:$0x1348] =	vst v0  }
0x184: {  	[tilespmem:$0x1338] =	vst v0  }
0x185: {  	[tilespmem:$0x1328] =	vst v0  }
0x186: {  	[tilespmem:$0x1318] =	vst v0  }
0x187: {  	[tilespmem:$0x1308] =	vst v0  }
0x188: {  	[tilespmem:$0x12F8] =	vst v0  }
0x189: {  	[tilespmem:$0x12E8] =	vst v0  }
0x18a: {  	[tilespmem:$0x12D8] =	vst v0  }
0x18b: {  	[tilespmem:$0x12C8] =	vst v0  }
0x18c: {  	[tilespmem:$0x12B8] =	vst v0  }
0x18d: {  	[tilespmem:$0x12A8] =	vst v0  }
0x18e: {  	[tilespmem:$0x1298] =	vst v0  }
0x18f: {  	[tilespmem:$0x1288] =	vst v0  }
0x190: {  	[tilespmem:$0x1278] =	vst v0  }
0x191: {  	[tilespmem:$0x1268] =	vst v0  }
0x192: {  	[tilespmem:$0x1258] =	vst v0  }
0x193: {  	[tilespmem:$0x1248] =	vst v0  }
0x194: {  	[tilespmem:$0x1238] =	vst v0  }
0x195: {  	[tilespmem:$0x1228] =	vst v0  }
0x196: {  	[tilespmem:$0x1218] =	vst v0  }
0x197: {  	[tilespmem:$0x1208] =	vst v0  }
0x198: {  	[tilespmem:$0x11F8] =	vst v0  }
0x199: {  	[tilespmem:$0x11E8] =	vst v0  }
0x19a: {  	[tilespmem:$0x11D8] =	vst v0  }
0x19b: {  	[tilespmem:$0x11C8] =	vst v0  }
0x19c: {  	[tilespmem:$0x11B8] =	vst v0  }
0x19d: {  	[tilespmem:$0x11A8] =	vst v0  }
0x19e: {  	[tilespmem:$0x1198] =	vst v0  }
0x19f: {  	[tilespmem:$0x1188] =	vst v0  }
0x1a0: {  	[tilespmem:$0x1178] =	vst v0  }
0x1a1: {  	[tilespmem:$0x1168] =	vst v0  }
0x1a2: {  	[tilespmem:$0x1158] =	vst v0  }
0x1a3: {  	[tilespmem:$0x1148] =	vst v0  }
0x1a4: {  	[tilespmem:$0x1138] =	vst v0  }
0x1a5: {  	[tilespmem:$0x1128] =	vst v0  }
0x1a6: {  	[tilespmem:$0x1118] =	vst v0  }
0x1a7: {  	s4 =	stileid.u32;
	[tilespmem:$0x1108] =	vst v0  }
0x1a8: {  	s0 =	smul.u32 $0x39, s4;
	[tilespmem:$0x10F8] =	vst v0  }
0x1a9: {  	s1 =	smin.u32 s4, $0xE;
	[tilespmem:$0x10C8] =	vst v0  }
0x1aa: {  	[tilespmem:$0x10D8] =	vst v0;
	s0 =	sadd.s32 s1, s0  }
0x1ab: {  	p0 =	slt.u32 s4, $0xE;
	[tilespmem:$0x10B8] =	vst v0;
	s1 =	simm.s32 $0x61E0;
	s6 =	smul.u32 $0x1B0, s0  }
0x1ac: {  	s1 =	simm.s32 @!p0 $0x6030;
	[tilespmem:$0x1038] =	vst v0  }
0x1ad: {  	[tilespmem:$0x10A8] =	vst v0;
	s0 =	sadd.s32 s1, s6  }
0x1ae: {  	s3 =	simm.s32 $0x2;
	s8 =	simm.s32 $0x9;
	[tilespmem:$0x1098] =	vst v0;
	s7 =	smin.u32 s0, $0x61A80  }
0x1af: {  	s10 =	simm.s32 $0xA;
	s30 =	simm.s32 $0xB;
	[tilespmem:$0x1088] =	vst v0;
	s0 =	ssub.s32 s7, s6  }
0x1b0: {  	s16 =	simm.s32 $0x0;
	p4 =	por $0x0, $0x0;
	[tilespmem:$0x1078] =	vst v0;
	p0 =	sgt.s32 s0, $0x0  }
0x1b1: {  	s17 =	simm.s32 $0xC;
	s21 =	simm.s32 $0x0;
	[tilespmem:$0x1058] =	vst v0;
	s0 =	simm.s32 @!p0 $0x0  }
0x1b2: {  	s18 =	simm.s32 $0x0;
	s2 =	sand.u32 $0x1, s2;
	[tilespmem:$0x1048] =	vst v0;
	s29 =	smulhi.u32 $0x4BDA12F7, s0  }
0x1b3: {  	s20 =	simm.s32 $0x0;
	s31 =	sshll.u32 s4, $0x5;
	[tilespmem:$0x1018] =	vst v0;
	[dreg:$0x5] =	wrdreg s2  }
0x1b4: {  	s2 =	smul.u32 $0xC350, s2;
	[tilespmem:$0x1008] =	vst v0;
	[sflag:s3] =	ssyncpa.u1 $0x0;
	s1 =	sshrl.u32 s29, $0x7  }
0x1b5: {  	v0 =	vimm.s32 $0xFFFFFFFF;
	s3 =	sadd.s32 $0x2C53000, s11;
	[dreg:$0x4] =	wrdreg s31;
	s5 =	smul.u32 $0x1B0, s1  }
.Ltmp0:
0x1b6: {  	[tilespmem:$0x3648] =	vst v0;
	[sflag:s8] =	ssyncpa.u1 $0x0;
	s2 =	sadd.s32 s2, s11;
	(pc) =	sbr.rel .LBB2_1-.Ltmp0, $4  }
0x1b7: {  	[sflag:s10] =	ssyncpa.u1 $0x0;
	s11 =	sadd.s32 $0xFFFC00, s11;
	p0 =	sne.s32 s0, s5  }
0x1b8: {  	[sflag:s30] =	ssyncpa.u1 $0x0;
	s14 =	sadd.s32 $0x50000, s2;
	s12 =	simm.s32 @!p0 $0x0  }
0x1b9: {  	s15 =	sadd.s32 $0x1F000, s2;
	s19 =	smov.u32 s6;
	s12 =	sadd.s32 s12, s1  }
0x1ba: {  	v0 =	vlaneseq.u32;
	[dreg:$0x6] =	wrdreg s6;
	p0 =	por $0x1, $0x1;
	s4 =	sadd.s32 $0x1, s12  }
.LBB2_18:
0x1bb: {  	s0 =	simm.s32 $0x2  }
0x1bc: {  	_ =	swait.ge [sflag:s0], $0x0  }
0x1bd: {  	[sflag:s0] =	ssyncset.done $0x0;
	s0 =	simm.s32 $0x0  }
.LBB2_19:
0x1be: {  	_ =	swait.ge [sflag:s17], s0  }
0x1bf: {  	s31 =	ssub.s32 $0x0, s0;
	v1 =	vmov s23;
	vm0 =	veq.s32 v0, $0x0;
	[sflag:s17] =	ssyncset.done $0x0  }
0x1c0: {  	vm15 =	veq.s32 v0, $0x2;
	v1 =	vsel vm0, s28, v1;
	[sflag:s17] =	ssyncadd.s32 s31  }
0x1c1: {  	v1 =	vsel vm15, s21, v1;
	[sflag:s17] =	ssyncpa.u1 $0x1  }
0x1c2: {  	[tilespmem:$0x3648] =	vst v1  }
.LBB2_20:
0x1c3: {  	s0 =	sadd.s32 $0x1B0, s19  }
0x1c4: {  	s1 =	smov.u32 s6;
	p1 =	slt.s32 s0, s7  }
0x1c5: {  	s1 =	smov.u32 @p1 s0;
	p1 =	sne.s32 s20, s4  }
.Ltmp1:
0x1c6: {  	_ = 	snop;
	(pc) =	sbr.rel @!p1 .LBB2_21-.Ltmp1, $4  }
0x1c7: {  	_ = 	snop  }
0x1c8: {  	s21 =	smov.u32 s18  }
0x1c9: {  	s31 =	sadd.s32 $0x1, s20;
	s18 =	smov.u32 s19;
	p0 =	por !p0, !p0  }
0x1ca: {  	p4 =	por !p4, !p4;
	s20 =	smov.u32 s31;
	s19 =	smov.u32 s1  }
.LBB2_1:
0x1cb: {  	p2 =	sge.u32 s20, s12  }
0x1cc: {  	s0 =	smulhi.u32 @!p2 $0xAAAAAAAB, s20  }
0x1cd: {  	s1 =	smov.u32 s19;
	p3 =	sgt.s32 @!p2 s19, $0x618D0  }
0x1ce: {  	s2 =	sshra.s32 @!p2 s19, $0x1F;
	p3 =	por !p3, p2;
	s0 =	sshrl.u32 @!p2 s0, $0x1  }
0x1cf: {  	s2 =	sand.u32 @!p2 s2, s19;
	s1 =	simm.s32 @p3 $0x618D0;
	s0 =	smul.u32 @!p2 $0x3, s0  }
0x1d0: {  	s1 =	ssub.s32 @!p2 s1, s2  }
0x1d1: {  	s23 =	sadd.s32 $0xFFFFFFFF, s20;
	s1 =	sadd.s32 @!p2 $0xFFF9E730, s1;
	s0 =	ssub.s32 @!p2 s20, s0  }
0x1d2: {  	s2 =	sshll.u32 @!p2 s1, $0x2;
	p3 =	sgt.s32 @!p2 s1, $0x1AF;
	s0 =	smul.u32 @!p2 $0x6C0, s0  }
0x1d3: {  	s5 =	sand.u32 @!p2 $0x7, s19;
	s1 =	ssub.s32 @!p2 $0x6C0, s2;
	p3 =	por !p3, p2  }
0x1d4: {  	s2 =	sshrl.u32 @!p2 s19, $0x3;
	s1 =	sshrl.u32 @!p2 s1, $0x2;
	s0 =	sshrl.u32 @!p2 s0, $0x2  }
0x1d5: {  	s2 =	sadd.s32 @!p2 s2, s14;
	s1 =	simm.s32 @!p3 $0x0;
	s0 =	sadd.s32 @!p2 $0x3888, s0  }
0x1d6: {  	[tilespmem:s0], [sflag:$0xA] =	stream.linear.gather @!p2 [hbm4b:s2+s5], s1, $0x38;
	[tilespmem:$0x1F0F8] =	vst v63  }
0x1d7: {  	p2 =	sge.u32 s23, s12  }
0x1d8: {  	p3 =	sgt.s32 @!p2 s18, $0x618D0  }
0x1d9: {  	s0 =	smov.u32 s18;
	s1 =	sshra.s32 @!p2 s18, $0x1F;
	p3 =	por !p3, p2  }
0x1da: {  	s1 =	sand.u32 @!p2 s1, s18;
	s0 =	simm.s32 @p3 $0x618D0  }
0x1db: {  	s0 =	ssub.s32 @!p2 s0, s1  }
0x1dc: {  	s0 =	sadd.s32 @!p2 $0xFFF9E730, s0  }
0x1dd: {  	s1 =	sshll.u32 @!p2 s0, $0x2  }
0x1de: {  	p3 =	sgt.s32 @!p2 s0, $0x1AF;
	s0 =	ssub.s32 @!p2 $0x6C0, s1  }
0x1df: {  	s22 =	ssub.s32 @!p2 $0x61A80, s18;
	p3 =	por !p3, p2;
	s0 =	sshrl.u32 @!p2 s0, $0x2  }
0x1e0: {  	s1 =	sand.u32 @!p2 $0x1, s23;
	s0 =	simm.s32 @!p3 $0x0;
	p3 =	slt.s32 @!p2 s22, $0x1  }
0x1e1: {  	s2 =	simm.s32 @!p2 $0xA;
	s1 =	smul.u32 @!p2 $0x6C0, s1;
	p3 =	por p2, p3  }
.Ltmp2:
0x1e2: {  	_ =	swait.ge @!p2 [sflag:s2], s0;
	(pc) =	sbr.rel @p3 .LBB2_7-.Ltmp2, $4  }
0x1e3: {  	s5 =	ssub.s32 @!p2 $0x0, s0;
	[sflag:s2] =	ssyncset.done @!p2 $0x0  }
0x1e4: {  	s1 =	sshrl.u32 @!p2 s1, $0x2;
	[sflag:s2] =	ssyncadd.s32 @!p2 s5;
	s2 =	sshrl.u32 @!p2 s18, $0x3  }
0x1e5: {  	s1 =	sadd.s32 @!p2 $0x3D98, s1;
	s5 =	sand.u32 @!p2 $0x7, s18;
	s2 =	sadd.s32 @!p2 s2, s15  }
0x1e6: {  	[tilespmem:s1], [sflag:$0xB] =	stream.linear.gather @!p2 [hbm4b:s2+s5], s0, $0x38;
	[tilespmem:$0x1F0F8] =	vst v63  }
0x1e7: {  	s0 =	smulhi.u32 $0xAAAAAAAB, s23;
	_ =	sdelay $0x1  }
0x1e8: {  	s0 =	sshrl.u32 s0, $0x1  }
0x1e9: {  	s0 =	smul.u32 $0x3, s0;
	_ =	sdelay $0x1  }
0x1ea: {  	s0 =	ssub.s32 s23, s0  }
0x1eb: {  	s1 =	simm.s32 $0x1;
	s0 =	smul.u32 $0x6C0, s0  }
.Ltmp3:
0x1ec: {  	s1 =	simm.s32 @!p0 $0x0;
	(pc) =	sbr.rel .LBB2_4-.Ltmp3, $4  }
0x1ed: {  	s1 =	smul.u32 $0x36000, s1  }
0x1ee: {  	p3 =	slt.s32 @!p2 s22, $0x1B0;
	s0 =	sshrl.u32 s0, $0x2  }
0x1ef: {  	p2 =	por !p3, p2;
	s1 =	sshrl.u32 s1, $0x2;
	s0 =	sadd.s32 $0x3888, s0  }
0x1f0: {  	s24 =	simm.s32 $0x0;
	s22 =	simm.s32 @p2 $0x1B0;
	s23 =	sadd.s32 $0x40F8, s1;
	v1 =	vmov s0  }
.LBB2_3:
0x1f1: {  	p2 =	sge.s32 s24, s22  }
.Ltmp4:
0x1f2: {  	_ = 	snop;
	(pc) =	sbr.rel @p2 .LBB2_7-.Ltmp4, $2  }
0x1f3: {  	_ =	sdelay $0x2  }
0x1f4: {  	s23 =	sadd.s32 $0x800, s23  }
.LBB2_4:
0x1f5: {  	p2 =	sle.s32 s22, s24  }
.Ltmp5:
0x1f6: {  	_ = 	snop;
	(pc) =	sbr.rel @p2 .LBB2_3-.Ltmp5, $2  }
0x1f7: {  	_ =	sdelay $0x2  }
0x1f8: {  	s0 =	smov.u32 s24;
	s24 =	sadd.s32 $0x10, s24  }
0x1f9: {  	s1 =	ssub.s32 s22, s0  }
0x1fa: {  	p2 =	slt.s32 s1, $0x10  }
0x1fb: {  	s1 =	simm.s32 @!p2 $0x10  }
0x1fc: {  	v2 =	vmov s1  }
0x1fd: {  	vm0 =	vgt.s32 v2, v0;
	_ =	sdelay $0x5  }
0x1fe: {  	v2 =	vld.idx.msk [tilespmem:v1+s0+$0x0 ss:$0x1], vm0;
	_ =	sdelay $0x2  }
0x1ff: {  	p2 =	slt.s32 s24, s22;
	s1 =	smov.u32 s22  }
0x200: {  	s2 =	smov.u32 s23;
	s25 =	simm.s32 $0x0;
	s1 =	smov.u32 @p2 s24  }
.LBB2_6:
0x201: {  	(v2sf) =	vpush v2, s25;
	_ =	sdelay $0xc  }
0x202: {  	s25 =	sadd.s32 $0x1, s25  }
0x203: {  	s31 =	sadd.s32 s25, s0  }
0x204: {  	p2 =	slt.s32 s31, s1;
	s5 =	spop (v2sf)  }
.Ltmp6:
0x205: {  	s5 =	sshll.u32 s5, $0x4;
	(pc) =	sbr.rel @p2 .LBB2_6-.Ltmp6, $4  }
0x206: {  	s5 =	sand.u32 $0x1FFFFFF0, s5  }
0x207: {  	s5 =	sadd.s32 s11, s5  }
0x208: {  	[tilespmem:s2], [sflag:$0x9] =	stream.linear.gather [hbm4b:s5+s16], $0x10, $0x38;
	[tilespmem:$0x1F0F8] =	vst v63  }
0x209: {  	s2 =	sadd.s32 $0x80, s2  }
.Ltmp7:
0x20a: {  	_ = 	snop;
	(pc) =	sbr.rel .LBB2_3-.Ltmp7, $1  }
0x20b: {  	_ =	sdelay $0x3  }
.LBB2_7:
0x20c: {  	p2 =	slt.u32 s20, $0x2  }
.Ltmp8:
0x20d: {  	_ = 	snop;
	(pc) =	sbr.rel @p2 .LBB2_20-.Ltmp8, $1  }
0x20e: {  	_ =	sdelay $0x3  }
0x20f: {  	p2 =	sgt.s32 s21, $0x618D0  }
0x210: {  	s0 =	smov.u32 s21;
	s1 =	sshra.s32 s21, $0x1F;
	s2 =	ssub.s32 $0x61A80, s21  }
0x211: {  	s0 =	simm.s32 @!p2 $0x618D0;
	s1 =	sand.u32 s1, s21;
	p2 =	slt.s32 s2, $0x1B0  }
0x212: {  	s0 =	ssub.s32 s0, s1;
	s2 =	simm.s32 @!p2 $0x1B0  }
0x213: {  	s0 =	sadd.s32 $0xFFF9E730, s0;
	s24 =	sshll.u32 s2, $0x4  }
0x214: {  	s28 =	simm.s32 $0x9;
	s25 =	sshll.u32 s0, $0x2;
	s1 =	sand.u32 $0x3FFFFFF0, s24  }
0x215: {  	p2 =	sgt.s32 s0, $0x1AF;
	s26 =	ssub.s32 $0x6C0, s25;
	_ =	swait.ge [sflag:s28], s1  }
0x216: {  	s1 =	ssub.s32 $0x0, s1;
	[sflag:s28] =	ssyncset.done $0x0;
	s0 =	sshrl.u32 s26, $0x2  }
0x217: {  	s30 =	simm.s32 $0xB;
	[sflag:s28] =	ssyncadd.s32 s1;
	s0 =	simm.s32 @p2 $0x0  }
0x218: {  	_ =	swait.ge [sflag:s30], s0  }
0x219: {  	s0 =	ssub.s32 $0x0, s0;
	[sflag:s30] =	ssyncset.done $0x0  }
0x21a: {  	[sflag:s30] =	ssyncadd.s32 s0  }
0x21b: {  	v1 =	vld [tilespmem:$0x3648];
	_ =	sdelay $0x4  }
0x21c: {  	(v2sf) =	vpush v1, $0x0  }
0x21d: {  	(v2sf) =	vpush v1, $0x1  }
0x21e: {  	(v2sf) =	vpush v1, $0x2;
	_ =	sdelay $0x3  }
0x21f: {  	s0 =	sadd.s32 $0x1B0, s21  }
0x220: {  	s1 =	ssub.s32 $0xC3500, s21;
	p2 =	slt.s32 s7, s0  }
0x221: {  	s0 =	smov.u32 @p2 s7;
	p2 =	sgt.s32 s1, $0x0  }
0x222: {  	s25 =	ssub.s32 s0, s21;
	s1 =	simm.s32 @!p2 $0x0  }
0x223: {  	p2 =	slt.s32 s1, s25  }
0x224: {  	s25 =	smov.u32 @p2 s1  }
0x225: {  	s24 =	simm.s32 $0x1;
	p2 =	slt.s32 s25, $0x1  }
.Ltmp9:
0x226: {  	s24 =	simm.s32 @!p4 $0x0;
	(pc) =	sbr.rel @p2 .LBB2_12-.Ltmp9, $4  }
0x227: {  	s31 =	smul.u32 $0x6C0, s24  }
0x228: {  	s26 =	spop (v2sf)  }
0x229: {  	s0 =	sshrl.u32 s31, $0x2;
	s29 =	spop (v2sf)  }
0x22a: {  	s22 =	sadd.s32 $0x3D98, s0;
	s21 =	spop (v2sf)  }
0x22b: {  	s0 =	smin.u32 s25, $0x10  }
0x22c: {  	v1 =	vmov s0  }
0x22d: {  	p3 =	sgt.s32 s25, $0x10;
	vm1 =	vgt.u32 v1, v0  }
.Ltmp10:
0x22e: {  	_ = 	snop;
	(pc) =	sbr.rel @!p3 .LBB2_11-.Ltmp10, $2  }
0x22f: {  	_ =	sdelay $0x2  }
0x230: {  	s23 =	simm.s32 $0x10;
	s28 =	sadd.s32 $0xFFFFFFF0, s25;
	s0 =	smov.u32 s22;
	vm0 =	vmmov vm1  }
.LBB2_10:
0x231: {  	s1 =	smin.u32 s28, $0x10;
	s23 =	sadd.s32 $0x10, s23;
	v1 =	vld.msk [tilespmem:s0+$0x0 ss:$0x1], vm1  }
0x232: {  	v2 =	vmov s1;
	p3 =	slt.s32 s23, s25  }
0x233: {  	vm1 =	vgt.u32 v2, v0  }
.Ltmp11:
0x234: {  	(pc) =	sbr.rel @p3 .LBB2_10-.Ltmp11, $3  }
0x235: {  	_ =	sdelay $0x1  }
0x236: {  	v1 =	vshll.u32 v1, $0x4  }
0x237: {  	s28 =	sadd.s32 $0xFFFFFFF0, s28;
	[tilespmem:s0+$0x0] =	vst.msk vm0, v1;
	s0 =	sadd.s32 $0x10, s0;
	vm0 =	vmmov vm1  }
.LBB2_11:
0x238: {  	_ =	sdelay $0x4  }
0x239: {  	v1 =	vld.msk [tilespmem:s0+$0x0 ss:$0x1], vm1;
	_ =	sdelay $0x4  }
0x23a: {  	v1 =	vshll.u32 v1, $0x4  }
0x23b: {  	[tilespmem:s0+$0x0] =	vst.msk vm0, v1  }
.LBB2_12:
0x23c: {  	s0 =	sand.u32 $0x1, s20  }
0x23d: {  	s0 =	smul.u32 $0x1B0, s0  }
0x23e: {  	p3 =	sne.s32 s29, $0xFFFFFFFF  }
0x23f: {  	v1 =	vld.msk @!p3 [tilespmem:s0+$0x3D98], $0x1;
	_ =	sdelay $0x4  }
0x240: {  	(v2sf) =	vpush @!p3 v1, $0x0;
	_ =	sdelay $0xc  }
.Ltmp12:
0x241: {  	_ = 	snop;
	(pc) =	sbr.rel @p2 .LBB2_18-.Ltmp12, $4  }
0x242: {  	_ = 	snop  }
0x243: {  	s28 =	spop @!p3 (v2sf)  }
0x244: {  	s21 =	simm.s32 @!p3 $0x0;
	s23 =	smov.u32 s28  }
0x245: {  	[sflag:s17] =	ssyncpa.u1 $0x0;
	s28 =	smov.u32 @p3 s26;
	s23 =	smov.u32 @p3 s29  }
0x246: {  	v1 =	vld.msk [tilespmem:s22+$0x0], $0x1;
	_ =	sdelay $0x4  }
0x247: {  	(v2sf) =	vpush v1, $0x0;
	_ =	sdelay $0xe  }
0x248: {  	s0 =	simm.s32 @!p4 $0x0;
	s26 =	smul.u32 $0x36000, s24;
	s31 =	spop (v2sf)  }
0x249: {  	s29 =	ssub.s32 $0x0, s25;
	s0 =	simm.s32 @p4 $0x1;
	p2 =	seq.s32 s28, s31  }
0x24a: {  	s1 =	smov.u32 s28;
	[smem:$0x7FD] =	sst s0;
	p3 =	sgt.s32 @!p2 s28, $0x0  }
0x24b: {  	s0 =	sshrl.u32 s26, $0x2;
	s26 =	sadd.s32 $0x1, s29;
	p3 =	por !p3, p2  }
0x24c: {  	s1 =	simm.s32 @p3 $0x0;
	p3 =	seq.s32 s26, $0x0  }
.Ltmp13:
0x24d: {  	_ = 	snop;
	(pc) =	sbr.rel @p3 .LBB2_15-.Ltmp13, $4  }
0x24e: {  	s6 =	smov.u32 s4;
	s25 =	simm.s32 $0x0  }
0x24f: {  	s24 =	sadd.s32 $0x40F8, s0;
	s0 =	simm.s32 @!p2 $0x1;
	s2 =	smin.u32 @!p2 s1, $0xC34FE  }
0x250: {  	s30 =	sadd.s32 $0x1, s22;
	s0 =	smov.u32 @p2 s25;
	s5 =	sand.u32 @!p2 $0xFFFF8, s2  }
0x251: {  	s1 =	simm.s32 @!p2 $0x1B38;
	s2 =	sand.u32 @!p2 $0x7, s2;
	s5 =	sadd.s32 @!p2 s3, s5  }
.LBB2_14:
0x252: {  	s4 =	smov.u32 s0  }
0x253: {  	[tilespmem:s1], [sflag:$0x2] =	stream.linear.gather @!p2 [hbm4b:s5+s2], $0x10, $0x38;
	[tilespmem:$0x1F0F8] =	vst v63  }
0x254: {  	s26 =	sadd.s32 $0x1, s26;
	s2 =	smov.u32 s31;
	v1 =	vld.msk [tilespmem:s30+$0x0], $0x1  }
0x255: {  	p3 =	seq.s32 s26, $0x0;
	_ =	sdelay $0x3  }
0x256: {  	(v2sf) =	vpush v1, $0x0;
	_ =	sdelay $0xe  }
0x257: {  	s31 =	spop (v2sf)  }
0x258: {  	p2 =	seq.s32 s2, s31  }
0x259: {  	p4 =	sgt.s32 @!p2 s2, $0x0;
	s1 =	sshll.u32 @!p2 s0, $0x6;
	s0 =	sadd.s32 @!p2 $0x1, s0  }
.Ltmp14:
0x25a: {  	p4 =	por !p4, p2;
	s1 =	sshra.s32 @!p2 s1, $0x2;
	(pc) =	sbr.rel @!p3 .LBB2_14-.Ltmp14, $4  }
0x25b: {  	s0 =	smov.u32 @p2 s4;
	s2 =	simm.s32 @p4 $0x0;
	s1 =	sadd.s32 @!p2 $0x1B38, s1  }
0x25c: {  	s2 =	smin.u32 @!p2 s2, $0xC34FE  }
0x25d: {  	s4 =	sand.u32 @!p2 $0xFFFF8, s2;
	s2 =	sand.u32 @!p2 $0x7, s2  }
0x25e: {  	s30 =	sadd.s32 $0x1, s30;
	s5 =	sadd.s32 @!p2 s3, s4  }
.LBB2_15:
0x25f: {  	[tilespmem:s1], [sflag:$0x2] =	stream.linear.gather @!p2 [hbm4b:s5+s2], $0x10, $0x38;
	[tilespmem:$0x1F0F8] =	vst v63  }
0x260: {  	s0 =	sshll.u32 s0, $0x4  }
0x261: {  	s31 =	simm.s32 $0x2;
	s0 =	sand.u32 $0x3FFFFFF0, s0  }
0x262: {  	_ =	swait.ge [sflag:s31], s0  }
0x263: {  	s0 =	ssub.s32 $0x0, s0;
	[sflag:s31] =	ssyncset.done $0x0  }
0x264: {  	[sflag:s31] =	ssyncadd.s32 s0  }
0x265: {  	v1 =	vld.msk [tilespmem:s22+$0x0], $0x1;
	_ =	sdelay $0x4  }
0x266: {  	(v2sf) =	vpush v1, $0x0;
	_ =	sdelay $0xe  }
0x267: {  	s26 =	spop (v2sf)  }
0x268: {  	p2 =	sne.s32 s28, s26  }
0x269: {  	p4 =	sne.s32 @p2 s28, s23  }
0x26a: {  	p3 =	por !p4, !p2  }
0x26b: {  	s0 =	simm.s32 @!p3 $0x0  }
0x26c: {  	v1 =	vld @!p3 [tilespmem:s0+$0x1B38]  }
0x26d: {  	p5 =	sgt.u32 @!p3 s28, $0xC34FE  }
0x26e: {  	s1 =	sshll.u32 @!p3 s21, $0x6;
	p6 =	por @p2 p5, !p4  }
0x26f: {  	s1 =	sshra.s32 @!p3 s1, $0x2;
	p1 =	por p6, !p2;
	p6 =	por p4, !p2  }
0x270: {  	s2 =	sadd.s32 @!p3 $0x28, s1;
	s4 =	sand.u32 @!p1 $0xFFFF8, s28;
	s5 =	sshll.u32 @!p6 s21, $0x6  }
0x271: {  	s28 =	sand.u32 @!p1 $0x7, s28;
	[tilespmem:s1+$0x28] =	vst.add.f32.msk @!p3 $0xffff, v1;
	s1 =	sadd.s32 @!p1 s3, s4;
	s4 =	sshra.s32 @!p6 s5, $0x2  }
0x272: {  	[hbm4b:s1+s28] =	stream.linear.scatter @!p1 [tilespmem:s2], [sflag:$0xC], $0x10, $0x38;
	[tilespmem:$0x1F0F8] =	vst v63  }
0x273: {  	s0 =	rddreg [dreg:$0x4];
	s1 =	sadd.s32 @!p6 $0x28, s4;
	s2 =	simm.s32 @!p6 $0x1  }
0x274: {  	[spmem:s0] =	stream.linear.scatter @!p6 [tilespmem:s1], [sflag:$0x1], $0x10, $0x38;
	[tilespmem:$0x1F0F8] =	vst v63  }
0x275: {  	s0 =	sadd.s32 @p2 $0x1, s21;
	_ =	swait.ge @!p6 [sflag:s2], $0x10  }
0x276: {  	s1 =	sshrl.u32 @p2 s0, $0x4;
	[sflag:s2] =	ssyncset.done @!p6 $0x0  }
0x277: {  	s1 =	smulhi.u32 @p2 $0x97B425F, s1;
	[sflag:s2] =	ssyncadd.s32 @!p6 $0xFFFFFFF0  }
0x278: {  	s28 =	sadd.s32 $0x1, s29;
	v1 =	vld @p2 [tilespmem:s24+$0x0]  }
0x279: {  	p1 =	por @p2 !p5, !p4;
	p4 =	seq.s32 s28, $0x0;
	s1 =	smul.u32 @p2 $0x1B0, s1  }
.Ltmp15:
0x27a: {  	p1 =	por !p1, !p2;
	s2 =	simm.s32 @!p3 $0x0;
	(pc) =	sbr.rel @p4 .LBB2_17-.Ltmp15, $4  }
0x27b: {  	s4 =	sshll.u32 @!p2 s21, $0x6;
	s2 =	simm.s32 @!p1 $0x40;
	s0 =	ssub.s32 @p2 s0, s1  }
0x27c: {  	s29 =	simm.s32 $0x0;
	s2 =	sadd.s32 @!p3 $0x0, s2;
	s5 =	sshll.u32 @p2 s0, $0x4  }
0x27d: {  	s30 =	sshra.s32 @!p2 s4, $0x2;
	s1 =	simm.s32 @p2 $0x1;
	s2 =	smov.u32 @p3 s25;
	[tilespmem:s5+$0x28] =	vst @p2 v1  }
0x27e: {  	s21 =	smov.u32 @p2 s0;
	s29 =	smov.u32 @p2 s2;
	s25 =	smov.u32 @p2 s1;
	v1 =	vld @!p2 [tilespmem:s24+$0x0]  }
.LBB2_16:
0x27f: {  	_ =	sdelay $0x3  }
0x280: {  	s22 =	sadd.s32 $0x1, s22;
	[tilespmem:s30+$0x28] =	vst.add.f32.msk @!p2 $0xffff, v1  }
0x281: {  	v1 =	vld.msk [tilespmem:s22+$0x0], $0x1;
	_ =	sdelay $0x4  }
0x282: {  	(v2sf) =	vpush v1, $0x0;
	_ =	sdelay $0xe  }
0x283: {  	s0 =	smov.u32 s26;
	s26 =	spop (v2sf)  }
0x284: {  	p2 =	sne.s32 s0, s26  }
0x285: {  	p5 =	sne.s32 @p2 s0, s23  }
0x286: {  	s4 =	sshll.u32 @!p2 s21, $0x6;
	p4 =	por !p5, !p2  }
0x287: {  	s30 =	sshra.s32 @!p2 s4, $0x2;
	s4 =	sshll.u32 @!p4 s25, $0x6  }
0x288: {  	s4 =	sshra.s32 @!p4 s4, $0x2  }
0x289: {  	p1 =	sgt.u32 @!p4 s0, $0xC34FE;
	v1 =	vld @!p4 [tilespmem:s4+$0x1B38]  }
0x28a: {  	s31 =	sshll.u32 @!p4 s21, $0x6;
	p6 =	por @p2 p1, !p5;
	p1 =	por @p2 !p1, !p5  }
0x28b: {  	s8 =	simm.s32 @!p4 $0x0;
	s31 =	sshra.s32 @!p4 s31, $0x2;
	p1 =	por !p1, !p2  }
0x28c: {  	p5 =	por p5, !p2;
	s8 =	simm.s32 @!p1 $0x40;
	p1 =	por p6, !p2  }
0x28d: {  	s4 =	sadd.s32 @!p4 $0x28, s31;
	s13 =	sshll.u32 @!p5 s21, $0x6;
	s10 =	sand.u32 @!p1 $0xFFFF8, s0  }
0x28e: {  	s13 =	sshra.s32 @!p5 s13, $0x2;
	s0 =	sand.u32 @!p1 $0x7, s0;
	s10 =	sadd.s32 @!p1 s3, s10;
	[tilespmem:s31+$0x28] =	vst.add.f32.msk @!p4 $0xffff, v1  }
0x28f: {  	[hbm4b:s10+s0] =	stream.linear.scatter @!p1 [tilespmem:s4], [sflag:$0xC], $0x10, $0x38;
	[tilespmem:$0x1F0F8] =	vst v63  }
0x290: {  	s1 =	rddreg [dreg:$0x4];
	s0 =	sadd.s32 @!p5 $0x28, s13;
	s4 =	simm.s32 @!p5 $0x1  }
0x291: {  	[spmem:s1] =	stream.linear.scatter @!p5 [tilespmem:s0], [sflag:$0x1], $0x10, $0x38;
	[tilespmem:$0x1F0F8] =	vst v63  }
0x292: {  	s2 =	sadd.s32 @p2 $0x1, s21;
	_ =	swait.ge @!p5 [sflag:s4], $0x10  }
0x293: {  	s5 =	sshrl.u32 @p2 s2, $0x4;
	[sflag:s4] =	ssyncset.done @!p5 $0x0  }
0x294: {  	s24 =	sadd.s32 $0x80, s24;
	s5 =	smulhi.u32 @p2 $0x97B425F, s5;
	[sflag:s4] =	ssyncadd.s32 @!p5 $0xFFFFFFF0  }
0x295: {  	s28 =	sadd.s32 $0x1, s28;
	v1 =	vld @p2 [tilespmem:s24+$0x0]  }
0x296: {  	p3 =	seq.s32 s28, $0x0;
	s5 =	smul.u32 @p2 $0x1B0, s5  }
.Ltmp16:
0x297: {  	_ = 	snop;
	(pc) =	sbr.rel @!p3 .LBB2_16-.Ltmp16, $4  }
0x298: {  	s2 =	ssub.s32 @p2 s2, s5  }
0x299: {  	s8 =	sadd.s32 @!p4 s8, s29;
	s5 =	sshll.u32 @p2 s2, $0x4  }
0x29a: {  	s9 =	sadd.s32 @p2 $0x1, s25;
	s8 =	smov.u32 @p4 s29;
	[tilespmem:s5+$0x28] =	vst @p2 v1  }
0x29b: {  	s25 =	smov.u32 @p2 s9;
	s21 =	smov.u32 @p2 s2;
	s29 =	smov.u32 @p2 s8;
	v1 =	vld @!p2 [tilespmem:s24+$0x0]  }
.LBB2_17:
.Ltmp17:
0x29c: {  	_ = 	snop;
	(pc) =	sbr.rel .LBB2_19-.Ltmp17, $3  }
0x29d: {  	s1 =	sld [smem:$0x7FD];
	_ =	sdelay $0x1  }
0x29e: {  	s0 =	sshrl.u32 s29, $0x2;
	s28 =	smov.u32 s26  }
0x29f: {  	s4 =	smov.u32 s6;
	s6 =	rddreg [dreg:$0x6];
	p4 =	seq.s32 s1, $0x1;
	[tilespmem:s30+$0x28] =	vst.add.f32.msk @!p2 $0xffff, v1  }
.LBB2_21:
0x2a0: {  	_ =	sfence.sel $0x180000  }
0x2a1: {  	s0 =	simm.s32 $0x9;
	[bflag:$0x0] =	sbarrier.arrive $0xFFFF  }
0x2a2: {  	s24 =	simm.s32 $0xA;
	[sflag:s0] =	ssyncpa.u1 $0x1  }
0x2a3: {  	s25 =	simm.s32 $0xB;
	[sflag:s24] =	ssyncpa.u1 $0x1  }
0x2a4: {  	s26 =	simm.s32 $0x2;
	[sflag:s25] =	ssyncpa.u1 $0x1  }
0x2a5: {  	[sflag:s26] =	ssyncpa.u1 $0x1  }
0x2a6: {  	v0 =	vld [tilespmem:$0x3648];
	_ =	sdelay $0x4  }
0x2a7: {  	(v2sf) =	vpush v0, $0x0  }
0x2a8: {  	(v2sf) =	vpush v0, $0x1;
	_ =	sdelay $0x1  }
0x2a9: {  	(v2sf) =	vpush v0, $0x2;
	_ =	sdelay $0xb  }
0x2aa: {  	s0 =	spop (v2sf)  }
0x2ab: {  	s1 =	spop (v2sf)  }
0x2ac: {  	s2 =	smov.u32 s0;
	p0 =	sne.s32 s0, s1  }
0x2ad: {  	s4 =	spop (v2sf);
	s2 =	simm.s32 @!p0 $0xFFFFFFFF  }
0x2ae: {  	v2 =	vimm.s32 $0x1;
	v3 =	vlaneseq.u32;
	p0 =	seq.s32 s4, $0xFFFFFFFF;
	v1 =	vmov s2  }
0x2af: {  	s16 =	stileid.u32;
	v0 =	vperm.xlane v0, v2;
	p1 =	sne.s32 @!p0 s0, s1;
	v1 =	vperm.xlane v1, v3  }
0x2b0: {  	vm0 =	vcmask $0x3F04;
	s6 =	simm.s32 $0x3648;
	s0 =	simm.s32 @!p0 $0x1;
	p1 =	por !p1, p0  }
0x2b1: {  	s2 =	sshll.u32 s16, $0x1;
	s1 =	sshll.u32 @!p0 s4, $0x6;
	s0 =	simm.s32 @p1 $0x0;
	v0 =	vsel vm0, v1, v0  }
0x2b2: {  	s5 =	sor.u32 $0x200, s2;
	s1 =	sshra.s32 @!p0 s1, $0x2;
	s0 =	sor.u32 @!p0 s0, s2;
	[tilespmem:$0x3648] =	vst v0  }
0x2b3: {  	[spmem:s5] =	stream.linear.scatter [tilespmem:s6], [sflag:$0x1], $0x2, $0x38;
	[tilespmem:$0x1F0F8] =	vst v63  }
0x2b4: {  	s1 =	sadd.s32 @!p0 $0x28, s1;
	s0 =	sshll.u32 @!p0 s0, $0x4  }
0x2b5: {  	[spmem:s0] =	stream.linear.scatter @!p0 [tilespmem:s1], [sflag:$0x1], $0x10, $0x38;
	[tilespmem:$0x1F0F8] =	vst v63  }
0x2b6: {  	s0 =	simm.s32 @!p0 $0x12  }
0x2b7: {  	s28 =	simm.s32 $0x1;
	s0 =	simm.s32 @p0 $0x2  }
0x2b8: {  	_ =	swait.ge [sflag:s28], s0  }
0x2b9: {  	s0 =	ssub.s32 $0x0, s0;
	[sflag:s28] =	ssyncset.done $0x0  }
0x2ba: {  	p0 =	sne.s32 s16, $0x0;
	[sflag:s28] =	ssyncadd.s32 s0  }
.Ltmp18:
0x2bb: {  	_ =	sfence.stream.spmem;
	(pc) =	sbr.rel @p0 .LBB2_38-.Ltmp18, $4  }
0x2bc: {  	s29 =	simm.s32 $0x3;
	[bflag:$0x0] =	sbarrier.arrive $0xFFFF  }
0x2bd: {  	s30 =	simm.s32 $0x4;
	[sflag:s29] =	ssyncpa.u1 $0x1  }
0x2be: {  	s31 =	simm.s32 $0x3C;
	[sflag:s30] =	ssyncpa.u1 $0x1  }
0x2bf: {  	s17 =	rddreg [dreg:$0x5];
	[sflag:s31] =	ssyncpa.u1 $0x1  }
0x2c0: {  	_ =	sfence.stream.spmem;
	s0 =	simm.s32 $0x5  }
0x2c1: {  	s1 =	simm.s32 $0x200;
	s2 =	simm.s32 $0x3658;
	[sflag:s0] =	ssyncpa.u1 $0x0  }
0x2c2: {  	[tilespmem:s2], [sflag:$0x5] =	stream.linear.gather [spmem:s1], $0x20, $0x38;
	[tilespmem:$0x1F0F8] =	vst v63  }
0x2c3: {  	s26 =	simm.s32 $0x0;
	s28 =	simm.s32 $0x3678  }
0x2c4: {  	[tilespmem:s28], [sflag:$0x5] =	stream.linear.gather [spmem:s26], $0x200, $0x38;
	[tilespmem:$0x1F0F8] =	vst v63  }
0x2c5: {  	_ =	swait.ge [sflag:s0], $0x220  }
0x2c6: {  	[sflag:s0] =	ssyncset.done $0x0  }
0x2c7: {  	s29 =	simm.s32 $0x0;
	[sflag:s0] =	ssyncadd.s32 $0xFFFFFDE0  }
0x2c8: {  	v0 =	vld.msk [tilespmem:s29+$0x3658], $0x1;
	_ =	sdelay $0x1  }
0x2c9: {  	s30 =	simm.s32 $0x1  }
0x2ca: {  	v1 =	vld.msk [tilespmem:s30+$0x3658], $0x1;
	_ =	sdelay $0x1  }
0x2cb: {  	(v2sf) =	vpush v0, $0x0;
	_ =	sdelay $0x2  }
0x2cc: {  	(v2sf) =	vpush v1, $0x0;
	_ =	sdelay $0x2  }
0x2cd: {  	s31 =	simm.s32 $0x2  }
0x2ce: {  	v0 =	vld.msk [tilespmem:s31+$0x3658], $0x1;
	_ =	sdelay $0x2  }
0x2cf: {  	s6 =	simm.s32 $0xFFFFFFFF;
	s1 =	simm.s32 $0xFFFFFFFF;
	s0 =	simm.s32 $0xC  }
.LBB2_23:
0x2d0: {  	s2 =	smov.u32 s6;
	s4 =	smov.u32 s1  }
0x2d1: {  	s1 =	sshra.s32 s0, $0x2;
	p1 =	sne.s32 s0, $0x7C;
	s0 =	sadd.s32 $0x4, s0;
	(v2sf) =	vpush v0, $0x0  }
0x2d2: {  	v0 =	vld.msk [tilespmem:s1+$0x3658], $0x1  }
.Ltmp19:
0x2d3: {  	(pc) =	sbr.rel @p1 .LBB2_23-.Ltmp19, $4  }
0x2d4: {  	s6 =	spop (v2sf)  }
0x2d5: {  	p2 =	sne.s32 s4, $0xFFFFFFFF;
	s1 =	smov.u32 s6  }
0x2d6: {  	p3 =	seq.s32 s6, $0xFFFFFFFF;
	s1 =	smov.u32 @p2 s4  }
0x2d7: {  	s6 =	smov.u32 @p3 s2;
	s1 =	smov.u32 @p3 s4  }
0x2d8: {  	(v2sf) =	vpush v0, $0x0;
	_ =	sdelay $0x8  }
0x2d9: {  	s0 =	spop (v2sf)  }
0x2da: {  	p1 =	sne.s32 s1, $0xFFFFFFFF;
	s2 =	smov.u32 s0  }
0x2db: {  	s9 =	simm.s32 $0x6;
	p2 =	seq.s32 s0, $0xFFFFFFFF;
	s2 =	smov.u32 @p1 s1  }
0x2dc: {  	s10 =	simm.s32 $0x3638;
	s2 =	smov.u32 @p2 s1;
	s1 =	spop (v2sf)  }
0x2dd: {  	s0 =	smov.u32 @p2 s6;
	p1 =	sne.s32 s2, $0xFFFFFFFF;
	s4 =	smov.u32 s1  }
.Ltmp20:
0x2de: {  	p2 =	seq.s32 s1, $0xFFFFFFFF;
	s4 =	smov.u32 @p1 s2;
	(pc) =	sbr.rel .LBB2_25-.Ltmp20, $4  }
0x2df: {  	s11 =	simm.s32 $0x0;
	s4 =	smov.u32 @p2 s2;
	s7 =	spop (v2sf)  }
0x2e0: {  	[sflag:s9] =	ssyncpa.u1 $0x0;
	p1 =	sne.s32 s4, $0xFFFFFFFF;
	s8 =	smov.u32 s7  }
0x2e1: {  	s1 =	smov.u32 @p2 s0;
	p2 =	seq.s32 s7, $0xFFFFFFFF;
	s8 =	smov.u32 @p1 s4  }
0x2e2: {  	s6 =	simm.s32 $0x0;
	s7 =	smov.u32 @p2 s1;
	s8 =	smov.u32 @p2 s4  }
.LBB2_30:
0x2e3: {  	p1 =	sgt.u32 s12, $0xC34FE  }
0x2e4: {  	p2 =	seq.s32 @!p1 s12, s8  }
0x2e5: {  	p1 =	por p1, p2  }
0x2e6: {  	p2 =	sne.s32 @!p1 s12, s7  }
0x2e7: {  	p1 =	por p1, !p2  }
0x2e8: {  	s0 =	sshll.u32 @p1 s11, $0x6  }
0x2e9: {  	s0 =	sand.u32 @!p1 $0xFFFF8, s12  }
0x2ea: {  	s1 =	sand.u32 @!p1 $0x7, s12;
	s0 =	sadd.s32 @!p1 s3, s0  }
0x2eb: {  	[tilespmem:s10], [sflag:$0x6] =	stream.linear.gather @!p1 [hbm4b:s0+s1], $0x10, $0x38;
	[tilespmem:$0x1F0F8] =	vst v63  }
0x2ec: {  	_ =	swait.ge @!p1 [sflag:s9], $0x10  }
0x2ed: {  	[sflag:s9] =	ssyncset.done @!p1 $0x0  }
0x2ee: {  	[sflag:s9] =	ssyncadd.s32 @!p1 $0xFFFFFFF0  }
0x2ef: {  	v1 =	vld @!p1 [tilespmem:$0x3638];
	_ =	sdelay $0x2  }
0x2f0: {  	s0 =	sshll.u32 @!p1 s11, $0x6  }
0x2f1: {  	s1 =	sshrl.u32 @!p1 s0, $0x2  }
0x2f2: {  	[tilespmem:s1+$0x3678] =	vst.add.f32.msk @!p1 $0xffff, v1  }
0x2f3: {  	s0 =	sshrl.u32 s0, $0x2;
	[tilespmem:s6+$0x3658] =	vst.msk $0x1, v0  }
0x2f4: {  	v0 =	vld [tilespmem:s0+$0x3678];
	_ =	sdelay $0x2  }
0x2f5: {  	s31 =	sshll.u32 s6, $0x6  }
0x2f6: {  	s0 =	sshra.s32 s31, $0x2  }
0x2f7: {  	s6 =	sadd.s32 $0x1, s6;
	[tilespmem:s0+$0x3678] =	vst v0  }
.LBB2_32:
0x2f8: {  	s11 =	sadd.s32 $0x1, s11  }
0x2f9: {  	p1 =	sne.s32 s11, $0x20  }
.Ltmp21:
0x2fa: {  	_ = 	snop;
	(pc) =	sbr.rel @!p1 .LBB2_33-.Ltmp21, $1  }
0x2fb: {  	_ =	sdelay $0x3  }
.LBB2_25:
0x2fc: {  	v0 =	vld.msk [tilespmem:s11+$0x3658], $0x1;
	_ =	sdelay $0x4  }
0x2fd: {  	(v2sf) =	vpush v0, $0x0;
	_ =	sdelay $0xe  }
0x2fe: {  	s12 =	spop (v2sf)  }
0x2ff: {  	p1 =	seq.s32 s12, $0xFFFFFFFF  }
.Ltmp22:
0x300: {  	_ = 	snop;
	(pc) =	sbr.rel @p1 .LBB2_32-.Ltmp22, $1  }
0x301: {  	_ =	sdelay $0x3  }
0x302: {  	p1 =	slt.s32 s6, $0x1  }
.Ltmp23:
0x303: {  	_ = 	snop;
	(pc) =	sbr.rel @p1 .LBB2_30-.Ltmp23, $1  }
0x304: {  	_ =	sdelay $0x3  }
0x305: {  	s13 =	simm.s32 $0x3658;
	p1 =	por $0x0, $0x0  }
0x306: {  	v1 =	vld.msk @!p1 [tilespmem:s13+$0x0], $0x1;
	_ =	sdelay $0x4  }
0x307: {  	(v2sf) =	vpush @!p1 v1, $0x0;
	_ =	sdelay $0xd  }
0x308: {  	p3 =	sne.s32 s6, $0x1  }
.Ltmp24:
0x309: {  	s0 =	spop @!p1 (v2sf);
	(pc) =	sbr.rel @!p3 .LBB2_29-.Ltmp24, $4  }
0x30a: {  	p2 =	seq.s32 @!p1 s12, s0  }
0x30b: {  	s14 =	simm.s32 $0x0;
	p2 =	por !p2, p1  }
0x30c: {  	s0 =	simm.s32 $0xFFFFFFFF;
	s14 =	simm.s32 @p2 $0xFFFFFFFF  }
0x30d: {  	s15 =	simm.s32 $0x1;
	s14 =	smov.u32 @p1 s0  }
.LBB2_28:
0x30e: {  	s0 =	smov.u32 s14;
	p1 =	sne.s32 s14, $0xFFFFFFFF  }
0x30f: {  	s13 =	sadd.s32 $0x1, s13;
	s14 =	smov.u32 s15;
	s15 =	sadd.s32 $0x1, s15  }
0x310: {  	p2 =	sne.s32 s6, s15;
	v1 =	vld.msk @!p1 [tilespmem:s13+$0x0], $0x1;
	_ =	sdelay $0x4  }
0x311: {  	(v2sf) =	vpush @!p1 v1, $0x0;
	_ =	sdelay $0xe  }
.Ltmp25:
0x312: {  	s1 =	spop @!p1 (v2sf);
	(pc) =	sbr.rel @p2 .LBB2_28-.Ltmp25, $4  }
0x313: {  	p3 =	seq.s32 @!p1 s12, s1  }
0x314: {  	p3 =	por !p3, p1  }
0x315: {  	s14 =	simm.s32 @p3 $0xFFFFFFFF  }
0x316: {  	s14 =	smov.u32 @p1 s0  }
.LBB2_29:
0x317: {  	p1 =	sne.s32 s14, $0xFFFFFFFF  }
.Ltmp26:
0x318: {  	_ = 	snop;
	(pc) =	sbr.rel @!p1 .LBB2_30-.Ltmp26, $1  }
0x319: {  	_ =	sdelay $0x3  }
0x31a: {  	s0 =	sshll.u32 s11, $0x4  }
0x31b: {  	s0 =	sand.u32 $0x3FFFFFF0, s0  }
0x31c: {  	v0 =	vld [tilespmem:s0+$0x3678]  }
.Ltmp27:
0x31d: {  	_ = 	snop;
	(pc) =	sbr.rel .LBB2_32-.Ltmp27, $4  }
0x31e: {  	_ = 	snop  }
0x31f: {  	s31 =	sshll.u32 s14, $0x6  }
0x320: {  	s0 =	sshra.s32 s31, $0x2  }
0x321: {  	[tilespmem:s0+$0x3678] =	vst.add.f32.msk $0xffff, v0  }
.LBB2_33:
0x322: {  	s0 =	simm.s32 $0x6;
	p1 =	seq.s32 s6, $0x0  }
0x323: {  	[sflag:s0] =	ssyncpa.u1 $0x1;
	v0 =	vimm.s32 @p1 $0xFFFFFFFF  }
0x324: {  	s9 =	sadd.s32 $0xFFFFFFFF, s6;
	[tilespmem:$0x3878] =	vst @p1 v0  }
0x325: {  	v0 =	vld.msk @!p1 [tilespmem:s9+$0x3658], $0x1;
	_ =	sdelay $0x1  }
0x326: {  	v1 =	vld.msk @!p1 [tilespmem:$0x3658], $0x1;
	_ =	sdelay $0x2  }
0x327: {  	p2 =	seq.s32 @!p1 s9, $0x0;
	v0 =	vbroadcast @!p1 v0, $0x0  }
0x328: {  	vm0 =	vmmov @!p1 $0x1;
	p2 =	por !p2, p1  }
0x329: {  	v1 =	vnsel @!p1 vm0, $0xFFFFFFFF, v1;
	vm0 =	vcmask @!p1 $0x308;
	v0 =	vpsel !p2, $0xFFFFFFFF, v0  }
0x32a: {  	p2 =	sne.s32 @!p1 s8, s7;
	v0 =	vsel @!p1 vm0, v1, v0  }
0x32b: {  	s0 =	simm.s32 @!p1 $0x3678;
	s1 =	simm.s32 @!p1 $0x0;
	p3 =	por !p2, p1;
	[tilespmem:$0x3878] =	vst @!p1 v0  }
0x32c: {  	[spmem:s1] =	stream.linear.scatter @!p1 [tilespmem:s0], [sflag:$0x1], $0x10, $0x38;
	[tilespmem:$0x1F0F8] =	vst v63  }
0x32d: {  	s0 =	sshll.u32 @!p3 s9, $0x6  }
0x32e: {  	s0 =	sshra.s32 @!p3 s0, $0x2  }
0x32f: {  	s1 =	simm.s32 @!p3 $0x10;
	s0 =	sadd.s32 @!p3 $0x3678, s0  }
0x330: {  	[spmem:s1] =	stream.linear.scatter @!p3 [tilespmem:s0], [sflag:$0x1], $0x10, $0x38;
	[tilespmem:$0x1F0F8] =	vst v63  }
0x331: {  	s0 =	simm.s32 @!p3 $0x1  }
0x332: {  	_ =	swait.ge @!p3 [sflag:s0], $0x20  }
0x333: {  	p1 =	por p2, p1;
	[sflag:s0] =	ssyncset.done @!p3 $0x0  }
0x334: {  	[sflag:s0] =	ssyncadd.s32 @!p3 $0xFFFFFFE0;
	s0 =	simm.s32 @!p1 $0x1  }
0x335: {  	_ =	swait.ge @!p1 [sflag:s0], $0x10  }
0x336: {  	s29 =	simm.s32 $0x3878;
	[sflag:s0] =	ssyncset.done @!p1 $0x0  }
0x337: {  	s30 =	simm.s32 $0x200;
	s31 =	simm.s32 $0x1;
	[sflag:s0] =	ssyncadd.s32 @!p1 $0xFFFFFFF0  }
0x338: {  	[spmem:s30] =	stream.linear.scatter [tilespmem:s29], [sflag:$0x1], $0x10, $0x38;
	[tilespmem:$0x1F0F8] =	vst v63  }
0x339: {  	_ =	swait.ge [sflag:s31], $0x10  }
0x33a: {  	[sflag:s31] =	ssyncset.done $0x0  }
0x33b: {  	p1 =	seq.s32 s17, $0x0;
	s8 =	rddreg [dreg:$0x1];
	[sflag:s31] =	ssyncadd.s32 $0xFFFFFFF0  }
0x33c: {  	s1 =	sshll.u32 @p1 s8, $0xE;
	s7 =	rddreg [dreg:$0x2]  }
0x33d: {  	s0 =	sadd.s32 @p1 $0x15C3C, s1;
	s1 =	sshll.u32 @p1 s7, $0x11  }
0x33e: {  	_ =	sfence.stream.spmem;
	s0 =	sor.u32 @p1 s1, s0  }
0x33f: {  	[sflag:s0] =	ssyncadd.remote.s32 @p1 $0x1;
	s0 =	simm.s32 @p1 $0x4  }
0x340: {  	s2 =	simm.s32 @!p1 $0x3C;
	s1 =	sand.u32 $0xFFFFFFFE, s8;
	_ =	swait.ge @p1 [sflag:s0], $0x6  }
0x341: {  	s4 =	simm.s32 @!p1 $0x0;
	s1 =	sadd.s32 @!p1 $0x4, s1;
	[sflag:s0] =	ssyncset.done @p1 $0x0  }
0x342: {  	s5 =	simm.s32 @!p1 $0x20;
	[sflag:s0] =	ssyncadd.s32 @p1 $0xFFFFFFFA;
	s0 =	sshll.u32 @!p1 s1, $0x1A  }
0x343: {  	s1 =	sshll.u32 @!p1 s1, $0xD;
	s0 =	sor.u32 @!p1 s0, s7;
	_ =	swait.eq @!p1 [sflag:s2], $0x1  }
0x344: {  	s1 =	sor.u32 @!p1 $0x1C04, s1;
	s2 =	simm.s32 @!p1 $0x1C03;
	s0 =	sor.u32 @!p1 $0x80004000, s0  }
0x345: {  	[spmem:s5], [sflag:s1] =	dma.general @!p1 [spmem:s4], [sflag:s2], length:$0x4, [dreg:$0x0], stride_count:$0x0, ici_dest:s0, dma_misc:DstOpCode:WRITE  }
0x346: {  	p2 =	slt.s32 s9, $0x2;
	s4 =	simm.s32 @!p1 $0x40;
	s5 =	simm.s32 @!p1 $0x42  }
0x347: {  	[spmem:s5], [sflag:s1] =	dma.general @!p1 [spmem:s4], [sflag:s2], length:$0x2, [dreg:$0x0], stride_count:$0x0, ici_dest:s0, dma_misc:DstOpCode:WRITE  }
.Ltmp28:
0x348: {  	s0 =	simm.s32 @!p1 $0x3;
	(pc) =	sbr.rel @p2 .LBB2_37-.Ltmp28, $4  }
0x349: {  	s1 =	sshll.u32 @!p1 s8, $0xE;
	_ =	swait.ge @!p1 [sflag:s0], $0x6  }
0x34a: {  	s2 =	sshll.u32 @!p1 s7, $0x11;
	s1 =	sadd.s32 @!p1 $0x11C3C, s1;
	[sflag:s0] =	ssyncset.done @!p1 $0x0  }
0x34b: {  	[sflag:s0] =	ssyncadd.s32 @!p1 $0xFFFFFFFA;
	s0 =	sor.u32 @!p1 s2, s1  }
0x34c: {  	[sflag:s0] =	ssyncadd.remote.s32 @!p1 $0xFFFFFFFF;
	s0 =	simm.s32 $0x0  }
0x34d: {  	s0 =	simm.s32 $0x3659  }
0x34e: {  	v0 =	vld.msk [tilespmem:s0+$0x0], $0x1;
	_ =	sdelay $0x4  }
0x34f: {  	(v2sf) =	vpush v0, $0x0;
	_ =	sdelay $0xd  }
0x350: {  	s2 =	sadd.s32 $0xFFFFFFFE, s6  }
0x351: {  	s2 =	sadd.s32 $0xFFFFFFFF, s2;
	s0 =	spop (v2sf)  }
0x352: {  	p2 =	sne.s32 s2, $0x0;
	p1 =	sgt.u32 s0, $0xC34FE  }
.Ltmp29:
0x353: {  	s4 =	sand.u32 @!p1 $0xFFFF8, s0;
	(pc) =	sbr.rel @!p2 .LBB2_36-.Ltmp29, $4  }
0x354: {  	s1 =	simm.s32 $0x3688;
	s0 =	sand.u32 @!p1 $0x7, s0;
	s4 =	sadd.s32 @!p1 s3, s4  }
0x355: {  	[hbm4b:s4+s0] =	stream.linear.scatter @!p1 [tilespmem:s1], [sflag:$0x5], $0x10, $0x38;
	[tilespmem:$0x1F0F8] =	vst v63  }
0x356: {  	s0 =	simm.s32 $0x0  }
0x357: {  	s6 =	simm.s32 $0x0;
	s7 =	simm.s32 $0x365A;
	s0 =	simm.s32 @!p1 $0x40  }
.LBB2_35:
0x358: {  	v0 =	vld.msk [tilespmem:s7+$0x0], $0x1;
	s2 =	sadd.s32 $0xFFFFFFFF, s2;
	s6 =	sadd.s32 s6, s0  }
0x359: {  	p1 =	sne.s32 s2, $0x0;
	_ =	sdelay $0x3  }
0x35a: {  	(v2sf) =	vpush v0, $0x0;
	_ =	sdelay $0xe  }
.Ltmp30:
0x35b: {  	s4 =	spop (v2sf);
	(pc) =	sbr.rel @p1 .LBB2_35-.Ltmp30, $4  }
0x35c: {  	s0 =	simm.s32 $0x0;
	p2 =	sgt.u32 s4, $0xC34FE  }
0x35d: {  	s1 =	sadd.s32 $0x10, s1;
	s0 =	simm.s32 @!p2 $0x40;
	s5 =	sand.u32 @!p2 $0xFFFF8, s4  }
0x35e: {  	s7 =	sadd.s32 $0x1, s7;
	s4 =	sand.u32 @!p2 $0x7, s4;
	s5 =	sadd.s32 @!p2 s3, s5  }
0x35f: {  	[hbm4b:s5+s4] =	stream.linear.scatter @!p2 [tilespmem:s1], [sflag:$0x5], $0x10, $0x38;
	[tilespmem:$0x1F0F8] =	vst v63  }
.LBB2_36:
0x360: {  	s0 =	sadd.s32 s6, s0  }
0x361: {  	s0 =	sshrl.u32 s0, $0x2  }
.LBB2_37:
0x362: {  	s1 =	simm.s32 $0x5  }
0x363: {  	_ =	swait.ge [sflag:s1], s0  }
0x364: {  	s31 =	ssub.s32 $0x0, s0;
	[sflag:s1] =	ssyncset.done $0x0  }
0x365: {  	[sflag:s1] =	ssyncadd.s32 s31  }
0x366: {  	[sflag:s1] =	ssyncpa.u1 $0x1  }
.LBB2_38:
0x367: {  	s0 =	sor.u32 s17, s16  }
0x368: {  	p1 =	sne.s32 s0, $0x0  }
.Ltmp31:
0x369: {  	_ = 	snop;
	(pc) =	sbr.rel @p1 .LBB2_53-.Ltmp31, $3  }
0x36a: {  	_ =	sdelay $0x1  }
0x36b: {  	[bflag:$0x0] =	sbarrier.arrive $0xFFFF  }
0x36c: {  	_ =	sfence  }
0x36d: {  	s0 =	simm.s32 $0x7  }
0x36e: {  	s1 =	simm.s32 $0x200;
	s2 =	simm.s32 $0x3658;
	[sflag:s0] =	ssyncpa.u1 $0x0  }
0x36f: {  	[tilespmem:s2], [sflag:$0x7] =	stream.linear.gather [spmem:s1], $0x20, $0x38;
	[tilespmem:$0x1F0F8] =	vst v63  }
0x370: {  	s30 =	simm.s32 $0x3678;
	s1 =	simm.s32 $0x0  }
0x371: {  	[tilespmem:s30], [sflag:$0x7] =	stream.linear.gather [spmem:s1], $0x200, $0x38;
	[tilespmem:$0x1F0F8] =	vst v63  }
.Ltmp32:
0x372: {  	_ = 	snop;
	(pc) =	sbr.rel .LBB2_40-.Ltmp32, $4  }
0x373: {  	_ =	swait.ge [sflag:s0], $0x220  }
0x374: {  	[sflag:s0] =	ssyncset.done $0x0  }
0x375: {  	s31 =	simm.s32 $0x8;
	[sflag:s0] =	ssyncadd.s32 $0xFFFFFDE0  }
0x376: {  	s2 =	simm.s32 $0x0;
	[sflag:s31] =	ssyncpa.u1 $0x0  }
.LBB2_45:
0x377: {  	p1 =	slt.u32 s4, $0xC34FF  }
0x378: {  	s0 =	sand.u32 @p1 $0xFFFF8, s4  }
0x379: {  	s4 =	sand.u32 @p1 $0x7, s4;
	s5 =	simm.s32 @p1 $0x3638;
	s0 =	sadd.s32 @p1 s3, s0  }
0x37a: {  	[tilespmem:s5], [sflag:$0x8] =	stream.linear.gather @p1 [hbm4b:s0+s4], $0x10, $0x38;
	[tilespmem:$0x1F0F8] =	vst v63  }
0x37b: {  	s0 =	simm.s32 @p1 $0x8  }
0x37c: {  	_ =	swait.ge @p1 [sflag:s0], $0x10  }
0x37d: {  	[sflag:s0] =	ssyncset.done @p1 $0x0  }
0x37e: {  	[sflag:s0] =	ssyncadd.s32 @p1 $0xFFFFFFF0  }
0x37f: {  	v1 =	vld @p1 [tilespmem:$0x3638];
	_ =	sdelay $0x2  }
0x380: {  	s0 =	sshll.u32 @p1 s2, $0x6  }
0x381: {  	s5 =	sshll.u32 @!p1 s2, $0x6;
	s4 =	sshrl.u32 @p1 s0, $0x2  }
0x382: {  	s5 =	smov.u32 @p1 s0;
	[tilespmem:s4+$0x3678] =	vst.add.f32.msk @p1 $0xffff, v1  }
0x383: {  	s0 =	sshrl.u32 s5, $0x2;
	[tilespmem:s1+$0x3658] =	vst.msk $0x1, v0  }
0x384: {  	v0 =	vld [tilespmem:s0+$0x3678];
	_ =	sdelay $0x2  }
0x385: {  	s31 =	sshll.u32 s1, $0x6  }
0x386: {  	s0 =	sshra.s32 s31, $0x2  }
0x387: {  	s1 =	sadd.s32 $0x1, s1;
	[tilespmem:s0+$0x3678] =	vst v0  }
.LBB2_47:
0x388: {  	s2 =	sadd.s32 $0x1, s2  }
0x389: {  	p1 =	sne.s32 s2, $0x20  }
.Ltmp33:
0x38a: {  	_ = 	snop;
	(pc) =	sbr.rel @!p1 .LBB2_48-.Ltmp33, $1  }
0x38b: {  	_ =	sdelay $0x3  }
.LBB2_40:
0x38c: {  	v0 =	vld.msk [tilespmem:s2+$0x3658], $0x1;
	_ =	sdelay $0x4  }
0x38d: {  	(v2sf) =	vpush v0, $0x0;
	_ =	sdelay $0xe  }
0x38e: {  	s4 =	spop (v2sf)  }
0x38f: {  	p1 =	seq.s32 s4, $0xFFFFFFFF  }
.Ltmp34:
0x390: {  	_ = 	snop;
	(pc) =	sbr.rel @p1 .LBB2_47-.Ltmp34, $1  }
0x391: {  	_ =	sdelay $0x3  }
0x392: {  	p1 =	slt.s32 s1, $0x1  }
.Ltmp35:
0x393: {  	_ = 	snop;
	(pc) =	sbr.rel @p1 .LBB2_45-.Ltmp35, $1  }
0x394: {  	_ =	sdelay $0x3  }
0x395: {  	s5 =	simm.s32 $0x3658;
	p1 =	por $0x0, $0x0  }
0x396: {  	v1 =	vld.msk @!p1 [tilespmem:s5+$0x0], $0x1;
	_ =	sdelay $0x4  }
0x397: {  	(v2sf) =	vpush @!p1 v1, $0x0;
	_ =	sdelay $0xd  }
0x398: {  	p3 =	sne.s32 s1, $0x1  }
.Ltmp36:
0x399: {  	s0 =	spop @!p1 (v2sf);
	(pc) =	sbr.rel @!p3 .LBB2_44-.Ltmp36, $4  }
0x39a: {  	p2 =	seq.s32 @!p1 s4, s0  }
0x39b: {  	s6 =	simm.s32 $0x0;
	p2 =	por !p2, p1  }
0x39c: {  	s0 =	simm.s32 $0xFFFFFFFF;
	s6 =	simm.s32 @p2 $0xFFFFFFFF  }
0x39d: {  	s7 =	simm.s32 $0x1;
	s6 =	smov.u32 @p1 s0  }
.LBB2_43:
0x39e: {  	s0 =	smov.u32 s6;
	p1 =	sne.s32 s6, $0xFFFFFFFF  }
0x39f: {  	s5 =	sadd.s32 $0x1, s5;
	s6 =	smov.u32 s7;
	s7 =	sadd.s32 $0x1, s7  }
0x3a0: {  	p2 =	sne.s32 s1, s7;
	v1 =	vld.msk @!p1 [tilespmem:s5+$0x0], $0x1;
	_ =	sdelay $0x4  }
0x3a1: {  	(v2sf) =	vpush @!p1 v1, $0x0;
	_ =	sdelay $0xe  }
.Ltmp37:
0x3a2: {  	s8 =	spop @!p1 (v2sf);
	(pc) =	sbr.rel @p2 .LBB2_43-.Ltmp37, $4  }
0x3a3: {  	p3 =	seq.s32 @!p1 s4, s8  }
0x3a4: {  	p3 =	por !p3, p1  }
0x3a5: {  	s6 =	simm.s32 @p3 $0xFFFFFFFF  }
0x3a6: {  	s6 =	smov.u32 @p1 s0  }
.LBB2_44:
0x3a7: {  	p1 =	sne.s32 s6, $0xFFFFFFFF  }
.Ltmp38:
0x3a8: {  	_ = 	snop;
	(pc) =	sbr.rel @!p1 .LBB2_45-.Ltmp38, $1  }
0x3a9: {  	_ =	sdelay $0x3  }
0x3aa: {  	s0 =	sshll.u32 s2, $0x4  }
0x3ab: {  	s0 =	sand.u32 $0x3FFFFFF0, s0  }
0x3ac: {  	v0 =	vld [tilespmem:s0+$0x3678]  }
.Ltmp39:
0x3ad: {  	_ = 	snop;
	(pc) =	sbr.rel .LBB2_47-.Ltmp39, $4  }
0x3ae: {  	_ = 	snop  }
0x3af: {  	s31 =	sshll.u32 s6, $0x6  }
0x3b0: {  	s0 =	sshra.s32 s31, $0x2  }
0x3b1: {  	[tilespmem:s0+$0x3678] =	vst.add.f32.msk $0xffff, v0  }
.LBB2_48:
0x3b2: {  	p1 =	slt.s32 s1, $0x1  }
.Ltmp40:
0x3b3: {  	_ = 	snop;
	(pc) =	sbr.rel @p1 .LBB2_52-.Ltmp40, $3  }
0x3b4: {  	_ =	sdelay $0x1  }
0x3b5: {  	s0 =	simm.s32 $0x8  }
0x3b6: {  	s2 =	simm.s32 $0x0;
	[sflag:s0] =	ssyncpa.u1 $0x1  }
0x3b7: {  	s0 =	simm.s32 $0x3658  }
0x3b8: {  	v0 =	vld.msk [tilespmem:s0+$0x0], $0x1;
	_ =	sdelay $0x4  }
0x3b9: {  	(v2sf) =	vpush v0, $0x0;
	_ =	sdelay $0xe  }
0x3ba: {  	s1 =	sadd.s32 $0xFFFFFFFF, s1;
	s0 =	spop (v2sf)  }
0x3bb: {  	p2 =	sne.s32 s1, $0x0;
	p1 =	sgt.u32 s0, $0xC34FE  }
.Ltmp41:
0x3bc: {  	s5 =	sand.u32 @!p1 $0xFFFF8, s0;
	(pc) =	sbr.rel @!p2 .LBB2_51-.Ltmp41, $4  }
0x3bd: {  	s4 =	simm.s32 $0x3678;
	s0 =	sand.u32 @!p1 $0x7, s0;
	s5 =	sadd.s32 @!p1 s3, s5  }
0x3be: {  	[hbm4b:s5+s0] =	stream.linear.scatter @!p1 [tilespmem:s4], [sflag:$0x7], $0x10, $0x38;
	[tilespmem:$0x1F0F8] =	vst v63  }
0x3bf: {  	s0 =	simm.s32 $0x0  }
0x3c0: {  	s5 =	simm.s32 $0x3659;
	s0 =	simm.s32 @!p1 $0x40  }
.LBB2_50:
0x3c1: {  	v0 =	vld.msk [tilespmem:s5+$0x0], $0x1;
	s1 =	sadd.s32 $0xFFFFFFFF, s1;
	s2 =	sadd.s32 s2, s0  }
0x3c2: {  	p1 =	sne.s32 s1, $0x0;
	_ =	sdelay $0x3  }
0x3c3: {  	(v2sf) =	vpush v0, $0x0;
	_ =	sdelay $0xe  }
.Ltmp42:
0x3c4: {  	s6 =	spop (v2sf);
	(pc) =	sbr.rel @p1 .LBB2_50-.Ltmp42, $4  }
0x3c5: {  	s0 =	simm.s32 $0x0;
	p2 =	sgt.u32 s6, $0xC34FE  }
0x3c6: {  	s4 =	sadd.s32 $0x10, s4;
	s0 =	simm.s32 @!p2 $0x40;
	s7 =	sand.u32 @!p2 $0xFFFF8, s6  }
0x3c7: {  	s5 =	sadd.s32 $0x1, s5;
	s6 =	sand.u32 @!p2 $0x7, s6;
	s7 =	sadd.s32 @!p2 s3, s7  }
0x3c8: {  	[hbm4b:s7+s6] =	stream.linear.scatter @!p2 [tilespmem:s4], [sflag:$0x7], $0x10, $0x38;
	[tilespmem:$0x1F0F8] =	vst v63  }
.LBB2_51:
0x3c9: {  	s0 =	sadd.s32 s2, s0  }
0x3ca: {  	s2 =	sshrl.u32 s0, $0x2  }
.LBB2_52:
0x3cb: {  	s0 =	simm.s32 $0x7  }
0x3cc: {  	_ =	swait.ge [sflag:s0], s2  }
0x3cd: {  	s1 =	ssub.s32 $0x0, s2;
	[sflag:s0] =	ssyncset.done $0x0  }
0x3ce: {  	[sflag:s0] =	ssyncadd.s32 s1  }
0x3cf: {  	[sflag:s0] =	ssyncpa.u1 $0x1  }
.LBB2_53:
0x3d0: {  	_ =	sfence;
	s0 =	simm.s32 $0x1  }
0x3d1: {  	[sflag:s0] =	ssyncpa.u1 $0x1  }
0x3d2: {  	_ =	strace $0x90000056  }
0x3d3: {  	[bflag:$0x2] =	sbarrier.arrive $0xFFFF  }
0x3d4: {  	s0 =	rddreg [dreg:$0x3]  }
0x3d5: {  	s0 =	sadd.s32 @!p0 $0x100000, s0  }
0x3d6: {  	[sflag:s0] =	ssyncadd.tile.s32 @!p0 $0x1;
	_ =	shalt  }
.Lfunc_end2:
_tile_overlayer_lowered:
.L_overlay_start_2:
0x3d7: {  	(tag) =	ssettag $0x2  }
0x3d8: {  	s0 =	rddreg [dreg:$0x0];
	s2 =	stileid.u32  }
0x3d9: {  	s1 =	rddreg [dreg:$0x1];
	p0 =	sne.s32 s2, $0x0  }
0x3da: {  	s3 =	rddreg [dreg:$0x2];
	[bflag:$0x3] =	sbarrier.arrive $0xFFFF;
	s2 =	simm.s32 @!p0 $0x1C01  }
0x3db: {  	[timem:s3], [sflag:s2] =	dma.local @!p0 [hbm:s0], s1  }
0x3dc: {  	s0 =	simm.s32 @!p0 $0x1  }
0x3dd: {  	_ =	swait.ge @!p0 [sflag:s0], s1  }
0x3de: {  	s1 =	ssub.s32 @!p0 $0x0, s1;
	[sflag:s0] =	ssyncset.done @!p0 $0x0  }
0x3df: {  	[sflag:s0] =	ssyncadd.s32 @!p0 s1  }
0x3e0: {  	[bflag:$0x3] =	sbarrier.arrive $0xFFFF  }
0x3e1: {  	_ =	shalt  }

// kernel: sparse-core-data-format-call.1.cloned.1.call-start
scs
called_computation.4_lowered:
.L_overlay_start_0:
0x0: {  	s2 =	sld [smem:$0x3FD9]  }
0x1: {  	s3 =	sld [smem:$0x3FFE];
	_ =	sdelay $0x1  }
0x2: {  	s1 =	srdreg.scid  }
0x3: {  	s0 =	sand.u32 $0x1, s1  }
0x4: {  	s18 =	sshll.u32 s0, $0xA;
	s2 =	sadd.s32 s3, s2  }
0x5: {  	s2 =	sadd.s32 s2, s18  }
0x6: {  	[smem:$0x3FB5] =	sst s2  }
0x7: {  	_ = 	snop  }
0x8: {  	(tm) =	ssettm $0x1  }
0x9: {  	s19 =	sld [smem:$0x3FFB];
	_ =	sdelay $0x3  }
0xa: {  	_ =	strace s19  }
0xb: {  	s2 =	sld [smem:$0x3FFC];
	_ =	sdelay $0x3  }
0xc: {  	_ =	strace s2  }
0xd: {  	s2 =	sld [smem:$0x3FFD];
	_ =	sdelay $0x3  }
0xe: {  	_ =	strace s2  }
0xf: {  	_ =	strace $0x8FFFFFFF  }
0x10: {  	s20 =	sld [smem:$0x3FDB];
	_ =	sdelay $0x1  }
0x11: {  	s21 =	simm.s32 $_scs_section_size  }
0x12: {  	s4 =	simm.s32 $_size__tile_overlayer_lowered;
	s5 =	simm.s32 $_tile_overlayer_lowered  }
0x13: {  	s6 =	simm.s32 $0x1BFF;
	s22 =	sshll.u32 s5, $0x1;
	s3 =	sadd.s32 s21, s20  }
0x14: {  	s23 =	simm.s32 $0x0;
	s4 =	sshll.u32 s4, $0x1;
	s5 =	sadd.s32 s22, s3  }
0x15: {  	[timem:s23], [sflag:s6] =	dma.local [hbm:s5], s4  }
0x16: {  	_ =	swait.ge [sflag:s6], s4  }
0x17: {  	s4 =	ssub.s32 $0x0, s4;
	[sflag:s6] =	ssyncset.done $0x0  }
0x18: {  	[sflag:s6] =	ssyncadd.s32 s4;
	_ =	sdelay $0x1  }
0x19: {  	s24 =	simm.s32 $0x1B8B  }
0x1a: {  	_ =	swait.ge [sflag:s24], $0x1  }
0x1b: {  	[sflag:s24] =	ssyncset.done $0x0  }
0x1c: {  	[sflag:s24] =	ssyncadd.s32 $0xFFFFFFFF  }
0x1d: {  	s4 =	sld [smem:$0x0]  }
0x1e: {  	s5 =	sand.u32 $0xFFFFFFFE, s1  }
0x1f: {  	p0 =	sne.s32 s1, s5  }
0x20: {  	s5 =	sshll.u32 @p0 s5, $0xE  }
0x21: {  	s5 =	sadd.s32 @p0 $0x11B8D, s5;
	s6 =	sshll.u32 @p0 s4, $0x11  }
0x22: {  	s5 =	sor.u32 @p0 s6, s5  }
0x23: {  	[sflag:s5] =	ssyncadd.remote.s32 @p0 $0x1;
	_ =	sdelay $0x1  }
0x24: {  	s5 =	simm.s32 @p0 $0x1B8D  }
0x25: {  	_ =	swait.eq @p0 [sflag:s5], $0x1  }
0x26: {  	[sflag:s5] =	ssyncadd.s32 @p0 $0xFFFFFFFF  }
0x27: {  	s6 =	sshll.u32 @!p0 s1, $0xE  }
0x28: {  	s6 =	sor.u32 @!p0 $0x4000, s6;
	s5 =	simm.s32 @!p0 $0x1B8D  }
0x29: {  	s4 =	sshll.u32 @!p0 s4, $0x11;
	s6 =	sadd.s32 @!p0 $0x11B8D, s6;
	_ =	swait.eq @!p0 [sflag:s5], $0x1  }
0x2a: {  	s4 =	sor.u32 @!p0 s4, s6;
	[sflag:s5] =	ssyncadd.s32 @!p0 $0xFFFFFFFF  }
0x2b: {  	s26 =	simm.s32 $0x1B8E;
	s25 =	sld [smem:$0x3FFE];
	[sflag:s4] =	ssyncadd.remote.s32 @!p0 $0x1  }
0x2c: {  	s27 =	simm.s32 $execute0_lowered;
	[smem:$0x3FD2] =	sst s26  }
0x2d: {  	s5 =	sshll.u32 s27, $0x1;
	_ =	strace $0x8000005E;
	[dreg:$0x1] =	wrdreg $0xFFFFFFFF  }
0x2e: {  	s28 =	simm.s32 $_size_execute0_lowered;
	s3 =	sadd.s32 s3, s5;
	[dreg:$0x0] =	wrdreg $0x0  }
0x2f: {  	s5 =	sshll.u32 s28, $0x1;
	[dreg:$0x2] =	wrdreg s3  }
0x30: {  	[dreg:$0x3] =	wrdreg s5  }
0x31: {  	[dreg:$0x4] =	wrdreg $0xC0  }
0x32: {  	_ =	task [dreg:s23], $0x5FFFF  }
0x33: {  	[dreg:$0x1] =	wrdreg $0xFFFFFFFF  }
0x34: {  	[dreg:$0x0] =	wrdreg $0x60  }
0x35: {  	[dreg:$0x2] =	wrdreg s25  }
0x36: {  	[dreg:$0x3] =	wrdreg $0x9  }
0x37: {  	_ =	task.clear_ibuf [dreg:s23], $0x4FFFF;
	_ =	strace $0x9000005E  }
0x38: {  	s29 =	simm.s32 $0x9;
	_ =	strace $0x80000060  }
0x39: {  	_ =	swait.ge [sflag:s29], $0x1  }
0x3a: {  	[sflag:s29] =	ssyncadd.s32 $0xFFFFFFFF  }
0x3b: {  	_ =	strace $0x90000060  }
0x3c: {  	_ =	sfence  }
0x3d: {  	s30 =	sld [smem:$0x0];
	_ =	sdelay $0x2  }
0x3e: {  	s31 =	sshll.u32 s1, $0xD;
	s1 =	sshrl.u32 s1, $0x2  }
0x3f: {  	s4 =	sand.u32 $0x4000, s31;
	s1 =	sadd.s32 s1, s30  }
0x40: {  	s0 =	sor.u32 s4, s0;
	s1 =	sshll.u32 s1, $0x11  }
0x41: {  	s0 =	sor.u32 s1, s0  }
0x42: {  	s0 =	sadd.s32 $0x8F2B, s0  }
0x43: {  	[sflag:s0] =	ssyncadd.remote.s32 $0x1  }
0x44: {  	_ =	sfence.sel $0xFFFF  }
0x45: {  	[dreg:$0x0] =	wrdreg $0xFFFFFFFF;
	(pc) =	sbr.abs _section_cstart, $3  }
0x46: {  	[dreg:$0x1] =	wrdreg $0xFFFFFFFF  }
0x47: {  	_ =	task.clear_ibuf [dreg:s23], $0x2FFFF;
	_ =	strace $0x9FFFFFFF  }
0x48: {  	(tm) =	ssettm $0x7FFFFFFF  }
0x49: {  	_ =	shalt  }
tec
execute0_lowered:
.L_overlay_start_1:
0x0: {  	(tag) =	ssettag $0x1  }
0x1: {  	s0 =	srdreg.scid  }
0x2: {  	s1 =	sshll.u32 s0, $0x4  }
0x3: {  	s4 =	rddreg [dreg:$0x0];
	s0 =	stileid.u32;
	s1 =	sand.u32 $0x10, s1  }
0x4: {  	s7 =	simm.s32 $0x1;
	s8 =	simm.s32 $0x2;
	s1 =	sor.u32 s0, s1  }
0x5: {  	s11 =	simm.s32 $0x0;
	s10 =	simm.s32 $0x0;
	s2 =	sshll.u32 s1, $0x7  }
0x6: {  	s3 =	sadd.s32 $0x1F42000, s4;
	s4 =	sadd.s32 $0x2B77000, s4;
	s6 =	ssub.s32 $0xC3500, s2  }
.Ltmp0:
0x7: {  	s1 =	rddreg [dreg:$0x1];
	s5 =	sand.u32 $0xF80, s6;
	(pc) =	sbr.rel .LBB1_1-.Ltmp0, $4  }
0x8: {  	_ =	strace $0x8000005F;
	s9 =	smov.u32 s2;
	p0 =	sne.s32 s5, $0x0  }
0x9: {  	s6 =	sshrl.u32 s6, $0xC;
	s5 =	simm.s32 $0x1;
	s7 =	simm.s32 @!p0 $0x0  }
0xa: {  	[sflag:s5] =	ssyncpa.u1 $0x0;
	p0 =	por $0x0, $0x0;
	s6 =	sadd.s32 s7, s6  }
0xb: {  	[sflag:s8] =	ssyncpa.u1 $0x0;
	s8 =	simm.s32 $0x61A800;
	s7 =	sadd.s32 $0x1, s6  }
.LBB1_4:
0xc: {  	s14 =	sshll.u32 s11, $0x3  }
0xd: {  	s14 =	sand.u32 $0xFFFFFC00, s14  }
0xe: {  	s15 =	sshrl.u32 s14, $0x8  }
0xf: {  	s15 =	smulhi.u32 $0x14F8B59, s15;
	_ =	sdelay $0x1  }
0x10: {  	s15 =	sshrl.u32 s15, $0x4  }
0x11: {  	s28 =	sand.u32 $0x7F, s11;
	s16 =	smul.u32 $0xC3500, s15  }
0x12: {  	[tilespmem:s12+$0xFFFFFFFC ss:$0x81] =	vst.msk $0xffff, v0;
	s11 =	sor.u32 s28, s14  }
0x13: {  	[tilespmem:s12+$0xFFFFFFFD ss:$0x81] =	vst.msk $0xffff, v3;
	s29 =	sand.u32 $0xF, s15;
	s11 =	ssub.s32 s11, s16  }
0x14: {  	[tilespmem:s12+$0xFFFFFFFE ss:$0x81] =	vst.msk $0xffff, v1;
	s14 =	smul.u32 $0x186A0, s29;
	s30 =	sshrl.u32 s11, $0x3;
	s11 =	sand.u32 $0x7, s11  }
0x15: {  	[tilespmem:s12+$0xFFFFFFFF ss:$0x81] =	vst.msk $0xffff, v4;
	s15 =	sadd.s32 s4, s30;
	s11 =	sshll.u32 s11, $0x12  }
0x16: {  	[tilespmem:s12+$0xFFFFFFF9 ss:$0x81] =	vst.msk $0xffff, v2;
	s31 =	sadd.s32 s14, s15;
	s11 =	sor.u32 $0x400, s11  }
0x17: {  	[hbm4b:s31+s11] =	stream.strided.scatter [tilespmem:s13], [sflag:$0x2], $0x800, s8, s11, $0x20;
	[tilespmem:$0x2020] =	vst v63  }
.LBB1_5:
0x18: {  	s13 =	sadd.s32 $0x1000, s9  }
0x19: {  	p2 =	sgt.s32 s13, $0xC34FF  }
0x1a: {  	s13 =	smov.u32 @p2 s2;
	p2 =	sne.s32 s10, s7  }
.Ltmp1:
0x1b: {  	p1 =	slt.u32 s10, $0x2;
	(pc) =	sbr.rel @!p2 .LBB1_6-.Ltmp1, $4  }
0x1c: {  	s12 =	simm.s32 @!p1 $0x2  }
0x1d: {  	s14 =	sadd.s32 $0x1, s10;
	_ =	swait.ge @!p1 [sflag:s12], $0x800  }
0x1e: {  	s11 =	smov.u32 s9;
	p0 =	por !p0, !p0;
	[sflag:s12] =	ssyncset.done @!p1 $0x0  }
0x1f: {  	s10 =	smov.u32 s14;
	s9 =	smov.u32 s13;
	[sflag:s12] =	ssyncadd.s32 @!p1 $0xFFFFF800  }
.LBB1_1:
0x20: {  	p1 =	sge.u32 s10, s6  }
0x21: {  	s12 =	sand.u32 @!p1 $0x1FFFFFF, s9  }
0x22: {  	s13 =	smulhi.u32 @!p1 $0x14F8B59, s12;
	_ =	sdelay $0x1  }
0x23: {  	s13 =	sshrl.u32 @!p1 s13, $0xC  }
0x24: {  	s13 =	smul.u32 @!p1 $0xC3500, s13;
	_ =	sdelay $0x1  }
0x25: {  	s31 =	sadd.s32 $0xFFFFFFFF, s10;
	s14 =	sxor.u32 @!p1 $0xFFFFFFFF, s10;
	s12 =	ssub.s32 @!p1 s12, s13  }
0x26: {  	s15 =	simm.s32 @!p1 $0x80;
	s14 =	sshll.u32 @!p1 s14, $0xB;
	s12 =	sshll.u32 @!p1 s12, $0x4  }
0x27: {  	s13 =	sand.u32 @!p1 $0x800, s14;
	s14 =	simm.s32 @!p1 $0x10;
	s12 =	sadd.s32 @!p1 s3, s12  }
0x28: {  	[tilespmem:s13], [sflag:$0x1] =	stream.strided.gather @!p1 [hbm4b:s12+s14], $0x800, s15, s14, $0x38;
	[tilespmem:$0x2020] =	vst v63  }
0x29: {  	p1 =	sge.u32 s31, s6  }
.Ltmp2:
0x2a: {  	_ = 	snop;
	(pc) =	sbr.rel @p1 .LBB1_5-.Ltmp2, $1  }
0x2b: {  	_ =	sdelay $0x3  }
0x2c: {  	s12 =	simm.s32 $0x1  }
0x2d: {  	_ =	swait.ge [sflag:s5], $0x800;
	s12 =	simm.s32 @!p0 $0x0  }
0x2e: {  	[sflag:s5] =	ssyncset.done $0x0;
	s13 =	sshll.u32 s12, $0xB  }
0x2f: {  	[sflag:s5] =	ssyncadd.s32 $0xFFFFF800;
	s15 =	sor.u32 $0x40, s13  }
0x30: {  	v2 =	vld [tilespmem:s15+$0x30]  }
0x31: {  	s12 =	smul.u32 $0x2040, s12;
	v4 =	vld [tilespmem:s15+$0xFFFFFFD0]  }
0x32: {  	v5 =	vld [tilespmem:s15+$0xFFFFFFE0]  }
0x33: {  	s31 =	sand.u32 $0x1, s10;
	s12 =	sshrl.u32 s12, $0x2;
	v0 =	vld [tilespmem:s15+$0xFFFFFFF0]  }
0x34: {  	s13 =	smul.u32 $0x2040, s31;
	v3 =	vld [tilespmem:s15+$0x0];
	s12 =	sor.u32 $0x1007, s12  }
0x35: {  	v1 =	vld [tilespmem:s15+$0x10];
	[tilespmem:s12+$0x0 ss:$0x81] =	vst.msk $0xffff, v2  }
0x36: {  	s13 =	sshrl.u32 s13, $0x2;
	[tilespmem:s12+$0xFFFFFFFA ss:$0x81] =	vst.msk $0xffff, v4;
	v4 =	vld [tilespmem:s15+$0x20]  }
0x37: {  	s14 =	simm.s32 $0x0;
	s13 =	sor.u32 $0x1000, s13;
	v2 =	vld [tilespmem:s15+$0xFFFFFFC0];
	[tilespmem:s12+$0xFFFFFFFB ss:$0x81] =	vst.msk $0xffff, v5;
	s15 =	sadd.s32 $0x80, s15  }
.LBB1_3:
0x38: {  	v5 =	vld [tilespmem:s15+$0x30];
	s14 =	sadd.s32 $0x8, s14;
	[tilespmem:s12+$0xFFFFFFFC ss:$0x81] =	vst.msk $0xffff, v0  }
0x39: {  	v6 =	vld [tilespmem:s15+$0xFFFFFFD0];
	p1 =	slt.u32 s14, $0x78;
	[tilespmem:s12+$0xFFFFFFFD ss:$0x81] =	vst.msk $0xffff, v3  }
0x3a: {  	v7 =	vld [tilespmem:s15+$0xFFFFFFE0];
	[tilespmem:s12+$0xFFFFFFFE ss:$0x81] =	vst.msk $0xffff, v1  }
.Ltmp3:
0x3b: {  	v0 =	vld [tilespmem:s15+$0xFFFFFFF0];
	[tilespmem:s12+$0xFFFFFFFF ss:$0x81] =	vst.msk $0xffff, v4;
	(pc) =	sbr.rel @p1 .LBB1_3-.Ltmp3, $4  }
0x3c: {  	v3 =	vld [tilespmem:s15+$0x0];
	[tilespmem:s12+$0xFFFFFFF9 ss:$0x81] =	vst.msk $0xffff, v2;
	s12 =	sadd.s32 $0x8, s12  }
0x3d: {  	v1 =	vld [tilespmem:s15+$0x10];
	[tilespmem:s12+$0x0 ss:$0x81] =	vst.msk $0xffff, v5  }
0x3e: {  	[tilespmem:s12+$0xFFFFFFFA ss:$0x81] =	vst.msk $0xffff, v6;
	v4 =	vld [tilespmem:s15+$0x20]  }
0x3f: {  	v2 =	vld [tilespmem:s15+$0xFFFFFFC0];
	[tilespmem:s12+$0xFFFFFFFB ss:$0x81] =	vst.msk $0xffff, v7;
	s15 =	sadd.s32 $0x80, s15  }
.Ltmp4:
0x40: {  	_ = 	snop;
	(pc) =	sbr.rel .LBB1_4-.Ltmp4, $1  }
0x41: {  	_ =	sdelay $0x3  }
.LBB1_6:
0x42: {  	_ =	sfence.sel $0x180000  }
0x43: {  	s2 =	simm.s32 $0x1;
	[bflag:$0x0] =	sbarrier.arrive $0xFFFF  }
0x44: {  	s31 =	simm.s32 $0x2;
	[sflag:s2] =	ssyncpa.u1 $0x1  }
0x45: {  	[sflag:s31] =	ssyncpa.u1 $0x1  }
0x46: {  	p0 =	sne.s32 s0, $0x0;
	_ =	strace $0x9000005F  }
0x47: {  	s0 =	sadd.s32 @!p0 $0x100000, s1;
	[bflag:$0x2] =	sbarrier.arrive $0xFFFF  }
0x48: {  	[sflag:s0] =	ssyncadd.tile.s32 @!p0 $0x1;
	_ =	shalt  }
.Lfunc_end1:
_tile_overlayer_lowered:
.L_overlay_start_2:
0x49: {  	(tag) =	ssettag $0x2  }
0x4a: {  	s0 =	rddreg [dreg:$0x0];
	s2 =	stileid.u32  }
0x4b: {  	s1 =	rddreg [dreg:$0x1];
	p0 =	sne.s32 s2, $0x0  }
0x4c: {  	s3 =	rddreg [dreg:$0x2];
	[bflag:$0x3] =	sbarrier.arrive $0xFFFF;
	s2 =	simm.s32 @!p0 $0x1C01  }
0x4d: {  	[timem:s3], [sflag:s2] =	dma.local @!p0 [hbm:s0], s1  }
0x4e: {  	s0 =	simm.s32 @!p0 $0x1  }
0x4f: {  	_ =	swait.ge @!p0 [sflag:s0], s1  }
0x50: {  	s1 =	ssub.s32 @!p0 $0x0, s1;
	[sflag:s0] =	ssyncset.done @!p0 $0x0  }
0x51: {  	[sflag:s0] =	ssyncadd.s32 @!p0 s1  }
0x52: {  	[bflag:$0x3] =	sbarrier.arrive $0xFFFF  }
0x53: {  	_ =	shalt  }

// kernel: sparse-core-data-format-call.2.cloned.1.call-start
scs
called_computation.5_lowered:
.L_overlay_start_0:
0x0: {  	s1 =	sld [smem:$0x3FD9]  }
0x1: {  	s2 =	sld [smem:$0x3FFE];
	_ =	sdelay $0x1  }
0x2: {  	s3 =	srdreg.scid  }
0x3: {  	s0 =	sand.u32 $0x1, s3  }
0x4: {  	s17 =	sshll.u32 s0, $0xA;
	s1 =	sadd.s32 s2, s1  }
0x5: {  	s1 =	sadd.s32 s1, s17  }
0x6: {  	[smem:$0x3FB5] =	sst s1  }
0x7: {  	_ = 	snop  }
0x8: {  	(tm) =	ssettm $0x1  }
0x9: {  	s18 =	sld [smem:$0x3FFB];
	_ =	sdelay $0x3  }
0xa: {  	_ =	strace s18  }
0xb: {  	s1 =	sld [smem:$0x3FFC];
	_ =	sdelay $0x3  }
0xc: {  	_ =	strace s1  }
0xd: {  	s1 =	sld [smem:$0x3FFD];
	_ =	sdelay $0x3  }
0xe: {  	_ =	strace s1  }
0xf: {  	_ =	strace $0x8FFFFFFF  }
0x10: {  	s19 =	sld [smem:$0x3FDB];
	_ =	sdelay $0x1  }
0x11: {  	s20 =	simm.s32 $_scs_section_size  }
0x12: {  	s4 =	simm.s32 $_size__tile_overlayer_lowered;
	s5 =	simm.s32 $_tile_overlayer_lowered  }
0x13: {  	s23 =	simm.s32 $0x1BFF;
	s22 =	sshll.u32 s5, $0x1;
	s1 =	sadd.s32 s20, s19  }
0x14: {  	s6 =	simm.s32 $0x0;
	s21 =	sshll.u32 s4, $0x1;
	s4 =	sadd.s32 s22, s1  }
0x15: {  	[timem:s6], [sflag:s23] =	dma.local [hbm:s4], s21  }
0x16: {  	_ =	swait.ge [sflag:s23], s21  }
0x17: {  	s2 =	ssub.s32 $0x0, s21;
	[sflag:s23] =	ssyncset.done $0x0  }
0x18: {  	[sflag:s23] =	ssyncadd.s32 s2;
	_ =	sdelay $0x1  }
0x19: {  	s24 =	simm.s32 $0x1B8B  }
0x1a: {  	_ =	swait.ge [sflag:s24], $0x1  }
0x1b: {  	[sflag:s24] =	ssyncset.done $0x0  }
0x1c: {  	s26 =	simm.s32 $0x1B8E;
	s25 =	sld [smem:$0x3FFE];
	[sflag:s24] =	ssyncadd.s32 $0xFFFFFFFF  }
0x1d: {  	s27 =	simm.s32 $execute0_lowered;
	[smem:$0x3FD2] =	sst s26  }
0x1e: {  	s4 =	sshll.u32 s27, $0x1;
	_ =	strace $0x8000005B;
	[dreg:$0x1] =	wrdreg $0xFFFFFFFF  }
0x1f: {  	s28 =	simm.s32 $_size_execute0_lowered;
	s1 =	sadd.s32 s1, s4;
	[dreg:$0x0] =	wrdreg $0x0  }
0x20: {  	s4 =	sshll.u32 s28, $0x1;
	[dreg:$0x2] =	wrdreg s1  }
0x21: {  	[dreg:$0x3] =	wrdreg s4  }
0x22: {  	[dreg:$0x4] =	wrdreg $0xC0  }
0x23: {  	_ =	task [dreg:s6], $0x5FFFF  }
0x24: {  	[dreg:$0x1] =	wrdreg $0xFFFFFFFF  }
0x25: {  	[dreg:$0x0] =	wrdreg $0x60  }
0x26: {  	[dreg:$0x2] =	wrdreg s25  }
0x27: {  	[dreg:$0x3] =	wrdreg $0xA  }
0x28: {  	_ =	task.clear_ibuf [dreg:s6], $0x4FFFF;
	_ =	strace $0x9000005B  }
0x29: {  	s29 =	simm.s32 $0xA;
	_ =	strace $0x8000005D  }
0x2a: {  	_ =	swait.ge [sflag:s29], $0x1  }
0x2b: {  	[sflag:s29] =	ssyncadd.s32 $0xFFFFFFFF  }
0x2c: {  	_ =	strace $0x9000005D  }
0x2d: {  	_ =	sfence  }
0x2e: {  	s30 =	sld [smem:$0x0];
	_ =	sdelay $0x2  }
0x2f: {  	s31 =	sshll.u32 s3, $0xD;
	s3 =	sshrl.u32 s3, $0x2  }
0x30: {  	s2 =	sand.u32 $0x4000, s31;
	s1 =	sadd.s32 s3, s30  }
0x31: {  	s0 =	sor.u32 s2, s0;
	s1 =	sshll.u32 s1, $0x11  }
0x32: {  	s0 =	sor.u32 s1, s0  }
0x33: {  	s0 =	sadd.s32 $0x8F2B, s0  }
0x34: {  	[sflag:s0] =	ssyncadd.remote.s32 $0x1  }
0x35: {  	_ =	sfence.sel $0xFFFF  }
0x36: {  	[dreg:$0x0] =	wrdreg $0xFFFFFFFF;
	(pc) =	sbr.abs _section_cstart, $3  }
0x37: {  	[dreg:$0x1] =	wrdreg $0xFFFFFFFF  }
0x38: {  	_ =	task.clear_ibuf [dreg:s6], $0x2FFFF;
	_ =	strace $0x9FFFFFFF  }
0x39: {  	(tm) =	ssettm $0x7FFFFFFF  }
tec
execute0_lowered:
.L_overlay_start_1:
0x0: {  	(tag) =	ssettag $0x1  }
0x1: {  	s4 =	rddreg [dreg:$0x0]  }
0x2: {  	s0 =	rddreg [dreg:$0x1]  }
0x3: {  	s1 =	stileid.u32;
	_ =	strace $0x8000005C;
	s5 =	srdreg.scid  }
0x4: {  	s9 =	simm.s32 $0x2;
	s14 =	simm.s32 $0x0;
	s16 =	simm.s32 $0x0  }
0x5: {  	s11 =	simm.s32 $0x0;
	s12 =	simm.s32 $0x0;
	s15 =	simm.s32 $0x0  }
0x6: {  	s2 =	sadd.s32 $0x873E400, s4;
	s3 =	sshll.u32 s1, $0x7;
	s4 =	sadd.s32 $0x6EBE400, s4  }
0x7: {  	s7 =	sshll.u32 s5, $0x7;
	s5 =	simm.s32 $0x1;
	s6 =	ssub.s32 $0xC3500, s3  }
.Ltmp0:
0x8: {  	[sflag:s5] =	ssyncpa.u1 $0x0;
	s8 =	sand.u32 $0x780, s6;
	(pc) =	sbr.rel .LBB1_1-.Ltmp0, $4  }
0x9: {  	s13 =	smov.u32 s3;
	p0 =	sne.s32 s8, $0x0;
	s8 =	simm.s32 $0x1  }
0xa: {  	s10 =	sshrl.u32 s6, $0xB;
	s6 =	sand.u32 $0x80, s7;
	s8 =	simm.s32 @!p0 $0x0  }
0xb: {  	[sflag:s9] =	ssyncpa.u1 $0x0;
	p0 =	por $0x0, $0x0;
	s7 =	sadd.s32 s8, s10  }
0xc: {  	s8 =	sshll.u32 s6, $0x3;
	s10 =	simm.s32 $0x61A800;
	s9 =	sadd.s32 $0x1, s7  }
.LBB1_4:
0xd: {  	s22 =	sshrl.u32 s11, $0x3  }
0xe: {  	s23 =	sshll.u32 s12, $0x3;
	s22 =	smul.u32 $0x61A800, s22  }
0xf: {  	s23 =	sand.u32 $0xFFFFFC00, s23  }
0x10: {  	s22 =	sadd.s32 s23, s22  }
0x11: {  	s23 =	sshrl.u32 s22, $0x8  }
0x12: {  	s21 =	sshra.s32 s21, $0x2;
	s23 =	smulhi.u32 $0x14F8B59, s23  }
0x13: {  	v5 =	vld [tilespmem:s18+$0xFFFFFFD0];
	[tilespmem:s19+$0x2040 ss:$0x81] =	vst.msk $0xffff, v3;
	s30 =	sand.u32 $0x7F, s12;
	p1 =	sgt.s32 s12, $0xC3480;
	s25 =	smov.u32 s12  }
0x14: {  	v58 =	vld [tilespmem:s18+$0xFFFFFFE0];
	[tilespmem:s19+$0x2850 ss:$0x81] =	vst.msk $0xffff, v4;
	s26 =	sshra.s32 s12, $0x1F;
	s25 =	simm.s32 @!p1 $0xC3480;
	s23 =	sshrl.u32 s23, $0x4  }
0x15: {  	v59 =	vld [tilespmem:s18+$0xFFFFFFF0];
	[tilespmem:s19+$0x3060 ss:$0x81] =	vst.msk $0xffff, v2;
	s31 =	sor.u32 s30, s22;
	s22 =	sand.u32 s26, s12;
	s24 =	smul.u32 $0xE39, s23  }
0x16: {  	[tilespmem:s19+$0x0 ss:$0x81] =	vst.msk $0xffff, v1;
	v60 =	vld [tilespmem:s18+$0x0];
	s20 =	sadd.s32 s21, s20;
	s21 =	ssub.s32 s25, s22  }
0x17: {  	v61 =	vld [tilespmem:s18+$0x10];
	p1 =	sgt.s32 s11, $0x10;
	[tilespmem:s20+$0x3870 ss:$0x81] =	vst.msk $0xffff, v0;
	s25 =	sadd.s32 $0xFFF3CB80, s21;
	s26 =	sshrl.u32 s24, $0x13  }
0x18: {  	v62 =	vld [tilespmem:s18+$0x20];
	[tilespmem:s20+$0x810 ss:$0x81] =	vst.msk $0xffff, v5;
	s21 =	ssub.s32 $0xC3500, s21;
	s24 =	smov.u32 s11;
	s22 =	smul.u32 $0x90, s26  }
0x19: {  	v63 =	vld [tilespmem:s18+$0xFFFFFFC0];
	[tilespmem:s20+$0x1020 ss:$0x81] =	vst.msk $0xffff, v58;
	s27 =	smul.u32 $0xC3500, s23;
	s24 =	simm.s32 @!p1 $0x10;
	p1 =	sgt.s32 s25, $0x7F  }
0x1a: {  	[tilespmem:s20+$0x1830 ss:$0x81] =	vst.msk $0xffff, v59;
	s28 =	ssub.s32 $0x90, s24;
	s21 =	simm.s32 @p1 $0x0;
	s22 =	ssub.s32 s23, s22  }
0x1b: {  	[tilespmem:s20+$0x2040 ss:$0x81] =	vst.msk $0xffff, v60;
	s18 =	ssub.s32 s31, s27;
	s21 =	smul.u32 s28, s21;
	s29 =	sand.u32 $0xFFFF, s22  }
0x1c: {  	[tilespmem:s20+$0x2850 ss:$0x81] =	vst.msk $0xffff, v61;
	s30 =	sshrl.u32 s18, $0x3;
	s18 =	sand.u32 $0x7, s18;
	s19 =	smul.u32 $0x186A0, s29  }
0x1d: {  	[tilespmem:s20+$0x3060 ss:$0x81] =	vst.msk $0xffff, v62;
	s18 =	sshll.u32 s18, $0x12;
	s22 =	sadd.s32 s4, s30  }
0x1e: {  	[tilespmem:s20+$0x0 ss:$0x81] =	vst.msk $0xffff, v63;
	s18 =	sor.u32 $0x400, s18;
	s31 =	sand.u32 $0x3FFFFFF0, s21;
	s19 =	sadd.s32 s19, s22  }
0x1f: {  	[hbm4b:s19+s18] =	stream.strided.scatter [tilespmem:s17], [sflag:$0x2], s31, s10, s18, $0x20;
	[tilespmem:$0x10100] =	vst v63  }
.LBB1_5:
0x20: {  	p1 =	slt.u32 s15, $0x2  }
0x21: {  	p2 =	sgt.s32 @!p1 s16, $0xC3480  }
0x22: {  	s17 =	smov.u32 s16;
	s18 =	sshra.s32 @!p1 s16, $0x1F;
	p2 =	por !p2, p1  }
0x23: {  	s16 =	sand.u32 @!p1 s18, s16;
	s17 =	simm.s32 @p2 $0xC3480  }
0x24: {  	s16 =	ssub.s32 @!p1 s17, s16  }
0x25: {  	p2 =	sgt.s32 @!p1 s14, $0x10;
	s17 =	sadd.s32 @!p1 $0xFFF3CB80, s16  }
0x26: {  	s18 =	sadd.s32 $0x800, s13;
	p2 =	por !p2, p1;
	p3 =	sgt.s32 @!p1 s17, $0x7F  }
0x27: {  	s14 =	simm.s32 @p2 $0x10;
	s16 =	ssub.s32 @!p1 $0xC3500, s16;
	p2 =	por !p3, p1  }
0x28: {  	s14 =	ssub.s32 @!p1 $0x90, s14;
	s16 =	simm.s32 @!p2 $0x0;
	p2 =	sgt.s32 s18, $0xC34FF  }
0x29: {  	s14 =	smul.u32 @!p1 s14, s16;
	s18 =	smov.u32 @p2 s3;
	p2 =	sne.s32 s15, s9  }
.Ltmp1:
0x2a: {  	s20 =	sadd.s32 $0x1, s15;
	p0 =	por !p0, !p0;
	(pc) =	sbr.rel @!p2 .LBB1_6-.Ltmp1, $4  }
0x2b: {  	s17 =	simm.s32 @!p1 $0x2;
	s16 =	smov.u32 s12;
	s14 =	sand.u32 @!p1 $0x3FFFFFFF, s14  }
0x2c: {  	s12 =	smov.u32 s13;
	s15 =	smov.u32 s20;
	_ =	swait.ge @!p1 [sflag:s17], s14  }
0x2d: {  	s13 =	smov.u32 s18;
	s19 =	ssub.s32 @!p1 $0x0, s14;
	[sflag:s17] =	ssyncset.done @!p1 $0x0  }
0x2e: {  	s14 =	smov.u32 s11;
	s11 =	smov.u32 s6;
	[sflag:s17] =	ssyncadd.s32 @!p1 s19  }
.LBB1_1:
0x2f: {  	p1 =	sge.u32 s15, s7  }
0x30: {  	s17 =	sshll.u32 @!p1 s13, $0x8  }
0x31: {  	s18 =	sshll.u32 @!p1 s13, $0x7;
	s17 =	sand.u32 @!p1 $0xFFFFF800, s17  }
0x32: {  	s18 =	sand.u32 @!p1 $0x300, s18;
	s17 =	sor.u32 @!p1 s8, s17  }
0x33: {  	s17 =	sor.u32 @!p1 s18, s17  }
0x34: {  	s17 =	sshrl.u32 @!p1 s17, $0x8  }
0x35: {  	s18 =	smulhi.u32 @!p1 $0x14F8B59, s17;
	_ =	sdelay $0x1  }
0x36: {  	s18 =	sshrl.u32 @!p1 s18, $0xC  }
0x37: {  	s18 =	smul.u32 @!p1 $0xC3500, s18  }
0x38: {  	s31 =	sadd.s32 $0xFFFFFFFF, s15;
	s19 =	sxor.u32 @!p1 $0xFFFFFFFF, s15;
	s20 =	sshll.u32 @!p1 s13, $0x4  }
0x39: {  	s19 =	sshll.u32 @!p1 s19, $0xE;
	s17 =	ssub.s32 @!p1 s17, s18;
	s18 =	sand.u32 @!p1 $0x10, s20  }
0x3a: {  	s19 =	sand.u32 @!p1 $0x4000, s19;
	s17 =	sshll.u32 @!p1 s17, $0x5;
	s18 =	sadd.s32 @!p1 s2, s18  }
0x3b: {  	s20 =	simm.s32 @!p1 $0x800;
	s17 =	sadd.s32 @!p1 s17, s18;
	s18 =	simm.s32 @!p1 $0x400  }
0x3c: {  	[tilespmem:s19], [sflag:$0x1] =	stream.strided.gather @!p1 [hbm4b:s17+s18], $0x4000, s20, s18, $0x38;
	[tilespmem:$0x10100] =	vst v63  }
0x3d: {  	p1 =	sge.u32 s31, s7  }
.Ltmp2:
0x3e: {  	_ = 	snop;
	(pc) =	sbr.rel @p1 .LBB1_5-.Ltmp2, $1  }
0x3f: {  	_ =	sdelay $0x3  }
0x40: {  	s17 =	simm.s32 $0x1  }
0x41: {  	_ =	swait.ge [sflag:s5], $0x4000;
	s17 =	simm.s32 @!p0 $0x0  }
0x42: {  	[sflag:s5] =	ssyncset.done $0x0;
	s18 =	sshll.u32 s17, $0xE  }
0x43: {  	[sflag:s5] =	ssyncadd.s32 $0xFFFFC000;
	s18 =	sor.u32 $0x40, s18  }
0x44: {  	s17 =	smul.u32 $0x10200, s17;
	v0 =	vld [tilespmem:s18+$0x30]  }
0x45: {  	v1 =	vld [tilespmem:s18+$0xFFFFFFD0]  }
0x46: {  	s17 =	sshrl.u32 s17, $0x2;
	v5 =	vld [tilespmem:s18+$0xFFFFFFE0]  }
0x47: {  	v6 =	vld [tilespmem:s18+$0xFFFFFFF0];
	s20 =	sor.u32 $0x8000, s17  }
0x48: {  	s31 =	sand.u32 $0x1, s15;
	v3 =	vld [tilespmem:s18+$0x0];
	s19 =	sadd.s32 $0x0, s20  }
0x49: {  	v4 =	vld [tilespmem:s18+$0x10];
	s17 =	smul.u32 $0x10200, s31;
	[tilespmem:s19+$0x3870 ss:$0x81] =	vst.msk $0xffff, v0  }
0x4a: {  	v2 =	vld [tilespmem:s18+$0x20];
	[tilespmem:s19+$0x810 ss:$0x81] =	vst.msk $0xffff, v1  }
0x4b: {  	s17 =	sshrl.u32 s17, $0x2;
	v1 =	vld [tilespmem:s18+$0xFFFFFFC0];
	[tilespmem:s19+$0x1020 ss:$0x81] =	vst.msk $0xffff, v5;
	s18 =	sadd.s32 $0x80, s18  }
0x4c: {  	s21 =	simm.s32 $0x4;
	s22 =	simm.s32 $0x8;
	s17 =	sor.u32 $0x8000, s17;
	[tilespmem:s19+$0x1830 ss:$0x81] =	vst.msk $0xffff, v6;
	v0 =	vld [tilespmem:s18+$0x30]  }
.LBB1_3:
0x4d: {  	p1 =	sne.s32 s22, $0x1FC;
	v5 =	vld [tilespmem:s18+$0xFFFFFFD0];
	[tilespmem:s19+$0x2040 ss:$0x81] =	vst.msk $0xffff, v3  }
0x4e: {  	v6 =	vld [tilespmem:s18+$0xFFFFFFE0];
	[tilespmem:s19+$0x2850 ss:$0x81] =	vst.msk $0xffff, v4  }
0x4f: {  	s23 =	sshra.s32 s21, $0x2;
	s21 =	smov.u32 s22;
	v7 =	vld [tilespmem:s18+$0xFFFFFFF0];
	[tilespmem:s19+$0x3060 ss:$0x81] =	vst.msk $0xffff, v2  }
.Ltmp3:
0x50: {  	v3 =	vld [tilespmem:s18+$0x0];
	[tilespmem:s19+$0x0 ss:$0x81] =	vst.msk $0xffff, v1;
	s19 =	sadd.s32 s23, s20;
	(pc) =	sbr.rel @p1 .LBB1_3-.Ltmp3, $4  }
0x51: {  	v4 =	vld [tilespmem:s18+$0x10];
	[tilespmem:s19+$0x3870 ss:$0x81] =	vst.msk $0xffff, v0  }
0x52: {  	[tilespmem:s19+$0x810 ss:$0x81] =	vst.msk $0xffff, v5;
	v2 =	vld [tilespmem:s18+$0x20]  }
0x53: {  	v1 =	vld [tilespmem:s18+$0xFFFFFFC0];
	[tilespmem:s19+$0x1020 ss:$0x81] =	vst.msk $0xffff, v6;
	s18 =	sadd.s32 $0x80, s18  }
0x54: {  	s22 =	sadd.s32 $0x4, s22;
	v0 =	vld [tilespmem:s18+$0x30];
	[tilespmem:s19+$0x1830 ss:$0x81] =	vst.msk $0xffff, v7  }
.Ltmp4:
0x55: {  	_ = 	snop;
	(pc) =	sbr.rel .LBB1_4-.Ltmp4, $1  }
0x56: {  	_ =	sdelay $0x3  }
.LBB1_6:
0x57: {  	_ =	sfence.sel $0x180000  }
0x58: {  	s2 =	simm.s32 $0x1;
	[bflag:$0x0] =	sbarrier.arrive $0xFFFF  }
0x59: {  	s31 =	simm.s32 $0x2;
	[sflag:s2] =	ssyncpa.u1 $0x1  }
0x5a: {  	[sflag:s31] =	ssyncpa.u1 $0x1  }
0x5b: {  	p0 =	sne.s32 s1, $0x0;
	_ =	strace $0x9000005C  }
0x5c: {  	s0 =	sadd.s32 @!p0 $0x100000, s0;
	[bflag:$0x2] =	sbarrier.arrive $0xFFFF  }
0x5d: {  	[sflag:s0] =	ssyncadd.tile.s32 @!p0 $0x1;
	_ =	shalt  }
.Lfunc_end1:
_tile_overlayer_lowered:
.L_overlay_start_2:
0x5e: {  	(tag) =	ssettag $0x2  }
0x5f: {  	s0 =	rddreg [dreg:$0x0];
	s2 =	stileid.u32  }
0x60: {  	s1 =	rddreg [dreg:$0x1];
	p0 =	sne.s32 s2, $0x0  }
0x61: {  	s3 =	rddreg [dreg:$0x2];
	[bflag:$0x3] =	sbarrier.arrive $0xFFFF;
	s2 =	simm.s32 @!p0 $0x1C01  }
0x62: {  	[timem:s3], [sflag:s2] =	dma.local @!p0 [hbm:s0], s1  }
0x63: {  	s0 =	simm.s32 @!p0 $0x1  }
0x64: {  	_ =	swait.ge @!p0 [sflag:s0], s1  }
0x65: {  	s1 =	ssub.s32 @!p0 $0x0, s1;
	[sflag:s0] =	ssyncset.done @!p0 $0x0  }
0x66: {  	[sflag:s0] =	ssyncadd.s32 @!p0 s1  }
0x67: {  	[bflag:$0x3] =	sbarrier.arrive $0xFFFF  }
0x68: {  	_ =	shalt  }

// kernel: sparse-core-data-format-call.3.cloned.1.call-start
scs
called_computation.6_lowered:
.L_overlay_start_0:
0x0: {  	s1 =	sld [smem:$0x3FD9]  }
0x1: {  	s2 =	sld [smem:$0x3FFE];
	_ =	sdelay $0x1  }
0x2: {  	s3 =	srdreg.scid  }
0x3: {  	s0 =	sand.u32 $0x1, s3  }
0x4: {  	s17 =	sshll.u32 s0, $0xA;
	s1 =	sadd.s32 s2, s1  }
0x5: {  	s1 =	sadd.s32 s1, s17  }
0x6: {  	[smem:$0x3FB5] =	sst s1  }
0x7: {  	_ = 	snop  }
0x8: {  	(tm) =	ssettm $0x1  }
0x9: {  	s18 =	sld [smem:$0x3FFB];
	_ =	sdelay $0x3  }
0xa: {  	_ =	strace s18  }
0xb: {  	s1 =	sld [smem:$0x3FFC];
	_ =	sdelay $0x3  }
0xc: {  	_ =	strace s1  }
0xd: {  	s1 =	sld [smem:$0x3FFD];
	_ =	sdelay $0x3  }
0xe: {  	_ =	strace s1  }
0xf: {  	_ =	strace $0x8FFFFFFF  }
0x10: {  	s19 =	sld [smem:$0x3FDB];
	_ =	sdelay $0x1  }
0x11: {  	s20 =	simm.s32 $_scs_section_size  }
0x12: {  	s4 =	simm.s32 $_size__tile_overlayer_lowered;
	s5 =	simm.s32 $_tile_overlayer_lowered  }
0x13: {  	s23 =	simm.s32 $0x1BFF;
	s22 =	sshll.u32 s5, $0x1;
	s1 =	sadd.s32 s20, s19  }
0x14: {  	s6 =	simm.s32 $0x0;
	s21 =	sshll.u32 s4, $0x1;
	s4 =	sadd.s32 s22, s1  }
0x15: {  	[timem:s6], [sflag:s23] =	dma.local [hbm:s4], s21  }
0x16: {  	_ =	swait.ge [sflag:s23], s21  }
0x17: {  	s2 =	ssub.s32 $0x0, s21;
	[sflag:s23] =	ssyncset.done $0x0  }
0x18: {  	[sflag:s23] =	ssyncadd.s32 s2;
	_ =	sdelay $0x1  }
0x19: {  	s24 =	simm.s32 $0x1B8B  }
0x1a: {  	_ =	swait.ge [sflag:s24], $0x1  }
0x1b: {  	[sflag:s24] =	ssyncset.done $0x0  }
0x1c: {  	s26 =	simm.s32 $0x1B8E;
	s25 =	sld [smem:$0x3FFE];
	[sflag:s24] =	ssyncadd.s32 $0xFFFFFFFF  }
0x1d: {  	s27 =	simm.s32 $execute0_lowered;
	[smem:$0x3FD2] =	sst s26  }
0x1e: {  	s4 =	sshll.u32 s27, $0x1;
	_ =	strace $0x80000052;
	[dreg:$0x1] =	wrdreg $0xFFFFFFFF  }
0x1f: {  	s28 =	simm.s32 $_size_execute0_lowered;
	s1 =	sadd.s32 s1, s4;
	[dreg:$0x0] =	wrdreg $0x0  }
0x20: {  	s4 =	sshll.u32 s28, $0x1;
	[dreg:$0x2] =	wrdreg s1  }
0x21: {  	[dreg:$0x3] =	wrdreg s4  }
0x22: {  	[dreg:$0x4] =	wrdreg $0xC0  }
0x23: {  	_ =	task [dreg:s6], $0x5FFFF  }
0x24: {  	[dreg:$0x1] =	wrdreg $0xFFFFFFFF  }
0x25: {  	[dreg:$0x0] =	wrdreg $0x60  }
0x26: {  	[dreg:$0x2] =	wrdreg s25  }
0x27: {  	[dreg:$0x3] =	wrdreg $0x9  }
0x28: {  	_ =	task.clear_ibuf [dreg:s6], $0x4FFFF;
	_ =	strace $0x90000052  }
0x29: {  	s29 =	simm.s32 $0x9;
	_ =	strace $0x80000054  }
0x2a: {  	_ =	swait.ge [sflag:s29], $0x1  }
0x2b: {  	[sflag:s29] =	ssyncadd.s32 $0xFFFFFFFF  }
0x2c: {  	_ =	strace $0x90000054  }
0x2d: {  	_ =	sfence  }
0x2e: {  	s30 =	sld [smem:$0x0];
	_ =	sdelay $0x2  }
0x2f: {  	s31 =	sshll.u32 s3, $0xD;
	s3 =	sshrl.u32 s3, $0x2  }
0x30: {  	s2 =	sand.u32 $0x4000, s31;
	s1 =	sadd.s32 s3, s30  }
0x31: {  	s0 =	sor.u32 s2, s0;
	s1 =	sshll.u32 s1, $0x11  }
0x32: {  	s0 =	sor.u32 s1, s0  }
0x33: {  	s0 =	sadd.s32 $0x8F2B, s0  }
0x34: {  	[sflag:s0] =	ssyncadd.remote.s32 $0x1  }
0x35: {  	_ =	sfence.sel $0xFFFF  }
0x36: {  	[dreg:$0x0] =	wrdreg $0xFFFFFFFF;
	(pc) =	sbr.abs _section_cstart, $3  }
0x37: {  	[dreg:$0x1] =	wrdreg $0xFFFFFFFF  }
0x38: {  	_ =	task.clear_ibuf [dreg:s6], $0x2FFFF;
	_ =	strace $0x9FFFFFFF  }
0x39: {  	(tm) =	ssettm $0x7FFFFFFF  }
tec
execute0_lowered:
.L_overlay_start_1:
0x0: {  	(tag) =	ssettag $0x1  }
0x1: {  	s0 =	srdreg.scid  }
0x2: {  	s6 =	rddreg [dreg:$0x0];
	s7 =	simm.s32 $0x1;
	s1 =	sshll.u32 s0, $0x4  }
0x3: {  	s8 =	simm.s32 $0x2;
	s0 =	stileid.u32;
	s1 =	sand.u32 $0x10, s1  }
0x4: {  	s13 =	simm.s32 $0x0;
	s12 =	simm.s32 $0x0;
	s1 =	sor.u32 s0, s1  }
0x5: {  	s10 =	simm.s32 $0x0;
	s3 =	sadd.s32 $0xFFFC00, s6;
	s2 =	sshll.u32 s1, $0x8  }
0x6: {  	s11 =	simm.s32 $0x0;
	s6 =	sadd.s32 $0x6289400, s6;
	s5 =	ssub.s32 $0xC3500, s2  }
.Ltmp0:
0x7: {  	s1 =	rddreg [dreg:$0x1];
	s4 =	sand.u32 $0x1F00, s5;
	(pc) =	sbr.rel .LBB1_1-.Ltmp0, $4  }
0x8: {  	_ =	strace $0x80000053;
	s9 =	smov.u32 s2;
	p0 =	sne.s32 s4, $0x0  }
0x9: {  	s5 =	sshrl.u32 s5, $0xD;
	s4 =	simm.s32 $0x1;
	s7 =	simm.s32 @!p0 $0x0  }
0xa: {  	[sflag:s4] =	ssyncpa.u1 $0x0;
	p0 =	por $0x0, $0x0;
	s5 =	sadd.s32 s7, s5  }
0xb: {  	[sflag:s8] =	ssyncpa.u1 $0x0;
	s8 =	simm.s32 $0x80;
	s7 =	sadd.s32 $0x1, s5  }
.LBB1_4:
0xc: {  	_ =	sdelay $0x3  }
0xd: {  	s21 =	sor.u32 s24, s23;
	v47 =	vld.idx.msk [tilespmem:v0+s16+$0x470 ss:$0x1], $0xffff  }
0xe: {  	v57 =	vld.idx.msk [tilespmem:v0+s21+$0x410 ss:$0x1], $0xffff  }
0xf: {  	v58 =	vld.idx.msk [tilespmem:v0+s21+$0x420 ss:$0x1], $0xffff  }
0x10: {  	[tilespmem:s18+$0x660 ss:$0x11] =	vst.msk $0xffff, v8;
	v59 =	vld.idx.msk [tilespmem:v0+s21+$0x430 ss:$0x1], $0xffff  }
0x11: {  	[tilespmem:s18+$0x770 ss:$0x11] =	vst.msk $0xffff, v7;
	v60 =	vld.idx.msk [tilespmem:v0+s21+$0x440 ss:$0x1], $0xffff  }
0x12: {  	[tilespmem:s18+$0x990 ss:$0x11] =	vst.msk $0xffff, v1;
	s22 =	sand.u32 $0xB00, s21;
	v61 =	vld.idx.msk [tilespmem:v0+s21+$0x450 ss:$0x1], $0xffff  }
0x13: {  	s20 =	sand.u32 $0x80, s20;
	[tilespmem:s18+$0xAA0 ss:$0x11] =	vst.msk $0xffff, v2;
	v62 =	vld.idx.msk [tilespmem:v0+s21+$0x460 ss:$0x1], $0xffff;
	s15 =	sadd.s32 s22, s15  }
0x14: {  	[tilespmem:s18+$0xBB0 ss:$0x11] =	vst.msk $0xffff, v3;
	v63 =	vld.idx.msk [tilespmem:v0+s21+$0x470 ss:$0x1], $0xffff;
	s15 =	sadd.s32 s20, s15  }
0x15: {  	[tilespmem:s18+$0xCC0 ss:$0x11] =	vst.msk $0xffff, v4;
	v48 =	vld [tilespmem:s15+$0x400]  }
0x16: {  	[tilespmem:s18+$0xDD0 ss:$0x11] =	vst.msk $0xffff, v5;
	v49 =	vld [tilespmem:s15+$0x0]  }
0x17: {  	s25 =	sshra.s32 s19, $0x2;
	[tilespmem:s18+$0xEE0 ss:$0x11] =	vst.msk $0xffff, v6;
	v50 =	vld [tilespmem:s15+$0x10]  }
0x18: {  	s16 =	sadd.s32 s25, s17;
	v51 =	vld [tilespmem:s15+$0x20];
	[tilespmem:s18+$0xFF0 ss:$0x11] =	vst.msk $0xffff, v47  }
0x19: {  	v52 =	vld [tilespmem:s15+$0x30];
	[tilespmem:s16+$0x990 ss:$0x11] =	vst.msk $0xffff, v57  }
0x1a: {  	v53 =	vld [tilespmem:s15+$0x40];
	[tilespmem:s16+$0xAA0 ss:$0x11] =	vst.msk $0xffff, v58  }
0x1b: {  	v54 =	vld [tilespmem:s15+$0x50];
	[tilespmem:s16+$0xBB0 ss:$0x11] =	vst.msk $0xffff, v59  }
0x1c: {  	s13 =	sshll.u32 s13, $0x7;
	s26 =	sshll.u32 s12, $0x3;
	v55 =	vld [tilespmem:s15+$0x60];
	[tilespmem:s16+$0xCC0 ss:$0x11] =	vst.msk $0xffff, v60  }
0x1d: {  	s27 =	sand.u32 $0xFFFFFC00, s13;
	v56 =	vld [tilespmem:s15+$0x70];
	s15 =	sand.u32 $0xFFFFFC00, s26;
	[tilespmem:s16+$0xDD0 ss:$0x11] =	vst.msk $0xffff, v61  }
0x1e: {  	s13 =	sand.u32 $0x380, s13;
	s15 =	sadd.s32 s15, s27;
	[tilespmem:s16+$0xEE0 ss:$0x11] =	vst.msk $0xffff, v62  }
0x1f: {  	s13 =	sor.u32 s13, s15;
	[tilespmem:s16+$0xFF0 ss:$0x11] =	vst.msk $0xffff, v63  }
0x20: {  	s13 =	sshrl.u32 s13, $0x7;
	[tilespmem:s16+$0x880 ss:$0x11] =	vst.msk $0xffff, v48  }
0x21: {  	s28 =	smulhi.u32 $0x14F8B59, s13;
	[tilespmem:s16+$0x0 ss:$0x11] =	vst.msk $0xffff, v49  }
0x22: {  	[tilespmem:s16+$0x110 ss:$0x11] =	vst.msk $0xffff, v50  }
0x23: {  	[tilespmem:s16+$0x220 ss:$0x11] =	vst.msk $0xffff, v51;
	s15 =	sshrl.u32 s28, $0xC  }
0x24: {  	[tilespmem:s16+$0x330 ss:$0x11] =	vst.msk $0xffff, v52;
	s15 =	smul.u32 $0xC3500, s15  }
0x25: {  	s29 =	sshrl.u32 s12, $0x3;
	[tilespmem:s16+$0x440 ss:$0x11] =	vst.msk $0xffff, v53  }
0x26: {  	s31 =	sand.u32 $0x7, s12;
	s30 =	sand.u32 $0xF, s29;
	[tilespmem:s16+$0x550 ss:$0x11] =	vst.msk $0xffff, v54;
	s13 =	ssub.s32 s13, s15  }
0x27: {  	s12 =	sshll.u32 s31, $0x12;
	[tilespmem:s16+$0x660 ss:$0x11] =	vst.msk $0xffff, v55;
	s15 =	sadd.s32 s6, s30;
	s13 =	sshll.u32 s13, $0x4  }
0x28: {  	s12 =	sor.u32 $0x10, s12;
	[tilespmem:s16+$0x770 ss:$0x11] =	vst.msk $0xffff, v56;
	s13 =	sadd.s32 s13, s15  }
0x29: {  	[hbm4b:s13+s12] =	stream.strided.scatter [tilespmem:s14], [sflag:$0x2], $0x1000, s8, s12, $0x8;
	[tilespmem:$0x4200] =	vst v63  }
.LBB1_5:
0x2a: {  	s14 =	sadd.s32 $0x2000, s9  }
0x2b: {  	s12 =	sadd.s32 $0x10, s10;
	s16 =	smov.u32 s10;
	p2 =	sgt.s32 s14, $0xC34FF  }
0x2c: {  	s16 =	smov.u32 @p2 s12  }
0x2d: {  	s14 =	smov.u32 @p2 s2;
	p2 =	sgt.s32 s16, $0xF  }
0x2e: {  	s16 =	simm.s32 @p2 $0x0;
	p2 =	sne.s32 s11, s7  }
.Ltmp1:
0x2f: {  	p1 =	slt.u32 s11, $0x2;
	(pc) =	sbr.rel @!p2 .LBB1_6-.Ltmp1, $4  }
0x30: {  	s15 =	simm.s32 @!p1 $0x2  }
0x31: {  	s13 =	smov.u32 s9;
	p0 =	por !p0, !p0;
	_ =	swait.ge @!p1 [sflag:s15], $0x1000  }
0x32: {  	s12 =	smov.u32 s10;
	[sflag:s15] =	ssyncset.done @!p1 $0x0;
	s9 =	smov.u32 s14  }
0x33: {  	s11 =	sadd.s32 $0x1, s11;
	[sflag:s15] =	ssyncadd.s32 @!p1 $0xFFFFF000;
	s10 =	smov.u32 s16  }
.LBB1_1:
0x34: {  	p1 =	sge.u32 s11, s5  }
0x35: {  	s14 =	sshrl.u32 @!p1 s10, $0x3  }
0x36: {  	s15 =	sshll.u32 @!p1 s9, $0x3;
	s14 =	smul.u32 @!p1 $0x61A800, s14  }
0x37: {  	s16 =	sshll.u32 @!p1 s10, $0x7;
	s15 =	sand.u32 @!p1 $0xFFFFFC00, s15  }
0x38: {  	s14 =	sadd.s32 @!p1 s14, s15;
	s15 =	sand.u32 @!p1 $0x380, s16  }
0x39: {  	s14 =	sor.u32 @!p1 s15, s14  }
0x3a: {  	s15 =	sshrl.u32 @!p1 s14, $0x8  }
0x3b: {  	s15 =	smulhi.u32 @!p1 $0x14F8B59, s15;
	_ =	sdelay $0x1  }
0x3c: {  	s15 =	sshrl.u32 @!p1 s15, $0x4  }
0x3d: {  	s16 =	sand.u32 @!p1 $0x7F, s9;
	s17 =	smul.u32 @!p1 $0xC3500, s15  }
0x3e: {  	s31 =	sadd.s32 $0xFFFFFFFF, s11;
	s14 =	sor.u32 @!p1 s16, s14;
	s16 =	sxor.u32 @!p1 $0xFFFFFFFF, s11  }
0x3f: {  	s16 =	sshll.u32 @!p1 s16, $0xC;
	s15 =	sand.u32 @!p1 $0xF, s15;
	s14 =	ssub.s32 @!p1 s14, s17  }
0x40: {  	s15 =	smul.u32 @!p1 $0x186A0, s15;
	s17 =	sshrl.u32 @!p1 s14, $0x3;
	s14 =	sand.u32 @!p1 $0x7, s14  }
0x41: {  	s16 =	sand.u32 @!p1 $0x1000, s16;
	s17 =	sadd.s32 @!p1 s3, s17;
	s14 =	sshll.u32 @!p1 s14, $0x12  }
0x42: {  	s15 =	sadd.s32 @!p1 s15, s17;
	s14 =	sor.u32 @!p1 $0x800, s14;
	s17 =	simm.s32 @!p1 $0x61A800  }
0x43: {  	[tilespmem:s16], [sflag:$0x1] =	stream.strided.gather @!p1 [hbm4b:s15+s14], $0x1000, s17, s14, $0x38;
	[tilespmem:$0x4200] =	vst v63  }
0x44: {  	p1 =	sge.u32 s31, s5  }
.Ltmp2:
0x45: {  	_ = 	snop;
	(pc) =	sbr.rel @p1 .LBB1_5-.Ltmp2, $1  }
0x46: {  	_ =	sdelay $0x3  }
0x47: {  	s17 =	simm.s32 $0x0  }
0x48: {  	s16 =	sand.u32 $0x800, s17;
	s18 =	sand.u32 $0x380, s17  }
0x49: {  	s14 =	sand.u32 $0x1, s11;
	s16 =	sor.u32 s18, s16  }
0x4a: {  	_ =	swait.ge [sflag:s4], $0x1000;
	s15 =	sshll.u32 s14, $0xC;
	s18 =	sand.u32 $0xB00, s16  }
0x4b: {  	[sflag:s4] =	ssyncset.done $0x0;
	s17 =	sand.u32 $0x80, s17;
	s18 =	sadd.s32 s18, s15  }
0x4c: {  	[sflag:s4] =	ssyncadd.s32 $0xFFFFF000;
	s20 =	sadd.s32 s17, s18  }
0x4d: {  	v4 =	vld [tilespmem:s20+$0x400]  }
0x4e: {  	s19 =	simm.s32 $0x1;
	v5 =	vld [tilespmem:s20+$0x0]  }
0x4f: {  	s19 =	simm.s32 @!p0 $0x0;
	v6 =	vld [tilespmem:s20+$0x10]  }
0x50: {  	v0 =	vmov s15;
	s31 =	smul.u32 $0x4400, s19;
	v7 =	vld [tilespmem:s20+$0x20]  }
0x51: {  	v9 =	vld [tilespmem:s20+$0x30]  }
0x52: {  	s17 =	sshrl.u32 s31, $0x2;
	v10 =	vld [tilespmem:s20+$0x40]  }
0x53: {  	s17 =	sor.u32 $0x2000, s17;
	v11 =	vld [tilespmem:s20+$0x50]  }
0x54: {  	v8 =	vld [tilespmem:s20+$0x60];
	s18 =	sadd.s32 $0x0, s17  }
0x55: {  	v1 =	vld.idx.msk [tilespmem:v0+s16+$0x410 ss:$0x1], $0xffff;
	[tilespmem:s18+$0x880 ss:$0x11] =	vst.msk $0xffff, v4  }
0x56: {  	v2 =	vld.idx.msk [tilespmem:v0+s16+$0x420 ss:$0x1], $0xffff;
	[tilespmem:s18+$0x0 ss:$0x11] =	vst.msk $0xffff, v5  }
0x57: {  	v3 =	vld.idx.msk [tilespmem:v0+s16+$0x430 ss:$0x1], $0xffff;
	[tilespmem:s18+$0x110 ss:$0x11] =	vst.msk $0xffff, v6  }
0x58: {  	s14 =	smul.u32 $0x4400, s14;
	[tilespmem:s18+$0x220 ss:$0x11] =	vst.msk $0xffff, v7;
	v7 =	vld [tilespmem:s20+$0x70]  }
0x59: {  	s21 =	simm.s32 $0x100;
	s22 =	simm.s32 $0x8;
	[tilespmem:s18+$0x330 ss:$0x11] =	vst.msk $0xffff, v9;
	v4 =	vld.idx.msk [tilespmem:v0+s16+$0x440 ss:$0x1], $0xffff  }
0x5a: {  	s23 =	sand.u32 $0x800, s21;
	s14 =	sshrl.u32 s14, $0x2;
	[tilespmem:s18+$0x440 ss:$0x11] =	vst.msk $0xffff, v10;
	v5 =	vld.idx.msk [tilespmem:v0+s16+$0x450 ss:$0x1], $0xffff;
	s20 =	simm.s32 $0x80  }
0x5b: {  	s19 =	simm.s32 $0x4;
	s14 =	sor.u32 $0x2000, s14;
	[tilespmem:s18+$0x550 ss:$0x11] =	vst.msk $0xffff, v11;
	v6 =	vld.idx.msk [tilespmem:v0+s16+$0x460 ss:$0x1], $0xffff;
	s24 =	sand.u32 $0x380, s20  }
.LBB1_3:
0x5c: {  	p1 =	sne.s32 s22, $0x3C;
	[tilespmem:s18+$0x660 ss:$0x11] =	vst.msk $0xffff, v8;
	v8 =	vld.idx.msk [tilespmem:v0+s16+$0x470 ss:$0x1], $0xffff;
	s16 =	sor.u32 s24, s23  }
0x5d: {  	s23 =	sand.u32 $0xB00, s16;
	v9 =	vld.idx.msk [tilespmem:v0+s16+$0x410 ss:$0x1], $0xffff;
	[tilespmem:s18+$0x770 ss:$0x11] =	vst.msk $0xffff, v7  }
0x5e: {  	s24 =	sand.u32 $0x80, s20;
	s23 =	sadd.s32 s23, s15;
	v7 =	vld.idx.msk [tilespmem:v0+s16+$0x420 ss:$0x1], $0xffff;
	[tilespmem:s18+$0x990 ss:$0x11] =	vst.msk $0xffff, v1  }
0x5f: {  	s23 =	sadd.s32 s24, s23;
	v10 =	vld.idx.msk [tilespmem:v0+s16+$0x430 ss:$0x1], $0xffff;
	[tilespmem:s18+$0xAA0 ss:$0x11] =	vst.msk $0xffff, v2  }
0x60: {  	v11 =	vld [tilespmem:s23+$0x400];
	[tilespmem:s18+$0xBB0 ss:$0x11] =	vst.msk $0xffff, v3  }
0x61: {  	v12 =	vld [tilespmem:s23+$0x0];
	[tilespmem:s18+$0xCC0 ss:$0x11] =	vst.msk $0xffff, v4  }
0x62: {  	v4 =	vld [tilespmem:s23+$0x10];
	[tilespmem:s18+$0xDD0 ss:$0x11] =	vst.msk $0xffff, v5  }
0x63: {  	s24 =	sshra.s32 s19, $0x2;
	s19 =	smov.u32 s22;
	v1 =	vmov v9;
	v5 =	vld [tilespmem:s23+$0x20];
	[tilespmem:s18+$0xEE0 ss:$0x11] =	vst.msk $0xffff, v6  }
0x64: {  	v2 =	vmov v7;
	v6 =	vld [tilespmem:s23+$0x30];
	[tilespmem:s18+$0xFF0 ss:$0x11] =	vst.msk $0xffff, v8;
	s18 =	sadd.s32 s24, s17  }
0x65: {  	v3 =	vmov v10;
	v9 =	vld [tilespmem:s23+$0x40];
	[tilespmem:s18+$0x880 ss:$0x11] =	vst.msk $0xffff, v11  }
0x66: {  	[tilespmem:s18+$0x0 ss:$0x11] =	vst.msk $0xffff, v12;
	v10 =	vld [tilespmem:s23+$0x50]  }
.Ltmp3:
0x67: {  	[tilespmem:s18+$0x110 ss:$0x11] =	vst.msk $0xffff, v4;
	v8 =	vld [tilespmem:s23+$0x60];
	(pc) =	sbr.rel @p1 .LBB1_3-.Ltmp3, $4  }
0x68: {  	[tilespmem:s18+$0x220 ss:$0x11] =	vst.msk $0xffff, v5;
	v7 =	vld [tilespmem:s23+$0x70]  }
0x69: {  	[tilespmem:s18+$0x330 ss:$0x11] =	vst.msk $0xffff, v6;
	v4 =	vld.idx.msk [tilespmem:v0+s16+$0x440 ss:$0x1], $0xffff  }
0x6a: {  	s20 =	sadd.s32 $0x80, s20;
	s21 =	sadd.s32 $0x100, s21;
	[tilespmem:s18+$0x440 ss:$0x11] =	vst.msk $0xffff, v9;
	v5 =	vld.idx.msk [tilespmem:v0+s16+$0x450 ss:$0x1], $0xffff  }
0x6b: {  	s22 =	sadd.s32 $0x4, s22;
	s24 =	sand.u32 $0x380, s20;
	s23 =	sand.u32 $0x800, s21;
	[tilespmem:s18+$0x550 ss:$0x11] =	vst.msk $0xffff, v10;
	v6 =	vld.idx.msk [tilespmem:v0+s16+$0x460 ss:$0x1], $0xffff  }
.Ltmp4:
0x6c: {  	_ = 	snop;
	(pc) =	sbr.rel .LBB1_4-.Ltmp4, $1  }
0x6d: {  	_ =	sdelay $0x3  }
.LBB1_6:
0x6e: {  	_ =	sfence.sel $0x180000  }
0x6f: {  	s2 =	simm.s32 $0x1;
	[bflag:$0x0] =	sbarrier.arrive $0xFFFF  }
0x70: {  	s31 =	simm.s32 $0x2;
	[sflag:s2] =	ssyncpa.u1 $0x1  }
0x71: {  	[sflag:s31] =	ssyncpa.u1 $0x1  }
0x72: {  	p0 =	sne.s32 s0, $0x0;
	_ =	strace $0x90000053  }
0x73: {  	s0 =	sadd.s32 @!p0 $0x100000, s1;
	[bflag:$0x2] =	sbarrier.arrive $0xFFFF  }
0x74: {  	[sflag:s0] =	ssyncadd.tile.s32 @!p0 $0x1;
	_ =	shalt  }
.Lfunc_end1:
_tile_overlayer_lowered:
.L_overlay_start_2:
0x75: {  	(tag) =	ssettag $0x2  }
0x76: {  	s0 =	rddreg [dreg:$0x0];
	s2 =	stileid.u32  }
0x77: {  	s1 =	rddreg [dreg:$0x1];
	p0 =	sne.s32 s2, $0x0  }
0x78: {  	s3 =	rddreg [dreg:$0x2];
	[bflag:$0x3] =	sbarrier.arrive $0xFFFF;
	s2 =	simm.s32 @!p0 $0x1C01  }
0x79: {  	[timem:s3], [sflag:s2] =	dma.local @!p0 [hbm:s0], s1  }
0x7a: {  	s0 =	simm.s32 @!p0 $0x1  }
0x7b: {  	_ =	swait.ge @!p0 [sflag:s0], s1  }
0x7c: {  	s1 =	ssub.s32 @!p0 $0x0, s1;
	[sflag:s0] =	ssyncset.done @!p0 $0x0  }
0x7d: {  	[sflag:s0] =	ssyncadd.s32 @!p0 s1  }
0x7e: {  	[bflag:$0x3] =	sbarrier.arrive $0xFFFF  }
0x7f: {  	_ =	shalt  }

// kernel: sparse-core-data-format-call.4.cloned.1.call-start
scs
called_computation.7_lowered:
.L_overlay_start_0:
0x0: {  	s1 =	sld [smem:$0x3FD9]  }
0x1: {  	s2 =	sld [smem:$0x3FFE];
	_ =	sdelay $0x1  }
0x2: {  	s3 =	srdreg.scid  }
0x3: {  	s0 =	sand.u32 $0x1, s3  }
0x4: {  	s17 =	sshll.u32 s0, $0xA;
	s1 =	sadd.s32 s2, s1  }
0x5: {  	s1 =	sadd.s32 s1, s17  }
0x6: {  	[smem:$0x3FB5] =	sst s1  }
0x7: {  	_ = 	snop  }
0x8: {  	(tm) =	ssettm $0x1  }
0x9: {  	s18 =	sld [smem:$0x3FFB];
	_ =	sdelay $0x3  }
0xa: {  	_ =	strace s18  }
0xb: {  	s1 =	sld [smem:$0x3FFC];
	_ =	sdelay $0x3  }
0xc: {  	_ =	strace s1  }
0xd: {  	s1 =	sld [smem:$0x3FFD];
	_ =	sdelay $0x3  }
0xe: {  	_ =	strace s1  }
0xf: {  	_ =	strace $0x8FFFFFFF  }
0x10: {  	s19 =	sld [smem:$0x3FDB];
	_ =	sdelay $0x1  }
0x11: {  	s20 =	simm.s32 $_scs_section_size  }
0x12: {  	s4 =	simm.s32 $_size__tile_overlayer_lowered;
	s5 =	simm.s32 $_tile_overlayer_lowered  }
0x13: {  	s23 =	simm.s32 $0x1BFF;
	s22 =	sshll.u32 s5, $0x1;
	s1 =	sadd.s32 s20, s19  }
0x14: {  	s6 =	simm.s32 $0x0;
	s21 =	sshll.u32 s4, $0x1;
	s4 =	sadd.s32 s22, s1  }
0x15: {  	[timem:s6], [sflag:s23] =	dma.local [hbm:s4], s21  }
0x16: {  	_ =	swait.ge [sflag:s23], s21  }
0x17: {  	s2 =	ssub.s32 $0x0, s21;
	[sflag:s23] =	ssyncset.done $0x0  }
0x18: {  	[sflag:s23] =	ssyncadd.s32 s2;
	_ =	sdelay $0x1  }
0x19: {  	s24 =	simm.s32 $0x1B8B  }
0x1a: {  	_ =	swait.ge [sflag:s24], $0x1  }
0x1b: {  	[sflag:s24] =	ssyncset.done $0x0  }
0x1c: {  	s26 =	simm.s32 $0x1B8E;
	s25 =	sld [smem:$0x3FFE];
	[sflag:s24] =	ssyncadd.s32 $0xFFFFFFFF  }
0x1d: {  	s27 =	simm.s32 $execute0_lowered;
	[smem:$0x3FD2] =	sst s26  }
0x1e: {  	s4 =	sshll.u32 s27, $0x1;
	_ =	strace $0x8000004F;
	[dreg:$0x1] =	wrdreg $0xFFFFFFFF  }
0x1f: {  	s28 =	simm.s32 $_size_execute0_lowered;
	s1 =	sadd.s32 s1, s4;
	[dreg:$0x0] =	wrdreg $0x0  }
0x20: {  	s4 =	sshll.u32 s28, $0x1;
	[dreg:$0x2] =	wrdreg s1  }
0x21: {  	[dreg:$0x3] =	wrdreg s4  }
0x22: {  	[dreg:$0x4] =	wrdreg $0xC0  }
0x23: {  	_ =	task [dreg:s6], $0x5FFFF  }
0x24: {  	[dreg:$0x1] =	wrdreg $0xFFFFFFFF  }
0x25: {  	[dreg:$0x0] =	wrdreg $0x60  }
0x26: {  	[dreg:$0x2] =	wrdreg s25  }
0x27: {  	[dreg:$0x3] =	wrdreg $0x9  }
0x28: {  	_ =	task.clear_ibuf [dreg:s6], $0x4FFFF;
	_ =	strace $0x9000004F  }
0x29: {  	s29 =	simm.s32 $0x9;
	_ =	strace $0x80000051  }
0x2a: {  	_ =	swait.ge [sflag:s29], $0x1  }
0x2b: {  	[sflag:s29] =	ssyncadd.s32 $0xFFFFFFFF  }
0x2c: {  	_ =	strace $0x90000051  }
0x2d: {  	_ =	sfence  }
0x2e: {  	s30 =	sld [smem:$0x0];
	_ =	sdelay $0x2  }
0x2f: {  	s31 =	sshll.u32 s3, $0xD;
	s3 =	sshrl.u32 s3, $0x2  }
0x30: {  	s2 =	sand.u32 $0x4000, s31;
	s1 =	sadd.s32 s3, s30  }
0x31: {  	s0 =	sor.u32 s2, s0;
	s1 =	sshll.u32 s1, $0x11  }
0x32: {  	s0 =	sor.u32 s1, s0  }
0x33: {  	s0 =	sadd.s32 $0x8F2B, s0  }
0x34: {  	[sflag:s0] =	ssyncadd.remote.s32 $0x1  }
0x35: {  	_ =	sfence.sel $0xFFFF  }
0x36: {  	[dreg:$0x0] =	wrdreg $0xFFFFFFFF;
	(pc) =	sbr.abs _section_cstart, $3  }
0x37: {  	[dreg:$0x1] =	wrdreg $0xFFFFFFFF  }
0x38: {  	_ =	task.clear_ibuf [dreg:s6], $0x2FFFF;
	_ =	strace $0x9FFFFFFF  }
0x39: {  	(tm) =	ssettm $0x7FFFFFFF  }
tec
execute0_lowered:
.L_overlay_start_1:
0x0: {  	(tag) =	ssettag $0x1  }
0x1: {  	s4 =	rddreg [dreg:$0x0]  }
0x2: {  	s0 =	rddreg [dreg:$0x1]  }
0x3: {  	s1 =	stileid.u32;
	_ =	strace $0x80000050;
	s5 =	srdreg.scid  }
0x4: {  	s9 =	simm.s32 $0x2;
	s14 =	simm.s32 $0x0;
	s16 =	simm.s32 $0x0  }
0x5: {  	s11 =	simm.s32 $0x0;
	s12 =	simm.s32 $0x0;
	s15 =	simm.s32 $0x0  }
0x6: {  	s2 =	sadd.s32 $0x6D4DA00, s4;
	s3 =	sshll.u32 s1, $0x7;
	s4 =	sadd.s32 $0x54CDA00, s4  }
0x7: {  	s7 =	sshll.u32 s5, $0x7;
	s5 =	simm.s32 $0x1;
	s6 =	ssub.s32 $0xC3500, s3  }
.Ltmp0:
0x8: {  	[sflag:s5] =	ssyncpa.u1 $0x0;
	s8 =	sand.u32 $0x780, s6;
	(pc) =	sbr.rel .LBB1_1-.Ltmp0, $4  }
0x9: {  	s13 =	smov.u32 s3;
	p0 =	sne.s32 s8, $0x0;
	s8 =	simm.s32 $0x1  }
0xa: {  	s10 =	sshrl.u32 s6, $0xB;
	s6 =	sand.u32 $0x80, s7;
	s8 =	simm.s32 @!p0 $0x0  }
0xb: {  	[sflag:s9] =	ssyncpa.u1 $0x0;
	p0 =	por $0x0, $0x0;
	s7 =	sadd.s32 s8, s10  }
0xc: {  	s8 =	sshll.u32 s6, $0x3;
	s10 =	simm.s32 $0x61A800;
	s9 =	sadd.s32 $0x1, s7  }
.LBB1_4:
0xd: {  	s22 =	sshrl.u32 s11, $0x3  }
0xe: {  	s23 =	sshll.u32 s12, $0x3;
	s22 =	smul.u32 $0x61A800, s22  }
0xf: {  	s23 =	sand.u32 $0xFFFFFC00, s23  }
0x10: {  	s22 =	sadd.s32 s23, s22  }
0x11: {  	s23 =	sshrl.u32 s22, $0x8  }
0x12: {  	s21 =	sshra.s32 s21, $0x2;
	s23 =	smulhi.u32 $0x14F8B59, s23  }
0x13: {  	v5 =	vld [tilespmem:s18+$0xFFFFFFD0];
	[tilespmem:s19+$0x2040 ss:$0x81] =	vst.msk $0xffff, v3;
	s30 =	sand.u32 $0x7F, s12;
	p1 =	sgt.s32 s12, $0xC3480;
	s25 =	smov.u32 s12  }
0x14: {  	v58 =	vld [tilespmem:s18+$0xFFFFFFE0];
	[tilespmem:s19+$0x2850 ss:$0x81] =	vst.msk $0xffff, v4;
	s26 =	sshra.s32 s12, $0x1F;
	s25 =	simm.s32 @!p1 $0xC3480;
	s23 =	sshrl.u32 s23, $0x4  }
0x15: {  	v59 =	vld [tilespmem:s18+$0xFFFFFFF0];
	[tilespmem:s19+$0x3060 ss:$0x81] =	vst.msk $0xffff, v2;
	s31 =	sor.u32 s30, s22;
	s22 =	sand.u32 s26, s12;
	s24 =	smul.u32 $0xE39, s23  }
0x16: {  	[tilespmem:s19+$0x0 ss:$0x81] =	vst.msk $0xffff, v1;
	v60 =	vld [tilespmem:s18+$0x0];
	s20 =	sadd.s32 s21, s20;
	s21 =	ssub.s32 s25, s22  }
0x17: {  	v61 =	vld [tilespmem:s18+$0x10];
	p1 =	sgt.s32 s11, $0x10;
	[tilespmem:s20+$0x3870 ss:$0x81] =	vst.msk $0xffff, v0;
	s25 =	sadd.s32 $0xFFF3CB80, s21;
	s26 =	sshrl.u32 s24, $0x13  }
0x18: {  	v62 =	vld [tilespmem:s18+$0x20];
	[tilespmem:s20+$0x810 ss:$0x81] =	vst.msk $0xffff, v5;
	s21 =	ssub.s32 $0xC3500, s21;
	s24 =	smov.u32 s11;
	s22 =	smul.u32 $0x90, s26  }
0x19: {  	v63 =	vld [tilespmem:s18+$0xFFFFFFC0];
	[tilespmem:s20+$0x1020 ss:$0x81] =	vst.msk $0xffff, v58;
	s27 =	smul.u32 $0xC3500, s23;
	s24 =	simm.s32 @!p1 $0x10;
	p1 =	sgt.s32 s25, $0x7F  }
0x1a: {  	[tilespmem:s20+$0x1830 ss:$0x81] =	vst.msk $0xffff, v59;
	s28 =	ssub.s32 $0x90, s24;
	s21 =	simm.s32 @p1 $0x0;
	s22 =	ssub.s32 s23, s22  }
0x1b: {  	[tilespmem:s20+$0x2040 ss:$0x81] =	vst.msk $0xffff, v60;
	s18 =	ssub.s32 s31, s27;
	s21 =	smul.u32 s28, s21;
	s29 =	sand.u32 $0xFFFF, s22  }
0x1c: {  	[tilespmem:s20+$0x2850 ss:$0x81] =	vst.msk $0xffff, v61;
	s30 =	sshrl.u32 s18, $0x3;
	s18 =	sand.u32 $0x7, s18;
	s19 =	smul.u32 $0x186A0, s29  }
0x1d: {  	[tilespmem:s20+$0x3060 ss:$0x81] =	vst.msk $0xffff, v62;
	s18 =	sshll.u32 s18, $0x12;
	s22 =	sadd.s32 s4, s30  }
0x1e: {  	[tilespmem:s20+$0x0 ss:$0x81] =	vst.msk $0xffff, v63;
	s18 =	sor.u32 $0x400, s18;
	s31 =	sand.u32 $0x3FFFFFF0, s21;
	s19 =	sadd.s32 s19, s22  }
0x1f: {  	[hbm4b:s19+s18] =	stream.strided.scatter [tilespmem:s17], [sflag:$0x2], s31, s10, s18, $0x20;
	[tilespmem:$0x10100] =	vst v63  }
.LBB1_5:
0x20: {  	p1 =	slt.u32 s15, $0x2  }
0x21: {  	p2 =	sgt.s32 @!p1 s16, $0xC3480  }
0x22: {  	s17 =	smov.u32 s16;
	s18 =	sshra.s32 @!p1 s16, $0x1F;
	p2 =	por !p2, p1  }
0x23: {  	s16 =	sand.u32 @!p1 s18, s16;
	s17 =	simm.s32 @p2 $0xC3480  }
0x24: {  	s16 =	ssub.s32 @!p1 s17, s16  }
0x25: {  	p2 =	sgt.s32 @!p1 s14, $0x10;
	s17 =	sadd.s32 @!p1 $0xFFF3CB80, s16  }
0x26: {  	s18 =	sadd.s32 $0x800, s13;
	p2 =	por !p2, p1;
	p3 =	sgt.s32 @!p1 s17, $0x7F  }
0x27: {  	s14 =	simm.s32 @p2 $0x10;
	s16 =	ssub.s32 @!p1 $0xC3500, s16;
	p2 =	por !p3, p1  }
0x28: {  	s14 =	ssub.s32 @!p1 $0x90, s14;
	s16 =	simm.s32 @!p2 $0x0;
	p2 =	sgt.s32 s18, $0xC34FF  }
0x29: {  	s14 =	smul.u32 @!p1 s14, s16;
	s18 =	smov.u32 @p2 s3;
	p2 =	sne.s32 s15, s9  }
.Ltmp1:
0x2a: {  	s20 =	sadd.s32 $0x1, s15;
	p0 =	por !p0, !p0;
	(pc) =	sbr.rel @!p2 .LBB1_6-.Ltmp1, $4  }
0x2b: {  	s17 =	simm.s32 @!p1 $0x2;
	s16 =	smov.u32 s12;
	s14 =	sand.u32 @!p1 $0x3FFFFFFF, s14  }
0x2c: {  	s12 =	smov.u32 s13;
	s15 =	smov.u32 s20;
	_ =	swait.ge @!p1 [sflag:s17], s14  }
0x2d: {  	s13 =	smov.u32 s18;
	s19 =	ssub.s32 @!p1 $0x0, s14;
	[sflag:s17] =	ssyncset.done @!p1 $0x0  }
0x2e: {  	s14 =	smov.u32 s11;
	s11 =	smov.u32 s6;
	[sflag:s17] =	ssyncadd.s32 @!p1 s19  }
.LBB1_1:
0x2f: {  	p1 =	sge.u32 s15, s7  }
0x30: {  	s17 =	sshll.u32 @!p1 s13, $0x8  }
0x31: {  	s18 =	sshll.u32 @!p1 s13, $0x7;
	s17 =	sand.u32 @!p1 $0xFFFFF800, s17  }
0x32: {  	s18 =	sand.u32 @!p1 $0x300, s18;
	s17 =	sor.u32 @!p1 s8, s17  }
0x33: {  	s17 =	sor.u32 @!p1 s18, s17  }
0x34: {  	s17 =	sshrl.u32 @!p1 s17, $0x8  }
0x35: {  	s18 =	smulhi.u32 @!p1 $0x14F8B59, s17;
	_ =	sdelay $0x1  }
0x36: {  	s18 =	sshrl.u32 @!p1 s18, $0xC  }
0x37: {  	s18 =	smul.u32 @!p1 $0xC3500, s18  }
0x38: {  	s31 =	sadd.s32 $0xFFFFFFFF, s15;
	s19 =	sxor.u32 @!p1 $0xFFFFFFFF, s15;
	s20 =	sshll.u32 @!p1 s13, $0x4  }
0x39: {  	s19 =	sshll.u32 @!p1 s19, $0xE;
	s17 =	ssub.s32 @!p1 s17, s18;
	s18 =	sand.u32 @!p1 $0x10, s20  }
0x3a: {  	s19 =	sand.u32 @!p1 $0x4000, s19;
	s17 =	sshll.u32 @!p1 s17, $0x5;
	s18 =	sadd.s32 @!p1 s2, s18  }
0x3b: {  	s20 =	simm.s32 @!p1 $0x800;
	s17 =	sadd.s32 @!p1 s17, s18;
	s18 =	simm.s32 @!p1 $0x400  }
0x3c: {  	[tilespmem:s19], [sflag:$0x1] =	stream.strided.gather @!p1 [hbm4b:s17+s18], $0x4000, s20, s18, $0x38;
	[tilespmem:$0x10100] =	vst v63  }
0x3d: {  	p1 =	sge.u32 s31, s7  }
.Ltmp2:
0x3e: {  	_ = 	snop;
	(pc) =	sbr.rel @p1 .LBB1_5-.Ltmp2, $1  }
0x3f: {  	_ =	sdelay $0x3  }
0x40: {  	s17 =	simm.s32 $0x1  }
0x41: {  	_ =	swait.ge [sflag:s5], $0x4000;
	s17 =	simm.s32 @!p0 $0x0  }
0x42: {  	[sflag:s5] =	ssyncset.done $0x0;
	s18 =	sshll.u32 s17, $0xE  }
0x43: {  	[sflag:s5] =	ssyncadd.s32 $0xFFFFC000;
	s18 =	sor.u32 $0x40, s18  }
0x44: {  	s17 =	smul.u32 $0x10200, s17;
	v0 =	vld [tilespmem:s18+$0x30]  }
0x45: {  	v1 =	vld [tilespmem:s18+$0xFFFFFFD0]  }
0x46: {  	s17 =	sshrl.u32 s17, $0x2;
	v5 =	vld [tilespmem:s18+$0xFFFFFFE0]  }
0x47: {  	v6 =	vld [tilespmem:s18+$0xFFFFFFF0];
	s20 =	sor.u32 $0x8000, s17  }
0x48: {  	s31 =	sand.u32 $0x1, s15;
	v3 =	vld [tilespmem:s18+$0x0];
	s19 =	sadd.s32 $0x0, s20  }
0x49: {  	v4 =	vld [tilespmem:s18+$0x10];
	s17 =	smul.u32 $0x10200, s31;
	[tilespmem:s19+$0x3870 ss:$0x81] =	vst.msk $0xffff, v0  }
0x4a: {  	v2 =	vld [tilespmem:s18+$0x20];
	[tilespmem:s19+$0x810 ss:$0x81] =	vst.msk $0xffff, v1  }
0x4b: {  	s17 =	sshrl.u32 s17, $0x2;
	v1 =	vld [tilespmem:s18+$0xFFFFFFC0];
	[tilespmem:s19+$0x1020 ss:$0x81] =	vst.msk $0xffff, v5;
	s18 =	sadd.s32 $0x80, s18  }
0x4c: {  	s21 =	simm.s32 $0x4;
	s22 =	simm.s32 $0x8;
	s17 =	sor.u32 $0x8000, s17;
	[tilespmem:s19+$0x1830 ss:$0x81] =	vst.msk $0xffff, v6;
	v0 =	vld [tilespmem:s18+$0x30]  }
.LBB1_3:
0x4d: {  	p1 =	sne.s32 s22, $0x1FC;
	v5 =	vld [tilespmem:s18+$0xFFFFFFD0];
	[tilespmem:s19+$0x2040 ss:$0x81] =	vst.msk $0xffff, v3  }
0x4e: {  	v6 =	vld [tilespmem:s18+$0xFFFFFFE0];
	[tilespmem:s19+$0x2850 ss:$0x81] =	vst.msk $0xffff, v4  }
0x4f: {  	s23 =	sshra.s32 s21, $0x2;
	s21 =	smov.u32 s22;
	v7 =	vld [tilespmem:s18+$0xFFFFFFF0];
	[tilespmem:s19+$0x3060 ss:$0x81] =	vst.msk $0xffff, v2  }
.Ltmp3:
0x50: {  	v3 =	vld [tilespmem:s18+$0x0];
	[tilespmem:s19+$0x0 ss:$0x81] =	vst.msk $0xffff, v1;
	s19 =	sadd.s32 s23, s20;
	(pc) =	sbr.rel @p1 .LBB1_3-.Ltmp3, $4  }
0x51: {  	v4 =	vld [tilespmem:s18+$0x10];
	[tilespmem:s19+$0x3870 ss:$0x81] =	vst.msk $0xffff, v0  }
0x52: {  	[tilespmem:s19+$0x810 ss:$0x81] =	vst.msk $0xffff, v5;
	v2 =	vld [tilespmem:s18+$0x20]  }
0x53: {  	v1 =	vld [tilespmem:s18+$0xFFFFFFC0];
	[tilespmem:s19+$0x1020 ss:$0x81] =	vst.msk $0xffff, v6;
	s18 =	sadd.s32 $0x80, s18  }
0x54: {  	s22 =	sadd.s32 $0x4, s22;
	v0 =	vld [tilespmem:s18+$0x30];
	[tilespmem:s19+$0x1830 ss:$0x81] =	vst.msk $0xffff, v7  }
.Ltmp4:
0x55: {  	_ = 	snop;
	(pc) =	sbr.rel .LBB1_4-.Ltmp4, $1  }
0x56: {  	_ =	sdelay $0x3  }
.LBB1_6:
0x57: {  	_ =	sfence.sel $0x180000  }
0x58: {  	s2 =	simm.s32 $0x1;
	[bflag:$0x0] =	sbarrier.arrive $0xFFFF  }
0x59: {  	s31 =	simm.s32 $0x2;
	[sflag:s2] =	ssyncpa.u1 $0x1  }
0x5a: {  	[sflag:s31] =	ssyncpa.u1 $0x1  }
0x5b: {  	p0 =	sne.s32 s1, $0x0;
	_ =	strace $0x90000050  }
0x5c: {  	s0 =	sadd.s32 @!p0 $0x100000, s0;
	[bflag:$0x2] =	sbarrier.arrive $0xFFFF  }
0x5d: {  	[sflag:s0] =	ssyncadd.tile.s32 @!p0 $0x1;
	_ =	shalt  }
.Lfunc_end1:
_tile_overlayer_lowered:
.L_overlay_start_2:
0x5e: {  	(tag) =	ssettag $0x2  }
0x5f: {  	s0 =	rddreg [dreg:$0x0];
	s2 =	stileid.u32  }
0x60: {  	s1 =	rddreg [dreg:$0x1];
	p0 =	sne.s32 s2, $0x0  }
0x61: {  	s3 =	rddreg [dreg:$0x2];
	[bflag:$0x3] =	sbarrier.arrive $0xFFFF;
	s2 =	simm.s32 @!p0 $0x1C01  }
0x62: {  	[timem:s3], [sflag:s2] =	dma.local @!p0 [hbm:s0], s1  }
0x63: {  	s0 =	simm.s32 @!p0 $0x1  }
0x64: {  	_ =	swait.ge @!p0 [sflag:s0], s1  }
0x65: {  	s1 =	ssub.s32 @!p0 $0x0, s1;
	[sflag:s0] =	ssyncset.done @!p0 $0x0  }
0x66: {  	[sflag:s0] =	ssyncadd.s32 @!p0 s1  }
0x67: {  	[bflag:$0x3] =	sbarrier.arrive $0xFFFF  }
0x68: {  	_ =	shalt  }

// kernel: sparse-core-data-format-call.cloned.1.call-start
scs
called_computation.3_lowered:
.L_overlay_start_0:
0x0: {  	s1 =	sld [smem:$0x3FD9]  }
0x1: {  	s2 =	sld [smem:$0x3FFE];
	_ =	sdelay $0x1  }
0x2: {  	s3 =	srdreg.scid  }
0x3: {  	s0 =	sand.u32 $0x1, s3  }
0x4: {  	s17 =	sshll.u32 s0, $0xA;
	s1 =	sadd.s32 s2, s1  }
0x5: {  	s1 =	sadd.s32 s1, s17  }
0x6: {  	[smem:$0x3FB5] =	sst s1  }
0x7: {  	_ = 	snop  }
0x8: {  	(tm) =	ssettm $0x1  }
0x9: {  	s18 =	sld [smem:$0x3FFB];
	_ =	sdelay $0x3  }
0xa: {  	_ =	strace s18  }
0xb: {  	s1 =	sld [smem:$0x3FFC];
	_ =	sdelay $0x3  }
0xc: {  	_ =	strace s1  }
0xd: {  	s1 =	sld [smem:$0x3FFD];
	_ =	sdelay $0x3  }
0xe: {  	_ =	strace s1  }
0xf: {  	_ =	strace $0x8FFFFFFF  }
0x10: {  	s19 =	sld [smem:$0x3FDB];
	_ =	sdelay $0x1  }
0x11: {  	s20 =	simm.s32 $_scs_section_size  }
0x12: {  	s4 =	simm.s32 $_size__tile_overlayer_lowered;
	s5 =	simm.s32 $_tile_overlayer_lowered  }
0x13: {  	s23 =	simm.s32 $0x1BFF;
	s22 =	sshll.u32 s5, $0x1;
	s1 =	sadd.s32 s20, s19  }
0x14: {  	s6 =	simm.s32 $0x0;
	s21 =	sshll.u32 s4, $0x1;
	s4 =	sadd.s32 s22, s1  }
0x15: {  	[timem:s6], [sflag:s23] =	dma.local [hbm:s4], s21  }
0x16: {  	_ =	swait.ge [sflag:s23], s21  }
0x17: {  	s2 =	ssub.s32 $0x0, s21;
	[sflag:s23] =	ssyncset.done $0x0  }
0x18: {  	[sflag:s23] =	ssyncadd.s32 s2;
	_ =	sdelay $0x1  }
0x19: {  	s24 =	simm.s32 $0x1B8B  }
0x1a: {  	_ =	swait.ge [sflag:s24], $0x1  }
0x1b: {  	[sflag:s24] =	ssyncset.done $0x0  }
0x1c: {  	s26 =	simm.s32 $0x1B8E;
	s25 =	sld [smem:$0x3FFE];
	[sflag:s24] =	ssyncadd.s32 $0xFFFFFFFF  }
0x1d: {  	s27 =	simm.s32 $execute0_lowered;
	[smem:$0x3FD2] =	sst s26  }
0x1e: {  	s4 =	sshll.u32 s27, $0x1;
	_ =	strace $0x80000061;
	[dreg:$0x1] =	wrdreg $0xFFFFFFFF  }
0x1f: {  	s28 =	simm.s32 $_size_execute0_lowered;
	s1 =	sadd.s32 s1, s4;
	[dreg:$0x0] =	wrdreg $0x0  }
0x20: {  	s4 =	sshll.u32 s28, $0x1;
	[dreg:$0x2] =	wrdreg s1  }
0x21: {  	[dreg:$0x3] =	wrdreg s4  }
0x22: {  	[dreg:$0x4] =	wrdreg $0xC0  }
0x23: {  	_ =	task [dreg:s6], $0x5FFFF  }
0x24: {  	[dreg:$0x1] =	wrdreg $0xFFFFFFFF  }
0x25: {  	[dreg:$0x0] =	wrdreg $0x60  }
0x26: {  	[dreg:$0x2] =	wrdreg s25  }
0x27: {  	[dreg:$0x3] =	wrdreg $0x9  }
0x28: {  	_ =	task.clear_ibuf [dreg:s6], $0x4FFFF;
	_ =	strace $0x90000061  }
0x29: {  	s29 =	simm.s32 $0x9;
	_ =	strace $0x80000063  }
0x2a: {  	_ =	swait.ge [sflag:s29], $0x1  }
0x2b: {  	[sflag:s29] =	ssyncadd.s32 $0xFFFFFFFF  }
0x2c: {  	_ =	strace $0x90000063  }
0x2d: {  	_ =	sfence  }
0x2e: {  	s30 =	sld [smem:$0x0];
	_ =	sdelay $0x2  }
0x2f: {  	s31 =	sshll.u32 s3, $0xD;
	s3 =	sshrl.u32 s3, $0x2  }
0x30: {  	s2 =	sand.u32 $0x4000, s31;
	s1 =	sadd.s32 s3, s30  }
0x31: {  	s0 =	sor.u32 s2, s0;
	s1 =	sshll.u32 s1, $0x11  }
0x32: {  	s0 =	sor.u32 s1, s0  }
0x33: {  	s0 =	sadd.s32 $0x8F2B, s0  }
0x34: {  	[sflag:s0] =	ssyncadd.remote.s32 $0x1  }
0x35: {  	_ =	sfence.sel $0xFFFF  }
0x36: {  	[dreg:$0x0] =	wrdreg $0xFFFFFFFF;
	(pc) =	sbr.abs _section_cstart, $3  }
0x37: {  	[dreg:$0x1] =	wrdreg $0xFFFFFFFF  }
0x38: {  	_ =	task.clear_ibuf [dreg:s6], $0x2FFFF;
	_ =	strace $0x9FFFFFFF  }
0x39: {  	(tm) =	ssettm $0x7FFFFFFF  }
tec
execute0_lowered:
.L_overlay_start_1:
0x0: {  	(tag) =	ssettag $0x1  }
0x1: {  	s0 =	srdreg.scid  }
0x2: {  	s6 =	rddreg [dreg:$0x0];
	s7 =	simm.s32 $0x1;
	s1 =	sshll.u32 s0, $0x4  }
0x3: {  	s8 =	simm.s32 $0x2;
	s0 =	stileid.u32;
	s1 =	sand.u32 $0x10, s1  }
0x4: {  	s13 =	simm.s32 $0x0;
	s12 =	simm.s32 $0x0;
	s1 =	sor.u32 s0, s1  }
0x5: {  	s10 =	simm.s32 $0x0;
	s11 =	simm.s32 $0x0;
	s2 =	sshll.u32 s1, $0x8  }
0x6: {  	s3 =	sadd.s32 $0xFFFC00, s6;
	s6 =	sadd.s32 $0x1F42000, s6;
	s5 =	ssub.s32 $0xC3500, s2  }
.Ltmp0:
0x7: {  	s1 =	rddreg [dreg:$0x1];
	s4 =	sand.u32 $0x1F00, s5;
	(pc) =	sbr.rel .LBB1_1-.Ltmp0, $4  }
0x8: {  	_ =	strace $0x80000062;
	s9 =	smov.u32 s2;
	p0 =	sne.s32 s4, $0x0  }
0x9: {  	s5 =	sshrl.u32 s5, $0xD;
	s4 =	simm.s32 $0x1;
	s7 =	simm.s32 @!p0 $0x0  }
0xa: {  	[sflag:s4] =	ssyncpa.u1 $0x0;
	p0 =	por $0x0, $0x0;
	s5 =	sadd.s32 s7, s5  }
0xb: {  	[sflag:s8] =	ssyncpa.u1 $0x0;
	s8 =	simm.s32 $0x80;
	s7 =	sadd.s32 $0x1, s5  }
.LBB1_4:
0xc: {  	_ =	sdelay $0x3  }
0xd: {  	s21 =	sor.u32 s24, s23;
	v47 =	vld.idx.msk [tilespmem:v0+s16+$0x470 ss:$0x1], $0xffff  }
0xe: {  	v57 =	vld.idx.msk [tilespmem:v0+s21+$0x410 ss:$0x1], $0xffff  }
0xf: {  	v58 =	vld.idx.msk [tilespmem:v0+s21+$0x420 ss:$0x1], $0xffff  }
0x10: {  	[tilespmem:s18+$0x660 ss:$0x11] =	vst.msk $0xffff, v8;
	v59 =	vld.idx.msk [tilespmem:v0+s21+$0x430 ss:$0x1], $0xffff  }
0x11: {  	[tilespmem:s18+$0x770 ss:$0x11] =	vst.msk $0xffff, v7;
	v60 =	vld.idx.msk [tilespmem:v0+s21+$0x440 ss:$0x1], $0xffff  }
0x12: {  	[tilespmem:s18+$0x990 ss:$0x11] =	vst.msk $0xffff, v1;
	s22 =	sand.u32 $0xB00, s21;
	v61 =	vld.idx.msk [tilespmem:v0+s21+$0x450 ss:$0x1], $0xffff  }
0x13: {  	s20 =	sand.u32 $0x80, s20;
	[tilespmem:s18+$0xAA0 ss:$0x11] =	vst.msk $0xffff, v2;
	v62 =	vld.idx.msk [tilespmem:v0+s21+$0x460 ss:$0x1], $0xffff;
	s15 =	sadd.s32 s22, s15  }
0x14: {  	[tilespmem:s18+$0xBB0 ss:$0x11] =	vst.msk $0xffff, v3;
	v63 =	vld.idx.msk [tilespmem:v0+s21+$0x470 ss:$0x1], $0xffff;
	s15 =	sadd.s32 s20, s15  }
0x15: {  	[tilespmem:s18+$0xCC0 ss:$0x11] =	vst.msk $0xffff, v4;
	v48 =	vld [tilespmem:s15+$0x400]  }
0x16: {  	[tilespmem:s18+$0xDD0 ss:$0x11] =	vst.msk $0xffff, v5;
	v49 =	vld [tilespmem:s15+$0x0]  }
0x17: {  	s25 =	sshra.s32 s19, $0x2;
	[tilespmem:s18+$0xEE0 ss:$0x11] =	vst.msk $0xffff, v6;
	v50 =	vld [tilespmem:s15+$0x10]  }
0x18: {  	s16 =	sadd.s32 s25, s17;
	v51 =	vld [tilespmem:s15+$0x20];
	[tilespmem:s18+$0xFF0 ss:$0x11] =	vst.msk $0xffff, v47  }
0x19: {  	v52 =	vld [tilespmem:s15+$0x30];
	[tilespmem:s16+$0x990 ss:$0x11] =	vst.msk $0xffff, v57  }
0x1a: {  	v53 =	vld [tilespmem:s15+$0x40];
	[tilespmem:s16+$0xAA0 ss:$0x11] =	vst.msk $0xffff, v58  }
0x1b: {  	v54 =	vld [tilespmem:s15+$0x50];
	[tilespmem:s16+$0xBB0 ss:$0x11] =	vst.msk $0xffff, v59  }
0x1c: {  	s13 =	sshll.u32 s13, $0x7;
	s26 =	sshll.u32 s12, $0x3;
	v55 =	vld [tilespmem:s15+$0x60];
	[tilespmem:s16+$0xCC0 ss:$0x11] =	vst.msk $0xffff, v60  }
0x1d: {  	s27 =	sand.u32 $0xFFFFFC00, s13;
	v56 =	vld [tilespmem:s15+$0x70];
	s15 =	sand.u32 $0xFFFFFC00, s26;
	[tilespmem:s16+$0xDD0 ss:$0x11] =	vst.msk $0xffff, v61  }
0x1e: {  	s13 =	sand.u32 $0x380, s13;
	s15 =	sadd.s32 s15, s27;
	[tilespmem:s16+$0xEE0 ss:$0x11] =	vst.msk $0xffff, v62  }
0x1f: {  	s13 =	sor.u32 s13, s15;
	[tilespmem:s16+$0xFF0 ss:$0x11] =	vst.msk $0xffff, v63  }
0x20: {  	s13 =	sshrl.u32 s13, $0x7;
	[tilespmem:s16+$0x880 ss:$0x11] =	vst.msk $0xffff, v48  }
0x21: {  	s28 =	smulhi.u32 $0x14F8B59, s13;
	[tilespmem:s16+$0x0 ss:$0x11] =	vst.msk $0xffff, v49  }
0x22: {  	[tilespmem:s16+$0x110 ss:$0x11] =	vst.msk $0xffff, v50  }
0x23: {  	[tilespmem:s16+$0x220 ss:$0x11] =	vst.msk $0xffff, v51;
	s15 =	sshrl.u32 s28, $0xC  }
0x24: {  	[tilespmem:s16+$0x330 ss:$0x11] =	vst.msk $0xffff, v52;
	s15 =	smul.u32 $0xC3500, s15  }
0x25: {  	s29 =	sshrl.u32 s12, $0x3;
	[tilespmem:s16+$0x440 ss:$0x11] =	vst.msk $0xffff, v53  }
0x26: {  	s31 =	sand.u32 $0x7, s12;
	s30 =	sand.u32 $0xF, s29;
	[tilespmem:s16+$0x550 ss:$0x11] =	vst.msk $0xffff, v54;
	s13 =	ssub.s32 s13, s15  }
0x27: {  	s12 =	sshll.u32 s31, $0x12;
	[tilespmem:s16+$0x660 ss:$0x11] =	vst.msk $0xffff, v55;
	s15 =	sadd.s32 s6, s30;
	s13 =	sshll.u32 s13, $0x4  }
0x28: {  	s12 =	sor.u32 $0x10, s12;
	[tilespmem:s16+$0x770 ss:$0x11] =	vst.msk $0xffff, v56;
	s13 =	sadd.s32 s13, s15  }
0x29: {  	[hbm4b:s13+s12] =	stream.strided.scatter [tilespmem:s14], [sflag:$0x2], $0x1000, s8, s12, $0x8;
	[tilespmem:$0x4200] =	vst v63  }
.LBB1_5:
0x2a: {  	s14 =	sadd.s32 $0x2000, s9  }
0x2b: {  	s12 =	sadd.s32 $0x10, s10;
	s16 =	smov.u32 s10;
	p2 =	sgt.s32 s14, $0xC34FF  }
0x2c: {  	s16 =	smov.u32 @p2 s12  }
0x2d: {  	s14 =	smov.u32 @p2 s2;
	p2 =	sgt.s32 s16, $0xF  }
0x2e: {  	s16 =	simm.s32 @p2 $0x0;
	p2 =	sne.s32 s11, s7  }
.Ltmp1:
0x2f: {  	p1 =	slt.u32 s11, $0x2;
	(pc) =	sbr.rel @!p2 .LBB1_6-.Ltmp1, $4  }
0x30: {  	s15 =	simm.s32 @!p1 $0x2  }
0x31: {  	s13 =	smov.u32 s9;
	p0 =	por !p0, !p0;
	_ =	swait.ge @!p1 [sflag:s15], $0x1000  }
0x32: {  	s12 =	smov.u32 s10;
	[sflag:s15] =	ssyncset.done @!p1 $0x0;
	s9 =	smov.u32 s14  }
0x33: {  	s11 =	sadd.s32 $0x1, s11;
	[sflag:s15] =	ssyncadd.s32 @!p1 $0xFFFFF000;
	s10 =	smov.u32 s16  }
.LBB1_1:
0x34: {  	p1 =	sge.u32 s11, s5  }
0x35: {  	s14 =	sshrl.u32 @!p1 s10, $0x3  }
0x36: {  	s15 =	sshll.u32 @!p1 s9, $0x3;
	s14 =	smul.u32 @!p1 $0x61A800, s14  }
0x37: {  	s16 =	sshll.u32 @!p1 s10, $0x7;
	s15 =	sand.u32 @!p1 $0xFFFFFC00, s15  }
0x38: {  	s14 =	sadd.s32 @!p1 s14, s15;
	s15 =	sand.u32 @!p1 $0x380, s16  }
0x39: {  	s14 =	sor.u32 @!p1 s15, s14  }
0x3a: {  	s15 =	sshrl.u32 @!p1 s14, $0x8  }
0x3b: {  	s15 =	smulhi.u32 @!p1 $0x14F8B59, s15;
	_ =	sdelay $0x1  }
0x3c: {  	s15 =	sshrl.u32 @!p1 s15, $0x4  }
0x3d: {  	s16 =	sand.u32 @!p1 $0x7F, s9;
	s17 =	smul.u32 @!p1 $0xC3500, s15  }
0x3e: {  	s31 =	sadd.s32 $0xFFFFFFFF, s11;
	s14 =	sor.u32 @!p1 s16, s14;
	s16 =	sxor.u32 @!p1 $0xFFFFFFFF, s11  }
0x3f: {  	s16 =	sshll.u32 @!p1 s16, $0xC;
	s15 =	sand.u32 @!p1 $0xF, s15;
	s14 =	ssub.s32 @!p1 s14, s17  }
0x40: {  	s15 =	smul.u32 @!p1 $0x186A0, s15;
	s17 =	sshrl.u32 @!p1 s14, $0x3;
	s14 =	sand.u32 @!p1 $0x7, s14  }
0x41: {  	s16 =	sand.u32 @!p1 $0x1000, s16;
	s17 =	sadd.s32 @!p1 s3, s17;
	s14 =	sshll.u32 @!p1 s14, $0x12  }
0x42: {  	s15 =	sadd.s32 @!p1 s15, s17;
	s14 =	sor.u32 @!p1 $0x800, s14;
	s17 =	simm.s32 @!p1 $0x61A800  }
0x43: {  	[tilespmem:s16], [sflag:$0x1] =	stream.strided.gather @!p1 [hbm4b:s15+s14], $0x1000, s17, s14, $0x38;
	[tilespmem:$0x4200] =	vst v63  }
0x44: {  	p1 =	sge.u32 s31, s5  }
.Ltmp2:
0x45: {  	_ = 	snop;
	(pc) =	sbr.rel @p1 .LBB1_5-.Ltmp2, $1  }
0x46: {  	_ =	sdelay $0x3  }
0x47: {  	s17 =	simm.s32 $0x0  }
0x48: {  	s16 =	sand.u32 $0x800, s17;
	s18 =	sand.u32 $0x380, s17  }
0x49: {  	s14 =	sand.u32 $0x1, s11;
	s16 =	sor.u32 s18, s16  }
0x4a: {  	_ =	swait.ge [sflag:s4], $0x1000;
	s15 =	sshll.u32 s14, $0xC;
	s18 =	sand.u32 $0xB00, s16  }
0x4b: {  	[sflag:s4] =	ssyncset.done $0x0;
	s17 =	sand.u32 $0x80, s17;
	s18 =	sadd.s32 s18, s15  }
0x4c: {  	[sflag:s4] =	ssyncadd.s32 $0xFFFFF000;
	s20 =	sadd.s32 s17, s18  }
0x4d: {  	v4 =	vld [tilespmem:s20+$0x400]  }
0x4e: {  	s19 =	simm.s32 $0x1;
	v5 =	vld [tilespmem:s20+$0x0]  }
0x4f: {  	s19 =	simm.s32 @!p0 $0x0;
	v6 =	vld [tilespmem:s20+$0x10]  }
0x50: {  	v0 =	vmov s15;
	s31 =	smul.u32 $0x4400, s19;
	v7 =	vld [tilespmem:s20+$0x20]  }
0x51: {  	v9 =	vld [tilespmem:s20+$0x30]  }
0x52: {  	s17 =	sshrl.u32 s31, $0x2;
	v10 =	vld [tilespmem:s20+$0x40]  }
0x53: {  	s17 =	sor.u32 $0x2000, s17;
	v11 =	vld [tilespmem:s20+$0x50]  }
0x54: {  	v8 =	vld [tilespmem:s20+$0x60];
	s18 =	sadd.s32 $0x0, s17  }
0x55: {  	v1 =	vld.idx.msk [tilespmem:v0+s16+$0x410 ss:$0x1], $0xffff;
	[tilespmem:s18+$0x880 ss:$0x11] =	vst.msk $0xffff, v4  }
0x56: {  	v2 =	vld.idx.msk [tilespmem:v0+s16+$0x420 ss:$0x1], $0xffff;
	[tilespmem:s18+$0x0 ss:$0x11] =	vst.msk $0xffff, v5  }
0x57: {  	v3 =	vld.idx.msk [tilespmem:v0+s16+$0x430 ss:$0x1], $0xffff;
	[tilespmem:s18+$0x110 ss:$0x11] =	vst.msk $0xffff, v6  }
0x58: {  	s14 =	smul.u32 $0x4400, s14;
	[tilespmem:s18+$0x220 ss:$0x11] =	vst.msk $0xffff, v7;
	v7 =	vld [tilespmem:s20+$0x70]  }
0x59: {  	s21 =	simm.s32 $0x100;
	s22 =	simm.s32 $0x8;
	[tilespmem:s18+$0x330 ss:$0x11] =	vst.msk $0xffff, v9;
	v4 =	vld.idx.msk [tilespmem:v0+s16+$0x440 ss:$0x1], $0xffff  }
0x5a: {  	s23 =	sand.u32 $0x800, s21;
	s14 =	sshrl.u32 s14, $0x2;
	[tilespmem:s18+$0x440 ss:$0x11] =	vst.msk $0xffff, v10;
	v5 =	vld.idx.msk [tilespmem:v0+s16+$0x450 ss:$0x1], $0xffff;
	s20 =	simm.s32 $0x80  }
0x5b: {  	s19 =	simm.s32 $0x4;
	s14 =	sor.u32 $0x2000, s14;
	[tilespmem:s18+$0x550 ss:$0x11] =	vst.msk $0xffff, v11;
	v6 =	vld.idx.msk [tilespmem:v0+s16+$0x460 ss:$0x1], $0xffff;
	s24 =	sand.u32 $0x380, s20  }
.LBB1_3:
0x5c: {  	p1 =	sne.s32 s22, $0x3C;
	[tilespmem:s18+$0x660 ss:$0x11] =	vst.msk $0xffff, v8;
	v8 =	vld.idx.msk [tilespmem:v0+s16+$0x470 ss:$0x1], $0xffff;
	s16 =	sor.u32 s24, s23  }
0x5d: {  	s23 =	sand.u32 $0xB00, s16;
	v9 =	vld.idx.msk [tilespmem:v0+s16+$0x410 ss:$0x1], $0xffff;
	[tilespmem:s18+$0x770 ss:$0x11] =	vst.msk $0xffff, v7  }
0x5e: {  	s24 =	sand.u32 $0x80, s20;
	s23 =	sadd.s32 s23, s15;
	v7 =	vld.idx.msk [tilespmem:v0+s16+$0x420 ss:$0x1], $0xffff;
	[tilespmem:s18+$0x990 ss:$0x11] =	vst.msk $0xffff, v1  }
0x5f: {  	s23 =	sadd.s32 s24, s23;
	v10 =	vld.idx.msk [tilespmem:v0+s16+$0x430 ss:$0x1], $0xffff;
	[tilespmem:s18+$0xAA0 ss:$0x11] =	vst.msk $0xffff, v2  }
0x60: {  	v11 =	vld [tilespmem:s23+$0x400];
	[tilespmem:s18+$0xBB0 ss:$0x11] =	vst.msk $0xffff, v3  }
0x61: {  	v12 =	vld [tilespmem:s23+$0x0];
	[tilespmem:s18+$0xCC0 ss:$0x11] =	vst.msk $0xffff, v4  }
0x62: {  	v4 =	vld [tilespmem:s23+$0x10];
	[tilespmem:s18+$0xDD0 ss:$0x11] =	vst.msk $0xffff, v5  }
0x63: {  	s24 =	sshra.s32 s19, $0x2;
	s19 =	smov.u32 s22;
	v1 =	vmov v9;
	v5 =	vld [tilespmem:s23+$0x20];
	[tilespmem:s18+$0xEE0 ss:$0x11] =	vst.msk $0xffff, v6  }
0x64: {  	v2 =	vmov v7;
	v6 =	vld [tilespmem:s23+$0x30];
	[tilespmem:s18+$0xFF0 ss:$0x11] =	vst.msk $0xffff, v8;
	s18 =	sadd.s32 s24, s17  }
0x65: {  	v3 =	vmov v10;
	v9 =	vld [tilespmem:s23+$0x40];
	[tilespmem:s18+$0x880 ss:$0x11] =	vst.msk $0xffff, v11  }
0x66: {  	[tilespmem:s18+$0x0 ss:$0x11] =	vst.msk $0xffff, v12;
	v10 =	vld [tilespmem:s23+$0x50]  }
.Ltmp3:
0x67: {  	[tilespmem:s18+$0x110 ss:$0x11] =	vst.msk $0xffff, v4;
	v8 =	vld [tilespmem:s23+$0x60];
	(pc) =	sbr.rel @p1 .LBB1_3-.Ltmp3, $4  }
0x68: {  	[tilespmem:s18+$0x220 ss:$0x11] =	vst.msk $0xffff, v5;
	v7 =	vld [tilespmem:s23+$0x70]  }
0x69: {  	[tilespmem:s18+$0x330 ss:$0x11] =	vst.msk $0xffff, v6;
	v4 =	vld.idx.msk [tilespmem:v0+s16+$0x440 ss:$0x1], $0xffff  }
0x6a: {  	s20 =	sadd.s32 $0x80, s20;
	s21 =	sadd.s32 $0x100, s21;
	[tilespmem:s18+$0x440 ss:$0x11] =	vst.msk $0xffff, v9;
	v5 =	vld.idx.msk [tilespmem:v0+s16+$0x450 ss:$0x1], $0xffff  }
0x6b: {  	s22 =	sadd.s32 $0x4, s22;
	s24 =	sand.u32 $0x380, s20;
	s23 =	sand.u32 $0x800, s21;
	[tilespmem:s18+$0x550 ss:$0x11] =	vst.msk $0xffff, v10;
	v6 =	vld.idx.msk [tilespmem:v0+s16+$0x460 ss:$0x1], $0xffff  }
.Ltmp4:
0x6c: {  	_ = 	snop;
	(pc) =	sbr.rel .LBB1_4-.Ltmp4, $1  }
0x6d: {  	_ =	sdelay $0x3  }
.LBB1_6:
0x6e: {  	_ =	sfence.sel $0x180000  }
0x6f: {  	s2 =	simm.s32 $0x1;
	[bflag:$0x0] =	sbarrier.arrive $0xFFFF  }
0x70: {  	s31 =	simm.s32 $0x2;
	[sflag:s2] =	ssyncpa.u1 $0x1  }
0x71: {  	[sflag:s31] =	ssyncpa.u1 $0x1  }
0x72: {  	p0 =	sne.s32 s0, $0x0;
	_ =	strace $0x90000062  }
0x73: {  	s0 =	sadd.s32 @!p0 $0x100000, s1;
	[bflag:$0x2] =	sbarrier.arrive $0xFFFF  }
0x74: {  	[sflag:s0] =	ssyncadd.tile.s32 @!p0 $0x1;
	_ =	shalt  }
.Lfunc_end1:
_tile_overlayer_lowered:
.L_overlay_start_2:
0x75: {  	(tag) =	ssettag $0x2  }
0x76: {  	s0 =	rddreg [dreg:$0x0];
	s2 =	stileid.u32  }
0x77: {  	s1 =	rddreg [dreg:$0x1];
	p0 =	sne.s32 s2, $0x0  }
0x78: {  	s3 =	rddreg [dreg:$0x2];
	[bflag:$0x3] =	sbarrier.arrive $0xFFFF;
	s2 =	simm.s32 @!p0 $0x1C01  }
0x79: {  	[timem:s3], [sflag:s2] =	dma.local @!p0 [hbm:s0], s1  }
0x7a: {  	s0 =	simm.s32 @!p0 $0x1  }
0x7b: {  	_ =	swait.ge @!p0 [sflag:s0], s1  }
0x7c: {  	s1 =	ssub.s32 @!p0 $0x0, s1;
	[sflag:s0] =	ssyncset.done @!p0 $0x0  }
0x7d: {  	[sflag:s0] =	ssyncadd.s32 @!p0 s1  }
0x7e: {  	[bflag:$0x3] =	sbarrier.arrive $0xFFFF  }
0x7f: {  	_ =	shalt  }

</sc_bundles>
